<compile_context>
chip_gen: v7x
topology: tpu7x:2x2x1
jax: 0.10.2.dev20260603
libtpu: 0.0.44.dev20260713+nightly
codegen_flags: <defaults>
</compile_context>

<pallas_src>
import functools

import jax
import jax.numpy as jnp
from jax import lax
from jax.experimental import pallas as pl
from jax.experimental.pallas import tpu as pltpu
from jax.experimental.pallas import tpu_sc as plsc

N, R, A, F, T = 10000, 5, 8, 64, 16
Q = R * A
NRA = N * Q
NC, NS = 2, 16
NW = NC * NS
VBLK = 80
NBLK = N // VBLK
BPW = (NBLK + NW - 1) // NW
VCH = 4
CHUNK = VCH * Q
CPB = VBLK // VCH
NG = CHUNK // 16


NTC = (R * A * F) // 128


def _sc_interp(table, i0, i1, i2, w0a, w1a, w2a):
    mesh = plsc.VectorSubcoreMesh(core_axis_name="c", subcore_axis_name="s")

    @functools.partial(
        pl.kernel,
        out_type=jax.ShapeDtypeStruct((N // 8, NTC, 8, 128), jnp.float32),
        mesh=mesh,
        compiler_params=pltpu.CompilerParams(use_tc_tiling_on_sc=False,
                                             needs_layout_passes=False),
        scratch_types=[
            pltpu.VMEM((3, Q, VBLK), jnp.int32),
            pltpu.VMEM((3, Q, VBLK), jnp.float32),
            pltpu.VMEM((3 * CHUNK,), jnp.int32),
            pltpu.VMEM((3 * CHUNK,), jnp.int32),
            pltpu.VMEM((3 * CHUNK,), jnp.float32),
            pltpu.VMEM((3 * CHUNK,), jnp.float32),
            pltpu.VMEM((3 * CHUNK, F), jnp.bfloat16),
            pltpu.VMEM((3 * CHUNK, F), jnp.bfloat16),
            pltpu.VMEM((VCH * NTC, 128), jnp.float32),
            pltpu.VMEM((VCH * NTC, 128), jnp.float32),
            pltpu.SemaphoreType.DMA,
            pltpu.SemaphoreType.DMA,
            pltpu.SemaphoreType.DMA,
            pltpu.SemaphoreType.DMA,
        ],
    )
    def k(table_hbm, i0_hbm, i1_hbm, i2_hbm, w0_hbm, w1_hbm, w2_hbm, out_hbm,
          pidx, pwts, x0, x1, w0, w1, rows0, rows1, acc0, acc1,
          gs0, gs1, ss0, ss1):
        wid = lax.axis_index("s") * NC + lax.axis_index("c")
        iota16 = lax.iota(jnp.int32, 16)
        xs = (x0, x1)
        ws = (w0, w1)
        rowss = (rows0, rows1)
        accs = (acc0, acc1)
        gss = (gs0, gs1)
        sss = (ss0, ss1)
        ihbms = (i0_hbm, i1_hbm, i2_hbm)
        whbms = (w0_hbm, w1_hbm, w2_hbm)

        def prep_and_fire(cc, b):
            xv, wv, rv, gs = xs[b], ws[b], rowss[b], gss[b]

            def pg(g, c):
                lvec = cc * CHUNK + g * 16 + iota16
                vv = lvec // Q
                qq = lvec - vv * Q
                for t in range(3):
                    fi = plsc.load_gather(pidx.at[t], [qq, vv])
                    xv[pl.ds(t * CHUNK + g * 16, 16)] = fi
                    wt = plsc.load_gather(pwts.at[t], [qq, vv])
                    wv[pl.ds(t * CHUNK + g * 16, 16)] = wt
                return c

            lax.fori_loop(0, NG, pg, 0)
            for t in range(3):
                sl = pl.ds(t * CHUNK, CHUNK)
                pltpu.async_copy(table_hbm.at[xv.at[sl]], rv.at[sl], gs)

        def block_body(kb, carry):
            bi = wid + kb * NW

            @pl.when(bi < NBLK)
            def _():
                v0 = bi * VBLK
                for t in range(3):
                    pltpu.sync_copy(ihbms[t].at[:, pl.ds(v0, VBLK)], pidx.at[t])
                    pltpu.sync_copy(whbms[t].at[:, pl.ds(v0, VBLK)], pwts.at[t])
                prep_and_fire(0, 0)

                def slot(cc, b):
                    rv, wv, gs = rowss[b], ws[b], gss[b]
                    av, ss = accs[b], sss[b]
                    pltpu.make_async_copy(
                        table_hbm.at[pl.ds(0, 3 * CHUNK)], rv, gs).wait()

                    @pl.when(cc < CPB - 1)
                    def _():
                        prep_and_fire(cc + 1, 1 - b)

                    @pl.when((cc >= 2) | (kb > 0))
                    def _():
                        for vi in range(VCH):
                            pltpu.make_async_copy(
                                out_hbm.at[0, :, 0, :],
                                av.at[pl.ds(vi * NTC, NTC)], ss).wait()

                    def group_body(g, c2):
                        gb = g * 16
                        wv0 = wv[pl.ds(gb, 16)]
                        wv1 = wv[pl.ds(CHUNK + gb, 16)]
                        wv2 = wv[pl.ds(2 * CHUNK + gb, 16)]
                        rbase = g * 8
                        for j in range(16):
                            i = gb + j
                            w0s, w1s, w2s = wv0[j], wv1[j], wv2[j]
                            for hb in range(2):
                                sf = pl.ds(hb * 32, 32)
                                e0, o0 = plsc.unpack(
                                    rv[i, sf],
                                    format=plsc.PackFormat.INTERLEAVED,
                                    preferred_element_type=jnp.float32)
                                e1, o1 = plsc.unpack(
                                    rv[CHUNK + i, sf],
                                    format=plsc.PackFormat.INTERLEAVED,
                                    preferred_element_type=jnp.float32)
                                e2, o2 = plsc.unpack(
                                    rv[2 * CHUNK + i, sf],
                                    format=plsc.PackFormat.INTERLEAVED,
                                    preferred_element_type=jnp.float32)
                                ev = w0s * e0 + w1s * e1 + w2s * e2
                                od = w0s * o0 + w1s * o1 + w2s * o2
                                for cb, half in ((2 * hb, ev), (2 * hb + 1, od)):
                                    rr = rbase + (4 * j + cb) // 8
                                    sd = pl.ds(((4 * j + cb) % 8) * 16, 16)
                                    av[rr, sd] = half
                        return c2

                    lax.fori_loop(0, NG, group_body, 0)
                    vbase = bi * VBLK + cc * VCH
                    for vi in range(VCH):
                        v = vbase + vi
                        tr = v // 8
                        r8 = v - tr * 8
                        pltpu.async_copy(av.at[pl.ds(vi * NTC, NTC)],
                                         out_hbm.at[tr, :, r8, :], ss)

                def pair(cc2, c):
                    slot(cc2 * 2, 0)
                    slot(cc2 * 2 + 1, 1)
                    return c

                lax.fori_loop(0, CPB // 2, pair, 0)

            return carry

        lax.fori_loop(0, BPW, block_body, 0)
        for b in (0, 1):
            for vi in range(VCH):
                pltpu.make_async_copy(
                    out_hbm.at[0, :, 0, :],
                    accs[b].at[pl.ds(vi * NTC, NTC)], sss[b]).wait()

    return k(table, i0, i1, i2, w0a, w1a, w2a)


def _tc_matmul_bias_relu(a, b, bias_row):
    n, kdim = a.shape
    m = b.shape[1]
    bn = 1000

    def mmk(a_ref, b_ref, bias_ref, o_ref):
        o = jnp.dot(a_ref[...], b_ref[...], preferred_element_type=jnp.float32)
        o_ref[...] = jnp.maximum(o + bias_ref[...], 0.0)

    return pl.pallas_call(
        mmk,
        grid=(n // bn,),
        in_specs=[
            pl.BlockSpec((bn, kdim), lambda i: (i, 0)),
            pl.BlockSpec((kdim, m), lambda i: (0, 0)),
            pl.BlockSpec((1, m), lambda i: (0, 0)),
        ],
        out_specs=pl.BlockSpec((bn, m), lambda i: (i, 0)),
        out_shape=jax.ShapeDtypeStruct((n, m), jnp.float32),
    )(a, b, bias_row)


def kernel(mesh_signal, bary_coordinates, template_weights, bias):
    def plane(t, c):
        p = bary_coordinates[:, :, :, t, c].transpose(1, 2, 0).reshape(Q, N)
        return p.astype(jnp.int32) if c == 0 else p

    i0, i1, i2 = plane(0, 0), plane(1, 0), plane(2, 0)
    w0a, w1a, w2a = plane(0, 1), plane(1, 1), plane(2, 1)

    interp4 = _sc_interp(mesh_signal.astype(jnp.bfloat16),
                         i0, i1, i2, w0a, w1a, w2a)
    interp = interp4.transpose(0, 2, 1, 3)

    tw0 = template_weights[:, 0].reshape(T, F, R, A)
    rot_idx = (jnp.arange(A)[None, :] + jnp.arange(A)[:, None]) % A
    twr = tw0[:, :, :, rot_idx]
    wbig = jnp.transpose(twr, (2, 4, 1, 3, 0)).reshape(R * A * F, A * T)
    perm = jnp.concatenate([jnp.arange(0, 32, 2), jnp.arange(1, 32, 2),
                            jnp.arange(32, 64, 2), jnp.arange(33, 64, 2)])
    wbig = wbig.reshape(Q, F, A * T)[:, perm, :].reshape(R * A * F, A * T)
    bias_row = jnp.tile(bias[:, 0], A)[None, :]

    out = _tc_matmul_bias_relu(interp.reshape(N, R * A * F), wbig, bias_row)
    return out.reshape(N, A, T)

# --- scband reference (transcript-rebuilt; emitter-appended) ---
"""Pipeline reference for scband-conv-intrinsic-3908420240028 (READ-ONLY COPY).

The authoritative reference and input builder live on the scoring server;
editing this copy changes nothing except your own understanding.
"""

import jax, jax.numpy as jnp
import numpy as np

N, R, A, F, T = 10000, 5, 8, 64, 16
ROT_DELTA = 1


def setup_inputs(seed: int = 0) -> dict:
    key = jax.random.key(seed)
    k1, k2, k3, k4, k5 = jax.random.split(key, 5)
    mesh_signal = jax.random.normal(k1, (N, F), dtype=jnp.float32)
    # channel 0: vertex indices for barycentric interpolation (stored as float like the keras layer expects)
    idx = jax.random.randint(k2, (N, R, A, 3), 0, N).astype(jnp.float32)
    # channel 1: barycentric weights, normalized to sum to 1 over the 3 triangle vertices
    w = jax.random.uniform(k3, (N, R, A, 3), dtype=jnp.float32)
    w = w / jnp.sum(w, axis=-1, keepdims=True)
    bary_coordinates = jnp.stack([idx, w], axis=-1)
    # learned params per build(): template (T, 1, F, R*A), bias (T, 1)
    template_weights = jax.random.normal(k4, (T, 1, F, R * A), dtype=jnp.float32) * 0.05
    bias = jax.random.normal(k5, (T, 1), dtype=jnp.float32) * 0.05
    return {"mesh_signal": mesh_signal, "bary_coordinates": bary_coordinates,
            "template_weights": template_weights, "bias": bias}


def reference(mesh_signal, bary_coordinates, template_weights, bias):
    n = mesh_signal.shape[0]
    # ---- patch operator (include_prior=False) ----
    idx = jax.lax.stop_gradient(bary_coordinates[..., 0]).astype(jnp.int32)  # (N,R,A,3)
    gathered = jnp.take(mesh_signal, idx.reshape(-1), axis=0).reshape(n, R, A, 3, F)
    interp = jnp.sum(bary_coordinates[..., 1][..., None] * gathered, axis=-2)  # (N,R,A,F)
    # ---- fold over all rotations (splits=1, default orientations=range(0, A, rotation_delta)) ----
    outs = []
    for rot in range(0, A, ROT_DELTA):
        rolled = jnp.roll(interp, shift=rot, axis=2).reshape(n, R * A, F)
        # tf.einsum('aijk,xykj->axi') with the rotation dim peeled off -> 'ijk,xykj->xi'
        outs.append(jnp.einsum('ijk,xykj->xi', rolled, template_weights))
    stacked = jnp.stack(outs)  # (n_rot, T, N)
    act = jax.nn.relu(stacked + bias[None, :, :])
    # tf.transpose perm=[2,0,1] then reshape (-1, n_rot, T) with splits=1
    return jnp.transpose(act, (2, 0, 1))  # (N, n_rot, T)

if __name__ == "__main__":
    import jax
    _d = setup_inputs()
    print(jax.jit(kernel)(*tuple(_d.values())))

</pallas_src>

<mosaic_0001>
#map = affine_map<(d0, d1) -> (0, 0)>
#map1 = affine_map<(d0, d1) -> (0, 0, 0, 0)>
module attributes {stable_mosaic.version = 14 : i64} {
  func.func @k(%arg0: i32, %arg1: i32, %arg2: memref<10000x64xbf16, #tpu.memory_space<hbm>>, %arg3: memref<40x10000xi32, #tpu.memory_space<hbm>>, %arg4: memref<40x10000xi32, #tpu.memory_space<hbm>>, %arg5: memref<40x10000xi32, #tpu.memory_space<hbm>>, %arg6: memref<40x10000xf32, #tpu.memory_space<hbm>>, %arg7: memref<40x10000xf32, #tpu.memory_space<hbm>>, %arg8: memref<40x10000xf32, #tpu.memory_space<hbm>>, %arg9: memref<1250x20x8x128xf32, #tpu.memory_space<hbm>>, %arg10: memref<3x40x80xi32, #tpu.memory_space<vmem>>, %arg11: memref<3x40x80xf32, #tpu.memory_space<vmem>>, %arg12: memref<480xi32, #tpu.memory_space<vmem>>, %arg13: memref<480xi32, #tpu.memory_space<vmem>>, %arg14: memref<480xf32, #tpu.memory_space<vmem>>, %arg15: memref<480xf32, #tpu.memory_space<vmem>>, %arg16: memref<480x64xbf16, #tpu.memory_space<vmem>>, %arg17: memref<480x64xbf16, #tpu.memory_space<vmem>>, %arg18: memref<80x128xf32, #tpu.memory_space<vmem>>, %arg19: memref<80x128xf32, #tpu.memory_space<vmem>>, %arg20: memref<!tpu.dma_semaphore, #tpu.memory_space<semaphore_mem>>, %arg21: memref<!tpu.dma_semaphore, #tpu.memory_space<semaphore_mem>>, %arg22: memref<!tpu.dma_semaphore, #tpu.memory_space<semaphore_mem>>, %arg23: memref<!tpu.dma_semaphore, #tpu.memory_space<semaphore_mem>>) attributes {dimension_semantics = [#tpu.dimension_semantics<core_parallel>, #tpu.dimension_semantics<subcore_parallel>], iteration_bounds = array<i64: 2, 16>, scalar_prefetch = 0 : i64, scratch_operands = 14 : i64, tpu.core_type = #tpu.core_type<sc_vector_subcore>, window_params = [{transform_indices = #map}, {transform_indices = #map}, {transform_indices = #map}, {transform_indices = #map}, {transform_indices = #map}, {transform_indices = #map}, {transform_indices = #map}, {transform_indices = #map1}]} {
    %mul3A = arith.constant 2 : i32
    %mul3A_0 = arith.muli %arg1, %mul3A : i32
    %add3A = arith.addi %mul3A_0, %arg0 : i32
    %iota3A = tpu.iota {dimensions = array<i32: 0>} : vector<16xi32>
    %scan3A = arith.constant 0 : i32
    %scan3A_1 = arith.constant 0 : i32
    %scan3A_2 = arith.constant 4 : i32
    %scan3A_3 = arith.addi %scan3A_1, %scan3A_2 : i32
    %scan3A_4 = arith.constant 1 : i32
    scf.for %scan3A_133 = %scan3A_1 to %scan3A_3 step %scan3A_4  : i32 {
      %mul3A_134 = arith.constant 32 : i32
      %mul3A_135 = arith.muli %scan3A_133, %mul3A_134 : i32
      %add3A_136 = arith.addi %add3A, %mul3A_135 : i32
      %lt3A = arith.constant 125 : i32
      %lt3A_137 = arith.cmpi slt, %add3A_136, %lt3A : i32
      %convert_element_type3A = arith.extui %lt3A_137 : i1 to i32
      %cond3A = arith.constant 0 : i32
      %cond3A_138 = arith.cmpi ne, %convert_element_type3A, %cond3A : i32
      scf.if %cond3A_138 {
        %mul3A_139 = arith.constant 80 : i32
        %mul3A_140 = arith.muli %add3A_136, %mul3A_139 : i32
        %run_scoped3A = arith.constant 0 : i32
        "tpu.region"() ({
          %run_scoped3A_181 = tpu.sem_alloc : memref<!tpu.dma_semaphore, #tpu.memory_space<semaphore_mem>>
          %dma_start3A_182 = arith.constant 0 : i32
          %dma_start3A_183 = arith.constant 0 : i32
          %dma_start3A_184 = tpu.memref_slice %arg10[%run_scoped3A, %dma_start3A_182, %dma_start3A_183] : memref<3x40x80xi32, #tpu.memory_space<vmem>> -> memref<1x40x80xi32, #tpu.memory_space<vmem>>
          %dma_start3A_185 = tpu.memref_squeeze %dma_start3A_184 : memref<1x40x80xi32, #tpu.memory_space<vmem>> -> memref<40x80xi32, #tpu.memory_space<vmem>>
          %dma_start3A_186 = arith.constant 0 : i32
          %dma_start3A_187 = tpu.memref_slice %arg3[%dma_start3A_186, %mul3A_140] : memref<40x10000xi32, #tpu.memory_space<hbm>> -> memref<40x80xi32, #tpu.memory_space<hbm>>
          %dma_start3A_188 = arith.constant 0 : i32
          %dma_start3A_189 = arith.constant 0 : i32
          %dma_start3A_190 = tpu.memref_slice %arg10[%run_scoped3A, %dma_start3A_188, %dma_start3A_189] : memref<3x40x80xi32, #tpu.memory_space<vmem>> -> memref<1x40x80xi32, #tpu.memory_space<vmem>>
          %dma_start3A_191 = tpu.memref_squeeze %dma_start3A_190 : memref<1x40x80xi32, #tpu.memory_space<vmem>> -> memref<40x80xi32, #tpu.memory_space<vmem>>
          %dma_start3A_192 = arith.constant 0 : i32
          %dma_start3A_193 = tpu.memref_slice %arg3[%dma_start3A_192, %mul3A_140] : memref<40x10000xi32, #tpu.memory_space<hbm>> -> memref<40x80xi32, #tpu.memory_space<hbm>>
          tpu.enqueue_dma source(%dma_start3A_193 : memref<40x80xi32, #tpu.memory_space<hbm>>) target(%dma_start3A_191 : memref<40x80xi32, #tpu.memory_space<vmem>>) target_semaphore(%run_scoped3A_181 : memref<!tpu.dma_semaphore, #tpu.memory_space<semaphore_mem>>)
          %dma_wait3A_194 = arith.constant 0 : i32
          %dma_wait3A_195 = arith.constant 0 : i32
          %dma_wait3A_196 = tpu.memref_slice %arg10[%run_scoped3A, %dma_wait3A_194, %dma_wait3A_195] : memref<3x40x80xi32, #tpu.memory_space<vmem>> -> memref<1x40x80xi32, #tpu.memory_space<vmem>>
          %dma_wait3A_197 = tpu.memref_squeeze %dma_wait3A_196 : memref<1x40x80xi32, #tpu.memory_space<vmem>> -> memref<40x80xi32, #tpu.memory_space<vmem>>
          %dma_wait3A_198 = arith.constant 0 : i32
          %dma_wait3A_199 = tpu.memref_slice %arg3[%dma_wait3A_198, %mul3A_140] : memref<40x10000xi32, #tpu.memory_space<hbm>> -> memref<40x80xi32, #tpu.memory_space<hbm>>
          %dma_wait3A_200 = arith.constant 0 : i32
          %dma_wait3A_201 = arith.constant 0 : i32
          %dma_wait3A_202 = tpu.memref_slice %arg10[%run_scoped3A, %dma_wait3A_200, %dma_wait3A_201] : memref<3x40x80xi32, #tpu.memory_space<vmem>> -> memref<1x40x80xi32, #tpu.memory_space<vmem>>
          %dma_wait3A_203 = tpu.memref_squeeze %dma_wait3A_202 : memref<1x40x80xi32, #tpu.memory_space<vmem>> -> memref<40x80xi32, #tpu.memory_space<vmem>>
          %dma_wait3A_204 = arith.constant 0 : i32
          %dma_wait3A_205 = tpu.memref_slice %arg3[%dma_wait3A_204, %mul3A_140] : memref<40x10000xi32, #tpu.memory_space<hbm>> -> memref<40x80xi32, #tpu.memory_space<hbm>>
          tpu.wait_dma2 semaphore(%run_scoped3A_181 : memref<!tpu.dma_semaphore, #tpu.memory_space<semaphore_mem>>) src(%dma_wait3A_205 : memref<40x80xi32, #tpu.memory_space<hbm>>) dst(%dma_wait3A_203 : memref<40x80xi32, #tpu.memory_space<vmem>>)
          tpu.yield
        }) : () -> ()
        %run_scoped3A_141 = arith.constant 0 : i32
        "tpu.region"() ({
          %run_scoped3A_181 = tpu.sem_alloc : memref<!tpu.dma_semaphore, #tpu.memory_space<semaphore_mem>>
          %dma_start3A_182 = arith.constant 0 : i32
          %dma_start3A_183 = arith.constant 0 : i32
          %dma_start3A_184 = tpu.memref_slice %arg11[%run_scoped3A_141, %dma_start3A_182, %dma_start3A_183] : memref<3x40x80xf32, #tpu.memory_space<vmem>> -> memref<1x40x80xf32, #tpu.memory_space<vmem>>
          %dma_start3A_185 = tpu.memref_squeeze %dma_start3A_184 : memref<1x40x80xf32, #tpu.memory_space<vmem>> -> memref<40x80xf32, #tpu.memory_space<vmem>>
          %dma_start3A_186 = arith.constant 0 : i32
          %dma_start3A_187 = tpu.memref_slice %arg6[%dma_start3A_186, %mul3A_140] : memref<40x10000xf32, #tpu.memory_space<hbm>> -> memref<40x80xf32, #tpu.memory_space<hbm>>
          %dma_start3A_188 = arith.constant 0 : i32
          %dma_start3A_189 = arith.constant 0 : i32
          %dma_start3A_190 = tpu.memref_slice %arg11[%run_scoped3A_141, %dma_start3A_188, %dma_start3A_189] : memref<3x40x80xf32, #tpu.memory_space<vmem>> -> memref<1x40x80xf32, #tpu.memory_space<vmem>>
          %dma_start3A_191 = tpu.memref_squeeze %dma_start3A_190 : memref<1x40x80xf32, #tpu.memory_space<vmem>> -> memref<40x80xf32, #tpu.memory_space<vmem>>
          %dma_start3A_192 = arith.constant 0 : i32
          %dma_start3A_193 = tpu.memref_slice %arg6[%dma_start3A_192, %mul3A_140] : memref<40x10000xf32, #tpu.memory_space<hbm>> -> memref<40x80xf32, #tpu.memory_space<hbm>>
          tpu.enqueue_dma source(%dma_start3A_193 : memref<40x80xf32, #tpu.memory_space<hbm>>) target(%dma_start3A_191 : memref<40x80xf32, #tpu.memory_space<vmem>>) target_semaphore(%run_scoped3A_181 : memref<!tpu.dma_semaphore, #tpu.memory_space<semaphore_mem>>)
          %dma_wait3A_194 = arith.constant 0 : i32
          %dma_wait3A_195 = arith.constant 0 : i32
          %dma_wait3A_196 = tpu.memref_slice %arg11[%run_scoped3A_141, %dma_wait3A_194, %dma_wait3A_195] : memref<3x40x80xf32, #tpu.memory_space<vmem>> -> memref<1x40x80xf32, #tpu.memory_space<vmem>>
          %dma_wait3A_197 = tpu.memref_squeeze %dma_wait3A_196 : memref<1x40x80xf32, #tpu.memory_space<vmem>> -> memref<40x80xf32, #tpu.memory_space<vmem>>
          %dma_wait3A_198 = arith.constant 0 : i32
          %dma_wait3A_199 = tpu.memref_slice %arg6[%dma_wait3A_198, %mul3A_140] : memref<40x10000xf32, #tpu.memory_space<hbm>> -> memref<40x80xf32, #tpu.memory_space<hbm>>
          %dma_wait3A_200 = arith.constant 0 : i32
          %dma_wait3A_201 = arith.constant 0 : i32
          %dma_wait3A_202 = tpu.memref_slice %arg11[%run_scoped3A_141, %dma_wait3A_200, %dma_wait3A_201] : memref<3x40x80xf32, #tpu.memory_space<vmem>> -> memref<1x40x80xf32, #tpu.memory_space<vmem>>
          %dma_wait3A_203 = tpu.memref_squeeze %dma_wait3A_202 : memref<1x40x80xf32, #tpu.memory_space<vmem>> -> memref<40x80xf32, #tpu.memory_space<vmem>>
          %dma_wait3A_204 = arith.constant 0 : i32
          %dma_wait3A_205 = tpu.memref_slice %arg6[%dma_wait3A_204, %mul3A_140] : memref<40x10000xf32, #tpu.memory_space<hbm>> -> memref<40x80xf32, #tpu.memory_space<hbm>>
          tpu.wait_dma2 semaphore(%run_scoped3A_181 : memref<!tpu.dma_semaphore, #tpu.memory_space<semaphore_mem>>) src(%dma_wait3A_205 : memref<40x80xf32, #tpu.memory_space<hbm>>) dst(%dma_wait3A_203 : memref<40x80xf32, #tpu.memory_space<vmem>>)
          tpu.yield
        }) : () -> ()
        %run_scoped3A_142 = arith.constant 1 : i32
        "tpu.region"() ({
          %run_scoped3A_181 = tpu.sem_alloc : memref<!tpu.dma_semaphore, #tpu.memory_space<semaphore_mem>>
          %dma_start3A_182 = arith.constant 0 : i32
          %dma_start3A_183 = arith.constant 0 : i32
          %dma_start3A_184 = tpu.memref_slice %arg10[%run_scoped3A_142, %dma_start3A_182, %dma_start3A_183] : memref<3x40x80xi32, #tpu.memory_space<vmem>> -> memref<1x40x80xi32, #tpu.memory_space<vmem>>
          %dma_start3A_185 = tpu.memref_squeeze %dma_start3A_184 : memref<1x40x80xi32, #tpu.memory_space<vmem>> -> memref<40x80xi32, #tpu.memory_space<vmem>>
          %dma_start3A_186 = arith.constant 0 : i32
          %dma_start3A_187 = tpu.memref_slice %arg4[%dma_start3A_186, %mul3A_140] : memref<40x10000xi32, #tpu.memory_space<hbm>> -> memref<40x80xi32, #tpu.memory_space<hbm>>
          %dma_start3A_188 = arith.constant 0 : i32
          %dma_start3A_189 = arith.constant 0 : i32
          %dma_start3A_190 = tpu.memref_slice %arg10[%run_scoped3A_142, %dma_start3A_188, %dma_start3A_189] : memref<3x40x80xi32, #tpu.memory_space<vmem>> -> memref<1x40x80xi32, #tpu.memory_space<vmem>>
          %dma_start3A_191 = tpu.memref_squeeze %dma_start3A_190 : memref<1x40x80xi32, #tpu.memory_space<vmem>> -> memref<40x80xi32, #tpu.memory_space<vmem>>
          %dma_start3A_192 = arith.constant 0 : i32
          %dma_start3A_193 = tpu.memref_slice %arg4[%dma_start3A_192, %mul3A_140] : memref<40x10000xi32, #tpu.memory_space<hbm>> -> memref<40x80xi32, #tpu.memory_space<hbm>>
          tpu.enqueue_dma source(%dma_start3A_193 : memref<40x80xi32, #tpu.memory_space<hbm>>) target(%dma_start3A_191 : memref<40x80xi32, #tpu.memory_space<vmem>>) target_semaphore(%run_scoped3A_181 : memref<!tpu.dma_semaphore, #tpu.memory_space<semaphore_mem>>)
          %dma_wait3A_194 = arith.constant 0 : i32
          %dma_wait3A_195 = arith.constant 0 : i32
          %dma_wait3A_196 = tpu.memref_slice %arg10[%run_scoped3A_142, %dma_wait3A_194, %dma_wait3A_195] : memref<3x40x80xi32, #tpu.memory_space<vmem>> -> memref<1x40x80xi32, #tpu.memory_space<vmem>>
          %dma_wait3A_197 = tpu.memref_squeeze %dma_wait3A_196 : memref<1x40x80xi32, #tpu.memory_space<vmem>> -> memref<40x80xi32, #tpu.memory_space<vmem>>
          %dma_wait3A_198 = arith.constant 0 : i32
          %dma_wait3A_199 = tpu.memref_slice %arg4[%dma_wait3A_198, %mul3A_140] : memref<40x10000xi32, #tpu.memory_space<hbm>> -> memref<40x80xi32, #tpu.memory_space<hbm>>
          %dma_wait3A_200 = arith.constant 0 : i32
          %dma_wait3A_201 = arith.constant 0 : i32
          %dma_wait3A_202 = tpu.memref_slice %arg10[%run_scoped3A_142, %dma_wait3A_200, %dma_wait3A_201] : memref<3x40x80xi32, #tpu.memory_space<vmem>> -> memref<1x40x80xi32, #tpu.memory_space<vmem>>
          %dma_wait3A_203 = tpu.memref_squeeze %dma_wait3A_202 : memref<1x40x80xi32, #tpu.memory_space<vmem>> -> memref<40x80xi32, #tpu.memory_space<vmem>>
          %dma_wait3A_204 = arith.constant 0 : i32
          %dma_wait3A_205 = tpu.memref_slice %arg4[%dma_wait3A_204, %mul3A_140] : memref<40x10000xi32, #tpu.memory_space<hbm>> -> memref<40x80xi32, #tpu.memory_space<hbm>>
          tpu.wait_dma2 semaphore(%run_scoped3A_181 : memref<!tpu.dma_semaphore, #tpu.memory_space<semaphore_mem>>) src(%dma_wait3A_205 : memref<40x80xi32, #tpu.memory_space<hbm>>) dst(%dma_wait3A_203 : memref<40x80xi32, #tpu.memory_space<vmem>>)
          tpu.yield
        }) : () -> ()
        %run_scoped3A_143 = arith.constant 1 : i32
        "tpu.region"() ({
          %run_scoped3A_181 = tpu.sem_alloc : memref<!tpu.dma_semaphore, #tpu.memory_space<semaphore_mem>>
          %dma_start3A_182 = arith.constant 0 : i32
          %dma_start3A_183 = arith.constant 0 : i32
          %dma_start3A_184 = tpu.memref_slice %arg11[%run_scoped3A_143, %dma_start3A_182, %dma_start3A_183] : memref<3x40x80xf32, #tpu.memory_space<vmem>> -> memref<1x40x80xf32, #tpu.memory_space<vmem>>
          %dma_start3A_185 = tpu.memref_squeeze %dma_start3A_184 : memref<1x40x80xf32, #tpu.memory_space<vmem>> -> memref<40x80xf32, #tpu.memory_space<vmem>>
          %dma_start3A_186 = arith.constant 0 : i32
          %dma_start3A_187 = tpu.memref_slice %arg7[%dma_start3A_186, %mul3A_140] : memref<40x10000xf32, #tpu.memory_space<hbm>> -> memref<40x80xf32, #tpu.memory_space<hbm>>
          %dma_start3A_188 = arith.constant 0 : i32
          %dma_start3A_189 = arith.constant 0 : i32
          %dma_start3A_190 = tpu.memref_slice %arg11[%run_scoped3A_143, %dma_start3A_188, %dma_start3A_189] : memref<3x40x80xf32, #tpu.memory_space<vmem>> -> memref<1x40x80xf32, #tpu.memory_space<vmem>>
          %dma_start3A_191 = tpu.memref_squeeze %dma_start3A_190 : memref<1x40x80xf32, #tpu.memory_space<vmem>> -> memref<40x80xf32, #tpu.memory_space<vmem>>
          %dma_start3A_192 = arith.constant 0 : i32
          %dma_start3A_193 = tpu.memref_slice %arg7[%dma_start3A_192, %mul3A_140] : memref<40x10000xf32, #tpu.memory_space<hbm>> -> memref<40x80xf32, #tpu.memory_space<hbm>>
          tpu.enqueue_dma source(%dma_start3A_193 : memref<40x80xf32, #tpu.memory_space<hbm>>) target(%dma_start3A_191 : memref<40x80xf32, #tpu.memory_space<vmem>>) target_semaphore(%run_scoped3A_181 : memref<!tpu.dma_semaphore, #tpu.memory_space<semaphore_mem>>)
          %dma_wait3A_194 = arith.constant 0 : i32
          %dma_wait3A_195 = arith.constant 0 : i32
          %dma_wait3A_196 = tpu.memref_slice %arg11[%run_scoped3A_143, %dma_wait3A_194, %dma_wait3A_195] : memref<3x40x80xf32, #tpu.memory_space<vmem>> -> memref<1x40x80xf32, #tpu.memory_space<vmem>>
          %dma_wait3A_197 = tpu.memref_squeeze %dma_wait3A_196 : memref<1x40x80xf32, #tpu.memory_space<vmem>> -> memref<40x80xf32, #tpu.memory_space<vmem>>
          %dma_wait3A_198 = arith.constant 0 : i32
          %dma_wait3A_199 = tpu.memref_slice %arg7[%dma_wait3A_198, %mul3A_140] : memref<40x10000xf32, #tpu.memory_space<hbm>> -> memref<40x80xf32, #tpu.memory_space<hbm>>
          %dma_wait3A_200 = arith.constant 0 : i32
          %dma_wait3A_201 = arith.constant 0 : i32
          %dma_wait3A_202 = tpu.memref_slice %arg11[%run_scoped3A_143, %dma_wait3A_200, %dma_wait3A_201] : memref<3x40x80xf32, #tpu.memory_space<vmem>> -> memref<1x40x80xf32, #tpu.memory_space<vmem>>
          %dma_wait3A_203 = tpu.memref_squeeze %dma_wait3A_202 : memref<1x40x80xf32, #tpu.memory_space<vmem>> -> memref<40x80xf32, #tpu.memory_space<vmem>>
          %dma_wait3A_204 = arith.constant 0 : i32
          %dma_wait3A_205 = tpu.memref_slice %arg7[%dma_wait3A_204, %mul3A_140] : memref<40x10000xf32, #tpu.memory_space<hbm>> -> memref<40x80xf32, #tpu.memory_space<hbm>>
          tpu.wait_dma2 semaphore(%run_scoped3A_181 : memref<!tpu.dma_semaphore, #tpu.memory_space<semaphore_mem>>) src(%dma_wait3A_205 : memref<40x80xf32, #tpu.memory_space<hbm>>) dst(%dma_wait3A_203 : memref<40x80xf32, #tpu.memory_space<vmem>>)
          tpu.yield
        }) : () -> ()
        %run_scoped3A_144 = arith.constant 2 : i32
        "tpu.region"() ({
          %run_scoped3A_181 = tpu.sem_alloc : memref<!tpu.dma_semaphore, #tpu.memory_space<semaphore_mem>>
          %dma_start3A_182 = arith.constant 0 : i32
          %dma_start3A_183 = arith.constant 0 : i32
          %dma_start3A_184 = tpu.memref_slice %arg10[%run_scoped3A_144, %dma_start3A_182, %dma_start3A_183] : memref<3x40x80xi32, #tpu.memory_space<vmem>> -> memref<1x40x80xi32, #tpu.memory_space<vmem>>
          %dma_start3A_185 = tpu.memref_squeeze %dma_start3A_184 : memref<1x40x80xi32, #tpu.memory_space<vmem>> -> memref<40x80xi32, #tpu.memory_space<vmem>>
          %dma_start3A_186 = arith.constant 0 : i32
          %dma_start3A_187 = tpu.memref_slice %arg5[%dma_start3A_186, %mul3A_140] : memref<40x10000xi32, #tpu.memory_space<hbm>> -> memref<40x80xi32, #tpu.memory_space<hbm>>
          %dma_start3A_188 = arith.constant 0 : i32
          %dma_start3A_189 = arith.constant 0 : i32
          %dma_start3A_190 = tpu.memref_slice %arg10[%run_scoped3A_144, %dma_start3A_188, %dma_start3A_189] : memref<3x40x80xi32, #tpu.memory_space<vmem>> -> memref<1x40x80xi32, #tpu.memory_space<vmem>>
          %dma_start3A_191 = tpu.memref_squeeze %dma_start3A_190 : memref<1x40x80xi32, #tpu.memory_space<vmem>> -> memref<40x80xi32, #tpu.memory_space<vmem>>
          %dma_start3A_192 = arith.constant 0 : i32
          %dma_start3A_193 = tpu.memref_slice %arg5[%dma_start3A_192, %mul3A_140] : memref<40x10000xi32, #tpu.memory_space<hbm>> -> memref<40x80xi32, #tpu.memory_space<hbm>>
          tpu.enqueue_dma source(%dma_start3A_193 : memref<40x80xi32, #tpu.memory_space<hbm>>) target(%dma_start3A_191 : memref<40x80xi32, #tpu.memory_space<vmem>>) target_semaphore(%run_scoped3A_181 : memref<!tpu.dma_semaphore, #tpu.memory_space<semaphore_mem>>)
          %dma_wait3A_194 = arith.constant 0 : i32
          %dma_wait3A_195 = arith.constant 0 : i32
          %dma_wait3A_196 = tpu.memref_slice %arg10[%run_scoped3A_144, %dma_wait3A_194, %dma_wait3A_195] : memref<3x40x80xi32, #tpu.memory_space<vmem>> -> memref<1x40x80xi32, #tpu.memory_space<vmem>>
          %dma_wait3A_197 = tpu.memref_squeeze %dma_wait3A_196 : memref<1x40x80xi32, #tpu.memory_space<vmem>> -> memref<40x80xi32, #tpu.memory_space<vmem>>
          %dma_wait3A_198 = arith.constant 0 : i32
          %dma_wait3A_199 = tpu.memref_slice %arg5[%dma_wait3A_198, %mul3A_140] : memref<40x10000xi32, #tpu.memory_space<hbm>> -> memref<40x80xi32, #tpu.memory_space<hbm>>
          %dma_wait3A_200 = arith.constant 0 : i32
          %dma_wait3A_201 = arith.constant 0 : i32
          %dma_wait3A_202 = tpu.memref_slice %arg10[%run_scoped3A_144, %dma_wait3A_200, %dma_wait3A_201] : memref<3x40x80xi32, #tpu.memory_space<vmem>> -> memref<1x40x80xi32, #tpu.memory_space<vmem>>
          %dma_wait3A_203 = tpu.memref_squeeze %dma_wait3A_202 : memref<1x40x80xi32, #tpu.memory_space<vmem>> -> memref<40x80xi32, #tpu.memory_space<vmem>>
          %dma_wait3A_204 = arith.constant 0 : i32
          %dma_wait3A_205 = tpu.memref_slice %arg5[%dma_wait3A_204, %mul3A_140] : memref<40x10000xi32, #tpu.memory_space<hbm>> -> memref<40x80xi32, #tpu.memory_space<hbm>>
          tpu.wait_dma2 semaphore(%run_scoped3A_181 : memref<!tpu.dma_semaphore, #tpu.memory_space<semaphore_mem>>) src(%dma_wait3A_205 : memref<40x80xi32, #tpu.memory_space<hbm>>) dst(%dma_wait3A_203 : memref<40x80xi32, #tpu.memory_space<vmem>>)
          tpu.yield
        }) : () -> ()
        %run_scoped3A_145 = arith.constant 2 : i32
        "tpu.region"() ({
          %run_scoped3A_181 = tpu.sem_alloc : memref<!tpu.dma_semaphore, #tpu.memory_space<semaphore_mem>>
          %dma_start3A_182 = arith.constant 0 : i32
          %dma_start3A_183 = arith.constant 0 : i32
          %dma_start3A_184 = tpu.memref_slice %arg11[%run_scoped3A_145, %dma_start3A_182, %dma_start3A_183] : memref<3x40x80xf32, #tpu.memory_space<vmem>> -> memref<1x40x80xf32, #tpu.memory_space<vmem>>
          %dma_start3A_185 = tpu.memref_squeeze %dma_start3A_184 : memref<1x40x80xf32, #tpu.memory_space<vmem>> -> memref<40x80xf32, #tpu.memory_space<vmem>>
          %dma_start3A_186 = arith.constant 0 : i32
          %dma_start3A_187 = tpu.memref_slice %arg8[%dma_start3A_186, %mul3A_140] : memref<40x10000xf32, #tpu.memory_space<hbm>> -> memref<40x80xf32, #tpu.memory_space<hbm>>
          %dma_start3A_188 = arith.constant 0 : i32
          %dma_start3A_189 = arith.constant 0 : i32
          %dma_start3A_190 = tpu.memref_slice %arg11[%run_scoped3A_145, %dma_start3A_188, %dma_start3A_189] : memref<3x40x80xf32, #tpu.memory_space<vmem>> -> memref<1x40x80xf32, #tpu.memory_space<vmem>>
          %dma_start3A_191 = tpu.memref_squeeze %dma_start3A_190 : memref<1x40x80xf32, #tpu.memory_space<vmem>> -> memref<40x80xf32, #tpu.memory_space<vmem>>
          %dma_start3A_192 = arith.constant 0 : i32
          %dma_start3A_193 = tpu.memref_slice %arg8[%dma_start3A_192, %mul3A_140] : memref<40x10000xf32, #tpu.memory_space<hbm>> -> memref<40x80xf32, #tpu.memory_space<hbm>>
          tpu.enqueue_dma source(%dma_start3A_193 : memref<40x80xf32, #tpu.memory_space<hbm>>) target(%dma_start3A_191 : memref<40x80xf32, #tpu.memory_space<vmem>>) target_semaphore(%run_scoped3A_181 : memref<!tpu.dma_semaphore, #tpu.memory_space<semaphore_mem>>)
          %dma_wait3A_194 = arith.constant 0 : i32
          %dma_wait3A_195 = arith.constant 0 : i32
          %dma_wait3A_196 = tpu.memref_slice %arg11[%run_scoped3A_145, %dma_wait3A_194, %dma_wait3A_195] : memref<3x40x80xf32, #tpu.memory_space<vmem>> -> memref<1x40x80xf32, #tpu.memory_space<vmem>>
          %dma_wait3A_197 = tpu.memref_squeeze %dma_wait3A_196 : memref<1x40x80xf32, #tpu.memory_space<vmem>> -> memref<40x80xf32, #tpu.memory_space<vmem>>
          %dma_wait3A_198 = arith.constant 0 : i32
          %dma_wait3A_199 = tpu.memref_slice %arg8[%dma_wait3A_198, %mul3A_140] : memref<40x10000xf32, #tpu.memory_space<hbm>> -> memref<40x80xf32, #tpu.memory_space<hbm>>
          %dma_wait3A_200 = arith.constant 0 : i32
          %dma_wait3A_201 = arith.constant 0 : i32
          %dma_wait3A_202 = tpu.memref_slice %arg11[%run_scoped3A_145, %dma_wait3A_200, %dma_wait3A_201] : memref<3x40x80xf32, #tpu.memory_space<vmem>> -> memref<1x40x80xf32, #tpu.memory_space<vmem>>
          %dma_wait3A_203 = tpu.memref_squeeze %dma_wait3A_202 : memref<1x40x80xf32, #tpu.memory_space<vmem>> -> memref<40x80xf32, #tpu.memory_space<vmem>>
          %dma_wait3A_204 = arith.constant 0 : i32
          %dma_wait3A_205 = tpu.memref_slice %arg8[%dma_wait3A_204, %mul3A_140] : memref<40x10000xf32, #tpu.memory_space<hbm>> -> memref<40x80xf32, #tpu.memory_space<hbm>>
          tpu.wait_dma2 semaphore(%run_scoped3A_181 : memref<!tpu.dma_semaphore, #tpu.memory_space<semaphore_mem>>) src(%dma_wait3A_205 : memref<40x80xf32, #tpu.memory_space<hbm>>) dst(%dma_wait3A_203 : memref<40x80xf32, #tpu.memory_space<vmem>>)
          tpu.yield
        }) : () -> ()
        %scan3A_146 = arith.constant 0 : i32
        %scan3A_147 = arith.constant 0 : i32
        %scan3A_148 = arith.constant 10 : i32
        %scan3A_149 = arith.addi %scan3A_147, %scan3A_148 : i32
        %scan3A_150 = arith.constant 1 : i32
        scf.for %scan3A_181 = %scan3A_147 to %scan3A_149 step %scan3A_150  : i32 {
          %mul3A_182 = arith.constant 16 : i32
          %mul3A_183 = arith.muli %scan3A_181, %mul3A_182 : i32
          %add3A_184 = arith.constant 0 : i32
          %add3A_185 = arith.addi %add3A_184, %mul3A_183 : i32
          %add3A_186 = vector.broadcast %add3A_185 : i32 to vector<16xi32>
          %add3A_187 = arith.addi %add3A_186, %iota3A : vector<16xi32>
          %jit3A = arith.constant 40 : i32
          %div3A = vector.broadcast %jit3A : i32 to vector<16xi32>
          %div3A_188 = arith.divsi %add3A_187, %div3A : vector<16xi32>
          %sign3A = arith.constant 0 : i32
          %sign3A_189 = vector.broadcast %sign3A : i32 to vector<16xi32>
          %sign3A_190 = arith.cmpi sgt, %add3A_187, %sign3A_189 : vector<16xi32>
          %sign3A_191 = arith.extui %sign3A_190 : vector<16xi1> to vector<16xi32>
          %sign3A_192 = arith.constant 0 : i32
          %sign3A_193 = vector.broadcast %sign3A_192 : i32 to vector<16xi32>
          %sign3A_194 = arith.cmpi slt, %add3A_187, %sign3A_193 : vector<16xi32>
          %sign3A_195 = arith.extui %sign3A_194 : vector<16xi1> to vector<16xi32>
          %sign3A_196 = arith.subi %sign3A_191, %sign3A_195 : vector<16xi32>
          %sign3A_197 = arith.constant 0 : i32
          %sign3A_198 = arith.cmpi sgt, %jit3A, %sign3A_197 : i32
          %sign3A_199 = arith.extui %sign3A_198 : i1 to i32
          %sign3A_200 = arith.constant 0 : i32
          %sign3A_201 = arith.cmpi slt, %jit3A, %sign3A_200 : i32
          %sign3A_202 = arith.extui %sign3A_201 : i1 to i32
          %sign3A_203 = arith.subi %sign3A_199, %sign3A_202 : i32
          %ne3A = vector.broadcast %sign3A_203 : i32 to vector<16xi32>
          %ne3A_204 = arith.cmpi ne, %sign3A_196, %ne3A : vector<16xi32>
          %rem3A = vector.broadcast %jit3A : i32 to vector<16xi32>
          %rem3A_205 = arith.remsi %add3A_187, %rem3A : vector<16xi32>
          %ne3A_206 = arith.constant 0 : i32
          %ne3A_207 = vector.broadcast %ne3A_206 : i32 to vector<16xi32>
          %ne3A_208 = arith.cmpi ne, %rem3A_205, %ne3A_207 : vector<16xi32>
          %and3A = arith.andi %ne3A_204, %ne3A_208 : vector<16xi1>
          %sub3A = arith.constant 1 : i32
          %sub3A_209 = vector.broadcast %sub3A : i32 to vector<16xi32>
          %sub3A_210 = arith.subi %div3A_188, %sub3A_209 : vector<16xi32>
          %select_n3A = arith.select %and3A, %sub3A_210, %div3A_188 : vector<16xi1>, vector<16xi32>
          %mul3A_211 = arith.constant 40 : i32
          %mul3A_212 = vector.broadcast %mul3A_211 : i32 to vector<16xi32>
          %mul3A_213 = arith.muli %select_n3A, %mul3A_212 : vector<16xi32>
          %sub3A_214 = arith.subi %add3A_187, %mul3A_213 : vector<16xi32>
          %gather3A = arith.constant 0 : i32
          %gather3A_215 = arith.constant 0 : i32
          %gather3A_216 = arith.constant 0 : i32
          %gather3A_217 = tpu.memref_slice %arg10[%gather3A, %gather3A_215, %gather3A_216] : memref<3x40x80xi32, #tpu.memory_space<vmem>> -> memref<1x40x80xi32, #tpu.memory_space<vmem>>
          %gather3A_218 = tpu.memref_squeeze %gather3A_217 : memref<1x40x80xi32, #tpu.memory_space<vmem>> -> memref<40x80xi32, #tpu.memory_space<vmem>>
          %gather3A_219 = tpu.vector_load_idx %gather3A_218[%sub3A_214, %select_n3A] : memref<40x80xi32, #tpu.memory_space<vmem>>[vector<16xi32>, vector<16xi32>], vector<16xi32>,
          %mul3A_220 = arith.constant 16 : i32
          %mul3A_221 = arith.muli %scan3A_181, %mul3A_220 : i32
          %add3A_222 = arith.constant 0 : i32
          %add3A_223 = arith.addi %add3A_222, %mul3A_221 : i32
          %swap3A = arith.index_cast %add3A_223 : i32 to index
          %swap3A_224 = tpu.vector_load %arg12[%swap3A] {strides = array<i32>} : memref<480xi32, #tpu.memory_space<vmem>>, vector<16xi32>,
          tpu.vector_store %arg12[%swap3A], %gather3A_219 {strides = array<i32>} : memref<480xi32, #tpu.memory_space<vmem>>, vector<16xi32>,
          %gather3A_225 = arith.constant 0 : i32
          %gather3A_226 = arith.constant 0 : i32
          %gather3A_227 = arith.constant 0 : i32
          %gather3A_228 = tpu.memref_slice %arg11[%gather3A_225, %gather3A_226, %gather3A_227] : memref<3x40x80xf32, #tpu.memory_space<vmem>> -> memref<1x40x80xf32, #tpu.memory_space<vmem>>
          %gather3A_229 = tpu.memref_squeeze %gather3A_228 : memref<1x40x80xf32, #tpu.memory_space<vmem>> -> memref<40x80xf32, #tpu.memory_space<vmem>>
          %gather3A_230 = tpu.vector_load_idx %gather3A_229[%sub3A_214, %select_n3A] : memref<40x80xf32, #tpu.memory_space<vmem>>[vector<16xi32>, vector<16xi32>], vector<16xf32>,
          %mul3A_231 = arith.constant 16 : i32
          %mul3A_232 = arith.muli %scan3A_181, %mul3A_231 : i32
          %add3A_233 = arith.constant 0 : i32
          %add3A_234 = arith.addi %add3A_233, %mul3A_232 : i32
          %swap3A_235 = arith.index_cast %add3A_234 : i32 to index
          %swap3A_236 = tpu.vector_load %arg14[%swap3A_235] {strides = array<i32>} : memref<480xf32, #tpu.memory_space<vmem>>, vector<16xf32>,
          tpu.vector_store %arg14[%swap3A_235], %gather3A_230 {strides = array<i32>} : memref<480xf32, #tpu.memory_space<vmem>>, vector<16xf32>,
          %gather3A_237 = arith.constant 1 : i32
          %gather3A_238 = arith.constant 0 : i32
          %gather3A_239 = arith.constant 0 : i32
          %gather3A_240 = tpu.memref_slice %arg10[%gather3A_237, %gather3A_238, %gather3A_239] : memref<3x40x80xi32, #tpu.memory_space<vmem>> -> memref<1x40x80xi32, #tpu.memory_space<vmem>>
          %gather3A_241 = tpu.memref_squeeze %gather3A_240 : memref<1x40x80xi32, #tpu.memory_space<vmem>> -> memref<40x80xi32, #tpu.memory_space<vmem>>
          %gather3A_242 = tpu.vector_load_idx %gather3A_241[%sub3A_214, %select_n3A] : memref<40x80xi32, #tpu.memory_space<vmem>>[vector<16xi32>, vector<16xi32>], vector<16xi32>,
          %mul3A_243 = arith.constant 16 : i32
          %mul3A_244 = arith.muli %scan3A_181, %mul3A_243 : i32
          %add3A_245 = arith.constant 160 : i32
          %add3A_246 = arith.addi %add3A_245, %mul3A_244 : i32
          %swap3A_247 = arith.index_cast %add3A_246 : i32 to index
          %swap3A_248 = tpu.vector_load %arg12[%swap3A_247] {strides = array<i32>} : memref<480xi32, #tpu.memory_space<vmem>>, vector<16xi32>,
          tpu.vector_store %arg12[%swap3A_247], %gather3A_242 {strides = array<i32>} : memref<480xi32, #tpu.memory_space<vmem>>, vector<16xi32>,
          %gather3A_249 = arith.constant 1 : i32
          %gather3A_250 = arith.constant 0 : i32
          %gather3A_251 = arith.constant 0 : i32
          %gather3A_252 = tpu.memref_slice %arg11[%gather3A_249, %gather3A_250, %gather3A_251] : memref<3x40x80xf32, #tpu.memory_space<vmem>> -> memref<1x40x80xf32, #tpu.memory_space<vmem>>
          %gather3A_253 = tpu.memref_squeeze %gather3A_252 : memref<1x40x80xf32, #tpu.memory_space<vmem>> -> memref<40x80xf32, #tpu.memory_space<vmem>>
          %gather3A_254 = tpu.vector_load_idx %gather3A_253[%sub3A_214, %select_n3A] : memref<40x80xf32, #tpu.memory_space<vmem>>[vector<16xi32>, vector<16xi32>], vector<16xf32>,
          %mul3A_255 = arith.constant 16 : i32
          %mul3A_256 = arith.muli %scan3A_181, %mul3A_255 : i32
          %add3A_257 = arith.constant 160 : i32
          %add3A_258 = arith.addi %add3A_257, %mul3A_256 : i32
          %swap3A_259 = arith.index_cast %add3A_258 : i32 to index
          %swap3A_260 = tpu.vector_load %arg14[%swap3A_259] {strides = array<i32>} : memref<480xf32, #tpu.memory_space<vmem>>, vector<16xf32>,
          tpu.vector_store %arg14[%swap3A_259], %gather3A_254 {strides = array<i32>} : memref<480xf32, #tpu.memory_space<vmem>>, vector<16xf32>,
          %gather3A_261 = arith.constant 2 : i32
          %gather3A_262 = arith.constant 0 : i32
          %gather3A_263 = arith.constant 0 : i32
          %gather3A_264 = tpu.memref_slice %arg10[%gather3A_261, %gather3A_262, %gather3A_263] : memref<3x40x80xi32, #tpu.memory_space<vmem>> -> memref<1x40x80xi32, #tpu.memory_space<vmem>>
          %gather3A_265 = tpu.memref_squeeze %gather3A_264 : memref<1x40x80xi32, #tpu.memory_space<vmem>> -> memref<40x80xi32, #tpu.memory_space<vmem>>
          %gather3A_266 = tpu.vector_load_idx %gather3A_265[%sub3A_214, %select_n3A] : memref<40x80xi32, #tpu.memory_space<vmem>>[vector<16xi32>, vector<16xi32>], vector<16xi32>,
          %mul3A_267 = arith.constant 16 : i32
          %mul3A_268 = arith.muli %scan3A_181, %mul3A_267 : i32
          %add3A_269 = arith.constant 320 : i32
          %add3A_270 = arith.addi %add3A_269, %mul3A_268 : i32
          %swap3A_271 = arith.index_cast %add3A_270 : i32 to index
          %swap3A_272 = tpu.vector_load %arg12[%swap3A_271] {strides = array<i32>} : memref<480xi32, #tpu.memory_space<vmem>>, vector<16xi32>,
          tpu.vector_store %arg12[%swap3A_271], %gather3A_266 {strides = array<i32>} : memref<480xi32, #tpu.memory_space<vmem>>, vector<16xi32>,
          %gather3A_273 = arith.constant 2 : i32
          %gather3A_274 = arith.constant 0 : i32
          %gather3A_275 = arith.constant 0 : i32
          %gather3A_276 = tpu.memref_slice %arg11[%gather3A_273, %gather3A_274, %gather3A_275] : memref<3x40x80xf32, #tpu.memory_space<vmem>> -> memref<1x40x80xf32, #tpu.memory_space<vmem>>
          %gather3A_277 = tpu.memref_squeeze %gather3A_276 : memref<1x40x80xf32, #tpu.memory_space<vmem>> -> memref<40x80xf32, #tpu.memory_space<vmem>>
          %gather3A_278 = tpu.vector_load_idx %gather3A_277[%sub3A_214, %select_n3A] : memref<40x80xf32, #tpu.memory_space<vmem>>[vector<16xi32>, vector<16xi32>], vector<16xf32>,
          %mul3A_279 = arith.constant 16 : i32
          %mul3A_280 = arith.muli %scan3A_181, %mul3A_279 : i32
          %add3A_281 = arith.constant 320 : i32
          %add3A_282 = arith.addi %add3A_281, %mul3A_280 : i32
          %swap3A_283 = arith.index_cast %add3A_282 : i32 to index
          %swap3A_284 = tpu.vector_load %arg14[%swap3A_283] {strides = array<i32>} : memref<480xf32, #tpu.memory_space<vmem>>, vector<16xf32>,
          tpu.vector_store %arg14[%swap3A_283], %gather3A_278 {strides = array<i32>} : memref<480xf32, #tpu.memory_space<vmem>>, vector<16xf32>,
        }
        %scan3A_151 = arith.constant 10 : i32
        %dma_start3A = arith.constant 0 : i32
        %dma_start3A_152 = arith.constant 0 : i32
        %dma_start3A_153 = tpu.memref_slice %arg16[%dma_start3A, %dma_start3A_152] : memref<480x64xbf16, #tpu.memory_space<vmem>> -> memref<160x64xbf16, #tpu.memory_space<vmem>>
        %dma_start3A_154 = arith.constant 0 : i32
        %dma_start3A_155 = tpu.memref_slice %arg12[%dma_start3A_154] : memref<480xi32, #tpu.memory_space<vmem>> -> memref<160xi32, #tpu.memory_space<vmem>>
        %dma_start3A_156 = arith.constant 0 : i32
        %dma_start3A_157 = arith.constant 0 : i32
        %dma_start3A_158 = tpu.memref_slice %arg2[%dma_start3A_156, %dma_start3A_157] : memref<10000x64xbf16, #tpu.memory_space<hbm>> -> memref<10000x64xbf16, #tpu.memory_space<hbm>>
        tpu.enqueue_indirect_dma source(%dma_start3A_158 : memref<10000x64xbf16, #tpu.memory_space<hbm>>) target(%dma_start3A_153 : memref<160x64xbf16, #tpu.memory_space<vmem>>) offsets(%dma_start3A_155 : memref<160xi32, #tpu.memory_space<vmem>>) semaphore(%arg20 : memref<!tpu.dma_semaphore, #tpu.memory_space<semaphore_mem>>)
        %dma_start3A_159 = arith.constant 160 : i32
        %dma_start3A_160 = arith.constant 0 : i32
        %dma_start3A_161 = tpu.memref_slice %arg16[%dma_start3A_159, %dma_start3A_160] : memref<480x64xbf16, #tpu.memory_space<vmem>> -> memref<160x64xbf16, #tpu.memory_space<vmem>>
        %dma_start3A_162 = arith.constant 160 : i32
        %dma_start3A_163 = tpu.memref_slice %arg12[%dma_start3A_162] : memref<480xi32, #tpu.memory_space<vmem>> -> memref<160xi32, #tpu.memory_space<vmem>>
        %dma_start3A_164 = arith.constant 0 : i32
        %dma_start3A_165 = arith.constant 0 : i32
        %dma_start3A_166 = tpu.memref_slice %arg2[%dma_start3A_164, %dma_start3A_165] : memref<10000x64xbf16, #tpu.memory_space<hbm>> -> memref<10000x64xbf16, #tpu.memory_space<hbm>>
        tpu.enqueue_indirect_dma source(%dma_start3A_166 : memref<10000x64xbf16, #tpu.memory_space<hbm>>) target(%dma_start3A_161 : memref<160x64xbf16, #tpu.memory_space<vmem>>) offsets(%dma_start3A_163 : memref<160xi32, #tpu.memory_space<vmem>>) semaphore(%arg20 : memref<!tpu.dma_semaphore, #tpu.memory_space<semaphore_mem>>)
        %dma_start3A_167 = arith.constant 320 : i32
        %dma_start3A_168 = arith.constant 0 : i32
        %dma_start3A_169 = tpu.memref_slice %arg16[%dma_start3A_167, %dma_start3A_168] : memref<480x64xbf16, #tpu.memory_space<vmem>> -> memref<160x64xbf16, #tpu.memory_space<vmem>>
        %dma_start3A_170 = arith.constant 320 : i32
        %dma_start3A_171 = tpu.memref_slice %arg12[%dma_start3A_170] : memref<480xi32, #tpu.memory_space<vmem>> -> memref<160xi32, #tpu.memory_space<vmem>>
        %dma_start3A_172 = arith.constant 0 : i32
        %dma_start3A_173 = arith.constant 0 : i32
        %dma_start3A_174 = tpu.memref_slice %arg2[%dma_start3A_172, %dma_start3A_173] : memref<10000x64xbf16, #tpu.memory_space<hbm>> -> memref<10000x64xbf16, #tpu.memory_space<hbm>>
        tpu.enqueue_indirect_dma source(%dma_start3A_174 : memref<10000x64xbf16, #tpu.memory_space<hbm>>) target(%dma_start3A_169 : memref<160x64xbf16, #tpu.memory_space<vmem>>) offsets(%dma_start3A_171 : memref<160xi32, #tpu.memory_space<vmem>>) semaphore(%arg20 : memref<!tpu.dma_semaphore, #tpu.memory_space<semaphore_mem>>)
        %scan3A_175 = arith.constant 0 : i32
        %scan3A_176 = arith.constant 0 : i32
        %scan3A_177 = arith.constant 10 : i32
        %scan3A_178 = arith.addi %scan3A_176, %scan3A_177 : i32
        %scan3A_179 = arith.constant 1 : i32
        scf.for %scan3A_181 = %scan3A_176 to %scan3A_178 step %scan3A_179  : i32 {
          %mul3A_182 = arith.constant 2 : i32
          %mul3A_183 = arith.muli %scan3A_181, %mul3A_182 : i32
          %dma_wait3A_184 = arith.constant 0 : i32
          %dma_wait3A_185 = arith.constant 0 : i32
          %dma_wait3A_186 = tpu.memref_slice %arg2[%dma_wait3A_184, %dma_wait3A_185] : memref<10000x64xbf16, #tpu.memory_space<hbm>> -> memref<480x64xbf16, #tpu.memory_space<hbm>>
          %dma_wait3A_187 = arith.constant 0 : i32
          %dma_wait3A_188 = arith.constant 0 : i32
          %dma_wait3A_189 = tpu.memref_slice %arg2[%dma_wait3A_187, %dma_wait3A_188] : memref<10000x64xbf16, #tpu.memory_space<hbm>> -> memref<480x64xbf16, #tpu.memory_space<hbm>>
          tpu.wait_dma2 semaphore(%arg20 : memref<!tpu.dma_semaphore, #tpu.memory_space<semaphore_mem>>) src(%dma_wait3A_189 : memref<480x64xbf16, #tpu.memory_space<hbm>>) dst(%arg16 : memref<480x64xbf16, #tpu.memory_space<vmem>>)
          %lt3A_190 = arith.constant 19 : i32
          %lt3A_191 = arith.cmpi slt, %mul3A_183, %lt3A_190 : i32
          %convert_element_type3A_192 = arith.extui %lt3A_191 : i1 to i32
          %cond3A_193 = arith.constant 0 : i32
          %cond3A_194 = arith.cmpi ne, %convert_element_type3A_192, %cond3A_193 : i32
          scf.if %cond3A_194 {
            %add3A_581 = arith.constant 1 : i32
            %add3A_582 = arith.addi %mul3A_183, %add3A_581 : i32
            %scan3A_583 = arith.constant 0 : i32
            %scan3A_584 = arith.constant 0 : i32
            %scan3A_585 = arith.constant 10 : i32
            %scan3A_586 = arith.addi %scan3A_584, %scan3A_585 : i32
            %scan3A_587 = arith.constant 1 : i32
            scf.for %scan3A_613 = %scan3A_584 to %scan3A_586 step %scan3A_587  : i32 {
              %mul3A_614 = arith.constant 160 : i32
              %mul3A_615 = arith.muli %add3A_582, %mul3A_614 : i32
              %mul3A_616 = arith.constant 16 : i32
              %mul3A_617 = arith.muli %scan3A_613, %mul3A_616 : i32
              %add3A_618 = arith.addi %mul3A_615, %mul3A_617 : i32
              %add3A_619 = vector.broadcast %add3A_618 : i32 to vector<16xi32>
              %add3A_620 = arith.addi %add3A_619, %iota3A : vector<16xi32>
              %jit3A_621 = arith.constant 40 : i32
              %div3A_622 = vector.broadcast %jit3A_621 : i32 to vector<16xi32>
              %div3A_623 = arith.divsi %add3A_620, %div3A_622 : vector<16xi32>
              %sign3A_624 = arith.constant 0 : i32
              %sign3A_625 = vector.broadcast %sign3A_624 : i32 to vector<16xi32>
              %sign3A_626 = arith.cmpi sgt, %add3A_620, %sign3A_625 : vector<16xi32>
              %sign3A_627 = arith.extui %sign3A_626 : vector<16xi1> to vector<16xi32>
              %sign3A_628 = arith.constant 0 : i32
              %sign3A_629 = vector.broadcast %sign3A_628 : i32 to vector<16xi32>
              %sign3A_630 = arith.cmpi slt, %add3A_620, %sign3A_629 : vector<16xi32>
              %sign3A_631 = arith.extui %sign3A_630 : vector<16xi1> to vector<16xi32>
              %sign3A_632 = arith.subi %sign3A_627, %sign3A_631 : vector<16xi32>
              %sign3A_633 = arith.constant 0 : i32
              %sign3A_634 = arith.cmpi sgt, %jit3A_621, %sign3A_633 : i32
              %sign3A_635 = arith.extui %sign3A_634 : i1 to i32
              %sign3A_636 = arith.constant 0 : i32
              %sign3A_637 = arith.cmpi slt, %jit3A_621, %sign3A_636 : i32
              %sign3A_638 = arith.extui %sign3A_637 : i1 to i32
              %sign3A_639 = arith.subi %sign3A_635, %sign3A_638 : i32
              %ne3A_640 = vector.broadcast %sign3A_639 : i32 to vector<16xi32>
              %ne3A_641 = arith.cmpi ne, %sign3A_632, %ne3A_640 : vector<16xi32>
              %rem3A_642 = vector.broadcast %jit3A_621 : i32 to vector<16xi32>
              %rem3A_643 = arith.remsi %add3A_620, %rem3A_642 : vector<16xi32>
              %ne3A_644 = arith.constant 0 : i32
              %ne3A_645 = vector.broadcast %ne3A_644 : i32 to vector<16xi32>
              %ne3A_646 = arith.cmpi ne, %rem3A_643, %ne3A_645 : vector<16xi32>
              %and3A_647 = arith.andi %ne3A_641, %ne3A_646 : vector<16xi1>
              %sub3A_648 = arith.constant 1 : i32
              %sub3A_649 = vector.broadcast %sub3A_648 : i32 to vector<16xi32>
              %sub3A_650 = arith.subi %div3A_623, %sub3A_649 : vector<16xi32>
              %select_n3A_651 = arith.select %and3A_647, %sub3A_650, %div3A_623 : vector<16xi1>, vector<16xi32>
              %mul3A_652 = arith.constant 40 : i32
              %mul3A_653 = vector.broadcast %mul3A_652 : i32 to vector<16xi32>
              %mul3A_654 = arith.muli %select_n3A_651, %mul3A_653 : vector<16xi32>
              %sub3A_655 = arith.subi %add3A_620, %mul3A_654 : vector<16xi32>
              %gather3A = arith.constant 0 : i32
              %gather3A_656 = arith.constant 0 : i32
              %gather3A_657 = arith.constant 0 : i32
              %gather3A_658 = tpu.memref_slice %arg10[%gather3A, %gather3A_656, %gather3A_657] : memref<3x40x80xi32, #tpu.memory_space<vmem>> -> memref<1x40x80xi32, #tpu.memory_space<vmem>>
              %gather3A_659 = tpu.memref_squeeze %gather3A_658 : memref<1x40x80xi32, #tpu.memory_space<vmem>> -> memref<40x80xi32, #tpu.memory_space<vmem>>
              %gather3A_660 = tpu.vector_load_idx %gather3A_659[%sub3A_655, %select_n3A_651] : memref<40x80xi32, #tpu.memory_space<vmem>>[vector<16xi32>, vector<16xi32>], vector<16xi32>,
              %mul3A_661 = arith.constant 16 : i32
              %mul3A_662 = arith.muli %scan3A_613, %mul3A_661 : i32
              %add3A_663 = arith.constant 0 : i32
              %add3A_664 = arith.addi %add3A_663, %mul3A_662 : i32
              %swap3A = arith.index_cast %add3A_664 : i32 to index
              %swap3A_665 = tpu.vector_load %arg13[%swap3A] {strides = array<i32>} : memref<480xi32, #tpu.memory_space<vmem>>, vector<16xi32>,
              tpu.vector_store %arg13[%swap3A], %gather3A_660 {strides = array<i32>} : memref<480xi32, #tpu.memory_space<vmem>>, vector<16xi32>,
              %gather3A_666 = arith.constant 0 : i32
              %gather3A_667 = arith.constant 0 : i32
              %gather3A_668 = arith.constant 0 : i32
              %gather3A_669 = tpu.memref_slice %arg11[%gather3A_666, %gather3A_667, %gather3A_668] : memref<3x40x80xf32, #tpu.memory_space<vmem>> -> memref<1x40x80xf32, #tpu.memory_space<vmem>>
              %gather3A_670 = tpu.memref_squeeze %gather3A_669 : memref<1x40x80xf32, #tpu.memory_space<vmem>> -> memref<40x80xf32, #tpu.memory_space<vmem>>
              %gather3A_671 = tpu.vector_load_idx %gather3A_670[%sub3A_655, %select_n3A_651] : memref<40x80xf32, #tpu.memory_space<vmem>>[vector<16xi32>, vector<16xi32>], vector<16xf32>,
              %mul3A_672 = arith.constant 16 : i32
              %mul3A_673 = arith.muli %scan3A_613, %mul3A_672 : i32
              %add3A_674 = arith.constant 0 : i32
              %add3A_675 = arith.addi %add3A_674, %mul3A_673 : i32
              %swap3A_676 = arith.index_cast %add3A_675 : i32 to index
              %swap3A_677 = tpu.vector_load %arg15[%swap3A_676] {strides = array<i32>} : memref<480xf32, #tpu.memory_space<vmem>>, vector<16xf32>,
              tpu.vector_store %arg15[%swap3A_676], %gather3A_671 {strides = array<i32>} : memref<480xf32, #tpu.memory_space<vmem>>, vector<16xf32>,
              %gather3A_678 = arith.constant 1 : i32
              %gather3A_679 = arith.constant 0 : i32
              %gather3A_680 = arith.constant 0 : i32
              %gather3A_681 = tpu.memref_slice %arg10[%gather3A_678, %gather3A_679, %gather3A_680] : memref<3x40x80xi32, #tpu.memory_space<vmem>> -> memref<1x40x80xi32, #tpu.memory_space<vmem>>
              %gather3A_682 = tpu.memref_squeeze %gather3A_681 : memref<1x40x80xi32, #tpu.memory_space<vmem>> -> memref<40x80xi32, #tpu.memory_space<vmem>>
              %gather3A_683 = tpu.vector_load_idx %gather3A_682[%sub3A_655, %select_n3A_651] : memref<40x80xi32, #tpu.memory_space<vmem>>[vector<16xi32>, vector<16xi32>], vector<16xi32>,
              %mul3A_684 = arith.constant 16 : i32
              %mul3A_685 = arith.muli %scan3A_613, %mul3A_684 : i32
              %add3A_686 = arith.constant 160 : i32
              %add3A_687 = arith.addi %add3A_686, %mul3A_685 : i32
              %swap3A_688 = arith.index_cast %add3A_687 : i32 to index
              %swap3A_689 = tpu.vector_load %arg13[%swap3A_688] {strides = array<i32>} : memref<480xi32, #tpu.memory_space<vmem>>, vector<16xi32>,
              tpu.vector_store %arg13[%swap3A_688], %gather3A_683 {strides = array<i32>} : memref<480xi32, #tpu.memory_space<vmem>>, vector<16xi32>,
              %gather3A_690 = arith.constant 1 : i32
              %gather3A_691 = arith.constant 0 : i32
              %gather3A_692 = arith.constant 0 : i32
              %gather3A_693 = tpu.memref_slice %arg11[%gather3A_690, %gather3A_691, %gather3A_692] : memref<3x40x80xf32, #tpu.memory_space<vmem>> -> memref<1x40x80xf32, #tpu.memory_space<vmem>>
              %gather3A_694 = tpu.memref_squeeze %gather3A_693 : memref<1x40x80xf32, #tpu.memory_space<vmem>> -> memref<40x80xf32, #tpu.memory_space<vmem>>
              %gather3A_695 = tpu.vector_load_idx %gather3A_694[%sub3A_655, %select_n3A_651] : memref<40x80xf32, #tpu.memory_space<vmem>>[vector<16xi32>, vector<16xi32>], vector<16xf32>,
              %mul3A_696 = arith.constant 16 : i32
              %mul3A_697 = arith.muli %scan3A_613, %mul3A_696 : i32
              %add3A_698 = arith.constant 160 : i32
              %add3A_699 = arith.addi %add3A_698, %mul3A_697 : i32
              %swap3A_700 = arith.index_cast %add3A_699 : i32 to index
              %swap3A_701 = tpu.vector_load %arg15[%swap3A_700] {strides = array<i32>} : memref<480xf32, #tpu.memory_space<vmem>>, vector<16xf32>,
              tpu.vector_store %arg15[%swap3A_700], %gather3A_695 {strides = array<i32>} : memref<480xf32, #tpu.memory_space<vmem>>, vector<16xf32>,
              %gather3A_702 = arith.constant 2 : i32
              %gather3A_703 = arith.constant 0 : i32
              %gather3A_704 = arith.constant 0 : i32
              %gather3A_705 = tpu.memref_slice %arg10[%gather3A_702, %gather3A_703, %gather3A_704] : memref<3x40x80xi32, #tpu.memory_space<vmem>> -> memref<1x40x80xi32, #tpu.memory_space<vmem>>
              %gather3A_706 = tpu.memref_squeeze %gather3A_705 : memref<1x40x80xi32, #tpu.memory_space<vmem>> -> memref<40x80xi32, #tpu.memory_space<vmem>>
              %gather3A_707 = tpu.vector_load_idx %gather3A_706[%sub3A_655, %select_n3A_651] : memref<40x80xi32, #tpu.memory_space<vmem>>[vector<16xi32>, vector<16xi32>], vector<16xi32>,
              %mul3A_708 = arith.constant 16 : i32
              %mul3A_709 = arith.muli %scan3A_613, %mul3A_708 : i32
              %add3A_710 = arith.constant 320 : i32
              %add3A_711 = arith.addi %add3A_710, %mul3A_709 : i32
              %swap3A_712 = arith.index_cast %add3A_711 : i32 to index
              %swap3A_713 = tpu.vector_load %arg13[%swap3A_712] {strides = array<i32>} : memref<480xi32, #tpu.memory_space<vmem>>, vector<16xi32>,
              tpu.vector_store %arg13[%swap3A_712], %gather3A_707 {strides = array<i32>} : memref<480xi32, #tpu.memory_space<vmem>>, vector<16xi32>,
              %gather3A_714 = arith.constant 2 : i32
              %gather3A_715 = arith.constant 0 : i32
              %gather3A_716 = arith.constant 0 : i32
              %gather3A_717 = tpu.memref_slice %arg11[%gather3A_714, %gather3A_715, %gather3A_716] : memref<3x40x80xf32, #tpu.memory_space<vmem>> -> memref<1x40x80xf32, #tpu.memory_space<vmem>>
              %gather3A_718 = tpu.memref_squeeze %gather3A_717 : memref<1x40x80xf32, #tpu.memory_space<vmem>> -> memref<40x80xf32, #tpu.memory_space<vmem>>
              %gather3A_719 = tpu.vector_load_idx %gather3A_718[%sub3A_655, %select_n3A_651] : memref<40x80xf32, #tpu.memory_space<vmem>>[vector<16xi32>, vector<16xi32>], vector<16xf32>,
              %mul3A_720 = arith.constant 16 : i32
              %mul3A_721 = arith.muli %scan3A_613, %mul3A_720 : i32
              %add3A_722 = arith.constant 320 : i32
              %add3A_723 = arith.addi %add3A_722, %mul3A_721 : i32
              %swap3A_724 = arith.index_cast %add3A_723 : i32 to index
              %swap3A_725 = tpu.vector_load %arg15[%swap3A_724] {strides = array<i32>} : memref<480xf32, #tpu.memory_space<vmem>>, vector<16xf32>,
              tpu.vector_store %arg15[%swap3A_724], %gather3A_719 {strides = array<i32>} : memref<480xf32, #tpu.memory_space<vmem>>, vector<16xf32>,
            }
            %scan3A_588 = arith.constant 10 : i32
            %dma_start3A_589 = arith.constant 0 : i32
            %dma_start3A_590 = arith.constant 0 : i32
            %dma_start3A_591 = tpu.memref_slice %arg17[%dma_start3A_589, %dma_start3A_590] : memref<480x64xbf16, #tpu.memory_space<vmem>> -> memref<160x64xbf16, #tpu.memory_space<vmem>>
            %dma_start3A_592 = arith.constant 0 : i32
            %dma_start3A_593 = tpu.memref_slice %arg13[%dma_start3A_592] : memref<480xi32, #tpu.memory_space<vmem>> -> memref<160xi32, #tpu.memory_space<vmem>>
            %dma_start3A_594 = arith.constant 0 : i32
            %dma_start3A_595 = arith.constant 0 : i32
            %dma_start3A_596 = tpu.memref_slice %arg2[%dma_start3A_594, %dma_start3A_595] : memref<10000x64xbf16, #tpu.memory_space<hbm>> -> memref<10000x64xbf16, #tpu.memory_space<hbm>>
            tpu.enqueue_indirect_dma source(%dma_start3A_596 : memref<10000x64xbf16, #tpu.memory_space<hbm>>) target(%dma_start3A_591 : memref<160x64xbf16, #tpu.memory_space<vmem>>) offsets(%dma_start3A_593 : memref<160xi32, #tpu.memory_space<vmem>>) semaphore(%arg21 : memref<!tpu.dma_semaphore, #tpu.memory_space<semaphore_mem>>)
            %dma_start3A_597 = arith.constant 160 : i32
            %dma_start3A_598 = arith.constant 0 : i32
            %dma_start3A_599 = tpu.memref_slice %arg17[%dma_start3A_597, %dma_start3A_598] : memref<480x64xbf16, #tpu.memory_space<vmem>> -> memref<160x64xbf16, #tpu.memory_space<vmem>>
            %dma_start3A_600 = arith.constant 160 : i32
            %dma_start3A_601 = tpu.memref_slice %arg13[%dma_start3A_600] : memref<480xi32, #tpu.memory_space<vmem>> -> memref<160xi32, #tpu.memory_space<vmem>>
            %dma_start3A_602 = arith.constant 0 : i32
            %dma_start3A_603 = arith.constant 0 : i32
            %dma_start3A_604 = tpu.memref_slice %arg2[%dma_start3A_602, %dma_start3A_603] : memref<10000x64xbf16, #tpu.memory_space<hbm>> -> memref<10000x64xbf16, #tpu.memory_space<hbm>>
            tpu.enqueue_indirect_dma source(%dma_start3A_604 : memref<10000x64xbf16, #tpu.memory_space<hbm>>) target(%dma_start3A_599 : memref<160x64xbf16, #tpu.memory_space<vmem>>) offsets(%dma_start3A_601 : memref<160xi32, #tpu.memory_space<vmem>>) semaphore(%arg21 : memref<!tpu.dma_semaphore, #tpu.memory_space<semaphore_mem>>)
            %dma_start3A_605 = arith.constant 320 : i32
            %dma_start3A_606 = arith.constant 0 : i32
            %dma_start3A_607 = tpu.memref_slice %arg17[%dma_start3A_605, %dma_start3A_606] : memref<480x64xbf16, #tpu.memory_space<vmem>> -> memref<160x64xbf16, #tpu.memory_space<vmem>>
            %dma_start3A_608 = arith.constant 320 : i32
            %dma_start3A_609 = tpu.memref_slice %arg13[%dma_start3A_608] : memref<480xi32, #tpu.memory_space<vmem>> -> memref<160xi32, #tpu.memory_space<vmem>>
            %dma_start3A_610 = arith.constant 0 : i32
            %dma_start3A_611 = arith.constant 0 : i32
            %dma_start3A_612 = tpu.memref_slice %arg2[%dma_start3A_610, %dma_start3A_611] : memref<10000x64xbf16, #tpu.memory_space<hbm>> -> memref<10000x64xbf16, #tpu.memory_space<hbm>>
            tpu.enqueue_indirect_dma source(%dma_start3A_612 : memref<10000x64xbf16, #tpu.memory_space<hbm>>) target(%dma_start3A_607 : memref<160x64xbf16, #tpu.memory_space<vmem>>) offsets(%dma_start3A_609 : memref<160xi32, #tpu.memory_space<vmem>>) semaphore(%arg21 : memref<!tpu.dma_semaphore, #tpu.memory_space<semaphore_mem>>)
          } else {
          }
          %ge3A = arith.constant 2 : i32
          %ge3A_195 = arith.cmpi sge, %mul3A_183, %ge3A : i32
          %gt3A = arith.constant 0 : i32
          %gt3A_196 = arith.cmpi sgt, %scan3A_133, %gt3A : i32
          %or3A = arith.ori %ge3A_195, %gt3A_196 : i1
          %convert_element_type3A_197 = arith.extui %or3A : i1 to i32
          %cond3A_198 = arith.constant 0 : i32
          %cond3A_199 = arith.cmpi ne, %convert_element_type3A_197, %cond3A_198 : i32
          scf.if %cond3A_199 {
            %dma_wait3A_581 = arith.constant 0 : i32
            %dma_wait3A_582 = arith.constant 0 : i32
            %dma_wait3A_583 = arith.constant 0 : i32
            %dma_wait3A_584 = arith.constant 0 : i32
            %dma_wait3A_585 = tpu.memref_slice %arg18[%dma_wait3A_583, %dma_wait3A_584] : memref<80x128xf32, #tpu.memory_space<vmem>> -> memref<20x128xf32, #tpu.memory_space<vmem>>
            %dma_wait3A_586 = arith.constant 0 : i32
            %dma_wait3A_587 = arith.constant 0 : i32
            %dma_wait3A_588 = tpu.memref_slice %arg9[%dma_wait3A_581, %dma_wait3A_586, %dma_wait3A_582, %dma_wait3A_587] : memref<1250x20x8x128xf32, #tpu.memory_space<hbm>> -> memref<1x20x1x128xf32, #tpu.memory_space<hbm>>
            %dma_wait3A_589 = tpu.memref_squeeze %dma_wait3A_588 : memref<1x20x1x128xf32, #tpu.memory_space<hbm>> -> memref<20x128xf32, #tpu.memory_space<hbm>>
            %dma_wait3A_590 = arith.constant 0 : i32
            %dma_wait3A_591 = arith.constant 0 : i32
            %dma_wait3A_592 = tpu.memref_slice %arg18[%dma_wait3A_590, %dma_wait3A_591] : memref<80x128xf32, #tpu.memory_space<vmem>> -> memref<20x128xf32, #tpu.memory_space<vmem>>
            %dma_wait3A_593 = arith.constant 0 : i32
            %dma_wait3A_594 = arith.constant 0 : i32
            %dma_wait3A_595 = tpu.memref_slice %arg9[%dma_wait3A_581, %dma_wait3A_593, %dma_wait3A_582, %dma_wait3A_594] : memref<1250x20x8x128xf32, #tpu.memory_space<hbm>> -> memref<1x20x1x128xf32, #tpu.memory_space<hbm>>
            %dma_wait3A_596 = tpu.memref_squeeze %dma_wait3A_595 : memref<1x20x1x128xf32, #tpu.memory_space<hbm>> -> memref<20x128xf32, #tpu.memory_space<hbm>>
            tpu.wait_dma2 semaphore(%arg22 : memref<!tpu.dma_semaphore, #tpu.memory_space<semaphore_mem>>) src(%dma_wait3A_596 : memref<20x128xf32, #tpu.memory_space<hbm>>) dst(%dma_wait3A_592 : memref<20x128xf32, #tpu.memory_space<vmem>>)
            %dma_wait3A_597 = arith.constant 0 : i32
            %dma_wait3A_598 = arith.constant 0 : i32
            %dma_wait3A_599 = arith.constant 20 : i32
            %dma_wait3A_600 = arith.constant 0 : i32
            %dma_wait3A_601 = tpu.memref_slice %arg18[%dma_wait3A_599, %dma_wait3A_600] : memref<80x128xf32, #tpu.memory_space<vmem>> -> memref<20x128xf32, #tpu.memory_space<vmem>>
            %dma_wait3A_602 = arith.constant 0 : i32
            %dma_wait3A_603 = arith.constant 0 : i32
            %dma_wait3A_604 = tpu.memref_slice %arg9[%dma_wait3A_597, %dma_wait3A_602, %dma_wait3A_598, %dma_wait3A_603] : memref<1250x20x8x128xf32, #tpu.memory_space<hbm>> -> memref<1x20x1x128xf32, #tpu.memory_space<hbm>>
            %dma_wait3A_605 = tpu.memref_squeeze %dma_wait3A_604 : memref<1x20x1x128xf32, #tpu.memory_space<hbm>> -> memref<20x128xf32, #tpu.memory_space<hbm>>
            %dma_wait3A_606 = arith.constant 20 : i32
            %dma_wait3A_607 = arith.constant 0 : i32
            %dma_wait3A_608 = tpu.memref_slice %arg18[%dma_wait3A_606, %dma_wait3A_607] : memref<80x128xf32, #tpu.memory_space<vmem>> -> memref<20x128xf32, #tpu.memory_space<vmem>>
            %dma_wait3A_609 = arith.constant 0 : i32
            %dma_wait3A_610 = arith.constant 0 : i32
            %dma_wait3A_611 = tpu.memref_slice %arg9[%dma_wait3A_597, %dma_wait3A_609, %dma_wait3A_598, %dma_wait3A_610] : memref<1250x20x8x128xf32, #tpu.memory_space<hbm>> -> memref<1x20x1x128xf32, #tpu.memory_space<hbm>>
            %dma_wait3A_612 = tpu.memref_squeeze %dma_wait3A_611 : memref<1x20x1x128xf32, #tpu.memory_space<hbm>> -> memref<20x128xf32, #tpu.memory_space<hbm>>
            tpu.wait_dma2 semaphore(%arg22 : memref<!tpu.dma_semaphore, #tpu.memory_space<semaphore_mem>>) src(%dma_wait3A_612 : memref<20x128xf32, #tpu.memory_space<hbm>>) dst(%dma_wait3A_608 : memref<20x128xf32, #tpu.memory_space<vmem>>)
            %dma_wait3A_613 = arith.constant 0 : i32
            %dma_wait3A_614 = arith.constant 0 : i32
            %dma_wait3A_615 = arith.constant 40 : i32
            %dma_wait3A_616 = arith.constant 0 : i32
            %dma_wait3A_617 = tpu.memref_slice %arg18[%dma_wait3A_615, %dma_wait3A_616] : memref<80x128xf32, #tpu.memory_space<vmem>> -> memref<20x128xf32, #tpu.memory_space<vmem>>
            %dma_wait3A_618 = arith.constant 0 : i32
            %dma_wait3A_619 = arith.constant 0 : i32
            %dma_wait3A_620 = tpu.memref_slice %arg9[%dma_wait3A_613, %dma_wait3A_618, %dma_wait3A_614, %dma_wait3A_619] : memref<1250x20x8x128xf32, #tpu.memory_space<hbm>> -> memref<1x20x1x128xf32, #tpu.memory_space<hbm>>
            %dma_wait3A_621 = tpu.memref_squeeze %dma_wait3A_620 : memref<1x20x1x128xf32, #tpu.memory_space<hbm>> -> memref<20x128xf32, #tpu.memory_space<hbm>>
            %dma_wait3A_622 = arith.constant 40 : i32
            %dma_wait3A_623 = arith.constant 0 : i32
            %dma_wait3A_624 = tpu.memref_slice %arg18[%dma_wait3A_622, %dma_wait3A_623] : memref<80x128xf32, #tpu.memory_space<vmem>> -> memref<20x128xf32, #tpu.memory_space<vmem>>
            %dma_wait3A_625 = arith.constant 0 : i32
            %dma_wait3A_626 = arith.constant 0 : i32
            %dma_wait3A_627 = tpu.memref_slice %arg9[%dma_wait3A_613, %dma_wait3A_625, %dma_wait3A_614, %dma_wait3A_626] : memref<1250x20x8x128xf32, #tpu.memory_space<hbm>> -> memref<1x20x1x128xf32, #tpu.memory_space<hbm>>
            %dma_wait3A_628 = tpu.memref_squeeze %dma_wait3A_627 : memref<1x20x1x128xf32, #tpu.memory_space<hbm>> -> memref<20x128xf32, #tpu.memory_space<hbm>>
            tpu.wait_dma2 semaphore(%arg22 : memref<!tpu.dma_semaphore, #tpu.memory_space<semaphore_mem>>) src(%dma_wait3A_628 : memref<20x128xf32, #tpu.memory_space<hbm>>) dst(%dma_wait3A_624 : memref<20x128xf32, #tpu.memory_space<vmem>>)
            %dma_wait3A_629 = arith.constant 0 : i32
            %dma_wait3A_630 = arith.constant 0 : i32
            %dma_wait3A_631 = arith.constant 60 : i32
            %dma_wait3A_632 = arith.constant 0 : i32
            %dma_wait3A_633 = tpu.memref_slice %arg18[%dma_wait3A_631, %dma_wait3A_632] : memref<80x128xf32, #tpu.memory_space<vmem>> -> memref<20x128xf32, #tpu.memory_space<vmem>>
            %dma_wait3A_634 = arith.constant 0 : i32
            %dma_wait3A_635 = arith.constant 0 : i32
            %dma_wait3A_636 = tpu.memref_slice %arg9[%dma_wait3A_629, %dma_wait3A_634, %dma_wait3A_630, %dma_wait3A_635] : memref<1250x20x8x128xf32, #tpu.memory_space<hbm>> -> memref<1x20x1x128xf32, #tpu.memory_space<hbm>>
            %dma_wait3A_637 = tpu.memref_squeeze %dma_wait3A_636 : memref<1x20x1x128xf32, #tpu.memory_space<hbm>> -> memref<20x128xf32, #tpu.memory_space<hbm>>
            %dma_wait3A_638 = arith.constant 60 : i32
            %dma_wait3A_639 = arith.constant 0 : i32
            %dma_wait3A_640 = tpu.memref_slice %arg18[%dma_wait3A_638, %dma_wait3A_639] : memref<80x128xf32, #tpu.memory_space<vmem>> -> memref<20x128xf32, #tpu.memory_space<vmem>>
            %dma_wait3A_641 = arith.constant 0 : i32
            %dma_wait3A_642 = arith.constant 0 : i32
            %dma_wait3A_643 = tpu.memref_slice %arg9[%dma_wait3A_629, %dma_wait3A_641, %dma_wait3A_630, %dma_wait3A_642] : memref<1250x20x8x128xf32, #tpu.memory_space<hbm>> -> memref<1x20x1x128xf32, #tpu.memory_space<hbm>>
            %dma_wait3A_644 = tpu.memref_squeeze %dma_wait3A_643 : memref<1x20x1x128xf32, #tpu.memory_space<hbm>> -> memref<20x128xf32, #tpu.memory_space<hbm>>
            tpu.wait_dma2 semaphore(%arg22 : memref<!tpu.dma_semaphore, #tpu.memory_space<semaphore_mem>>) src(%dma_wait3A_644 : memref<20x128xf32, #tpu.memory_space<hbm>>) dst(%dma_wait3A_640 : memref<20x128xf32, #tpu.memory_space<vmem>>)
          } else {
          }
          %scan3A_200 = arith.constant 0 : i32
          %scan3A_201 = arith.constant 0 : i32
          %scan3A_202 = arith.constant 10 : i32
          %scan3A_203 = arith.addi %scan3A_201, %scan3A_202 : i32
          %scan3A_204 = arith.constant 1 : i32
          scf.for %scan3A_581 = %scan3A_201 to %scan3A_203 step %scan3A_204  : i32 {
            %mul3A_582 = arith.constant 16 : i32
            %mul3A_583 = arith.muli %scan3A_581, %mul3A_582 : i32
            %get3A = arith.index_cast %mul3A_583 : i32 to index
            %get3A_584 = tpu.vector_load %arg14[%get3A] {strides = array<i32>} : memref<480xf32, #tpu.memory_space<vmem>>, vector<16xf32>,
            %add3A_585 = arith.constant 160 : i32
            %add3A_586 = arith.addi %add3A_585, %mul3A_583 : i32
            %get3A_587 = arith.index_cast %add3A_586 : i32 to index
            %get3A_588 = tpu.vector_load %arg14[%get3A_587] {strides = array<i32>} : memref<480xf32, #tpu.memory_space<vmem>>, vector<16xf32>,
            %add3A_589 = arith.constant 320 : i32
            %add3A_590 = arith.addi %add3A_589, %mul3A_583 : i32
            %get3A_591 = arith.index_cast %add3A_590 : i32 to index
            %get3A_592 = tpu.vector_load %arg14[%get3A_591] {strides = array<i32>} : memref<480xf32, #tpu.memory_space<vmem>>, vector<16xf32>,
            %mul3A_593 = arith.constant 8 : i32
            %mul3A_594 = arith.muli %scan3A_581, %mul3A_593 : i32
            %add3A_595 = arith.constant 0 : i32
            %add3A_596 = arith.addi %mul3A_583, %add3A_595 : i32
            %slice3A = vector.extract_strided_slice %get3A_584 {offsets = [0], sizes = [1], strides = [1]} : vector<16xf32> to vector<1xf32>
            %squeeze3A = vector.extract %slice3A[0] : f32 from vector<1xf32>
            %slice3A_597 = vector.extract_strided_slice %get3A_588 {offsets = [0], sizes = [1], strides = [1]} : vector<16xf32> to vector<1xf32>
            %squeeze3A_598 = vector.extract %slice3A_597[0] : f32 from vector<1xf32>
            %slice3A_599 = vector.extract_strided_slice %get3A_592 {offsets = [0], sizes = [1], strides = [1]} : vector<16xf32> to vector<1xf32>
            %squeeze3A_600 = vector.extract %slice3A_599[0] : f32 from vector<1xf32>
            %get3A_601 = arith.index_cast %add3A_596 : i32 to index
            %get3A_602 = arith.constant 0 : index
            %get3A_603 = tpu.vector_load %arg16[%get3A_601, %get3A_602] {strides = array<i32>} : memref<480x64xbf16, #tpu.memory_space<vmem>>, vector<32xbf16>,
            %unpack3A = tpu.unpack_subelements %get3A_603, 0 {pack_format = #tpu.pack_format<interleaved>} : vector<32xbf16> -> vector<16xf32>
            %unpack3A_604 = tpu.unpack_subelements %get3A_603, 1 {pack_format = #tpu.pack_format<interleaved>} : vector<32xbf16> -> vector<16xf32>
            %add3A_605 = arith.constant 160 : i32
            %add3A_606 = arith.addi %add3A_605, %add3A_596 : i32
            %get3A_607 = arith.index_cast %add3A_606 : i32 to index
            %get3A_608 = arith.constant 0 : index
            %get3A_609 = tpu.vector_load %arg16[%get3A_607, %get3A_608] {strides = array<i32>} : memref<480x64xbf16, #tpu.memory_space<vmem>>, vector<32xbf16>,
            %unpack3A_610 = tpu.unpack_subelements %get3A_609, 0 {pack_format = #tpu.pack_format<interleaved>} : vector<32xbf16> -> vector<16xf32>
            %unpack3A_611 = tpu.unpack_subelements %get3A_609, 1 {pack_format = #tpu.pack_format<interleaved>} : vector<32xbf16> -> vector<16xf32>
            %add3A_612 = arith.constant 320 : i32
            %add3A_613 = arith.addi %add3A_612, %add3A_596 : i32
            %get3A_614 = arith.index_cast %add3A_613 : i32 to index
            %get3A_615 = arith.constant 0 : index
            %get3A_616 = tpu.vector_load %arg16[%get3A_614, %get3A_615] {strides = array<i32>} : memref<480x64xbf16, #tpu.memory_space<vmem>>, vector<32xbf16>,
            %unpack3A_617 = tpu.unpack_subelements %get3A_616, 0 {pack_format = #tpu.pack_format<interleaved>} : vector<32xbf16> -> vector<16xf32>
            %unpack3A_618 = tpu.unpack_subelements %get3A_616, 1 {pack_format = #tpu.pack_format<interleaved>} : vector<32xbf16> -> vector<16xf32>
            %mul3A_619 = vector.broadcast %squeeze3A : f32 to vector<16xf32>
            %mul3A_620 = arith.mulf %mul3A_619, %unpack3A : vector<16xf32>
            %mul3A_621 = vector.broadcast %squeeze3A_598 : f32 to vector<16xf32>
            %mul3A_622 = arith.mulf %mul3A_621, %unpack3A_610 : vector<16xf32>
            %add3A_623 = arith.addf %mul3A_620, %mul3A_622 : vector<16xf32>
            %mul3A_624 = vector.broadcast %squeeze3A_600 : f32 to vector<16xf32>
            %mul3A_625 = arith.mulf %mul3A_624, %unpack3A_617 : vector<16xf32>
            %add3A_626 = arith.addf %add3A_623, %mul3A_625 : vector<16xf32>
            %mul3A_627 = vector.broadcast %squeeze3A : f32 to vector<16xf32>
            %mul3A_628 = arith.mulf %mul3A_627, %unpack3A_604 : vector<16xf32>
            %mul3A_629 = vector.broadcast %squeeze3A_598 : f32 to vector<16xf32>
            %mul3A_630 = arith.mulf %mul3A_629, %unpack3A_611 : vector<16xf32>
            %add3A_631 = arith.addf %mul3A_628, %mul3A_630 : vector<16xf32>
            %mul3A_632 = vector.broadcast %squeeze3A_600 : f32 to vector<16xf32>
            %mul3A_633 = arith.mulf %mul3A_632, %unpack3A_618 : vector<16xf32>
            %add3A_634 = arith.addf %add3A_631, %mul3A_633 : vector<16xf32>
            %add3A_635 = arith.constant 0 : i32
            %add3A_636 = arith.addi %mul3A_594, %add3A_635 : i32
            %swap3A = arith.index_cast %add3A_636 : i32 to index
            %swap3A_637 = arith.constant 0 : index
            %swap3A_638 = tpu.vector_load %arg18[%swap3A, %swap3A_637] {strides = array<i32>} : memref<80x128xf32, #tpu.memory_space<vmem>>, vector<16xf32>,
            tpu.vector_store %arg18[%swap3A, %swap3A_637], %add3A_626 {strides = array<i32>} : memref<80x128xf32, #tpu.memory_space<vmem>>, vector<16xf32>,
            %add3A_639 = arith.constant 0 : i32
            %add3A_640 = arith.addi %mul3A_594, %add3A_639 : i32
            %swap3A_641 = arith.index_cast %add3A_640 : i32 to index
            %swap3A_642 = arith.constant 16 : index
            %swap3A_643 = tpu.vector_load %arg18[%swap3A_641, %swap3A_642] {strides = array<i32>} : memref<80x128xf32, #tpu.memory_space<vmem>>, vector<16xf32>,
            tpu.vector_store %arg18[%swap3A_641, %swap3A_642], %add3A_634 {strides = array<i32>} : memref<80x128xf32, #tpu.memory_space<vmem>>, vector<16xf32>,
            %get3A_644 = arith.index_cast %add3A_596 : i32 to index
            %get3A_645 = arith.constant 32 : index
            %get3A_646 = tpu.vector_load %arg16[%get3A_644, %get3A_645] {strides = array<i32>} : memref<480x64xbf16, #tpu.memory_space<vmem>>, vector<32xbf16>,
            %unpack3A_647 = tpu.unpack_subelements %get3A_646, 0 {pack_format = #tpu.pack_format<interleaved>} : vector<32xbf16> -> vector<16xf32>
            %unpack3A_648 = tpu.unpack_subelements %get3A_646, 1 {pack_format = #tpu.pack_format<interleaved>} : vector<32xbf16> -> vector<16xf32>
            %add3A_649 = arith.constant 160 : i32
            %add3A_650 = arith.addi %add3A_649, %add3A_596 : i32
            %get3A_651 = arith.index_cast %add3A_650 : i32 to index
            %get3A_652 = arith.constant 32 : index
            %get3A_653 = tpu.vector_load %arg16[%get3A_651, %get3A_652] {strides = array<i32>} : memref<480x64xbf16, #tpu.memory_space<vmem>>, vector<32xbf16>,
            %unpack3A_654 = tpu.unpack_subelements %get3A_653, 0 {pack_format = #tpu.pack_format<interleaved>} : vector<32xbf16> -> vector<16xf32>
            %unpack3A_655 = tpu.unpack_subelements %get3A_653, 1 {pack_format = #tpu.pack_format<interleaved>} : vector<32xbf16> -> vector<16xf32>
            %add3A_656 = arith.constant 320 : i32
            %add3A_657 = arith.addi %add3A_656, %add3A_596 : i32
            %get3A_658 = arith.index_cast %add3A_657 : i32 to index
            %get3A_659 = arith.constant 32 : index
            %get3A_660 = tpu.vector_load %arg16[%get3A_658, %get3A_659] {strides = array<i32>} : memref<480x64xbf16, #tpu.memory_space<vmem>>, vector<32xbf16>,
            %unpack3A_661 = tpu.unpack_subelements %get3A_660, 0 {pack_format = #tpu.pack_format<interleaved>} : vector<32xbf16> -> vector<16xf32>
            %unpack3A_662 = tpu.unpack_subelements %get3A_660, 1 {pack_format = #tpu.pack_format<interleaved>} : vector<32xbf16> -> vector<16xf32>
            %mul3A_663 = vector.broadcast %squeeze3A : f32 to vector<16xf32>
            %mul3A_664 = arith.mulf %mul3A_663, %unpack3A_647 : vector<16xf32>
            %mul3A_665 = vector.broadcast %squeeze3A_598 : f32 to vector<16xf32>
            %mul3A_666 = arith.mulf %mul3A_665, %unpack3A_654 : vector<16xf32>
            %add3A_667 = arith.addf %mul3A_664, %mul3A_666 : vector<16xf32>
            %mul3A_668 = vector.broadcast %squeeze3A_600 : f32 to vector<16xf32>
            %mul3A_669 = arith.mulf %mul3A_668, %unpack3A_661 : vector<16xf32>
            %add3A_670 = arith.addf %add3A_667, %mul3A_669 : vector<16xf32>
            %mul3A_671 = vector.broadcast %squeeze3A : f32 to vector<16xf32>
            %mul3A_672 = arith.mulf %mul3A_671, %unpack3A_648 : vector<16xf32>
            %mul3A_673 = vector.broadcast %squeeze3A_598 : f32 to vector<16xf32>
            %mul3A_674 = arith.mulf %mul3A_673, %unpack3A_655 : vector<16xf32>
            %add3A_675 = arith.addf %mul3A_672, %mul3A_674 : vector<16xf32>
            %mul3A_676 = vector.broadcast %squeeze3A_600 : f32 to vector<16xf32>
            %mul3A_677 = arith.mulf %mul3A_676, %unpack3A_662 : vector<16xf32>
            %add3A_678 = arith.addf %add3A_675, %mul3A_677 : vector<16xf32>
            %add3A_679 = arith.constant 0 : i32
            %add3A_680 = arith.addi %mul3A_594, %add3A_679 : i32
            %swap3A_681 = arith.index_cast %add3A_680 : i32 to index
            %swap3A_682 = arith.constant 32 : index
            %swap3A_683 = tpu.vector_load %arg18[%swap3A_681, %swap3A_682] {strides = array<i32>} : memref<80x128xf32, #tpu.memory_space<vmem>>, vector<16xf32>,
            tpu.vector_store %arg18[%swap3A_681, %swap3A_682], %add3A_670 {strides = array<i32>} : memref<80x128xf32, #tpu.memory_space<vmem>>, vector<16xf32>,
            %add3A_684 = arith.constant 0 : i32
            %add3A_685 = arith.addi %mul3A_594, %add3A_684 : i32
            %swap3A_686 = arith.index_cast %add3A_685 : i32 to index
            %swap3A_687 = arith.constant 48 : index
            %swap3A_688 = tpu.vector_load %arg18[%swap3A_686, %swap3A_687] {strides = array<i32>} : memref<80x128xf32, #tpu.memory_space<vmem>>, vector<16xf32>,
            tpu.vector_store %arg18[%swap3A_686, %swap3A_687], %add3A_678 {strides = array<i32>} : memref<80x128xf32, #tpu.memory_space<vmem>>, vector<16xf32>,
            %add3A_689 = arith.constant 1 : i32
            %add3A_690 = arith.addi %mul3A_583, %add3A_689 : i32
            %slice3A_691 = vector.extract_strided_slice %get3A_584 {offsets = [1], sizes = [1], strides = [1]} : vector<16xf32> to vector<1xf32>
            %squeeze3A_692 = vector.extract %slice3A_691[0] : f32 from vector<1xf32>
            %slice3A_693 = vector.extract_strided_slice %get3A_588 {offsets = [1], sizes = [1], strides = [1]} : vector<16xf32> to vector<1xf32>
            %squeeze3A_694 = vector.extract %slice3A_693[0] : f32 from vector<1xf32>
            %slice3A_695 = vector.extract_strided_slice %get3A_592 {offsets = [1], sizes = [1], strides = [1]} : vector<16xf32> to vector<1xf32>
            %squeeze3A_696 = vector.extract %slice3A_695[0] : f32 from vector<1xf32>
            %get3A_697 = arith.index_cast %add3A_690 : i32 to index
            %get3A_698 = arith.constant 0 : index
            %get3A_699 = tpu.vector_load %arg16[%get3A_697, %get3A_698] {strides = array<i32>} : memref<480x64xbf16, #tpu.memory_space<vmem>>, vector<32xbf16>,
            %unpack3A_700 = tpu.unpack_subelements %get3A_699, 0 {pack_format = #tpu.pack_format<interleaved>} : vector<32xbf16> -> vector<16xf32>
            %unpack3A_701 = tpu.unpack_subelements %get3A_699, 1 {pack_format = #tpu.pack_format<interleaved>} : vector<32xbf16> -> vector<16xf32>
            %add3A_702 = arith.constant 160 : i32
            %add3A_703 = arith.addi %add3A_702, %add3A_690 : i32
            %get3A_704 = arith.index_cast %add3A_703 : i32 to index
            %get3A_705 = arith.constant 0 : index
            %get3A_706 = tpu.vector_load %arg16[%get3A_704, %get3A_705] {strides = array<i32>} : memref<480x64xbf16, #tpu.memory_space<vmem>>, vector<32xbf16>,
            %unpack3A_707 = tpu.unpack_subelements %get3A_706, 0 {pack_format = #tpu.pack_format<interleaved>} : vector<32xbf16> -> vector<16xf32>
            %unpack3A_708 = tpu.unpack_subelements %get3A_706, 1 {pack_format = #tpu.pack_format<interleaved>} : vector<32xbf16> -> vector<16xf32>
            %add3A_709 = arith.constant 320 : i32
            %add3A_710 = arith.addi %add3A_709, %add3A_690 : i32
            %get3A_711 = arith.index_cast %add3A_710 : i32 to index
            %get3A_712 = arith.constant 0 : index
            %get3A_713 = tpu.vector_load %arg16[%get3A_711, %get3A_712] {strides = array<i32>} : memref<480x64xbf16, #tpu.memory_space<vmem>>, vector<32xbf16>,
            %unpack3A_714 = tpu.unpack_subelements %get3A_713, 0 {pack_format = #tpu.pack_format<interleaved>} : vector<32xbf16> -> vector<16xf32>
            %unpack3A_715 = tpu.unpack_subelements %get3A_713, 1 {pack_format = #tpu.pack_format<interleaved>} : vector<32xbf16> -> vector<16xf32>
            %mul3A_716 = vector.broadcast %squeeze3A_692 : f32 to vector<16xf32>
            %mul3A_717 = arith.mulf %mul3A_716, %unpack3A_700 : vector<16xf32>
            %mul3A_718 = vector.broadcast %squeeze3A_694 : f32 to vector<16xf32>
            %mul3A_719 = arith.mulf %mul3A_718, %unpack3A_707 : vector<16xf32>
            %add3A_720 = arith.addf %mul3A_717, %mul3A_719 : vector<16xf32>
            %mul3A_721 = vector.broadcast %squeeze3A_696 : f32 to vector<16xf32>
            %mul3A_722 = arith.mulf %mul3A_721, %unpack3A_714 : vector<16xf32>
            %add3A_723 = arith.addf %add3A_720, %mul3A_722 : vector<16xf32>
            %mul3A_724 = vector.broadcast %squeeze3A_692 : f32 to vector<16xf32>
            %mul3A_725 = arith.mulf %mul3A_724, %unpack3A_701 : vector<16xf32>
            %mul3A_726 = vector.broadcast %squeeze3A_694 : f32 to vector<16xf32>
            %mul3A_727 = arith.mulf %mul3A_726, %unpack3A_708 : vector<16xf32>
            %add3A_728 = arith.addf %mul3A_725, %mul3A_727 : vector<16xf32>
            %mul3A_729 = vector.broadcast %squeeze3A_696 : f32 to vector<16xf32>
            %mul3A_730 = arith.mulf %mul3A_729, %unpack3A_715 : vector<16xf32>
            %add3A_731 = arith.addf %add3A_728, %mul3A_730 : vector<16xf32>
            %add3A_732 = arith.constant 0 : i32
            %add3A_733 = arith.addi %mul3A_594, %add3A_732 : i32
            %swap3A_734 = arith.index_cast %add3A_733 : i32 to index
            %swap3A_735 = arith.constant 64 : index
            %swap3A_736 = tpu.vector_load %arg18[%swap3A_734, %swap3A_735] {strides = array<i32>} : memref<80x128xf32, #tpu.memory_space<vmem>>, vector<16xf32>,
            tpu.vector_store %arg18[%swap3A_734, %swap3A_735], %add3A_723 {strides = array<i32>} : memref<80x128xf32, #tpu.memory_space<vmem>>, vector<16xf32>,
            %add3A_737 = arith.constant 0 : i32
            %add3A_738 = arith.addi %mul3A_594, %add3A_737 : i32
            %swap3A_739 = arith.index_cast %add3A_738 : i32 to index
            %swap3A_740 = arith.constant 80 : index
            %swap3A_741 = tpu.vector_load %arg18[%swap3A_739, %swap3A_740] {strides = array<i32>} : memref<80x128xf32, #tpu.memory_space<vmem>>, vector<16xf32>,
            tpu.vector_store %arg18[%swap3A_739, %swap3A_740], %add3A_731 {strides = array<i32>} : memref<80x128xf32, #tpu.memory_space<vmem>>, vector<16xf32>,
            %get3A_742 = arith.index_cast %add3A_690 : i32 to index
            %get3A_743 = arith.constant 32 : index
            %get3A_744 = tpu.vector_load %arg16[%get3A_742, %get3A_743] {strides = array<i32>} : memref<480x64xbf16, #tpu.memory_space<vmem>>, vector<32xbf16>,
            %unpack3A_745 = tpu.unpack_subelements %get3A_744, 0 {pack_format = #tpu.pack_format<interleaved>} : vector<32xbf16> -> vector<16xf32>
            %unpack3A_746 = tpu.unpack_subelements %get3A_744, 1 {pack_format = #tpu.pack_format<interleaved>} : vector<32xbf16> -> vector<16xf32>
            %add3A_747 = arith.constant 160 : i32
            %add3A_748 = arith.addi %add3A_747, %add3A_690 : i32
            %get3A_749 = arith.index_cast %add3A_748 : i32 to index
            %get3A_750 = arith.constant 32 : index
            %get3A_751 = tpu.vector_load %arg16[%get3A_749, %get3A_750] {strides = array<i32>} : memref<480x64xbf16, #tpu.memory_space<vmem>>, vector<32xbf16>,
            %unpack3A_752 = tpu.unpack_subelements %get3A_751, 0 {pack_format = #tpu.pack_format<interleaved>} : vector<32xbf16> -> vector<16xf32>
            %unpack3A_753 = tpu.unpack_subelements %get3A_751, 1 {pack_format = #tpu.pack_format<interleaved>} : vector<32xbf16> -> vector<16xf32>
            %add3A_754 = arith.constant 320 : i32
            %add3A_755 = arith.addi %add3A_754, %add3A_690 : i32
            %get3A_756 = arith.index_cast %add3A_755 : i32 to index
            %get3A_757 = arith.constant 32 : index
            %get3A_758 = tpu.vector_load %arg16[%get3A_756, %get3A_757] {strides = array<i32>} : memref<480x64xbf16, #tpu.memory_space<vmem>>, vector<32xbf16>,
            %unpack3A_759 = tpu.unpack_subelements %get3A_758, 0 {pack_format = #tpu.pack_format<interleaved>} : vector<32xbf16> -> vector<16xf32>
            %unpack3A_760 = tpu.unpack_subelements %get3A_758, 1 {pack_format = #tpu.pack_format<interleaved>} : vector<32xbf16> -> vector<16xf32>
            %mul3A_761 = vector.broadcast %squeeze3A_692 : f32 to vector<16xf32>
            %mul3A_762 = arith.mulf %mul3A_761, %unpack3A_745 : vector<16xf32>
            %mul3A_763 = vector.broadcast %squeeze3A_694 : f32 to vector<16xf32>
            %mul3A_764 = arith.mulf %mul3A_763, %unpack3A_752 : vector<16xf32>
            %add3A_765 = arith.addf %mul3A_762, %mul3A_764 : vector<16xf32>
            %mul3A_766 = vector.broadcast %squeeze3A_696 : f32 to vector<16xf32>
            %mul3A_767 = arith.mulf %mul3A_766, %unpack3A_759 : vector<16xf32>
            %add3A_768 = arith.addf %add3A_765, %mul3A_767 : vector<16xf32>
            %mul3A_769 = vector.broadcast %squeeze3A_692 : f32 to vector<16xf32>
            %mul3A_770 = arith.mulf %mul3A_769, %unpack3A_746 : vector<16xf32>
            %mul3A_771 = vector.broadcast %squeeze3A_694 : f32 to vector<16xf32>
            %mul3A_772 = arith.mulf %mul3A_771, %unpack3A_753 : vector<16xf32>
            %add3A_773 = arith.addf %mul3A_770, %mul3A_772 : vector<16xf32>
            %mul3A_774 = vector.broadcast %squeeze3A_696 : f32 to vector<16xf32>
            %mul3A_775 = arith.mulf %mul3A_774, %unpack3A_760 : vector<16xf32>
            %add3A_776 = arith.addf %add3A_773, %mul3A_775 : vector<16xf32>
            %add3A_777 = arith.constant 0 : i32
            %add3A_778 = arith.addi %mul3A_594, %add3A_777 : i32
            %swap3A_779 = arith.index_cast %add3A_778 : i32 to index
            %swap3A_780 = arith.constant 96 : index
            %swap3A_781 = tpu.vector_load %arg18[%swap3A_779, %swap3A_780] {strides = array<i32>} : memref<80x128xf32, #tpu.memory_space<vmem>>, vector<16xf32>,
            tpu.vector_store %arg18[%swap3A_779, %swap3A_780], %add3A_768 {strides = array<i32>} : memref<80x128xf32, #tpu.memory_space<vmem>>, vector<16xf32>,
            %add3A_782 = arith.constant 0 : i32
            %add3A_783 = arith.addi %mul3A_594, %add3A_782 : i32
            %swap3A_784 = arith.index_cast %add3A_783 : i32 to index
            %swap3A_785 = arith.constant 112 : index
            %swap3A_786 = tpu.vector_load %arg18[%swap3A_784, %swap3A_785] {strides = array<i32>} : memref<80x128xf32, #tpu.memory_space<vmem>>, vector<16xf32>,
            tpu.vector_store %arg18[%swap3A_784, %swap3A_785], %add3A_776 {strides = array<i32>} : memref<80x128xf32, #tpu.memory_space<vmem>>, vector<16xf32>,
            %add3A_787 = arith.constant 2 : i32
            %add3A_788 = arith.addi %mul3A_583, %add3A_787 : i32
            %slice3A_789 = vector.extract_strided_slice %get3A_584 {offsets = [2], sizes = [1], strides = [1]} : vector<16xf32> to vector<1xf32>
            %squeeze3A_790 = vector.extract %slice3A_789[0] : f32 from vector<1xf32>
            %slice3A_791 = vector.extract_strided_slice %get3A_588 {offsets = [2], sizes = [1], strides = [1]} : vector<16xf32> to vector<1xf32>
            %squeeze3A_792 = vector.extract %slice3A_791[0] : f32 from vector<1xf32>
            %slice3A_793 = vector.extract_strided_slice %get3A_592 {offsets = [2], sizes = [1], strides = [1]} : vector<16xf32> to vector<1xf32>
            %squeeze3A_794 = vector.extract %slice3A_793[0] : f32 from vector<1xf32>
            %get3A_795 = arith.index_cast %add3A_788 : i32 to index
            %get3A_796 = arith.constant 0 : index
            %get3A_797 = tpu.vector_load %arg16[%get3A_795, %get3A_796] {strides = array<i32>} : memref<480x64xbf16, #tpu.memory_space<vmem>>, vector<32xbf16>,
            %unpack3A_798 = tpu.unpack_subelements %get3A_797, 0 {pack_format = #tpu.pack_format<interleaved>} : vector<32xbf16> -> vector<16xf32>
            %unpack3A_799 = tpu.unpack_subelements %get3A_797, 1 {pack_format = #tpu.pack_format<interleaved>} : vector<32xbf16> -> vector<16xf32>
            %add3A_800 = arith.constant 160 : i32
            %add3A_801 = arith.addi %add3A_800, %add3A_788 : i32
            %get3A_802 = arith.index_cast %add3A_801 : i32 to index
            %get3A_803 = arith.constant 0 : index
            %get3A_804 = tpu.vector_load %arg16[%get3A_802, %get3A_803] {strides = array<i32>} : memref<480x64xbf16, #tpu.memory_space<vmem>>, vector<32xbf16>,
            %unpack3A_805 = tpu.unpack_subelements %get3A_804, 0 {pack_format = #tpu.pack_format<interleaved>} : vector<32xbf16> -> vector<16xf32>
            %unpack3A_806 = tpu.unpack_subelements %get3A_804, 1 {pack_format = #tpu.pack_format<interleaved>} : vector<32xbf16> -> vector<16xf32>
            %add3A_807 = arith.constant 320 : i32
            %add3A_808 = arith.addi %add3A_807, %add3A_788 : i32
            %get3A_809 = arith.index_cast %add3A_808 : i32 to index
            %get3A_810 = arith.constant 0 : index
            %get3A_811 = tpu.vector_load %arg16[%get3A_809, %get3A_810] {strides = array<i32>} : memref<480x64xbf16, #tpu.memory_space<vmem>>, vector<32xbf16>,
            %unpack3A_812 = tpu.unpack_subelements %get3A_811, 0 {pack_format = #tpu.pack_format<interleaved>} : vector<32xbf16> -> vector<16xf32>
            %unpack3A_813 = tpu.unpack_subelements %get3A_811, 1 {pack_format = #tpu.pack_format<interleaved>} : vector<32xbf16> -> vector<16xf32>
            %mul3A_814 = vector.broadcast %squeeze3A_790 : f32 to vector<16xf32>
            %mul3A_815 = arith.mulf %mul3A_814, %unpack3A_798 : vector<16xf32>
            %mul3A_816 = vector.broadcast %squeeze3A_792 : f32 to vector<16xf32>
            %mul3A_817 = arith.mulf %mul3A_816, %unpack3A_805 : vector<16xf32>
            %add3A_818 = arith.addf %mul3A_815, %mul3A_817 : vector<16xf32>
            %mul3A_819 = vector.broadcast %squeeze3A_794 : f32 to vector<16xf32>
            %mul3A_820 = arith.mulf %mul3A_819, %unpack3A_812 : vector<16xf32>
            %add3A_821 = arith.addf %add3A_818, %mul3A_820 : vector<16xf32>
            %mul3A_822 = vector.broadcast %squeeze3A_790 : f32 to vector<16xf32>
            %mul3A_823 = arith.mulf %mul3A_822, %unpack3A_799 : vector<16xf32>
            %mul3A_824 = vector.broadcast %squeeze3A_792 : f32 to vector<16xf32>
            %mul3A_825 = arith.mulf %mul3A_824, %unpack3A_806 : vector<16xf32>
            %add3A_826 = arith.addf %mul3A_823, %mul3A_825 : vector<16xf32>
            %mul3A_827 = vector.broadcast %squeeze3A_794 : f32 to vector<16xf32>
            %mul3A_828 = arith.mulf %mul3A_827, %unpack3A_813 : vector<16xf32>
            %add3A_829 = arith.addf %add3A_826, %mul3A_828 : vector<16xf32>
            %add3A_830 = arith.constant 1 : i32
            %add3A_831 = arith.addi %mul3A_594, %add3A_830 : i32
            %swap3A_832 = arith.index_cast %add3A_831 : i32 to index
            %swap3A_833 = arith.constant 0 : index
            %swap3A_834 = tpu.vector_load %arg18[%swap3A_832, %swap3A_833] {strides = array<i32>} : memref<80x128xf32, #tpu.memory_space<vmem>>, vector<16xf32>,
            tpu.vector_store %arg18[%swap3A_832, %swap3A_833], %add3A_821 {strides = array<i32>} : memref<80x128xf32, #tpu.memory_space<vmem>>, vector<16xf32>,
            %add3A_835 = arith.constant 1 : i32
            %add3A_836 = arith.addi %mul3A_594, %add3A_835 : i32
            %swap3A_837 = arith.index_cast %add3A_836 : i32 to index
            %swap3A_838 = arith.constant 16 : index
            %swap3A_839 = tpu.vector_load %arg18[%swap3A_837, %swap3A_838] {strides = array<i32>} : memref<80x128xf32, #tpu.memory_space<vmem>>, vector<16xf32>,
            tpu.vector_store %arg18[%swap3A_837, %swap3A_838], %add3A_829 {strides = array<i32>} : memref<80x128xf32, #tpu.memory_space<vmem>>, vector<16xf32>,
            %get3A_840 = arith.index_cast %add3A_788 : i32 to index
            %get3A_841 = arith.constant 32 : index
            %get3A_842 = tpu.vector_load %arg16[%get3A_840, %get3A_841] {strides = array<i32>} : memref<480x64xbf16, #tpu.memory_space<vmem>>, vector<32xbf16>,
            %unpack3A_843 = tpu.unpack_subelements %get3A_842, 0 {pack_format = #tpu.pack_format<interleaved>} : vector<32xbf16> -> vector<16xf32>
            %unpack3A_844 = tpu.unpack_subelements %get3A_842, 1 {pack_format = #tpu.pack_format<interleaved>} : vector<32xbf16> -> vector<16xf32>
            %add3A_845 = arith.constant 160 : i32
            %add3A_846 = arith.addi %add3A_845, %add3A_788 : i32
            %get3A_847 = arith.index_cast %add3A_846 : i32 to index
            %get3A_848 = arith.constant 32 : index
            %get3A_849 = tpu.vector_load %arg16[%get3A_847, %get3A_848] {strides = array<i32>} : memref<480x64xbf16, #tpu.memory_space<vmem>>, vector<32xbf16>,
            %unpack3A_850 = tpu.unpack_subelements %get3A_849, 0 {pack_format = #tpu.pack_format<interleaved>} : vector<32xbf16> -> vector<16xf32>
            %unpack3A_851 = tpu.unpack_subelements %get3A_849, 1 {pack_format = #tpu.pack_format<interleaved>} : vector<32xbf16> -> vector<16xf32>
            %add3A_852 = arith.constant 320 : i32
            %add3A_853 = arith.addi %add3A_852, %add3A_788 : i32
            %get3A_854 = arith.index_cast %add3A_853 : i32 to index
            %get3A_855 = arith.constant 32 : index
            %get3A_856 = tpu.vector_load %arg16[%get3A_854, %get3A_855] {strides = array<i32>} : memref<480x64xbf16, #tpu.memory_space<vmem>>, vector<32xbf16>,
            %unpack3A_857 = tpu.unpack_subelements %get3A_856, 0 {pack_format = #tpu.pack_format<interleaved>} : vector<32xbf16> -> vector<16xf32>
            %unpack3A_858 = tpu.unpack_subelements %get3A_856, 1 {pack_format = #tpu.pack_format<interleaved>} : vector<32xbf16> -> vector<16xf32>
            %mul3A_859 = vector.broadcast %squeeze3A_790 : f32 to vector<16xf32>
            %mul3A_860 = arith.mulf %mul3A_859, %unpack3A_843 : vector<16xf32>
            %mul3A_861 = vector.broadcast %squeeze3A_792 : f32 to vector<16xf32>
            %mul3A_862 = arith.mulf %mul3A_861, %unpack3A_850 : vector<16xf32>
            %add3A_863 = arith.addf %mul3A_860, %mul3A_862 : vector<16xf32>
            %mul3A_864 = vector.broadcast %squeeze3A_794 : f32 to vector<16xf32>
            %mul3A_865 = arith.mulf %mul3A_864, %unpack3A_857 : vector<16xf32>
            %add3A_866 = arith.addf %add3A_863, %mul3A_865 : vector<16xf32>
            %mul3A_867 = vector.broadcast %squeeze3A_790 : f32 to vector<16xf32>
            %mul3A_868 = arith.mulf %mul3A_867, %unpack3A_844 : vector<16xf32>
            %mul3A_869 = vector.broadcast %squeeze3A_792 : f32 to vector<16xf32>
            %mul3A_870 = arith.mulf %mul3A_869, %unpack3A_851 : vector<16xf32>
            %add3A_871 = arith.addf %mul3A_868, %mul3A_870 : vector<16xf32>
            %mul3A_872 = vector.broadcast %squeeze3A_794 : f32 to vector<16xf32>
            %mul3A_873 = arith.mulf %mul3A_872, %unpack3A_858 : vector<16xf32>
            %add3A_874 = arith.addf %add3A_871, %mul3A_873 : vector<16xf32>
            %add3A_875 = arith.constant 1 : i32
            %add3A_876 = arith.addi %mul3A_594, %add3A_875 : i32
            %swap3A_877 = arith.index_cast %add3A_876 : i32 to index
            %swap3A_878 = arith.constant 32 : index
            %swap3A_879 = tpu.vector_load %arg18[%swap3A_877, %swap3A_878] {strides = array<i32>} : memref<80x128xf32, #tpu.memory_space<vmem>>, vector<16xf32>,
            tpu.vector_store %arg18[%swap3A_877, %swap3A_878], %add3A_866 {strides = array<i32>} : memref<80x128xf32, #tpu.memory_space<vmem>>, vector<16xf32>,
            %add3A_880 = arith.constant 1 : i32
            %add3A_881 = arith.addi %mul3A_594, %add3A_880 : i32
            %swap3A_882 = arith.index_cast %add3A_881 : i32 to index
            %swap3A_883 = arith.constant 48 : index
            %swap3A_884 = tpu.vector_load %arg18[%swap3A_882, %swap3A_883] {strides = array<i32>} : memref<80x128xf32, #tpu.memory_space<vmem>>, vector<16xf32>,
            tpu.vector_store %arg18[%swap3A_882, %swap3A_883], %add3A_874 {strides = array<i32>} : memref<80x128xf32, #tpu.memory_space<vmem>>, vector<16xf32>,
            %add3A_885 = arith.constant 3 : i32
            %add3A_886 = arith.addi %mul3A_583, %add3A_885 : i32
            %slice3A_887 = vector.extract_strided_slice %get3A_584 {offsets = [3], sizes = [1], strides = [1]} : vector<16xf32> to vector<1xf32>
            %squeeze3A_888 = vector.extract %slice3A_887[0] : f32 from vector<1xf32>
            %slice3A_889 = vector.extract_strided_slice %get3A_588 {offsets = [3], sizes = [1], strides = [1]} : vector<16xf32> to vector<1xf32>
            %squeeze3A_890 = vector.extract %slice3A_889[0] : f32 from vector<1xf32>
            %slice3A_891 = vector.extract_strided_slice %get3A_592 {offsets = [3], sizes = [1], strides = [1]} : vector<16xf32> to vector<1xf32>
            %squeeze3A_892 = vector.extract %slice3A_891[0] : f32 from vector<1xf32>
            %get3A_893 = arith.index_cast %add3A_886 : i32 to index
            %get3A_894 = arith.constant 0 : index
            %get3A_895 = tpu.vector_load %arg16[%get3A_893, %get3A_894] {strides = array<i32>} : memref<480x64xbf16, #tpu.memory_space<vmem>>, vector<32xbf16>,
            %unpack3A_896 = tpu.unpack_subelements %get3A_895, 0 {pack_format = #tpu.pack_format<interleaved>} : vector<32xbf16> -> vector<16xf32>
            %unpack3A_897 = tpu.unpack_subelements %get3A_895, 1 {pack_format = #tpu.pack_format<interleaved>} : vector<32xbf16> -> vector<16xf32>
            %add3A_898 = arith.constant 160 : i32
            %add3A_899 = arith.addi %add3A_898, %add3A_886 : i32
            %get3A_900 = arith.index_cast %add3A_899 : i32 to index
            %get3A_901 = arith.constant 0 : index
            %get3A_902 = tpu.vector_load %arg16[%get3A_900, %get3A_901] {strides = array<i32>} : memref<480x64xbf16, #tpu.memory_space<vmem>>, vector<32xbf16>,
            %unpack3A_903 = tpu.unpack_subelements %get3A_902, 0 {pack_format = #tpu.pack_format<interleaved>} : vector<32xbf16> -> vector<16xf32>
            %unpack3A_904 = tpu.unpack_subelements %get3A_902, 1 {pack_format = #tpu.pack_format<interleaved>} : vector<32xbf16> -> vector<16xf32>
            %add3A_905 = arith.constant 320 : i32
            %add3A_906 = arith.addi %add3A_905, %add3A_886 : i32
            %get3A_907 = arith.index_cast %add3A_906 : i32 to index
            %get3A_908 = arith.constant 0 : index
            %get3A_909 = tpu.vector_load %arg16[%get3A_907, %get3A_908] {strides = array<i32>} : memref<480x64xbf16, #tpu.memory_space<vmem>>, vector<32xbf16>,
            %unpack3A_910 = tpu.unpack_subelements %get3A_909, 0 {pack_format = #tpu.pack_format<interleaved>} : vector<32xbf16> -> vector<16xf32>
            %unpack3A_911 = tpu.unpack_subelements %get3A_909, 1 {pack_format = #tpu.pack_format<interleaved>} : vector<32xbf16> -> vector<16xf32>
            %mul3A_912 = vector.broadcast %squeeze3A_888 : f32 to vector<16xf32>
            %mul3A_913 = arith.mulf %mul3A_912, %unpack3A_896 : vector<16xf32>
            %mul3A_914 = vector.broadcast %squeeze3A_890 : f32 to vector<16xf32>
            %mul3A_915 = arith.mulf %mul3A_914, %unpack3A_903 : vector<16xf32>
            %add3A_916 = arith.addf %mul3A_913, %mul3A_915 : vector<16xf32>
            %mul3A_917 = vector.broadcast %squeeze3A_892 : f32 to vector<16xf32>
            %mul3A_918 = arith.mulf %mul3A_917, %unpack3A_910 : vector<16xf32>
            %add3A_919 = arith.addf %add3A_916, %mul3A_918 : vector<16xf32>
            %mul3A_920 = vector.broadcast %squeeze3A_888 : f32 to vector<16xf32>
            %mul3A_921 = arith.mulf %mul3A_920, %unpack3A_897 : vector<16xf32>
            %mul3A_922 = vector.broadcast %squeeze3A_890 : f32 to vector<16xf32>
            %mul3A_923 = arith.mulf %mul3A_922, %unpack3A_904 : vector<16xf32>
            %add3A_924 = arith.addf %mul3A_921, %mul3A_923 : vector<16xf32>
            %mul3A_925 = vector.broadcast %squeeze3A_892 : f32 to vector<16xf32>
            %mul3A_926 = arith.mulf %mul3A_925, %unpack3A_911 : vector<16xf32>
            %add3A_927 = arith.addf %add3A_924, %mul3A_926 : vector<16xf32>
            %add3A_928 = arith.constant 1 : i32
            %add3A_929 = arith.addi %mul3A_594, %add3A_928 : i32
            %swap3A_930 = arith.index_cast %add3A_929 : i32 to index
            %swap3A_931 = arith.constant 64 : index
            %swap3A_932 = tpu.vector_load %arg18[%swap3A_930, %swap3A_931] {strides = array<i32>} : memref<80x128xf32, #tpu.memory_space<vmem>>, vector<16xf32>,
            tpu.vector_store %arg18[%swap3A_930, %swap3A_931], %add3A_919 {strides = array<i32>} : memref<80x128xf32, #tpu.memory_space<vmem>>, vector<16xf32>,
            %add3A_933 = arith.constant 1 : i32
            %add3A_934 = arith.addi %mul3A_594, %add3A_933 : i32
            %swap3A_935 = arith.index_cast %add3A_934 : i32 to index
            %swap3A_936 = arith.constant 80 : index
            %swap3A_937 = tpu.vector_load %arg18[%swap3A_935, %swap3A_936] {strides = array<i32>} : memref<80x128xf32, #tpu.memory_space<vmem>>, vector<16xf32>,
            tpu.vector_store %arg18[%swap3A_935, %swap3A_936], %add3A_927 {strides = array<i32>} : memref<80x128xf32, #tpu.memory_space<vmem>>, vector<16xf32>,
            %get3A_938 = arith.index_cast %add3A_886 : i32 to index
            %get3A_939 = arith.constant 32 : index
            %get3A_940 = tpu.vector_load %arg16[%get3A_938, %get3A_939] {strides = array<i32>} : memref<480x64xbf16, #tpu.memory_space<vmem>>, vector<32xbf16>,
            %unpack3A_941 = tpu.unpack_subelements %get3A_940, 0 {pack_format = #tpu.pack_format<interleaved>} : vector<32xbf16> -> vector<16xf32>
            %unpack3A_942 = tpu.unpack_subelements %get3A_940, 1 {pack_format = #tpu.pack_format<interleaved>} : vector<32xbf16> -> vector<16xf32>
            %add3A_943 = arith.constant 160 : i32
            %add3A_944 = arith.addi %add3A_943, %add3A_886 : i32
            %get3A_945 = arith.index_cast %add3A_944 : i32 to index
            %get3A_946 = arith.constant 32 : index
            %get3A_947 = tpu.vector_load %arg16[%get3A_945, %get3A_946] {strides = array<i32>} : memref<480x64xbf16, #tpu.memory_space<vmem>>, vector<32xbf16>,
            %unpack3A_948 = tpu.unpack_subelements %get3A_947, 0 {pack_format = #tpu.pack_format<interleaved>} : vector<32xbf16> -> vector<16xf32>
            %unpack3A_949 = tpu.unpack_subelements %get3A_947, 1 {pack_format = #tpu.pack_format<interleaved>} : vector<32xbf16> -> vector<16xf32>
            %add3A_950 = arith.constant 320 : i32
            %add3A_951 = arith.addi %add3A_950, %add3A_886 : i32
            %get3A_952 = arith.index_cast %add3A_951 : i32 to index
            %get3A_953 = arith.constant 32 : index
            %get3A_954 = tpu.vector_load %arg16[%get3A_952, %get3A_953] {strides = array<i32>} : memref<480x64xbf16, #tpu.memory_space<vmem>>, vector<32xbf16>,
            %unpack3A_955 = tpu.unpack_subelements %get3A_954, 0 {pack_format = #tpu.pack_format<interleaved>} : vector<32xbf16> -> vector<16xf32>
            %unpack3A_956 = tpu.unpack_subelements %get3A_954, 1 {pack_format = #tpu.pack_format<interleaved>} : vector<32xbf16> -> vector<16xf32>
            %mul3A_957 = vector.broadcast %squeeze3A_888 : f32 to vector<16xf32>
            %mul3A_958 = arith.mulf %mul3A_957, %unpack3A_941 : vector<16xf32>
            %mul3A_959 = vector.broadcast %squeeze3A_890 : f32 to vector<16xf32>
            %mul3A_960 = arith.mulf %mul3A_959, %unpack3A_948 : vector<16xf32>
            %add3A_961 = arith.addf %mul3A_958, %mul3A_960 : vector<16xf32>
            %mul3A_962 = vector.broadcast %squeeze3A_892 : f32 to vector<16xf32>
            %mul3A_963 = arith.mulf %mul3A_962, %unpack3A_955 : vector<16xf32>
            %add3A_964 = arith.addf %add3A_961, %mul3A_963 : vector<16xf32>
            %mul3A_965 = vector.broadcast %squeeze3A_888 : f32 to vector<16xf32>
            %mul3A_966 = arith.mulf %mul3A_965, %unpack3A_942 : vector<16xf32>
            %mul3A_967 = vector.broadcast %squeeze3A_890 : f32 to vector<16xf32>
            %mul3A_968 = arith.mulf %mul3A_967, %unpack3A_949 : vector<16xf32>
            %add3A_969 = arith.addf %mul3A_966, %mul3A_968 : vector<16xf32>
            %mul3A_970 = vector.broadcast %squeeze3A_892 : f32 to vector<16xf32>
            %mul3A_971 = arith.mulf %mul3A_970, %unpack3A_956 : vector<16xf32>
            %add3A_972 = arith.addf %add3A_969, %mul3A_971 : vector<16xf32>
            %add3A_973 = arith.constant 1 : i32
            %add3A_974 = arith.addi %mul3A_594, %add3A_973 : i32
            %swap3A_975 = arith.index_cast %add3A_974 : i32 to index
            %swap3A_976 = arith.constant 96 : index
            %swap3A_977 = tpu.vector_load %arg18[%swap3A_975, %swap3A_976] {strides = array<i32>} : memref<80x128xf32, #tpu.memory_space<vmem>>, vector<16xf32>,
            tpu.vector_store %arg18[%swap3A_975, %swap3A_976], %add3A_964 {strides = array<i32>} : memref<80x128xf32, #tpu.memory_space<vmem>>, vector<16xf32>,
            %add3A_978 = arith.constant 1 : i32
            %add3A_979 = arith.addi %mul3A_594, %add3A_978 : i32
            %swap3A_980 = arith.index_cast %add3A_979 : i32 to index
            %swap3A_981 = arith.constant 112 : index
            %swap3A_982 = tpu.vector_load %arg18[%swap3A_980, %swap3A_981] {strides = array<i32>} : memref<80x128xf32, #tpu.memory_space<vmem>>, vector<16xf32>,
            tpu.vector_store %arg18[%swap3A_980, %swap3A_981], %add3A_972 {strides = array<i32>} : memref<80x128xf32, #tpu.memory_space<vmem>>, vector<16xf32>,
            %add3A_983 = arith.constant 4 : i32
            %add3A_984 = arith.addi %mul3A_583, %add3A_983 : i32
            %slice3A_985 = vector.extract_strided_slice %get3A_584 {offsets = [4], sizes = [1], strides = [1]} : vector<16xf32> to vector<1xf32>
            %squeeze3A_986 = vector.extract %slice3A_985[0] : f32 from vector<1xf32>
            %slice3A_987 = vector.extract_strided_slice %get3A_588 {offsets = [4], sizes = [1], strides = [1]} : vector<16xf32> to vector<1xf32>
            %squeeze3A_988 = vector.extract %slice3A_987[0] : f32 from vector<1xf32>
            %slice3A_989 = vector.extract_strided_slice %get3A_592 {offsets = [4], sizes = [1], strides = [1]} : vector<16xf32> to vector<1xf32>
            %squeeze3A_990 = vector.extract %slice3A_989[0] : f32 from vector<1xf32>
            %get3A_991 = arith.index_cast %add3A_984 : i32 to index
            %get3A_992 = arith.constant 0 : index
            %get3A_993 = tpu.vector_load %arg16[%get3A_991, %get3A_992] {strides = array<i32>} : memref<480x64xbf16, #tpu.memory_space<vmem>>, vector<32xbf16>,
            %unpack3A_994 = tpu.unpack_subelements %get3A_993, 0 {pack_format = #tpu.pack_format<interleaved>} : vector<32xbf16> -> vector<16xf32>
            %unpack3A_995 = tpu.unpack_subelements %get3A_993, 1 {pack_format = #tpu.pack_format<interleaved>} : vector<32xbf16> -> vector<16xf32>
            %add3A_996 = arith.constant 160 : i32
            %add3A_997 = arith.addi %add3A_996, %add3A_984 : i32
            %get3A_998 = arith.index_cast %add3A_997 : i32 to index
            %get3A_999 = arith.constant 0 : index
            %get3A_1000 = tpu.vector_load %arg16[%get3A_998, %get3A_999] {strides = array<i32>} : memref<480x64xbf16, #tpu.memory_space<vmem>>, vector<32xbf16>,
            %unpack3A_1001 = tpu.unpack_subelements %get3A_1000, 0 {pack_format = #tpu.pack_format<interleaved>} : vector<32xbf16> -> vector<16xf32>
            %unpack3A_1002 = tpu.unpack_subelements %get3A_1000, 1 {pack_format = #tpu.pack_format<interleaved>} : vector<32xbf16> -> vector<16xf32>
            %add3A_1003 = arith.constant 320 : i32
            %add3A_1004 = arith.addi %add3A_1003, %add3A_984 : i32
            %get3A_1005 = arith.index_cast %add3A_1004 : i32 to index
            %get3A_1006 = arith.constant 0 : index
            %get3A_1007 = tpu.vector_load %arg16[%get3A_1005, %get3A_1006] {strides = array<i32>} : memref<480x64xbf16, #tpu.memory_space<vmem>>, vector<32xbf16>,
            %unpack3A_1008 = tpu.unpack_subelements %get3A_1007, 0 {pack_format = #tpu.pack_format<interleaved>} : vector<32xbf16> -> vector<16xf32>
            %unpack3A_1009 = tpu.unpack_subelements %get3A_1007, 1 {pack_format = #tpu.pack_format<interleaved>} : vector<32xbf16> -> vector<16xf32>
            %mul3A_1010 = vector.broadcast %squeeze3A_986 : f32 to vector<16xf32>
            %mul3A_1011 = arith.mulf %mul3A_1010, %unpack3A_994 : vector<16xf32>
            %mul3A_1012 = vector.broadcast %squeeze3A_988 : f32 to vector<16xf32>
            %mul3A_1013 = arith.mulf %mul3A_1012, %unpack3A_1001 : vector<16xf32>
            %add3A_1014 = arith.addf %mul3A_1011, %mul3A_1013 : vector<16xf32>
            %mul3A_1015 = vector.broadcast %squeeze3A_990 : f32 to vector<16xf32>
            %mul3A_1016 = arith.mulf %mul3A_1015, %unpack3A_1008 : vector<16xf32>
            %add3A_1017 = arith.addf %add3A_1014, %mul3A_1016 : vector<16xf32>
            %mul3A_1018 = vector.broadcast %squeeze3A_986 : f32 to vector<16xf32>
            %mul3A_1019 = arith.mulf %mul3A_1018, %unpack3A_995 : vector<16xf32>
            %mul3A_1020 = vector.broadcast %squeeze3A_988 : f32 to vector<16xf32>
            %mul3A_1021 = arith.mulf %mul3A_1020, %unpack3A_1002 : vector<16xf32>
            %add3A_1022 = arith.addf %mul3A_1019, %mul3A_1021 : vector<16xf32>
            %mul3A_1023 = vector.broadcast %squeeze3A_990 : f32 to vector<16xf32>
            %mul3A_1024 = arith.mulf %mul3A_1023, %unpack3A_1009 : vector<16xf32>
            %add3A_1025 = arith.addf %add3A_1022, %mul3A_1024 : vector<16xf32>
            %add3A_1026 = arith.constant 2 : i32
            %add3A_1027 = arith.addi %mul3A_594, %add3A_1026 : i32
            %swap3A_1028 = arith.index_cast %add3A_1027 : i32 to index
            %swap3A_1029 = arith.constant 0 : index
            %swap3A_1030 = tpu.vector_load %arg18[%swap3A_1028, %swap3A_1029] {strides = array<i32>} : memref<80x128xf32, #tpu.memory_space<vmem>>, vector<16xf32>,
            tpu.vector_store %arg18[%swap3A_1028, %swap3A_1029], %add3A_1017 {strides = array<i32>} : memref<80x128xf32, #tpu.memory_space<vmem>>, vector<16xf32>,
            %add3A_1031 = arith.constant 2 : i32
            %add3A_1032 = arith.addi %mul3A_594, %add3A_1031 : i32
            %swap3A_1033 = arith.index_cast %add3A_1032 : i32 to index
            %swap3A_1034 = arith.constant 16 : index
            %swap3A_1035 = tpu.vector_load %arg18[%swap3A_1033, %swap3A_1034] {strides = array<i32>} : memref<80x128xf32, #tpu.memory_space<vmem>>, vector<16xf32>,
            tpu.vector_store %arg18[%swap3A_1033, %swap3A_1034], %add3A_1025 {strides = array<i32>} : memref<80x128xf32, #tpu.memory_space<vmem>>, vector<16xf32>,
            %get3A_1036 = arith.index_cast %add3A_984 : i32 to index
            %get3A_1037 = arith.constant 32 : index
            %get3A_1038 = tpu.vector_load %arg16[%get3A_1036, %get3A_1037] {strides = array<i32>} : memref<480x64xbf16, #tpu.memory_space<vmem>>, vector<32xbf16>,
            %unpack3A_1039 = tpu.unpack_subelements %get3A_1038, 0 {pack_format = #tpu.pack_format<interleaved>} : vector<32xbf16> -> vector<16xf32>
            %unpack3A_1040 = tpu.unpack_subelements %get3A_1038, 1 {pack_format = #tpu.pack_format<interleaved>} : vector<32xbf16> -> vector<16xf32>
            %add3A_1041 = arith.constant 160 : i32
            %add3A_1042 = arith.addi %add3A_1041, %add3A_984 : i32
            %get3A_1043 = arith.index_cast %add3A_1042 : i32 to index
            %get3A_1044 = arith.constant 32 : index
            %get3A_1045 = tpu.vector_load %arg16[%get3A_1043, %get3A_1044] {strides = array<i32>} : memref<480x64xbf16, #tpu.memory_space<vmem>>, vector<32xbf16>,
            %unpack3A_1046 = tpu.unpack_subelements %get3A_1045, 0 {pack_format = #tpu.pack_format<interleaved>} : vector<32xbf16> -> vector<16xf32>
            %unpack3A_1047 = tpu.unpack_subelements %get3A_1045, 1 {pack_format = #tpu.pack_format<interleaved>} : vector<32xbf16> -> vector<16xf32>
            %add3A_1048 = arith.constant 320 : i32
            %add3A_1049 = arith.addi %add3A_1048, %add3A_984 : i32
            %get3A_1050 = arith.index_cast %add3A_1049 : i32 to index
            %get3A_1051 = arith.constant 32 : index
            %get3A_1052 = tpu.vector_load %arg16[%get3A_1050, %get3A_1051] {strides = array<i32>} : memref<480x64xbf16, #tpu.memory_space<vmem>>, vector<32xbf16>,
            %unpack3A_1053 = tpu.unpack_subelements %get3A_1052, 0 {pack_format = #tpu.pack_format<interleaved>} : vector<32xbf16> -> vector<16xf32>
            %unpack3A_1054 = tpu.unpack_subelements %get3A_1052, 1 {pack_format = #tpu.pack_format<interleaved>} : vector<32xbf16> -> vector<16xf32>
            %mul3A_1055 = vector.broadcast %squeeze3A_986 : f32 to vector<16xf32>
            %mul3A_1056 = arith.mulf %mul3A_1055, %unpack3A_1039 : vector<16xf32>
            %mul3A_1057 = vector.broadcast %squeeze3A_988 : f32 to vector<16xf32>
            %mul3A_1058 = arith.mulf %mul3A_1057, %unpack3A_1046 : vector<16xf32>
            %add3A_1059 = arith.addf %mul3A_1056, %mul3A_1058 : vector<16xf32>
            %mul3A_1060 = vector.broadcast %squeeze3A_990 : f32 to vector<16xf32>
            %mul3A_1061 = arith.mulf %mul3A_1060, %unpack3A_1053 : vector<16xf32>
            %add3A_1062 = arith.addf %add3A_1059, %mul3A_1061 : vector<16xf32>
            %mul3A_1063 = vector.broadcast %squeeze3A_986 : f32 to vector<16xf32>
            %mul3A_1064 = arith.mulf %mul3A_1063, %unpack3A_1040 : vector<16xf32>
            %mul3A_1065 = vector.broadcast %squeeze3A_988 : f32 to vector<16xf32>
            %mul3A_1066 = arith.mulf %mul3A_1065, %unpack3A_1047 : vector<16xf32>
            %add3A_1067 = arith.addf %mul3A_1064, %mul3A_1066 : vector<16xf32>
            %mul3A_1068 = vector.broadcast %squeeze3A_990 : f32 to vector<16xf32>
            %mul3A_1069 = arith.mulf %mul3A_1068, %unpack3A_1054 : vector<16xf32>
            %add3A_1070 = arith.addf %add3A_1067, %mul3A_1069 : vector<16xf32>
            %add3A_1071 = arith.constant 2 : i32
            %add3A_1072 = arith.addi %mul3A_594, %add3A_1071 : i32
            %swap3A_1073 = arith.index_cast %add3A_1072 : i32 to index
            %swap3A_1074 = arith.constant 32 : index
            %swap3A_1075 = tpu.vector_load %arg18[%swap3A_1073, %swap3A_1074] {strides = array<i32>} : memref<80x128xf32, #tpu.memory_space<vmem>>, vector<16xf32>,
            tpu.vector_store %arg18[%swap3A_1073, %swap3A_1074], %add3A_1062 {strides = array<i32>} : memref<80x128xf32, #tpu.memory_space<vmem>>, vector<16xf32>,
            %add3A_1076 = arith.constant 2 : i32
            %add3A_1077 = arith.addi %mul3A_594, %add3A_1076 : i32
            %swap3A_1078 = arith.index_cast %add3A_1077 : i32 to index
            %swap3A_1079 = arith.constant 48 : index
            %swap3A_1080 = tpu.vector_load %arg18[%swap3A_1078, %swap3A_1079] {strides = array<i32>} : memref<80x128xf32, #tpu.memory_space<vmem>>, vector<16xf32>,
            tpu.vector_store %arg18[%swap3A_1078, %swap3A_1079], %add3A_1070 {strides = array<i32>} : memref<80x128xf32, #tpu.memory_space<vmem>>, vector<16xf32>,
            %add3A_1081 = arith.constant 5 : i32
            %add3A_1082 = arith.addi %mul3A_583, %add3A_1081 : i32
            %slice3A_1083 = vector.extract_strided_slice %get3A_584 {offsets = [5], sizes = [1], strides = [1]} : vector<16xf32> to vector<1xf32>
            %squeeze3A_1084 = vector.extract %slice3A_1083[0] : f32 from vector<1xf32>
            %slice3A_1085 = vector.extract_strided_slice %get3A_588 {offsets = [5], sizes = [1], strides = [1]} : vector<16xf32> to vector<1xf32>
            %squeeze3A_1086 = vector.extract %slice3A_1085[0] : f32 from vector<1xf32>
            %slice3A_1087 = vector.extract_strided_slice %get3A_592 {offsets = [5], sizes = [1], strides = [1]} : vector<16xf32> to vector<1xf32>
            %squeeze3A_1088 = vector.extract %slice3A_1087[0] : f32 from vector<1xf32>
            %get3A_1089 = arith.index_cast %add3A_1082 : i32 to index
            %get3A_1090 = arith.constant 0 : index
            %get3A_1091 = tpu.vector_load %arg16[%get3A_1089, %get3A_1090] {strides = array<i32>} : memref<480x64xbf16, #tpu.memory_space<vmem>>, vector<32xbf16>,
            %unpack3A_1092 = tpu.unpack_subelements %get3A_1091, 0 {pack_format = #tpu.pack_format<interleaved>} : vector<32xbf16> -> vector<16xf32>
            %unpack3A_1093 = tpu.unpack_subelements %get3A_1091, 1 {pack_format = #tpu.pack_format<interleaved>} : vector<32xbf16> -> vector<16xf32>
            %add3A_1094 = arith.constant 160 : i32
            %add3A_1095 = arith.addi %add3A_1094, %add3A_1082 : i32
            %get3A_1096 = arith.index_cast %add3A_1095 : i32 to index
            %get3A_1097 = arith.constant 0 : index
            %get3A_1098 = tpu.vector_load %arg16[%get3A_1096, %get3A_1097] {strides = array<i32>} : memref<480x64xbf16, #tpu.memory_space<vmem>>, vector<32xbf16>,
            %unpack3A_1099 = tpu.unpack_subelements %get3A_1098, 0 {pack_format = #tpu.pack_format<interleaved>} : vector<32xbf16> -> vector<16xf32>
            %unpack3A_1100 = tpu.unpack_subelements %get3A_1098, 1 {pack_format = #tpu.pack_format<interleaved>} : vector<32xbf16> -> vector<16xf32>
            %add3A_1101 = arith.constant 320 : i32
            %add3A_1102 = arith.addi %add3A_1101, %add3A_1082 : i32
            %get3A_1103 = arith.index_cast %add3A_1102 : i32 to index
            %get3A_1104 = arith.constant 0 : index
            %get3A_1105 = tpu.vector_load %arg16[%get3A_1103, %get3A_1104] {strides = array<i32>} : memref<480x64xbf16, #tpu.memory_space<vmem>>, vector<32xbf16>,
            %unpack3A_1106 = tpu.unpack_subelements %get3A_1105, 0 {pack_format = #tpu.pack_format<interleaved>} : vector<32xbf16> -> vector<16xf32>
            %unpack3A_1107 = tpu.unpack_subelements %get3A_1105, 1 {pack_format = #tpu.pack_format<interleaved>} : vector<32xbf16> -> vector<16xf32>
            %mul3A_1108 = vector.broadcast %squeeze3A_1084 : f32 to vector<16xf32>
            %mul3A_1109 = arith.mulf %mul3A_1108, %unpack3A_1092 : vector<16xf32>
            %mul3A_1110 = vector.broadcast %squeeze3A_1086 : f32 to vector<16xf32>
            %mul3A_1111 = arith.mulf %mul3A_1110, %unpack3A_1099 : vector<16xf32>
            %add3A_1112 = arith.addf %mul3A_1109, %mul3A_1111 : vector<16xf32>
            %mul3A_1113 = vector.broadcast %squeeze3A_1088 : f32 to vector<16xf32>
            %mul3A_1114 = arith.mulf %mul3A_1113, %unpack3A_1106 : vector<16xf32>
            %add3A_1115 = arith.addf %add3A_1112, %mul3A_1114 : vector<16xf32>
            %mul3A_1116 = vector.broadcast %squeeze3A_1084 : f32 to vector<16xf32>
            %mul3A_1117 = arith.mulf %mul3A_1116, %unpack3A_1093 : vector<16xf32>
            %mul3A_1118 = vector.broadcast %squeeze3A_1086 : f32 to vector<16xf32>
            %mul3A_1119 = arith.mulf %mul3A_1118, %unpack3A_1100 : vector<16xf32>
            %add3A_1120 = arith.addf %mul3A_1117, %mul3A_1119 : vector<16xf32>
            %mul3A_1121 = vector.broadcast %squeeze3A_1088 : f32 to vector<16xf32>
            %mul3A_1122 = arith.mulf %mul3A_1121, %unpack3A_1107 : vector<16xf32>
            %add3A_1123 = arith.addf %add3A_1120, %mul3A_1122 : vector<16xf32>
            %add3A_1124 = arith.constant 2 : i32
            %add3A_1125 = arith.addi %mul3A_594, %add3A_1124 : i32
            %swap3A_1126 = arith.index_cast %add3A_1125 : i32 to index
            %swap3A_1127 = arith.constant 64 : index
            %swap3A_1128 = tpu.vector_load %arg18[%swap3A_1126, %swap3A_1127] {strides = array<i32>} : memref<80x128xf32, #tpu.memory_space<vmem>>, vector<16xf32>,
            tpu.vector_store %arg18[%swap3A_1126, %swap3A_1127], %add3A_1115 {strides = array<i32>} : memref<80x128xf32, #tpu.memory_space<vmem>>, vector<16xf32>,
            %add3A_1129 = arith.constant 2 : i32
            %add3A_1130 = arith.addi %mul3A_594, %add3A_1129 : i32
            %swap3A_1131 = arith.index_cast %add3A_1130 : i32 to index
            %swap3A_1132 = arith.constant 80 : index
            %swap3A_1133 = tpu.vector_load %arg18[%swap3A_1131, %swap3A_1132] {strides = array<i32>} : memref<80x128xf32, #tpu.memory_space<vmem>>, vector<16xf32>,
            tpu.vector_store %arg18[%swap3A_1131, %swap3A_1132], %add3A_1123 {strides = array<i32>} : memref<80x128xf32, #tpu.memory_space<vmem>>, vector<16xf32>,
            %get3A_1134 = arith.index_cast %add3A_1082 : i32 to index
            %get3A_1135 = arith.constant 32 : index
            %get3A_1136 = tpu.vector_load %arg16[%get3A_1134, %get3A_1135] {strides = array<i32>} : memref<480x64xbf16, #tpu.memory_space<vmem>>, vector<32xbf16>,
            %unpack3A_1137 = tpu.unpack_subelements %get3A_1136, 0 {pack_format = #tpu.pack_format<interleaved>} : vector<32xbf16> -> vector<16xf32>
            %unpack3A_1138 = tpu.unpack_subelements %get3A_1136, 1 {pack_format = #tpu.pack_format<interleaved>} : vector<32xbf16> -> vector<16xf32>
            %add3A_1139 = arith.constant 160 : i32
            %add3A_1140 = arith.addi %add3A_1139, %add3A_1082 : i32
            %get3A_1141 = arith.index_cast %add3A_1140 : i32 to index
            %get3A_1142 = arith.constant 32 : index
            %get3A_1143 = tpu.vector_load %arg16[%get3A_1141, %get3A_1142] {strides = array<i32>} : memref<480x64xbf16, #tpu.memory_space<vmem>>, vector<32xbf16>,
            %unpack3A_1144 = tpu.unpack_subelements %get3A_1143, 0 {pack_format = #tpu.pack_format<interleaved>} : vector<32xbf16> -> vector<16xf32>
            %unpack3A_1145 = tpu.unpack_subelements %get3A_1143, 1 {pack_format = #tpu.pack_format<interleaved>} : vector<32xbf16> -> vector<16xf32>
            %add3A_1146 = arith.constant 320 : i32
            %add3A_1147 = arith.addi %add3A_1146, %add3A_1082 : i32
            %get3A_1148 = arith.index_cast %add3A_1147 : i32 to index
            %get3A_1149 = arith.constant 32 : index
            %get3A_1150 = tpu.vector_load %arg16[%get3A_1148, %get3A_1149] {strides = array<i32>} : memref<480x64xbf16, #tpu.memory_space<vmem>>, vector<32xbf16>,
            %unpack3A_1151 = tpu.unpack_subelements %get3A_1150, 0 {pack_format = #tpu.pack_format<interleaved>} : vector<32xbf16> -> vector<16xf32>
            %unpack3A_1152 = tpu.unpack_subelements %get3A_1150, 1 {pack_format = #tpu.pack_format<interleaved>} : vector<32xbf16> -> vector<16xf32>
            %mul3A_1153 = vector.broadcast %squeeze3A_1084 : f32 to vector<16xf32>
            %mul3A_1154 = arith.mulf %mul3A_1153, %unpack3A_1137 : vector<16xf32>
            %mul3A_1155 = vector.broadcast %squeeze3A_1086 : f32 to vector<16xf32>
            %mul3A_1156 = arith.mulf %mul3A_1155, %unpack3A_1144 : vector<16xf32>
            %add3A_1157 = arith.addf %mul3A_1154, %mul3A_1156 : vector<16xf32>
            %mul3A_1158 = vector.broadcast %squeeze3A_1088 : f32 to vector<16xf32>
            %mul3A_1159 = arith.mulf %mul3A_1158, %unpack3A_1151 : vector<16xf32>
            %add3A_1160 = arith.addf %add3A_1157, %mul3A_1159 : vector<16xf32>
            %mul3A_1161 = vector.broadcast %squeeze3A_1084 : f32 to vector<16xf32>
            %mul3A_1162 = arith.mulf %mul3A_1161, %unpack3A_1138 : vector<16xf32>
            %mul3A_1163 = vector.broadcast %squeeze3A_1086 : f32 to vector<16xf32>
            %mul3A_1164 = arith.mulf %mul3A_1163, %unpack3A_1145 : vector<16xf32>
            %add3A_1165 = arith.addf %mul3A_1162, %mul3A_1164 : vector<16xf32>
            %mul3A_1166 = vector.broadcast %squeeze3A_1088 : f32 to vector<16xf32>
            %mul3A_1167 = arith.mulf %mul3A_1166, %unpack3A_1152 : vector<16xf32>
            %add3A_1168 = arith.addf %add3A_1165, %mul3A_1167 : vector<16xf32>
            %add3A_1169 = arith.constant 2 : i32
            %add3A_1170 = arith.addi %mul3A_594, %add3A_1169 : i32
            %swap3A_1171 = arith.index_cast %add3A_1170 : i32 to index
            %swap3A_1172 = arith.constant 96 : index
            %swap3A_1173 = tpu.vector_load %arg18[%swap3A_1171, %swap3A_1172] {strides = array<i32>} : memref<80x128xf32, #tpu.memory_space<vmem>>, vector<16xf32>,
            tpu.vector_store %arg18[%swap3A_1171, %swap3A_1172], %add3A_1160 {strides = array<i32>} : memref<80x128xf32, #tpu.memory_space<vmem>>, vector<16xf32>,
            %add3A_1174 = arith.constant 2 : i32
            %add3A_1175 = arith.addi %mul3A_594, %add3A_1174 : i32
            %swap3A_1176 = arith.index_cast %add3A_1175 : i32 to index
            %swap3A_1177 = arith.constant 112 : index
            %swap3A_1178 = tpu.vector_load %arg18[%swap3A_1176, %swap3A_1177] {strides = array<i32>} : memref<80x128xf32, #tpu.memory_space<vmem>>, vector<16xf32>,
            tpu.vector_store %arg18[%swap3A_1176, %swap3A_1177], %add3A_1168 {strides = array<i32>} : memref<80x128xf32, #tpu.memory_space<vmem>>, vector<16xf32>,
            %add3A_1179 = arith.constant 6 : i32
            %add3A_1180 = arith.addi %mul3A_583, %add3A_1179 : i32
            %slice3A_1181 = vector.extract_strided_slice %get3A_584 {offsets = [6], sizes = [1], strides = [1]} : vector<16xf32> to vector<1xf32>
            %squeeze3A_1182 = vector.extract %slice3A_1181[0] : f32 from vector<1xf32>
            %slice3A_1183 = vector.extract_strided_slice %get3A_588 {offsets = [6], sizes = [1], strides = [1]} : vector<16xf32> to vector<1xf32>
            %squeeze3A_1184 = vector.extract %slice3A_1183[0] : f32 from vector<1xf32>
            %slice3A_1185 = vector.extract_strided_slice %get3A_592 {offsets = [6], sizes = [1], strides = [1]} : vector<16xf32> to vector<1xf32>
            %squeeze3A_1186 = vector.extract %slice3A_1185[0] : f32 from vector<1xf32>
            %get3A_1187 = arith.index_cast %add3A_1180 : i32 to index
            %get3A_1188 = arith.constant 0 : index
            %get3A_1189 = tpu.vector_load %arg16[%get3A_1187, %get3A_1188] {strides = array<i32>} : memref<480x64xbf16, #tpu.memory_space<vmem>>, vector<32xbf16>,
            %unpack3A_1190 = tpu.unpack_subelements %get3A_1189, 0 {pack_format = #tpu.pack_format<interleaved>} : vector<32xbf16> -> vector<16xf32>
            %unpack3A_1191 = tpu.unpack_subelements %get3A_1189, 1 {pack_format = #tpu.pack_format<interleaved>} : vector<32xbf16> -> vector<16xf32>
            %add3A_1192 = arith.constant 160 : i32
            %add3A_1193 = arith.addi %add3A_1192, %add3A_1180 : i32
            %get3A_1194 = arith.index_cast %add3A_1193 : i32 to index
            %get3A_1195 = arith.constant 0 : index
            %get3A_1196 = tpu.vector_load %arg16[%get3A_1194, %get3A_1195] {strides = array<i32>} : memref<480x64xbf16, #tpu.memory_space<vmem>>, vector<32xbf16>,
            %unpack3A_1197 = tpu.unpack_subelements %get3A_1196, 0 {pack_format = #tpu.pack_format<interleaved>} : vector<32xbf16> -> vector<16xf32>
            %unpack3A_1198 = tpu.unpack_subelements %get3A_1196, 1 {pack_format = #tpu.pack_format<interleaved>} : vector<32xbf16> -> vector<16xf32>
            %add3A_1199 = arith.constant 320 : i32
            %add3A_1200 = arith.addi %add3A_1199, %add3A_1180 : i32
            %get3A_1201 = arith.index_cast %add3A_1200 : i32 to index
            %get3A_1202 = arith.constant 0 : index
            %get3A_1203 = tpu.vector_load %arg16[%get3A_1201, %get3A_1202] {strides = array<i32>} : memref<480x64xbf16, #tpu.memory_space<vmem>>, vector<32xbf16>,
            %unpack3A_1204 = tpu.unpack_subelements %get3A_1203, 0 {pack_format = #tpu.pack_format<interleaved>} : vector<32xbf16> -> vector<16xf32>
            %unpack3A_1205 = tpu.unpack_subelements %get3A_1203, 1 {pack_format = #tpu.pack_format<interleaved>} : vector<32xbf16> -> vector<16xf32>
            %mul3A_1206 = vector.broadcast %squeeze3A_1182 : f32 to vector<16xf32>
            %mul3A_1207 = arith.mulf %mul3A_1206, %unpack3A_1190 : vector<16xf32>
            %mul3A_1208 = vector.broadcast %squeeze3A_1184 : f32 to vector<16xf32>
            %mul3A_1209 = arith.mulf %mul3A_1208, %unpack3A_1197 : vector<16xf32>
            %add3A_1210 = arith.addf %mul3A_1207, %mul3A_1209 : vector<16xf32>
            %mul3A_1211 = vector.broadcast %squeeze3A_1186 : f32 to vector<16xf32>
            %mul3A_1212 = arith.mulf %mul3A_1211, %unpack3A_1204 : vector<16xf32>
            %add3A_1213 = arith.addf %add3A_1210, %mul3A_1212 : vector<16xf32>
            %mul3A_1214 = vector.broadcast %squeeze3A_1182 : f32 to vector<16xf32>
            %mul3A_1215 = arith.mulf %mul3A_1214, %unpack3A_1191 : vector<16xf32>
            %mul3A_1216 = vector.broadcast %squeeze3A_1184 : f32 to vector<16xf32>
            %mul3A_1217 = arith.mulf %mul3A_1216, %unpack3A_1198 : vector<16xf32>
            %add3A_1218 = arith.addf %mul3A_1215, %mul3A_1217 : vector<16xf32>
            %mul3A_1219 = vector.broadcast %squeeze3A_1186 : f32 to vector<16xf32>
            %mul3A_1220 = arith.mulf %mul3A_1219, %unpack3A_1205 : vector<16xf32>
            %add3A_1221 = arith.addf %add3A_1218, %mul3A_1220 : vector<16xf32>
            %add3A_1222 = arith.constant 3 : i32
            %add3A_1223 = arith.addi %mul3A_594, %add3A_1222 : i32
            %swap3A_1224 = arith.index_cast %add3A_1223 : i32 to index
            %swap3A_1225 = arith.constant 0 : index
            %swap3A_1226 = tpu.vector_load %arg18[%swap3A_1224, %swap3A_1225] {strides = array<i32>} : memref<80x128xf32, #tpu.memory_space<vmem>>, vector<16xf32>,
            tpu.vector_store %arg18[%swap3A_1224, %swap3A_1225], %add3A_1213 {strides = array<i32>} : memref<80x128xf32, #tpu.memory_space<vmem>>, vector<16xf32>,
            %add3A_1227 = arith.constant 3 : i32
            %add3A_1228 = arith.addi %mul3A_594, %add3A_1227 : i32
            %swap3A_1229 = arith.index_cast %add3A_1228 : i32 to index
            %swap3A_1230 = arith.constant 16 : index
            %swap3A_1231 = tpu.vector_load %arg18[%swap3A_1229, %swap3A_1230] {strides = array<i32>} : memref<80x128xf32, #tpu.memory_space<vmem>>, vector<16xf32>,
            tpu.vector_store %arg18[%swap3A_1229, %swap3A_1230], %add3A_1221 {strides = array<i32>} : memref<80x128xf32, #tpu.memory_space<vmem>>, vector<16xf32>,
            %get3A_1232 = arith.index_cast %add3A_1180 : i32 to index
            %get3A_1233 = arith.constant 32 : index
            %get3A_1234 = tpu.vector_load %arg16[%get3A_1232, %get3A_1233] {strides = array<i32>} : memref<480x64xbf16, #tpu.memory_space<vmem>>, vector<32xbf16>,
            %unpack3A_1235 = tpu.unpack_subelements %get3A_1234, 0 {pack_format = #tpu.pack_format<interleaved>} : vector<32xbf16> -> vector<16xf32>
            %unpack3A_1236 = tpu.unpack_subelements %get3A_1234, 1 {pack_format = #tpu.pack_format<interleaved>} : vector<32xbf16> -> vector<16xf32>
            %add3A_1237 = arith.constant 160 : i32
            %add3A_1238 = arith.addi %add3A_1237, %add3A_1180 : i32
            %get3A_1239 = arith.index_cast %add3A_1238 : i32 to index
            %get3A_1240 = arith.constant 32 : index
            %get3A_1241 = tpu.vector_load %arg16[%get3A_1239, %get3A_1240] {strides = array<i32>} : memref<480x64xbf16, #tpu.memory_space<vmem>>, vector<32xbf16>,
            %unpack3A_1242 = tpu.unpack_subelements %get3A_1241, 0 {pack_format = #tpu.pack_format<interleaved>} : vector<32xbf16> -> vector<16xf32>
            %unpack3A_1243 = tpu.unpack_subelements %get3A_1241, 1 {pack_format = #tpu.pack_format<interleaved>} : vector<32xbf16> -> vector<16xf32>
            %add3A_1244 = arith.constant 320 : i32
            %add3A_1245 = arith.addi %add3A_1244, %add3A_1180 : i32
            %get3A_1246 = arith.index_cast %add3A_1245 : i32 to index
            %get3A_1247 = arith.constant 32 : index
            %get3A_1248 = tpu.vector_load %arg16[%get3A_1246, %get3A_1247] {strides = array<i32>} : memref<480x64xbf16, #tpu.memory_space<vmem>>, vector<32xbf16>,
            %unpack3A_1249 = tpu.unpack_subelements %get3A_1248, 0 {pack_format = #tpu.pack_format<interleaved>} : vector<32xbf16> -> vector<16xf32>
            %unpack3A_1250 = tpu.unpack_subelements %get3A_1248, 1 {pack_format = #tpu.pack_format<interleaved>} : vector<32xbf16> -> vector<16xf32>
            %mul3A_1251 = vector.broadcast %squeeze3A_1182 : f32 to vector<16xf32>
            %mul3A_1252 = arith.mulf %mul3A_1251, %unpack3A_1235 : vector<16xf32>
            %mul3A_1253 = vector.broadcast %squeeze3A_1184 : f32 to vector<16xf32>
            %mul3A_1254 = arith.mulf %mul3A_1253, %unpack3A_1242 : vector<16xf32>
            %add3A_1255 = arith.addf %mul3A_1252, %mul3A_1254 : vector<16xf32>
            %mul3A_1256 = vector.broadcast %squeeze3A_1186 : f32 to vector<16xf32>
            %mul3A_1257 = arith.mulf %mul3A_1256, %unpack3A_1249 : vector<16xf32>
            %add3A_1258 = arith.addf %add3A_1255, %mul3A_1257 : vector<16xf32>
            %mul3A_1259 = vector.broadcast %squeeze3A_1182 : f32 to vector<16xf32>
            %mul3A_1260 = arith.mulf %mul3A_1259, %unpack3A_1236 : vector<16xf32>
            %mul3A_1261 = vector.broadcast %squeeze3A_1184 : f32 to vector<16xf32>
            %mul3A_1262 = arith.mulf %mul3A_1261, %unpack3A_1243 : vector<16xf32>
            %add3A_1263 = arith.addf %mul3A_1260, %mul3A_1262 : vector<16xf32>
            %mul3A_1264 = vector.broadcast %squeeze3A_1186 : f32 to vector<16xf32>
            %mul3A_1265 = arith.mulf %mul3A_1264, %unpack3A_1250 : vector<16xf32>
            %add3A_1266 = arith.addf %add3A_1263, %mul3A_1265 : vector<16xf32>
            %add3A_1267 = arith.constant 3 : i32
            %add3A_1268 = arith.addi %mul3A_594, %add3A_1267 : i32
            %swap3A_1269 = arith.index_cast %add3A_1268 : i32 to index
            %swap3A_1270 = arith.constant 32 : index
            %swap3A_1271 = tpu.vector_load %arg18[%swap3A_1269, %swap3A_1270] {strides = array<i32>} : memref<80x128xf32, #tpu.memory_space<vmem>>, vector<16xf32>,
            tpu.vector_store %arg18[%swap3A_1269, %swap3A_1270], %add3A_1258 {strides = array<i32>} : memref<80x128xf32, #tpu.memory_space<vmem>>, vector<16xf32>,
            %add3A_1272 = arith.constant 3 : i32
            %add3A_1273 = arith.addi %mul3A_594, %add3A_1272 : i32
            %swap3A_1274 = arith.index_cast %add3A_1273 : i32 to index
            %swap3A_1275 = arith.constant 48 : index
            %swap3A_1276 = tpu.vector_load %arg18[%swap3A_1274, %swap3A_1275] {strides = array<i32>} : memref<80x128xf32, #tpu.memory_space<vmem>>, vector<16xf32>,
            tpu.vector_store %arg18[%swap3A_1274, %swap3A_1275], %add3A_1266 {strides = array<i32>} : memref<80x128xf32, #tpu.memory_space<vmem>>, vector<16xf32>,
            %add3A_1277 = arith.constant 7 : i32
            %add3A_1278 = arith.addi %mul3A_583, %add3A_1277 : i32
            %slice3A_1279 = vector.extract_strided_slice %get3A_584 {offsets = [7], sizes = [1], strides = [1]} : vector<16xf32> to vector<1xf32>
            %squeeze3A_1280 = vector.extract %slice3A_1279[0] : f32 from vector<1xf32>
            %slice3A_1281 = vector.extract_strided_slice %get3A_588 {offsets = [7], sizes = [1], strides = [1]} : vector<16xf32> to vector<1xf32>
            %squeeze3A_1282 = vector.extract %slice3A_1281[0] : f32 from vector<1xf32>
            %slice3A_1283 = vector.extract_strided_slice %get3A_592 {offsets = [7], sizes = [1], strides = [1]} : vector<16xf32> to vector<1xf32>
            %squeeze3A_1284 = vector.extract %slice3A_1283[0] : f32 from vector<1xf32>
            %get3A_1285 = arith.index_cast %add3A_1278 : i32 to index
            %get3A_1286 = arith.constant 0 : index
            %get3A_1287 = tpu.vector_load %arg16[%get3A_1285, %get3A_1286] {strides = array<i32>} : memref<480x64xbf16, #tpu.memory_space<vmem>>, vector<32xbf16>,
            %unpack3A_1288 = tpu.unpack_subelements %get3A_1287, 0 {pack_format = #tpu.pack_format<interleaved>} : vector<32xbf16> -> vector<16xf32>
            %unpack3A_1289 = tpu.unpack_subelements %get3A_1287, 1 {pack_format = #tpu.pack_format<interleaved>} : vector<32xbf16> -> vector<16xf32>
            %add3A_1290 = arith.constant 160 : i32
            %add3A_1291 = arith.addi %add3A_1290, %add3A_1278 : i32
            %get3A_1292 = arith.index_cast %add3A_1291 : i32 to index
            %get3A_1293 = arith.constant 0 : index
            %get3A_1294 = tpu.vector_load %arg16[%get3A_1292, %get3A_1293] {strides = array<i32>} : memref<480x64xbf16, #tpu.memory_space<vmem>>, vector<32xbf16>,
            %unpack3A_1295 = tpu.unpack_subelements %get3A_1294, 0 {pack_format = #tpu.pack_format<interleaved>} : vector<32xbf16> -> vector<16xf32>
            %unpack3A_1296 = tpu.unpack_subelements %get3A_1294, 1 {pack_format = #tpu.pack_format<interleaved>} : vector<32xbf16> -> vector<16xf32>
            %add3A_1297 = arith.constant 320 : i32
            %add3A_1298 = arith.addi %add3A_1297, %add3A_1278 : i32
            %get3A_1299 = arith.index_cast %add3A_1298 : i32 to index
            %get3A_1300 = arith.constant 0 : index
            %get3A_1301 = tpu.vector_load %arg16[%get3A_1299, %get3A_1300] {strides = array<i32>} : memref<480x64xbf16, #tpu.memory_space<vmem>>, vector<32xbf16>,
            %unpack3A_1302 = tpu.unpack_subelements %get3A_1301, 0 {pack_format = #tpu.pack_format<interleaved>} : vector<32xbf16> -> vector<16xf32>
            %unpack3A_1303 = tpu.unpack_subelements %get3A_1301, 1 {pack_format = #tpu.pack_format<interleaved>} : vector<32xbf16> -> vector<16xf32>
            %mul3A_1304 = vector.broadcast %squeeze3A_1280 : f32 to vector<16xf32>
            %mul3A_1305 = arith.mulf %mul3A_1304, %unpack3A_1288 : vector<16xf32>
            %mul3A_1306 = vector.broadcast %squeeze3A_1282 : f32 to vector<16xf32>
            %mul3A_1307 = arith.mulf %mul3A_1306, %unpack3A_1295 : vector<16xf32>
            %add3A_1308 = arith.addf %mul3A_1305, %mul3A_1307 : vector<16xf32>
            %mul3A_1309 = vector.broadcast %squeeze3A_1284 : f32 to vector<16xf32>
            %mul3A_1310 = arith.mulf %mul3A_1309, %unpack3A_1302 : vector<16xf32>
            %add3A_1311 = arith.addf %add3A_1308, %mul3A_1310 : vector<16xf32>
            %mul3A_1312 = vector.broadcast %squeeze3A_1280 : f32 to vector<16xf32>
            %mul3A_1313 = arith.mulf %mul3A_1312, %unpack3A_1289 : vector<16xf32>
            %mul3A_1314 = vector.broadcast %squeeze3A_1282 : f32 to vector<16xf32>
            %mul3A_1315 = arith.mulf %mul3A_1314, %unpack3A_1296 : vector<16xf32>
            %add3A_1316 = arith.addf %mul3A_1313, %mul3A_1315 : vector<16xf32>
            %mul3A_1317 = vector.broadcast %squeeze3A_1284 : f32 to vector<16xf32>
            %mul3A_1318 = arith.mulf %mul3A_1317, %unpack3A_1303 : vector<16xf32>
            %add3A_1319 = arith.addf %add3A_1316, %mul3A_1318 : vector<16xf32>
            %add3A_1320 = arith.constant 3 : i32
            %add3A_1321 = arith.addi %mul3A_594, %add3A_1320 : i32
            %swap3A_1322 = arith.index_cast %add3A_1321 : i32 to index
            %swap3A_1323 = arith.constant 64 : index
            %swap3A_1324 = tpu.vector_load %arg18[%swap3A_1322, %swap3A_1323] {strides = array<i32>} : memref<80x128xf32, #tpu.memory_space<vmem>>, vector<16xf32>,
            tpu.vector_store %arg18[%swap3A_1322, %swap3A_1323], %add3A_1311 {strides = array<i32>} : memref<80x128xf32, #tpu.memory_space<vmem>>, vector<16xf32>,
            %add3A_1325 = arith.constant 3 : i32
            %add3A_1326 = arith.addi %mul3A_594, %add3A_1325 : i32
            %swap3A_1327 = arith.index_cast %add3A_1326 : i32 to index
            %swap3A_1328 = arith.constant 80 : index
            %swap3A_1329 = tpu.vector_load %arg18[%swap3A_1327, %swap3A_1328] {strides = array<i32>} : memref<80x128xf32, #tpu.memory_space<vmem>>, vector<16xf32>,
            tpu.vector_store %arg18[%swap3A_1327, %swap3A_1328], %add3A_1319 {strides = array<i32>} : memref<80x128xf32, #tpu.memory_space<vmem>>, vector<16xf32>,
            %get3A_1330 = arith.index_cast %add3A_1278 : i32 to index
            %get3A_1331 = arith.constant 32 : index
            %get3A_1332 = tpu.vector_load %arg16[%get3A_1330, %get3A_1331] {strides = array<i32>} : memref<480x64xbf16, #tpu.memory_space<vmem>>, vector<32xbf16>,
            %unpack3A_1333 = tpu.unpack_subelements %get3A_1332, 0 {pack_format = #tpu.pack_format<interleaved>} : vector<32xbf16> -> vector<16xf32>
            %unpack3A_1334 = tpu.unpack_subelements %get3A_1332, 1 {pack_format = #tpu.pack_format<interleaved>} : vector<32xbf16> -> vector<16xf32>
            %add3A_1335 = arith.constant 160 : i32
            %add3A_1336 = arith.addi %add3A_1335, %add3A_1278 : i32
            %get3A_1337 = arith.index_cast %add3A_1336 : i32 to index
            %get3A_1338 = arith.constant 32 : index
            %get3A_1339 = tpu.vector_load %arg16[%get3A_1337, %get3A_1338] {strides = array<i32>} : memref<480x64xbf16, #tpu.memory_space<vmem>>, vector<32xbf16>,
            %unpack3A_1340 = tpu.unpack_subelements %get3A_1339, 0 {pack_format = #tpu.pack_format<interleaved>} : vector<32xbf16> -> vector<16xf32>
            %unpack3A_1341 = tpu.unpack_subelements %get3A_1339, 1 {pack_format = #tpu.pack_format<interleaved>} : vector<32xbf16> -> vector<16xf32>
            %add3A_1342 = arith.constant 320 : i32
            %add3A_1343 = arith.addi %add3A_1342, %add3A_1278 : i32
            %get3A_1344 = arith.index_cast %add3A_1343 : i32 to index
            %get3A_1345 = arith.constant 32 : index
            %get3A_1346 = tpu.vector_load %arg16[%get3A_1344, %get3A_1345] {strides = array<i32>} : memref<480x64xbf16, #tpu.memory_space<vmem>>, vector<32xbf16>,
            %unpack3A_1347 = tpu.unpack_subelements %get3A_1346, 0 {pack_format = #tpu.pack_format<interleaved>} : vector<32xbf16> -> vector<16xf32>
            %unpack3A_1348 = tpu.unpack_subelements %get3A_1346, 1 {pack_format = #tpu.pack_format<interleaved>} : vector<32xbf16> -> vector<16xf32>
            %mul3A_1349 = vector.broadcast %squeeze3A_1280 : f32 to vector<16xf32>
            %mul3A_1350 = arith.mulf %mul3A_1349, %unpack3A_1333 : vector<16xf32>
            %mul3A_1351 = vector.broadcast %squeeze3A_1282 : f32 to vector<16xf32>
            %mul3A_1352 = arith.mulf %mul3A_1351, %unpack3A_1340 : vector<16xf32>
            %add3A_1353 = arith.addf %mul3A_1350, %mul3A_1352 : vector<16xf32>
            %mul3A_1354 = vector.broadcast %squeeze3A_1284 : f32 to vector<16xf32>
            %mul3A_1355 = arith.mulf %mul3A_1354, %unpack3A_1347 : vector<16xf32>
            %add3A_1356 = arith.addf %add3A_1353, %mul3A_1355 : vector<16xf32>
            %mul3A_1357 = vector.broadcast %squeeze3A_1280 : f32 to vector<16xf32>
            %mul3A_1358 = arith.mulf %mul3A_1357, %unpack3A_1334 : vector<16xf32>
            %mul3A_1359 = vector.broadcast %squeeze3A_1282 : f32 to vector<16xf32>
            %mul3A_1360 = arith.mulf %mul3A_1359, %unpack3A_1341 : vector<16xf32>
            %add3A_1361 = arith.addf %mul3A_1358, %mul3A_1360 : vector<16xf32>
            %mul3A_1362 = vector.broadcast %squeeze3A_1284 : f32 to vector<16xf32>
            %mul3A_1363 = arith.mulf %mul3A_1362, %unpack3A_1348 : vector<16xf32>
            %add3A_1364 = arith.addf %add3A_1361, %mul3A_1363 : vector<16xf32>
            %add3A_1365 = arith.constant 3 : i32
            %add3A_1366 = arith.addi %mul3A_594, %add3A_1365 : i32
            %swap3A_1367 = arith.index_cast %add3A_1366 : i32 to index
            %swap3A_1368 = arith.constant 96 : index
            %swap3A_1369 = tpu.vector_load %arg18[%swap3A_1367, %swap3A_1368] {strides = array<i32>} : memref<80x128xf32, #tpu.memory_space<vmem>>, vector<16xf32>,
            tpu.vector_store %arg18[%swap3A_1367, %swap3A_1368], %add3A_1356 {strides = array<i32>} : memref<80x128xf32, #tpu.memory_space<vmem>>, vector<16xf32>,
            %add3A_1370 = arith.constant 3 : i32
            %add3A_1371 = arith.addi %mul3A_594, %add3A_1370 : i32
            %swap3A_1372 = arith.index_cast %add3A_1371 : i32 to index
            %swap3A_1373 = arith.constant 112 : index
            %swap3A_1374 = tpu.vector_load %arg18[%swap3A_1372, %swap3A_1373] {strides = array<i32>} : memref<80x128xf32, #tpu.memory_space<vmem>>, vector<16xf32>,
            tpu.vector_store %arg18[%swap3A_1372, %swap3A_1373], %add3A_1364 {strides = array<i32>} : memref<80x128xf32, #tpu.memory_space<vmem>>, vector<16xf32>,
            %add3A_1375 = arith.constant 8 : i32
            %add3A_1376 = arith.addi %mul3A_583, %add3A_1375 : i32
            %slice3A_1377 = vector.extract_strided_slice %get3A_584 {offsets = [8], sizes = [1], strides = [1]} : vector<16xf32> to vector<1xf32>
            %squeeze3A_1378 = vector.extract %slice3A_1377[0] : f32 from vector<1xf32>
            %slice3A_1379 = vector.extract_strided_slice %get3A_588 {offsets = [8], sizes = [1], strides = [1]} : vector<16xf32> to vector<1xf32>
            %squeeze3A_1380 = vector.extract %slice3A_1379[0] : f32 from vector<1xf32>
            %slice3A_1381 = vector.extract_strided_slice %get3A_592 {offsets = [8], sizes = [1], strides = [1]} : vector<16xf32> to vector<1xf32>
            %squeeze3A_1382 = vector.extract %slice3A_1381[0] : f32 from vector<1xf32>
            %get3A_1383 = arith.index_cast %add3A_1376 : i32 to index
            %get3A_1384 = arith.constant 0 : index
            %get3A_1385 = tpu.vector_load %arg16[%get3A_1383, %get3A_1384] {strides = array<i32>} : memref<480x64xbf16, #tpu.memory_space<vmem>>, vector<32xbf16>,
            %unpack3A_1386 = tpu.unpack_subelements %get3A_1385, 0 {pack_format = #tpu.pack_format<interleaved>} : vector<32xbf16> -> vector<16xf32>
            %unpack3A_1387 = tpu.unpack_subelements %get3A_1385, 1 {pack_format = #tpu.pack_format<interleaved>} : vector<32xbf16> -> vector<16xf32>
            %add3A_1388 = arith.constant 160 : i32
            %add3A_1389 = arith.addi %add3A_1388, %add3A_1376 : i32
            %get3A_1390 = arith.index_cast %add3A_1389 : i32 to index
            %get3A_1391 = arith.constant 0 : index
            %get3A_1392 = tpu.vector_load %arg16[%get3A_1390, %get3A_1391] {strides = array<i32>} : memref<480x64xbf16, #tpu.memory_space<vmem>>, vector<32xbf16>,
            %unpack3A_1393 = tpu.unpack_subelements %get3A_1392, 0 {pack_format = #tpu.pack_format<interleaved>} : vector<32xbf16> -> vector<16xf32>
            %unpack3A_1394 = tpu.unpack_subelements %get3A_1392, 1 {pack_format = #tpu.pack_format<interleaved>} : vector<32xbf16> -> vector<16xf32>
            %add3A_1395 = arith.constant 320 : i32
            %add3A_1396 = arith.addi %add3A_1395, %add3A_1376 : i32
            %get3A_1397 = arith.index_cast %add3A_1396 : i32 to index
            %get3A_1398 = arith.constant 0 : index
            %get3A_1399 = tpu.vector_load %arg16[%get3A_1397, %get3A_1398] {strides = array<i32>} : memref<480x64xbf16, #tpu.memory_space<vmem>>, vector<32xbf16>,
            %unpack3A_1400 = tpu.unpack_subelements %get3A_1399, 0 {pack_format = #tpu.pack_format<interleaved>} : vector<32xbf16> -> vector<16xf32>
            %unpack3A_1401 = tpu.unpack_subelements %get3A_1399, 1 {pack_format = #tpu.pack_format<interleaved>} : vector<32xbf16> -> vector<16xf32>
            %mul3A_1402 = vector.broadcast %squeeze3A_1378 : f32 to vector<16xf32>
            %mul3A_1403 = arith.mulf %mul3A_1402, %unpack3A_1386 : vector<16xf32>
            %mul3A_1404 = vector.broadcast %squeeze3A_1380 : f32 to vector<16xf32>
            %mul3A_1405 = arith.mulf %mul3A_1404, %unpack3A_1393 : vector<16xf32>
            %add3A_1406 = arith.addf %mul3A_1403, %mul3A_1405 : vector<16xf32>
            %mul3A_1407 = vector.broadcast %squeeze3A_1382 : f32 to vector<16xf32>
            %mul3A_1408 = arith.mulf %mul3A_1407, %unpack3A_1400 : vector<16xf32>
            %add3A_1409 = arith.addf %add3A_1406, %mul3A_1408 : vector<16xf32>
            %mul3A_1410 = vector.broadcast %squeeze3A_1378 : f32 to vector<16xf32>
            %mul3A_1411 = arith.mulf %mul3A_1410, %unpack3A_1387 : vector<16xf32>
            %mul3A_1412 = vector.broadcast %squeeze3A_1380 : f32 to vector<16xf32>
            %mul3A_1413 = arith.mulf %mul3A_1412, %unpack3A_1394 : vector<16xf32>
            %add3A_1414 = arith.addf %mul3A_1411, %mul3A_1413 : vector<16xf32>
            %mul3A_1415 = vector.broadcast %squeeze3A_1382 : f32 to vector<16xf32>
            %mul3A_1416 = arith.mulf %mul3A_1415, %unpack3A_1401 : vector<16xf32>
            %add3A_1417 = arith.addf %add3A_1414, %mul3A_1416 : vector<16xf32>
            %add3A_1418 = arith.constant 4 : i32
            %add3A_1419 = arith.addi %mul3A_594, %add3A_1418 : i32
            %swap3A_1420 = arith.index_cast %add3A_1419 : i32 to index
            %swap3A_1421 = arith.constant 0 : index
            %swap3A_1422 = tpu.vector_load %arg18[%swap3A_1420, %swap3A_1421] {strides = array<i32>} : memref<80x128xf32, #tpu.memory_space<vmem>>, vector<16xf32>,
            tpu.vector_store %arg18[%swap3A_1420, %swap3A_1421], %add3A_1409 {strides = array<i32>} : memref<80x128xf32, #tpu.memory_space<vmem>>, vector<16xf32>,
            %add3A_1423 = arith.constant 4 : i32
            %add3A_1424 = arith.addi %mul3A_594, %add3A_1423 : i32
            %swap3A_1425 = arith.index_cast %add3A_1424 : i32 to index
            %swap3A_1426 = arith.constant 16 : index
            %swap3A_1427 = tpu.vector_load %arg18[%swap3A_1425, %swap3A_1426] {strides = array<i32>} : memref<80x128xf32, #tpu.memory_space<vmem>>, vector<16xf32>,
            tpu.vector_store %arg18[%swap3A_1425, %swap3A_1426], %add3A_1417 {strides = array<i32>} : memref<80x128xf32, #tpu.memory_space<vmem>>, vector<16xf32>,
            %get3A_1428 = arith.index_cast %add3A_1376 : i32 to index
            %get3A_1429 = arith.constant 32 : index
            %get3A_1430 = tpu.vector_load %arg16[%get3A_1428, %get3A_1429] {strides = array<i32>} : memref<480x64xbf16, #tpu.memory_space<vmem>>, vector<32xbf16>,
            %unpack3A_1431 = tpu.unpack_subelements %get3A_1430, 0 {pack_format = #tpu.pack_format<interleaved>} : vector<32xbf16> -> vector<16xf32>
            %unpack3A_1432 = tpu.unpack_subelements %get3A_1430, 1 {pack_format = #tpu.pack_format<interleaved>} : vector<32xbf16> -> vector<16xf32>
            %add3A_1433 = arith.constant 160 : i32
            %add3A_1434 = arith.addi %add3A_1433, %add3A_1376 : i32
            %get3A_1435 = arith.index_cast %add3A_1434 : i32 to index
            %get3A_1436 = arith.constant 32 : index
            %get3A_1437 = tpu.vector_load %arg16[%get3A_1435, %get3A_1436] {strides = array<i32>} : memref<480x64xbf16, #tpu.memory_space<vmem>>, vector<32xbf16>,
            %unpack3A_1438 = tpu.unpack_subelements %get3A_1437, 0 {pack_format = #tpu.pack_format<interleaved>} : vector<32xbf16> -> vector<16xf32>
            %unpack3A_1439 = tpu.unpack_subelements %get3A_1437, 1 {pack_format = #tpu.pack_format<interleaved>} : vector<32xbf16> -> vector<16xf32>
            %add3A_1440 = arith.constant 320 : i32
            %add3A_1441 = arith.addi %add3A_1440, %add3A_1376 : i32
            %get3A_1442 = arith.index_cast %add3A_1441 : i32 to index
            %get3A_1443 = arith.constant 32 : index
            %get3A_1444 = tpu.vector_load %arg16[%get3A_1442, %get3A_1443] {strides = array<i32>} : memref<480x64xbf16, #tpu.memory_space<vmem>>, vector<32xbf16>,
            %unpack3A_1445 = tpu.unpack_subelements %get3A_1444, 0 {pack_format = #tpu.pack_format<interleaved>} : vector<32xbf16> -> vector<16xf32>
            %unpack3A_1446 = tpu.unpack_subelements %get3A_1444, 1 {pack_format = #tpu.pack_format<interleaved>} : vector<32xbf16> -> vector<16xf32>
            %mul3A_1447 = vector.broadcast %squeeze3A_1378 : f32 to vector<16xf32>
            %mul3A_1448 = arith.mulf %mul3A_1447, %unpack3A_1431 : vector<16xf32>
            %mul3A_1449 = vector.broadcast %squeeze3A_1380 : f32 to vector<16xf32>
            %mul3A_1450 = arith.mulf %mul3A_1449, %unpack3A_1438 : vector<16xf32>
            %add3A_1451 = arith.addf %mul3A_1448, %mul3A_1450 : vector<16xf32>
            %mul3A_1452 = vector.broadcast %squeeze3A_1382 : f32 to vector<16xf32>
            %mul3A_1453 = arith.mulf %mul3A_1452, %unpack3A_1445 : vector<16xf32>
            %add3A_1454 = arith.addf %add3A_1451, %mul3A_1453 : vector<16xf32>
            %mul3A_1455 = vector.broadcast %squeeze3A_1378 : f32 to vector<16xf32>
            %mul3A_1456 = arith.mulf %mul3A_1455, %unpack3A_1432 : vector<16xf32>
            %mul3A_1457 = vector.broadcast %squeeze3A_1380 : f32 to vector<16xf32>
            %mul3A_1458 = arith.mulf %mul3A_1457, %unpack3A_1439 : vector<16xf32>
            %add3A_1459 = arith.addf %mul3A_1456, %mul3A_1458 : vector<16xf32>
            %mul3A_1460 = vector.broadcast %squeeze3A_1382 : f32 to vector<16xf32>
            %mul3A_1461 = arith.mulf %mul3A_1460, %unpack3A_1446 : vector<16xf32>
            %add3A_1462 = arith.addf %add3A_1459, %mul3A_1461 : vector<16xf32>
            %add3A_1463 = arith.constant 4 : i32
            %add3A_1464 = arith.addi %mul3A_594, %add3A_1463 : i32
            %swap3A_1465 = arith.index_cast %add3A_1464 : i32 to index
            %swap3A_1466 = arith.constant 32 : index
            %swap3A_1467 = tpu.vector_load %arg18[%swap3A_1465, %swap3A_1466] {strides = array<i32>} : memref<80x128xf32, #tpu.memory_space<vmem>>, vector<16xf32>,
            tpu.vector_store %arg18[%swap3A_1465, %swap3A_1466], %add3A_1454 {strides = array<i32>} : memref<80x128xf32, #tpu.memory_space<vmem>>, vector<16xf32>,
            %add3A_1468 = arith.constant 4 : i32
            %add3A_1469 = arith.addi %mul3A_594, %add3A_1468 : i32
            %swap3A_1470 = arith.index_cast %add3A_1469 : i32 to index
            %swap3A_1471 = arith.constant 48 : index
            %swap3A_1472 = tpu.vector_load %arg18[%swap3A_1470, %swap3A_1471] {strides = array<i32>} : memref<80x128xf32, #tpu.memory_space<vmem>>, vector<16xf32>,
            tpu.vector_store %arg18[%swap3A_1470, %swap3A_1471], %add3A_1462 {strides = array<i32>} : memref<80x128xf32, #tpu.memory_space<vmem>>, vector<16xf32>,
            %add3A_1473 = arith.constant 9 : i32
            %add3A_1474 = arith.addi %mul3A_583, %add3A_1473 : i32
            %slice3A_1475 = vector.extract_strided_slice %get3A_584 {offsets = [9], sizes = [1], strides = [1]} : vector<16xf32> to vector<1xf32>
            %squeeze3A_1476 = vector.extract %slice3A_1475[0] : f32 from vector<1xf32>
            %slice3A_1477 = vector.extract_strided_slice %get3A_588 {offsets = [9], sizes = [1], strides = [1]} : vector<16xf32> to vector<1xf32>
            %squeeze3A_1478 = vector.extract %slice3A_1477[0] : f32 from vector<1xf32>
            %slice3A_1479 = vector.extract_strided_slice %get3A_592 {offsets = [9], sizes = [1], strides = [1]} : vector<16xf32> to vector<1xf32>
            %squeeze3A_1480 = vector.extract %slice3A_1479[0] : f32 from vector<1xf32>
            %get3A_1481 = arith.index_cast %add3A_1474 : i32 to index
            %get3A_1482 = arith.constant 0 : index
            %get3A_1483 = tpu.vector_load %arg16[%get3A_1481, %get3A_1482] {strides = array<i32>} : memref<480x64xbf16, #tpu.memory_space<vmem>>, vector<32xbf16>,
            %unpack3A_1484 = tpu.unpack_subelements %get3A_1483, 0 {pack_format = #tpu.pack_format<interleaved>} : vector<32xbf16> -> vector<16xf32>
            %unpack3A_1485 = tpu.unpack_subelements %get3A_1483, 1 {pack_format = #tpu.pack_format<interleaved>} : vector<32xbf16> -> vector<16xf32>
            %add3A_1486 = arith.constant 160 : i32
            %add3A_1487 = arith.addi %add3A_1486, %add3A_1474 : i32
            %get3A_1488 = arith.index_cast %add3A_1487 : i32 to index
            %get3A_1489 = arith.constant 0 : index
            %get3A_1490 = tpu.vector_load %arg16[%get3A_1488, %get3A_1489] {strides = array<i32>} : memref<480x64xbf16, #tpu.memory_space<vmem>>, vector<32xbf16>,
            %unpack3A_1491 = tpu.unpack_subelements %get3A_1490, 0 {pack_format = #tpu.pack_format<interleaved>} : vector<32xbf16> -> vector<16xf32>
            %unpack3A_1492 = tpu.unpack_subelements %get3A_1490, 1 {pack_format = #tpu.pack_format<interleaved>} : vector<32xbf16> -> vector<16xf32>
            %add3A_1493 = arith.constant 320 : i32
            %add3A_1494 = arith.addi %add3A_1493, %add3A_1474 : i32
            %get3A_1495 = arith.index_cast %add3A_1494 : i32 to index
            %get3A_1496 = arith.constant 0 : index
            %get3A_1497 = tpu.vector_load %arg16[%get3A_1495, %get3A_1496] {strides = array<i32>} : memref<480x64xbf16, #tpu.memory_space<vmem>>, vector<32xbf16>,
            %unpack3A_1498 = tpu.unpack_subelements %get3A_1497, 0 {pack_format = #tpu.pack_format<interleaved>} : vector<32xbf16> -> vector<16xf32>
            %unpack3A_1499 = tpu.unpack_subelements %get3A_1497, 1 {pack_format = #tpu.pack_format<interleaved>} : vector<32xbf16> -> vector<16xf32>
            %mul3A_1500 = vector.broadcast %squeeze3A_1476 : f32 to vector<16xf32>
            %mul3A_1501 = arith.mulf %mul3A_1500, %unpack3A_1484 : vector<16xf32>
            %mul3A_1502 = vector.broadcast %squeeze3A_1478 : f32 to vector<16xf32>
            %mul3A_1503 = arith.mulf %mul3A_1502, %unpack3A_1491 : vector<16xf32>
            %add3A_1504 = arith.addf %mul3A_1501, %mul3A_1503 : vector<16xf32>
            %mul3A_1505 = vector.broadcast %squeeze3A_1480 : f32 to vector<16xf32>
            %mul3A_1506 = arith.mulf %mul3A_1505, %unpack3A_1498 : vector<16xf32>
            %add3A_1507 = arith.addf %add3A_1504, %mul3A_1506 : vector<16xf32>
            %mul3A_1508 = vector.broadcast %squeeze3A_1476 : f32 to vector<16xf32>
            %mul3A_1509 = arith.mulf %mul3A_1508, %unpack3A_1485 : vector<16xf32>
            %mul3A_1510 = vector.broadcast %squeeze3A_1478 : f32 to vector<16xf32>
            %mul3A_1511 = arith.mulf %mul3A_1510, %unpack3A_1492 : vector<16xf32>
            %add3A_1512 = arith.addf %mul3A_1509, %mul3A_1511 : vector<16xf32>
            %mul3A_1513 = vector.broadcast %squeeze3A_1480 : f32 to vector<16xf32>
            %mul3A_1514 = arith.mulf %mul3A_1513, %unpack3A_1499 : vector<16xf32>
            %add3A_1515 = arith.addf %add3A_1512, %mul3A_1514 : vector<16xf32>
            %add3A_1516 = arith.constant 4 : i32
            %add3A_1517 = arith.addi %mul3A_594, %add3A_1516 : i32
            %swap3A_1518 = arith.index_cast %add3A_1517 : i32 to index
            %swap3A_1519 = arith.constant 64 : index
            %swap3A_1520 = tpu.vector_load %arg18[%swap3A_1518, %swap3A_1519] {strides = array<i32>} : memref<80x128xf32, #tpu.memory_space<vmem>>, vector<16xf32>,
            tpu.vector_store %arg18[%swap3A_1518, %swap3A_1519], %add3A_1507 {strides = array<i32>} : memref<80x128xf32, #tpu.memory_space<vmem>>, vector<16xf32>,
            %add3A_1521 = arith.constant 4 : i32
            %add3A_1522 = arith.addi %mul3A_594, %add3A_1521 : i32
            %swap3A_1523 = arith.index_cast %add3A_1522 : i32 to index
            %swap3A_1524 = arith.constant 80 : index
            %swap3A_1525 = tpu.vector_load %arg18[%swap3A_1523, %swap3A_1524] {strides = array<i32>} : memref<80x128xf32, #tpu.memory_space<vmem>>, vector<16xf32>,
            tpu.vector_store %arg18[%swap3A_1523, %swap3A_1524], %add3A_1515 {strides = array<i32>} : memref<80x128xf32, #tpu.memory_space<vmem>>, vector<16xf32>,
            %get3A_1526 = arith.index_cast %add3A_1474 : i32 to index
            %get3A_1527 = arith.constant 32 : index
            %get3A_1528 = tpu.vector_load %arg16[%get3A_1526, %get3A_1527] {strides = array<i32>} : memref<480x64xbf16, #tpu.memory_space<vmem>>, vector<32xbf16>,
            %unpack3A_1529 = tpu.unpack_subelements %get3A_1528, 0 {pack_format = #tpu.pack_format<interleaved>} : vector<32xbf16> -> vector<16xf32>
            %unpack3A_1530 = tpu.unpack_subelements %get3A_1528, 1 {pack_format = #tpu.pack_format<interleaved>} : vector<32xbf16> -> vector<16xf32>
            %add3A_1531 = arith.constant 160 : i32
            %add3A_1532 = arith.addi %add3A_1531, %add3A_1474 : i32
            %get3A_1533 = arith.index_cast %add3A_1532 : i32 to index
            %get3A_1534 = arith.constant 32 : index
            %get3A_1535 = tpu.vector_load %arg16[%get3A_1533, %get3A_1534] {strides = array<i32>} : memref<480x64xbf16, #tpu.memory_space<vmem>>, vector<32xbf16>,
            %unpack3A_1536 = tpu.unpack_subelements %get3A_1535, 0 {pack_format = #tpu.pack_format<interleaved>} : vector<32xbf16> -> vector<16xf32>
            %unpack3A_1537 = tpu.unpack_subelements %get3A_1535, 1 {pack_format = #tpu.pack_format<interleaved>} : vector<32xbf16> -> vector<16xf32>
            %add3A_1538 = arith.constant 320 : i32
            %add3A_1539 = arith.addi %add3A_1538, %add3A_1474 : i32
            %get3A_1540 = arith.index_cast %add3A_1539 : i32 to index
            %get3A_1541 = arith.constant 32 : index
            %get3A_1542 = tpu.vector_load %arg16[%get3A_1540, %get3A_1541] {strides = array<i32>} : memref<480x64xbf16, #tpu.memory_space<vmem>>, vector<32xbf16>,
            %unpack3A_1543 = tpu.unpack_subelements %get3A_1542, 0 {pack_format = #tpu.pack_format<interleaved>} : vector<32xbf16> -> vector<16xf32>
            %unpack3A_1544 = tpu.unpack_subelements %get3A_1542, 1 {pack_format = #tpu.pack_format<interleaved>} : vector<32xbf16> -> vector<16xf32>
            %mul3A_1545 = vector.broadcast %squeeze3A_1476 : f32 to vector<16xf32>
            %mul3A_1546 = arith.mulf %mul3A_1545, %unpack3A_1529 : vector<16xf32>
            %mul3A_1547 = vector.broadcast %squeeze3A_1478 : f32 to vector<16xf32>
            %mul3A_1548 = arith.mulf %mul3A_1547, %unpack3A_1536 : vector<16xf32>
            %add3A_1549 = arith.addf %mul3A_1546, %mul3A_1548 : vector<16xf32>
            %mul3A_1550 = vector.broadcast %squeeze3A_1480 : f32 to vector<16xf32>
            %mul3A_1551 = arith.mulf %mul3A_1550, %unpack3A_1543 : vector<16xf32>
            %add3A_1552 = arith.addf %add3A_1549, %mul3A_1551 : vector<16xf32>
            %mul3A_1553 = vector.broadcast %squeeze3A_1476 : f32 to vector<16xf32>
            %mul3A_1554 = arith.mulf %mul3A_1553, %unpack3A_1530 : vector<16xf32>
            %mul3A_1555 = vector.broadcast %squeeze3A_1478 : f32 to vector<16xf32>
            %mul3A_1556 = arith.mulf %mul3A_1555, %unpack3A_1537 : vector<16xf32>
            %add3A_1557 = arith.addf %mul3A_1554, %mul3A_1556 : vector<16xf32>
            %mul3A_1558 = vector.broadcast %squeeze3A_1480 : f32 to vector<16xf32>
            %mul3A_1559 = arith.mulf %mul3A_1558, %unpack3A_1544 : vector<16xf32>
            %add3A_1560 = arith.addf %add3A_1557, %mul3A_1559 : vector<16xf32>
            %add3A_1561 = arith.constant 4 : i32
            %add3A_1562 = arith.addi %mul3A_594, %add3A_1561 : i32
            %swap3A_1563 = arith.index_cast %add3A_1562 : i32 to index
            %swap3A_1564 = arith.constant 96 : index
            %swap3A_1565 = tpu.vector_load %arg18[%swap3A_1563, %swap3A_1564] {strides = array<i32>} : memref<80x128xf32, #tpu.memory_space<vmem>>, vector<16xf32>,
            tpu.vector_store %arg18[%swap3A_1563, %swap3A_1564], %add3A_1552 {strides = array<i32>} : memref<80x128xf32, #tpu.memory_space<vmem>>, vector<16xf32>,
            %add3A_1566 = arith.constant 4 : i32
            %add3A_1567 = arith.addi %mul3A_594, %add3A_1566 : i32
            %swap3A_1568 = arith.index_cast %add3A_1567 : i32 to index
            %swap3A_1569 = arith.constant 112 : index
            %swap3A_1570 = tpu.vector_load %arg18[%swap3A_1568, %swap3A_1569] {strides = array<i32>} : memref<80x128xf32, #tpu.memory_space<vmem>>, vector<16xf32>,
            tpu.vector_store %arg18[%swap3A_1568, %swap3A_1569], %add3A_1560 {strides = array<i32>} : memref<80x128xf32, #tpu.memory_space<vmem>>, vector<16xf32>,
            %add3A_1571 = arith.constant 10 : i32
            %add3A_1572 = arith.addi %mul3A_583, %add3A_1571 : i32
            %slice3A_1573 = vector.extract_strided_slice %get3A_584 {offsets = [10], sizes = [1], strides = [1]} : vector<16xf32> to vector<1xf32>
            %squeeze3A_1574 = vector.extract %slice3A_1573[0] : f32 from vector<1xf32>
            %slice3A_1575 = vector.extract_strided_slice %get3A_588 {offsets = [10], sizes = [1], strides = [1]} : vector<16xf32> to vector<1xf32>
            %squeeze3A_1576 = vector.extract %slice3A_1575[0] : f32 from vector<1xf32>
            %slice3A_1577 = vector.extract_strided_slice %get3A_592 {offsets = [10], sizes = [1], strides = [1]} : vector<16xf32> to vector<1xf32>
            %squeeze3A_1578 = vector.extract %slice3A_1577[0] : f32 from vector<1xf32>
            %get3A_1579 = arith.index_cast %add3A_1572 : i32 to index
            %get3A_1580 = arith.constant 0 : index
            %get3A_1581 = tpu.vector_load %arg16[%get3A_1579, %get3A_1580] {strides = array<i32>} : memref<480x64xbf16, #tpu.memory_space<vmem>>, vector<32xbf16>,
            %unpack3A_1582 = tpu.unpack_subelements %get3A_1581, 0 {pack_format = #tpu.pack_format<interleaved>} : vector<32xbf16> -> vector<16xf32>
            %unpack3A_1583 = tpu.unpack_subelements %get3A_1581, 1 {pack_format = #tpu.pack_format<interleaved>} : vector<32xbf16> -> vector<16xf32>
            %add3A_1584 = arith.constant 160 : i32
            %add3A_1585 = arith.addi %add3A_1584, %add3A_1572 : i32
            %get3A_1586 = arith.index_cast %add3A_1585 : i32 to index
            %get3A_1587 = arith.constant 0 : index
            %get3A_1588 = tpu.vector_load %arg16[%get3A_1586, %get3A_1587] {strides = array<i32>} : memref<480x64xbf16, #tpu.memory_space<vmem>>, vector<32xbf16>,
            %unpack3A_1589 = tpu.unpack_subelements %get3A_1588, 0 {pack_format = #tpu.pack_format<interleaved>} : vector<32xbf16> -> vector<16xf32>
            %unpack3A_1590 = tpu.unpack_subelements %get3A_1588, 1 {pack_format = #tpu.pack_format<interleaved>} : vector<32xbf16> -> vector<16xf32>
            %add3A_1591 = arith.constant 320 : i32
            %add3A_1592 = arith.addi %add3A_1591, %add3A_1572 : i32
            %get3A_1593 = arith.index_cast %add3A_1592 : i32 to index
            %get3A_1594 = arith.constant 0 : index
            %get3A_1595 = tpu.vector_load %arg16[%get3A_1593, %get3A_1594] {strides = array<i32>} : memref<480x64xbf16, #tpu.memory_space<vmem>>, vector<32xbf16>,
            %unpack3A_1596 = tpu.unpack_subelements %get3A_1595, 0 {pack_format = #tpu.pack_format<interleaved>} : vector<32xbf16> -> vector<16xf32>
            %unpack3A_1597 = tpu.unpack_subelements %get3A_1595, 1 {pack_format = #tpu.pack_format<interleaved>} : vector<32xbf16> -> vector<16xf32>
            %mul3A_1598 = vector.broadcast %squeeze3A_1574 : f32 to vector<16xf32>
            %mul3A_1599 = arith.mulf %mul3A_1598, %unpack3A_1582 : vector<16xf32>
            %mul3A_1600 = vector.broadcast %squeeze3A_1576 : f32 to vector<16xf32>
            %mul3A_1601 = arith.mulf %mul3A_1600, %unpack3A_1589 : vector<16xf32>
            %add3A_1602 = arith.addf %mul3A_1599, %mul3A_1601 : vector<16xf32>
            %mul3A_1603 = vector.broadcast %squeeze3A_1578 : f32 to vector<16xf32>
            %mul3A_1604 = arith.mulf %mul3A_1603, %unpack3A_1596 : vector<16xf32>
            %add3A_1605 = arith.addf %add3A_1602, %mul3A_1604 : vector<16xf32>
            %mul3A_1606 = vector.broadcast %squeeze3A_1574 : f32 to vector<16xf32>
            %mul3A_1607 = arith.mulf %mul3A_1606, %unpack3A_1583 : vector<16xf32>
            %mul3A_1608 = vector.broadcast %squeeze3A_1576 : f32 to vector<16xf32>
            %mul3A_1609 = arith.mulf %mul3A_1608, %unpack3A_1590 : vector<16xf32>
            %add3A_1610 = arith.addf %mul3A_1607, %mul3A_1609 : vector<16xf32>
            %mul3A_1611 = vector.broadcast %squeeze3A_1578 : f32 to vector<16xf32>
            %mul3A_1612 = arith.mulf %mul3A_1611, %unpack3A_1597 : vector<16xf32>
            %add3A_1613 = arith.addf %add3A_1610, %mul3A_1612 : vector<16xf32>
            %add3A_1614 = arith.constant 5 : i32
            %add3A_1615 = arith.addi %mul3A_594, %add3A_1614 : i32
            %swap3A_1616 = arith.index_cast %add3A_1615 : i32 to index
            %swap3A_1617 = arith.constant 0 : index
            %swap3A_1618 = tpu.vector_load %arg18[%swap3A_1616, %swap3A_1617] {strides = array<i32>} : memref<80x128xf32, #tpu.memory_space<vmem>>, vector<16xf32>,
            tpu.vector_store %arg18[%swap3A_1616, %swap3A_1617], %add3A_1605 {strides = array<i32>} : memref<80x128xf32, #tpu.memory_space<vmem>>, vector<16xf32>,
            %add3A_1619 = arith.constant 5 : i32
            %add3A_1620 = arith.addi %mul3A_594, %add3A_1619 : i32
            %swap3A_1621 = arith.index_cast %add3A_1620 : i32 to index
            %swap3A_1622 = arith.constant 16 : index
            %swap3A_1623 = tpu.vector_load %arg18[%swap3A_1621, %swap3A_1622] {strides = array<i32>} : memref<80x128xf32, #tpu.memory_space<vmem>>, vector<16xf32>,
            tpu.vector_store %arg18[%swap3A_1621, %swap3A_1622], %add3A_1613 {strides = array<i32>} : memref<80x128xf32, #tpu.memory_space<vmem>>, vector<16xf32>,
            %get3A_1624 = arith.index_cast %add3A_1572 : i32 to index
            %get3A_1625 = arith.constant 32 : index
            %get3A_1626 = tpu.vector_load %arg16[%get3A_1624, %get3A_1625] {strides = array<i32>} : memref<480x64xbf16, #tpu.memory_space<vmem>>, vector<32xbf16>,
            %unpack3A_1627 = tpu.unpack_subelements %get3A_1626, 0 {pack_format = #tpu.pack_format<interleaved>} : vector<32xbf16> -> vector<16xf32>
            %unpack3A_1628 = tpu.unpack_subelements %get3A_1626, 1 {pack_format = #tpu.pack_format<interleaved>} : vector<32xbf16> -> vector<16xf32>
            %add3A_1629 = arith.constant 160 : i32
            %add3A_1630 = arith.addi %add3A_1629, %add3A_1572 : i32
            %get3A_1631 = arith.index_cast %add3A_1630 : i32 to index
            %get3A_1632 = arith.constant 32 : index
            %get3A_1633 = tpu.vector_load %arg16[%get3A_1631, %get3A_1632] {strides = array<i32>} : memref<480x64xbf16, #tpu.memory_space<vmem>>, vector<32xbf16>,
            %unpack3A_1634 = tpu.unpack_subelements %get3A_1633, 0 {pack_format = #tpu.pack_format<interleaved>} : vector<32xbf16> -> vector<16xf32>
            %unpack3A_1635 = tpu.unpack_subelements %get3A_1633, 1 {pack_format = #tpu.pack_format<interleaved>} : vector<32xbf16> -> vector<16xf32>
            %add3A_1636 = arith.constant 320 : i32
            %add3A_1637 = arith.addi %add3A_1636, %add3A_1572 : i32
            %get3A_1638 = arith.index_cast %add3A_1637 : i32 to index
            %get3A_1639 = arith.constant 32 : index
            %get3A_1640 = tpu.vector_load %arg16[%get3A_1638, %get3A_1639] {strides = array<i32>} : memref<480x64xbf16, #tpu.memory_space<vmem>>, vector<32xbf16>,
            %unpack3A_1641 = tpu.unpack_subelements %get3A_1640, 0 {pack_format = #tpu.pack_format<interleaved>} : vector<32xbf16> -> vector<16xf32>
            %unpack3A_1642 = tpu.unpack_subelements %get3A_1640, 1 {pack_format = #tpu.pack_format<interleaved>} : vector<32xbf16> -> vector<16xf32>
            %mul3A_1643 = vector.broadcast %squeeze3A_1574 : f32 to vector<16xf32>
            %mul3A_1644 = arith.mulf %mul3A_1643, %unpack3A_1627 : vector<16xf32>
            %mul3A_1645 = vector.broadcast %squeeze3A_1576 : f32 to vector<16xf32>
            %mul3A_1646 = arith.mulf %mul3A_1645, %unpack3A_1634 : vector<16xf32>
            %add3A_1647 = arith.addf %mul3A_1644, %mul3A_1646 : vector<16xf32>
            %mul3A_1648 = vector.broadcast %squeeze3A_1578 : f32 to vector<16xf32>
            %mul3A_1649 = arith.mulf %mul3A_1648, %unpack3A_1641 : vector<16xf32>
            %add3A_1650 = arith.addf %add3A_1647, %mul3A_1649 : vector<16xf32>
            %mul3A_1651 = vector.broadcast %squeeze3A_1574 : f32 to vector<16xf32>
            %mul3A_1652 = arith.mulf %mul3A_1651, %unpack3A_1628 : vector<16xf32>
            %mul3A_1653 = vector.broadcast %squeeze3A_1576 : f32 to vector<16xf32>
            %mul3A_1654 = arith.mulf %mul3A_1653, %unpack3A_1635 : vector<16xf32>
            %add3A_1655 = arith.addf %mul3A_1652, %mul3A_1654 : vector<16xf32>
            %mul3A_1656 = vector.broadcast %squeeze3A_1578 : f32 to vector<16xf32>
            %mul3A_1657 = arith.mulf %mul3A_1656, %unpack3A_1642 : vector<16xf32>
            %add3A_1658 = arith.addf %add3A_1655, %mul3A_1657 : vector<16xf32>
            %add3A_1659 = arith.constant 5 : i32
            %add3A_1660 = arith.addi %mul3A_594, %add3A_1659 : i32
            %swap3A_1661 = arith.index_cast %add3A_1660 : i32 to index
            %swap3A_1662 = arith.constant 32 : index
            %swap3A_1663 = tpu.vector_load %arg18[%swap3A_1661, %swap3A_1662] {strides = array<i32>} : memref<80x128xf32, #tpu.memory_space<vmem>>, vector<16xf32>,
            tpu.vector_store %arg18[%swap3A_1661, %swap3A_1662], %add3A_1650 {strides = array<i32>} : memref<80x128xf32, #tpu.memory_space<vmem>>, vector<16xf32>,
            %add3A_1664 = arith.constant 5 : i32
            %add3A_1665 = arith.addi %mul3A_594, %add3A_1664 : i32
            %swap3A_1666 = arith.index_cast %add3A_1665 : i32 to index
            %swap3A_1667 = arith.constant 48 : index
            %swap3A_1668 = tpu.vector_load %arg18[%swap3A_1666, %swap3A_1667] {strides = array<i32>} : memref<80x128xf32, #tpu.memory_space<vmem>>, vector<16xf32>,
            tpu.vector_store %arg18[%swap3A_1666, %swap3A_1667], %add3A_1658 {strides = array<i32>} : memref<80x128xf32, #tpu.memory_space<vmem>>, vector<16xf32>,
            %add3A_1669 = arith.constant 11 : i32
            %add3A_1670 = arith.addi %mul3A_583, %add3A_1669 : i32
            %slice3A_1671 = vector.extract_strided_slice %get3A_584 {offsets = [11], sizes = [1], strides = [1]} : vector<16xf32> to vector<1xf32>
            %squeeze3A_1672 = vector.extract %slice3A_1671[0] : f32 from vector<1xf32>
            %slice3A_1673 = vector.extract_strided_slice %get3A_588 {offsets = [11], sizes = [1], strides = [1]} : vector<16xf32> to vector<1xf32>
            %squeeze3A_1674 = vector.extract %slice3A_1673[0] : f32 from vector<1xf32>
            %slice3A_1675 = vector.extract_strided_slice %get3A_592 {offsets = [11], sizes = [1], strides = [1]} : vector<16xf32> to vector<1xf32>
            %squeeze3A_1676 = vector.extract %slice3A_1675[0] : f32 from vector<1xf32>
            %get3A_1677 = arith.index_cast %add3A_1670 : i32 to index
            %get3A_1678 = arith.constant 0 : index
            %get3A_1679 = tpu.vector_load %arg16[%get3A_1677, %get3A_1678] {strides = array<i32>} : memref<480x64xbf16, #tpu.memory_space<vmem>>, vector<32xbf16>,
            %unpack3A_1680 = tpu.unpack_subelements %get3A_1679, 0 {pack_format = #tpu.pack_format<interleaved>} : vector<32xbf16> -> vector<16xf32>
            %unpack3A_1681 = tpu.unpack_subelements %get3A_1679, 1 {pack_format = #tpu.pack_format<interleaved>} : vector<32xbf16> -> vector<16xf32>
            %add3A_1682 = arith.constant 160 : i32
            %add3A_1683 = arith.addi %add3A_1682, %add3A_1670 : i32
            %get3A_1684 = arith.index_cast %add3A_1683 : i32 to index
            %get3A_1685 = arith.constant 0 : index
            %get3A_1686 = tpu.vector_load %arg16[%get3A_1684, %get3A_1685] {strides = array<i32>} : memref<480x64xbf16, #tpu.memory_space<vmem>>, vector<32xbf16>,
            %unpack3A_1687 = tpu.unpack_subelements %get3A_1686, 0 {pack_format = #tpu.pack_format<interleaved>} : vector<32xbf16> -> vector<16xf32>
            %unpack3A_1688 = tpu.unpack_subelements %get3A_1686, 1 {pack_format = #tpu.pack_format<interleaved>} : vector<32xbf16> -> vector<16xf32>
            %add3A_1689 = arith.constant 320 : i32
            %add3A_1690 = arith.addi %add3A_1689, %add3A_1670 : i32
            %get3A_1691 = arith.index_cast %add3A_1690 : i32 to index
            %get3A_1692 = arith.constant 0 : index
            %get3A_1693 = tpu.vector_load %arg16[%get3A_1691, %get3A_1692] {strides = array<i32>} : memref<480x64xbf16, #tpu.memory_space<vmem>>, vector<32xbf16>,
            %unpack3A_1694 = tpu.unpack_subelements %get3A_1693, 0 {pack_format = #tpu.pack_format<interleaved>} : vector<32xbf16> -> vector<16xf32>
            %unpack3A_1695 = tpu.unpack_subelements %get3A_1693, 1 {pack_format = #tpu.pack_format<interleaved>} : vector<32xbf16> -> vector<16xf32>
            %mul3A_1696 = vector.broadcast %squeeze3A_1672 : f32 to vector<16xf32>
            %mul3A_1697 = arith.mulf %mul3A_1696, %unpack3A_1680 : vector<16xf32>
            %mul3A_1698 = vector.broadcast %squeeze3A_1674 : f32 to vector<16xf32>
            %mul3A_1699 = arith.mulf %mul3A_1698, %unpack3A_1687 : vector<16xf32>
            %add3A_1700 = arith.addf %mul3A_1697, %mul3A_1699 : vector<16xf32>
            %mul3A_1701 = vector.broadcast %squeeze3A_1676 : f32 to vector<16xf32>
            %mul3A_1702 = arith.mulf %mul3A_1701, %unpack3A_1694 : vector<16xf32>
            %add3A_1703 = arith.addf %add3A_1700, %mul3A_1702 : vector<16xf32>
            %mul3A_1704 = vector.broadcast %squeeze3A_1672 : f32 to vector<16xf32>
            %mul3A_1705 = arith.mulf %mul3A_1704, %unpack3A_1681 : vector<16xf32>
            %mul3A_1706 = vector.broadcast %squeeze3A_1674 : f32 to vector<16xf32>
            %mul3A_1707 = arith.mulf %mul3A_1706, %unpack3A_1688 : vector<16xf32>
            %add3A_1708 = arith.addf %mul3A_1705, %mul3A_1707 : vector<16xf32>
            %mul3A_1709 = vector.broadcast %squeeze3A_1676 : f32 to vector<16xf32>
            %mul3A_1710 = arith.mulf %mul3A_1709, %unpack3A_1695 : vector<16xf32>
            %add3A_1711 = arith.addf %add3A_1708, %mul3A_1710 : vector<16xf32>
            %add3A_1712 = arith.constant 5 : i32
            %add3A_1713 = arith.addi %mul3A_594, %add3A_1712 : i32
            %swap3A_1714 = arith.index_cast %add3A_1713 : i32 to index
            %swap3A_1715 = arith.constant 64 : index
            %swap3A_1716 = tpu.vector_load %arg18[%swap3A_1714, %swap3A_1715] {strides = array<i32>} : memref<80x128xf32, #tpu.memory_space<vmem>>, vector<16xf32>,
            tpu.vector_store %arg18[%swap3A_1714, %swap3A_1715], %add3A_1703 {strides = array<i32>} : memref<80x128xf32, #tpu.memory_space<vmem>>, vector<16xf32>,
            %add3A_1717 = arith.constant 5 : i32
            %add3A_1718 = arith.addi %mul3A_594, %add3A_1717 : i32
            %swap3A_1719 = arith.index_cast %add3A_1718 : i32 to index
            %swap3A_1720 = arith.constant 80 : index
            %swap3A_1721 = tpu.vector_load %arg18[%swap3A_1719, %swap3A_1720] {strides = array<i32>} : memref<80x128xf32, #tpu.memory_space<vmem>>, vector<16xf32>,
            tpu.vector_store %arg18[%swap3A_1719, %swap3A_1720], %add3A_1711 {strides = array<i32>} : memref<80x128xf32, #tpu.memory_space<vmem>>, vector<16xf32>,
            %get3A_1722 = arith.index_cast %add3A_1670 : i32 to index
            %get3A_1723 = arith.constant 32 : index
            %get3A_1724 = tpu.vector_load %arg16[%get3A_1722, %get3A_1723] {strides = array<i32>} : memref<480x64xbf16, #tpu.memory_space<vmem>>, vector<32xbf16>,
            %unpack3A_1725 = tpu.unpack_subelements %get3A_1724, 0 {pack_format = #tpu.pack_format<interleaved>} : vector<32xbf16> -> vector<16xf32>
            %unpack3A_1726 = tpu.unpack_subelements %get3A_1724, 1 {pack_format = #tpu.pack_format<interleaved>} : vector<32xbf16> -> vector<16xf32>
            %add3A_1727 = arith.constant 160 : i32
            %add3A_1728 = arith.addi %add3A_1727, %add3A_1670 : i32
            %get3A_1729 = arith.index_cast %add3A_1728 : i32 to index
            %get3A_1730 = arith.constant 32 : index
            %get3A_1731 = tpu.vector_load %arg16[%get3A_1729, %get3A_1730] {strides = array<i32>} : memref<480x64xbf16, #tpu.memory_space<vmem>>, vector<32xbf16>,
            %unpack3A_1732 = tpu.unpack_subelements %get3A_1731, 0 {pack_format = #tpu.pack_format<interleaved>} : vector<32xbf16> -> vector<16xf32>
            %unpack3A_1733 = tpu.unpack_subelements %get3A_1731, 1 {pack_format = #tpu.pack_format<interleaved>} : vector<32xbf16> -> vector<16xf32>
            %add3A_1734 = arith.constant 320 : i32
            %add3A_1735 = arith.addi %add3A_1734, %add3A_1670 : i32
            %get3A_1736 = arith.index_cast %add3A_1735 : i32 to index
            %get3A_1737 = arith.constant 32 : index
            %get3A_1738 = tpu.vector_load %arg16[%get3A_1736, %get3A_1737] {strides = array<i32>} : memref<480x64xbf16, #tpu.memory_space<vmem>>, vector<32xbf16>,
            %unpack3A_1739 = tpu.unpack_subelements %get3A_1738, 0 {pack_format = #tpu.pack_format<interleaved>} : vector<32xbf16> -> vector<16xf32>
            %unpack3A_1740 = tpu.unpack_subelements %get3A_1738, 1 {pack_format = #tpu.pack_format<interleaved>} : vector<32xbf16> -> vector<16xf32>
            %mul3A_1741 = vector.broadcast %squeeze3A_1672 : f32 to vector<16xf32>
            %mul3A_1742 = arith.mulf %mul3A_1741, %unpack3A_1725 : vector<16xf32>
            %mul3A_1743 = vector.broadcast %squeeze3A_1674 : f32 to vector<16xf32>
            %mul3A_1744 = arith.mulf %mul3A_1743, %unpack3A_1732 : vector<16xf32>
            %add3A_1745 = arith.addf %mul3A_1742, %mul3A_1744 : vector<16xf32>
            %mul3A_1746 = vector.broadcast %squeeze3A_1676 : f32 to vector<16xf32>
            %mul3A_1747 = arith.mulf %mul3A_1746, %unpack3A_1739 : vector<16xf32>
            %add3A_1748 = arith.addf %add3A_1745, %mul3A_1747 : vector<16xf32>
            %mul3A_1749 = vector.broadcast %squeeze3A_1672 : f32 to vector<16xf32>
            %mul3A_1750 = arith.mulf %mul3A_1749, %unpack3A_1726 : vector<16xf32>
            %mul3A_1751 = vector.broadcast %squeeze3A_1674 : f32 to vector<16xf32>
            %mul3A_1752 = arith.mulf %mul3A_1751, %unpack3A_1733 : vector<16xf32>
            %add3A_1753 = arith.addf %mul3A_1750, %mul3A_1752 : vector<16xf32>
            %mul3A_1754 = vector.broadcast %squeeze3A_1676 : f32 to vector<16xf32>
            %mul3A_1755 = arith.mulf %mul3A_1754, %unpack3A_1740 : vector<16xf32>
            %add3A_1756 = arith.addf %add3A_1753, %mul3A_1755 : vector<16xf32>
            %add3A_1757 = arith.constant 5 : i32
            %add3A_1758 = arith.addi %mul3A_594, %add3A_1757 : i32
            %swap3A_1759 = arith.index_cast %add3A_1758 : i32 to index
            %swap3A_1760 = arith.constant 96 : index
            %swap3A_1761 = tpu.vector_load %arg18[%swap3A_1759, %swap3A_1760] {strides = array<i32>} : memref<80x128xf32, #tpu.memory_space<vmem>>, vector<16xf32>,
            tpu.vector_store %arg18[%swap3A_1759, %swap3A_1760], %add3A_1748 {strides = array<i32>} : memref<80x128xf32, #tpu.memory_space<vmem>>, vector<16xf32>,
            %add3A_1762 = arith.constant 5 : i32
            %add3A_1763 = arith.addi %mul3A_594, %add3A_1762 : i32
            %swap3A_1764 = arith.index_cast %add3A_1763 : i32 to index
            %swap3A_1765 = arith.constant 112 : index
            %swap3A_1766 = tpu.vector_load %arg18[%swap3A_1764, %swap3A_1765] {strides = array<i32>} : memref<80x128xf32, #tpu.memory_space<vmem>>, vector<16xf32>,
            tpu.vector_store %arg18[%swap3A_1764, %swap3A_1765], %add3A_1756 {strides = array<i32>} : memref<80x128xf32, #tpu.memory_space<vmem>>, vector<16xf32>,
            %add3A_1767 = arith.constant 12 : i32
            %add3A_1768 = arith.addi %mul3A_583, %add3A_1767 : i32
            %slice3A_1769 = vector.extract_strided_slice %get3A_584 {offsets = [12], sizes = [1], strides = [1]} : vector<16xf32> to vector<1xf32>
            %squeeze3A_1770 = vector.extract %slice3A_1769[0] : f32 from vector<1xf32>
            %slice3A_1771 = vector.extract_strided_slice %get3A_588 {offsets = [12], sizes = [1], strides = [1]} : vector<16xf32> to vector<1xf32>
            %squeeze3A_1772 = vector.extract %slice3A_1771[0] : f32 from vector<1xf32>
            %slice3A_1773 = vector.extract_strided_slice %get3A_592 {offsets = [12], sizes = [1], strides = [1]} : vector<16xf32> to vector<1xf32>
            %squeeze3A_1774 = vector.extract %slice3A_1773[0] : f32 from vector<1xf32>
            %get3A_1775 = arith.index_cast %add3A_1768 : i32 to index
            %get3A_1776 = arith.constant 0 : index
            %get3A_1777 = tpu.vector_load %arg16[%get3A_1775, %get3A_1776] {strides = array<i32>} : memref<480x64xbf16, #tpu.memory_space<vmem>>, vector<32xbf16>,
            %unpack3A_1778 = tpu.unpack_subelements %get3A_1777, 0 {pack_format = #tpu.pack_format<interleaved>} : vector<32xbf16> -> vector<16xf32>
            %unpack3A_1779 = tpu.unpack_subelements %get3A_1777, 1 {pack_format = #tpu.pack_format<interleaved>} : vector<32xbf16> -> vector<16xf32>
            %add3A_1780 = arith.constant 160 : i32
            %add3A_1781 = arith.addi %add3A_1780, %add3A_1768 : i32
            %get3A_1782 = arith.index_cast %add3A_1781 : i32 to index
            %get3A_1783 = arith.constant 0 : index
            %get3A_1784 = tpu.vector_load %arg16[%get3A_1782, %get3A_1783] {strides = array<i32>} : memref<480x64xbf16, #tpu.memory_space<vmem>>, vector<32xbf16>,
            %unpack3A_1785 = tpu.unpack_subelements %get3A_1784, 0 {pack_format = #tpu.pack_format<interleaved>} : vector<32xbf16> -> vector<16xf32>
            %unpack3A_1786 = tpu.unpack_subelements %get3A_1784, 1 {pack_format = #tpu.pack_format<interleaved>} : vector<32xbf16> -> vector<16xf32>
            %add3A_1787 = arith.constant 320 : i32
            %add3A_1788 = arith.addi %add3A_1787, %add3A_1768 : i32
            %get3A_1789 = arith.index_cast %add3A_1788 : i32 to index
            %get3A_1790 = arith.constant 0 : index
            %get3A_1791 = tpu.vector_load %arg16[%get3A_1789, %get3A_1790] {strides = array<i32>} : memref<480x64xbf16, #tpu.memory_space<vmem>>, vector<32xbf16>,
            %unpack3A_1792 = tpu.unpack_subelements %get3A_1791, 0 {pack_format = #tpu.pack_format<interleaved>} : vector<32xbf16> -> vector<16xf32>
            %unpack3A_1793 = tpu.unpack_subelements %get3A_1791, 1 {pack_format = #tpu.pack_format<interleaved>} : vector<32xbf16> -> vector<16xf32>
            %mul3A_1794 = vector.broadcast %squeeze3A_1770 : f32 to vector<16xf32>
            %mul3A_1795 = arith.mulf %mul3A_1794, %unpack3A_1778 : vector<16xf32>
            %mul3A_1796 = vector.broadcast %squeeze3A_1772 : f32 to vector<16xf32>
            %mul3A_1797 = arith.mulf %mul3A_1796, %unpack3A_1785 : vector<16xf32>
            %add3A_1798 = arith.addf %mul3A_1795, %mul3A_1797 : vector<16xf32>
            %mul3A_1799 = vector.broadcast %squeeze3A_1774 : f32 to vector<16xf32>
            %mul3A_1800 = arith.mulf %mul3A_1799, %unpack3A_1792 : vector<16xf32>
            %add3A_1801 = arith.addf %add3A_1798, %mul3A_1800 : vector<16xf32>
            %mul3A_1802 = vector.broadcast %squeeze3A_1770 : f32 to vector<16xf32>
            %mul3A_1803 = arith.mulf %mul3A_1802, %unpack3A_1779 : vector<16xf32>
            %mul3A_1804 = vector.broadcast %squeeze3A_1772 : f32 to vector<16xf32>
            %mul3A_1805 = arith.mulf %mul3A_1804, %unpack3A_1786 : vector<16xf32>
            %add3A_1806 = arith.addf %mul3A_1803, %mul3A_1805 : vector<16xf32>
            %mul3A_1807 = vector.broadcast %squeeze3A_1774 : f32 to vector<16xf32>
            %mul3A_1808 = arith.mulf %mul3A_1807, %unpack3A_1793 : vector<16xf32>
            %add3A_1809 = arith.addf %add3A_1806, %mul3A_1808 : vector<16xf32>
            %add3A_1810 = arith.constant 6 : i32
            %add3A_1811 = arith.addi %mul3A_594, %add3A_1810 : i32
            %swap3A_1812 = arith.index_cast %add3A_1811 : i32 to index
            %swap3A_1813 = arith.constant 0 : index
            %swap3A_1814 = tpu.vector_load %arg18[%swap3A_1812, %swap3A_1813] {strides = array<i32>} : memref<80x128xf32, #tpu.memory_space<vmem>>, vector<16xf32>,
            tpu.vector_store %arg18[%swap3A_1812, %swap3A_1813], %add3A_1801 {strides = array<i32>} : memref<80x128xf32, #tpu.memory_space<vmem>>, vector<16xf32>,
            %add3A_1815 = arith.constant 6 : i32
            %add3A_1816 = arith.addi %mul3A_594, %add3A_1815 : i32
            %swap3A_1817 = arith.index_cast %add3A_1816 : i32 to index
            %swap3A_1818 = arith.constant 16 : index
            %swap3A_1819 = tpu.vector_load %arg18[%swap3A_1817, %swap3A_1818] {strides = array<i32>} : memref<80x128xf32, #tpu.memory_space<vmem>>, vector<16xf32>,
            tpu.vector_store %arg18[%swap3A_1817, %swap3A_1818], %add3A_1809 {strides = array<i32>} : memref<80x128xf32, #tpu.memory_space<vmem>>, vector<16xf32>,
            %get3A_1820 = arith.index_cast %add3A_1768 : i32 to index
            %get3A_1821 = arith.constant 32 : index
            %get3A_1822 = tpu.vector_load %arg16[%get3A_1820, %get3A_1821] {strides = array<i32>} : memref<480x64xbf16, #tpu.memory_space<vmem>>, vector<32xbf16>,
            %unpack3A_1823 = tpu.unpack_subelements %get3A_1822, 0 {pack_format = #tpu.pack_format<interleaved>} : vector<32xbf16> -> vector<16xf32>
            %unpack3A_1824 = tpu.unpack_subelements %get3A_1822, 1 {pack_format = #tpu.pack_format<interleaved>} : vector<32xbf16> -> vector<16xf32>
            %add3A_1825 = arith.constant 160 : i32
            %add3A_1826 = arith.addi %add3A_1825, %add3A_1768 : i32
            %get3A_1827 = arith.index_cast %add3A_1826 : i32 to index
            %get3A_1828 = arith.constant 32 : index
            %get3A_1829 = tpu.vector_load %arg16[%get3A_1827, %get3A_1828] {strides = array<i32>} : memref<480x64xbf16, #tpu.memory_space<vmem>>, vector<32xbf16>,
            %unpack3A_1830 = tpu.unpack_subelements %get3A_1829, 0 {pack_format = #tpu.pack_format<interleaved>} : vector<32xbf16> -> vector<16xf32>
            %unpack3A_1831 = tpu.unpack_subelements %get3A_1829, 1 {pack_format = #tpu.pack_format<interleaved>} : vector<32xbf16> -> vector<16xf32>
            %add3A_1832 = arith.constant 320 : i32
            %add3A_1833 = arith.addi %add3A_1832, %add3A_1768 : i32
            %get3A_1834 = arith.index_cast %add3A_1833 : i32 to index
            %get3A_1835 = arith.constant 32 : index
            %get3A_1836 = tpu.vector_load %arg16[%get3A_1834, %get3A_1835] {strides = array<i32>} : memref<480x64xbf16, #tpu.memory_space<vmem>>, vector<32xbf16>,
            %unpack3A_1837 = tpu.unpack_subelements %get3A_1836, 0 {pack_format = #tpu.pack_format<interleaved>} : vector<32xbf16> -> vector<16xf32>
            %unpack3A_1838 = tpu.unpack_subelements %get3A_1836, 1 {pack_format = #tpu.pack_format<interleaved>} : vector<32xbf16> -> vector<16xf32>
            %mul3A_1839 = vector.broadcast %squeeze3A_1770 : f32 to vector<16xf32>
            %mul3A_1840 = arith.mulf %mul3A_1839, %unpack3A_1823 : vector<16xf32>
            %mul3A_1841 = vector.broadcast %squeeze3A_1772 : f32 to vector<16xf32>
            %mul3A_1842 = arith.mulf %mul3A_1841, %unpack3A_1830 : vector<16xf32>
            %add3A_1843 = arith.addf %mul3A_1840, %mul3A_1842 : vector<16xf32>
            %mul3A_1844 = vector.broadcast %squeeze3A_1774 : f32 to vector<16xf32>
            %mul3A_1845 = arith.mulf %mul3A_1844, %unpack3A_1837 : vector<16xf32>
            %add3A_1846 = arith.addf %add3A_1843, %mul3A_1845 : vector<16xf32>
            %mul3A_1847 = vector.broadcast %squeeze3A_1770 : f32 to vector<16xf32>
            %mul3A_1848 = arith.mulf %mul3A_1847, %unpack3A_1824 : vector<16xf32>
            %mul3A_1849 = vector.broadcast %squeeze3A_1772 : f32 to vector<16xf32>
            %mul3A_1850 = arith.mulf %mul3A_1849, %unpack3A_1831 : vector<16xf32>
            %add3A_1851 = arith.addf %mul3A_1848, %mul3A_1850 : vector<16xf32>
            %mul3A_1852 = vector.broadcast %squeeze3A_1774 : f32 to vector<16xf32>
            %mul3A_1853 = arith.mulf %mul3A_1852, %unpack3A_1838 : vector<16xf32>
            %add3A_1854 = arith.addf %add3A_1851, %mul3A_1853 : vector<16xf32>
            %add3A_1855 = arith.constant 6 : i32
            %add3A_1856 = arith.addi %mul3A_594, %add3A_1855 : i32
            %swap3A_1857 = arith.index_cast %add3A_1856 : i32 to index
            %swap3A_1858 = arith.constant 32 : index
            %swap3A_1859 = tpu.vector_load %arg18[%swap3A_1857, %swap3A_1858] {strides = array<i32>} : memref<80x128xf32, #tpu.memory_space<vmem>>, vector<16xf32>,
            tpu.vector_store %arg18[%swap3A_1857, %swap3A_1858], %add3A_1846 {strides = array<i32>} : memref<80x128xf32, #tpu.memory_space<vmem>>, vector<16xf32>,
            %add3A_1860 = arith.constant 6 : i32
            %add3A_1861 = arith.addi %mul3A_594, %add3A_1860 : i32
            %swap3A_1862 = arith.index_cast %add3A_1861 : i32 to index
            %swap3A_1863 = arith.constant 48 : index
            %swap3A_1864 = tpu.vector_load %arg18[%swap3A_1862, %swap3A_1863] {strides = array<i32>} : memref<80x128xf32, #tpu.memory_space<vmem>>, vector<16xf32>,
            tpu.vector_store %arg18[%swap3A_1862, %swap3A_1863], %add3A_1854 {strides = array<i32>} : memref<80x128xf32, #tpu.memory_space<vmem>>, vector<16xf32>,
            %add3A_1865 = arith.constant 13 : i32
            %add3A_1866 = arith.addi %mul3A_583, %add3A_1865 : i32
            %slice3A_1867 = vector.extract_strided_slice %get3A_584 {offsets = [13], sizes = [1], strides = [1]} : vector<16xf32> to vector<1xf32>
            %squeeze3A_1868 = vector.extract %slice3A_1867[0] : f32 from vector<1xf32>
            %slice3A_1869 = vector.extract_strided_slice %get3A_588 {offsets = [13], sizes = [1], strides = [1]} : vector<16xf32> to vector<1xf32>
            %squeeze3A_1870 = vector.extract %slice3A_1869[0] : f32 from vector<1xf32>
            %slice3A_1871 = vector.extract_strided_slice %get3A_592 {offsets = [13], sizes = [1], strides = [1]} : vector<16xf32> to vector<1xf32>
            %squeeze3A_1872 = vector.extract %slice3A_1871[0] : f32 from vector<1xf32>
            %get3A_1873 = arith.index_cast %add3A_1866 : i32 to index
            %get3A_1874 = arith.constant 0 : index
            %get3A_1875 = tpu.vector_load %arg16[%get3A_1873, %get3A_1874] {strides = array<i32>} : memref<480x64xbf16, #tpu.memory_space<vmem>>, vector<32xbf16>,
            %unpack3A_1876 = tpu.unpack_subelements %get3A_1875, 0 {pack_format = #tpu.pack_format<interleaved>} : vector<32xbf16> -> vector<16xf32>
            %unpack3A_1877 = tpu.unpack_subelements %get3A_1875, 1 {pack_format = #tpu.pack_format<interleaved>} : vector<32xbf16> -> vector<16xf32>
            %add3A_1878 = arith.constant 160 : i32
            %add3A_1879 = arith.addi %add3A_1878, %add3A_1866 : i32
            %get3A_1880 = arith.index_cast %add3A_1879 : i32 to index
            %get3A_1881 = arith.constant 0 : index
            %get3A_1882 = tpu.vector_load %arg16[%get3A_1880, %get3A_1881] {strides = array<i32>} : memref<480x64xbf16, #tpu.memory_space<vmem>>, vector<32xbf16>,
            %unpack3A_1883 = tpu.unpack_subelements %get3A_1882, 0 {pack_format = #tpu.pack_format<interleaved>} : vector<32xbf16> -> vector<16xf32>
            %unpack3A_1884 = tpu.unpack_subelements %get3A_1882, 1 {pack_format = #tpu.pack_format<interleaved>} : vector<32xbf16> -> vector<16xf32>
            %add3A_1885 = arith.constant 320 : i32
            %add3A_1886 = arith.addi %add3A_1885, %add3A_1866 : i32
            %get3A_1887 = arith.index_cast %add3A_1886 : i32 to index
            %get3A_1888 = arith.constant 0 : index
            %get3A_1889 = tpu.vector_load %arg16[%get3A_1887, %get3A_1888] {strides = array<i32>} : memref<480x64xbf16, #tpu.memory_space<vmem>>, vector<32xbf16>,
            %unpack3A_1890 = tpu.unpack_subelements %get3A_1889, 0 {pack_format = #tpu.pack_format<interleaved>} : vector<32xbf16> -> vector<16xf32>
            %unpack3A_1891 = tpu.unpack_subelements %get3A_1889, 1 {pack_format = #tpu.pack_format<interleaved>} : vector<32xbf16> -> vector<16xf32>
            %mul3A_1892 = vector.broadcast %squeeze3A_1868 : f32 to vector<16xf32>
            %mul3A_1893 = arith.mulf %mul3A_1892, %unpack3A_1876 : vector<16xf32>
            %mul3A_1894 = vector.broadcast %squeeze3A_1870 : f32 to vector<16xf32>
            %mul3A_1895 = arith.mulf %mul3A_1894, %unpack3A_1883 : vector<16xf32>
            %add3A_1896 = arith.addf %mul3A_1893, %mul3A_1895 : vector<16xf32>
            %mul3A_1897 = vector.broadcast %squeeze3A_1872 : f32 to vector<16xf32>
            %mul3A_1898 = arith.mulf %mul3A_1897, %unpack3A_1890 : vector<16xf32>
            %add3A_1899 = arith.addf %add3A_1896, %mul3A_1898 : vector<16xf32>
            %mul3A_1900 = vector.broadcast %squeeze3A_1868 : f32 to vector<16xf32>
            %mul3A_1901 = arith.mulf %mul3A_1900, %unpack3A_1877 : vector<16xf32>
            %mul3A_1902 = vector.broadcast %squeeze3A_1870 : f32 to vector<16xf32>
            %mul3A_1903 = arith.mulf %mul3A_1902, %unpack3A_1884 : vector<16xf32>
            %add3A_1904 = arith.addf %mul3A_1901, %mul3A_1903 : vector<16xf32>
            %mul3A_1905 = vector.broadcast %squeeze3A_1872 : f32 to vector<16xf32>
            %mul3A_1906 = arith.mulf %mul3A_1905, %unpack3A_1891 : vector<16xf32>
            %add3A_1907 = arith.addf %add3A_1904, %mul3A_1906 : vector<16xf32>
            %add3A_1908 = arith.constant 6 : i32
            %add3A_1909 = arith.addi %mul3A_594, %add3A_1908 : i32
            %swap3A_1910 = arith.index_cast %add3A_1909 : i32 to index
            %swap3A_1911 = arith.constant 64 : index
            %swap3A_1912 = tpu.vector_load %arg18[%swap3A_1910, %swap3A_1911] {strides = array<i32>} : memref<80x128xf32, #tpu.memory_space<vmem>>, vector<16xf32>,
            tpu.vector_store %arg18[%swap3A_1910, %swap3A_1911], %add3A_1899 {strides = array<i32>} : memref<80x128xf32, #tpu.memory_space<vmem>>, vector<16xf32>,
            %add3A_1913 = arith.constant 6 : i32
            %add3A_1914 = arith.addi %mul3A_594, %add3A_1913 : i32
            %swap3A_1915 = arith.index_cast %add3A_1914 : i32 to index
            %swap3A_1916 = arith.constant 80 : index
            %swap3A_1917 = tpu.vector_load %arg18[%swap3A_1915, %swap3A_1916] {strides = array<i32>} : memref<80x128xf32, #tpu.memory_space<vmem>>, vector<16xf32>,
            tpu.vector_store %arg18[%swap3A_1915, %swap3A_1916], %add3A_1907 {strides = array<i32>} : memref<80x128xf32, #tpu.memory_space<vmem>>, vector<16xf32>,
            %get3A_1918 = arith.index_cast %add3A_1866 : i32 to index
            %get3A_1919 = arith.constant 32 : index
            %get3A_1920 = tpu.vector_load %arg16[%get3A_1918, %get3A_1919] {strides = array<i32>} : memref<480x64xbf16, #tpu.memory_space<vmem>>, vector<32xbf16>,
            %unpack3A_1921 = tpu.unpack_subelements %get3A_1920, 0 {pack_format = #tpu.pack_format<interleaved>} : vector<32xbf16> -> vector<16xf32>
            %unpack3A_1922 = tpu.unpack_subelements %get3A_1920, 1 {pack_format = #tpu.pack_format<interleaved>} : vector<32xbf16> -> vector<16xf32>
            %add3A_1923 = arith.constant 160 : i32
            %add3A_1924 = arith.addi %add3A_1923, %add3A_1866 : i32
            %get3A_1925 = arith.index_cast %add3A_1924 : i32 to index
            %get3A_1926 = arith.constant 32 : index
            %get3A_1927 = tpu.vector_load %arg16[%get3A_1925, %get3A_1926] {strides = array<i32>} : memref<480x64xbf16, #tpu.memory_space<vmem>>, vector<32xbf16>,
            %unpack3A_1928 = tpu.unpack_subelements %get3A_1927, 0 {pack_format = #tpu.pack_format<interleaved>} : vector<32xbf16> -> vector<16xf32>
            %unpack3A_1929 = tpu.unpack_subelements %get3A_1927, 1 {pack_format = #tpu.pack_format<interleaved>} : vector<32xbf16> -> vector<16xf32>
            %add3A_1930 = arith.constant 320 : i32
            %add3A_1931 = arith.addi %add3A_1930, %add3A_1866 : i32
            %get3A_1932 = arith.index_cast %add3A_1931 : i32 to index
            %get3A_1933 = arith.constant 32 : index
            %get3A_1934 = tpu.vector_load %arg16[%get3A_1932, %get3A_1933] {strides = array<i32>} : memref<480x64xbf16, #tpu.memory_space<vmem>>, vector<32xbf16>,
            %unpack3A_1935 = tpu.unpack_subelements %get3A_1934, 0 {pack_format = #tpu.pack_format<interleaved>} : vector<32xbf16> -> vector<16xf32>
            %unpack3A_1936 = tpu.unpack_subelements %get3A_1934, 1 {pack_format = #tpu.pack_format<interleaved>} : vector<32xbf16> -> vector<16xf32>
            %mul3A_1937 = vector.broadcast %squeeze3A_1868 : f32 to vector<16xf32>
            %mul3A_1938 = arith.mulf %mul3A_1937, %unpack3A_1921 : vector<16xf32>
            %mul3A_1939 = vector.broadcast %squeeze3A_1870 : f32 to vector<16xf32>
            %mul3A_1940 = arith.mulf %mul3A_1939, %unpack3A_1928 : vector<16xf32>
            %add3A_1941 = arith.addf %mul3A_1938, %mul3A_1940 : vector<16xf32>
            %mul3A_1942 = vector.broadcast %squeeze3A_1872 : f32 to vector<16xf32>
            %mul3A_1943 = arith.mulf %mul3A_1942, %unpack3A_1935 : vector<16xf32>
            %add3A_1944 = arith.addf %add3A_1941, %mul3A_1943 : vector<16xf32>
            %mul3A_1945 = vector.broadcast %squeeze3A_1868 : f32 to vector<16xf32>
            %mul3A_1946 = arith.mulf %mul3A_1945, %unpack3A_1922 : vector<16xf32>
            %mul3A_1947 = vector.broadcast %squeeze3A_1870 : f32 to vector<16xf32>
            %mul3A_1948 = arith.mulf %mul3A_1947, %unpack3A_1929 : vector<16xf32>
            %add3A_1949 = arith.addf %mul3A_1946, %mul3A_1948 : vector<16xf32>
            %mul3A_1950 = vector.broadcast %squeeze3A_1872 : f32 to vector<16xf32>
            %mul3A_1951 = arith.mulf %mul3A_1950, %unpack3A_1936 : vector<16xf32>
            %add3A_1952 = arith.addf %add3A_1949, %mul3A_1951 : vector<16xf32>
            %add3A_1953 = arith.constant 6 : i32
            %add3A_1954 = arith.addi %mul3A_594, %add3A_1953 : i32
            %swap3A_1955 = arith.index_cast %add3A_1954 : i32 to index
            %swap3A_1956 = arith.constant 96 : index
            %swap3A_1957 = tpu.vector_load %arg18[%swap3A_1955, %swap3A_1956] {strides = array<i32>} : memref<80x128xf32, #tpu.memory_space<vmem>>, vector<16xf32>,
            tpu.vector_store %arg18[%swap3A_1955, %swap3A_1956], %add3A_1944 {strides = array<i32>} : memref<80x128xf32, #tpu.memory_space<vmem>>, vector<16xf32>,
            %add3A_1958 = arith.constant 6 : i32
            %add3A_1959 = arith.addi %mul3A_594, %add3A_1958 : i32
            %swap3A_1960 = arith.index_cast %add3A_1959 : i32 to index
            %swap3A_1961 = arith.constant 112 : index
            %swap3A_1962 = tpu.vector_load %arg18[%swap3A_1960, %swap3A_1961] {strides = array<i32>} : memref<80x128xf32, #tpu.memory_space<vmem>>, vector<16xf32>,
            tpu.vector_store %arg18[%swap3A_1960, %swap3A_1961], %add3A_1952 {strides = array<i32>} : memref<80x128xf32, #tpu.memory_space<vmem>>, vector<16xf32>,
            %add3A_1963 = arith.constant 14 : i32
            %add3A_1964 = arith.addi %mul3A_583, %add3A_1963 : i32
            %slice3A_1965 = vector.extract_strided_slice %get3A_584 {offsets = [14], sizes = [1], strides = [1]} : vector<16xf32> to vector<1xf32>
            %squeeze3A_1966 = vector.extract %slice3A_1965[0] : f32 from vector<1xf32>
            %slice3A_1967 = vector.extract_strided_slice %get3A_588 {offsets = [14], sizes = [1], strides = [1]} : vector<16xf32> to vector<1xf32>
            %squeeze3A_1968 = vector.extract %slice3A_1967[0] : f32 from vector<1xf32>
            %slice3A_1969 = vector.extract_strided_slice %get3A_592 {offsets = [14], sizes = [1], strides = [1]} : vector<16xf32> to vector<1xf32>
            %squeeze3A_1970 = vector.extract %slice3A_1969[0] : f32 from vector<1xf32>
            %get3A_1971 = arith.index_cast %add3A_1964 : i32 to index
            %get3A_1972 = arith.constant 0 : index
            %get3A_1973 = tpu.vector_load %arg16[%get3A_1971, %get3A_1972] {strides = array<i32>} : memref<480x64xbf16, #tpu.memory_space<vmem>>, vector<32xbf16>,
            %unpack3A_1974 = tpu.unpack_subelements %get3A_1973, 0 {pack_format = #tpu.pack_format<interleaved>} : vector<32xbf16> -> vector<16xf32>
            %unpack3A_1975 = tpu.unpack_subelements %get3A_1973, 1 {pack_format = #tpu.pack_format<interleaved>} : vector<32xbf16> -> vector<16xf32>
            %add3A_1976 = arith.constant 160 : i32
            %add3A_1977 = arith.addi %add3A_1976, %add3A_1964 : i32
            %get3A_1978 = arith.index_cast %add3A_1977 : i32 to index
            %get3A_1979 = arith.constant 0 : index
            %get3A_1980 = tpu.vector_load %arg16[%get3A_1978, %get3A_1979] {strides = array<i32>} : memref<480x64xbf16, #tpu.memory_space<vmem>>, vector<32xbf16>,
            %unpack3A_1981 = tpu.unpack_subelements %get3A_1980, 0 {pack_format = #tpu.pack_format<interleaved>} : vector<32xbf16> -> vector<16xf32>
            %unpack3A_1982 = tpu.unpack_subelements %get3A_1980, 1 {pack_format = #tpu.pack_format<interleaved>} : vector<32xbf16> -> vector<16xf32>
            %add3A_1983 = arith.constant 320 : i32
            %add3A_1984 = arith.addi %add3A_1983, %add3A_1964 : i32
            %get3A_1985 = arith.index_cast %add3A_1984 : i32 to index
            %get3A_1986 = arith.constant 0 : index
            %get3A_1987 = tpu.vector_load %arg16[%get3A_1985, %get3A_1986] {strides = array<i32>} : memref<480x64xbf16, #tpu.memory_space<vmem>>, vector<32xbf16>,
            %unpack3A_1988 = tpu.unpack_subelements %get3A_1987, 0 {pack_format = #tpu.pack_format<interleaved>} : vector<32xbf16> -> vector<16xf32>
            %unpack3A_1989 = tpu.unpack_subelements %get3A_1987, 1 {pack_format = #tpu.pack_format<interleaved>} : vector<32xbf16> -> vector<16xf32>
            %mul3A_1990 = vector.broadcast %squeeze3A_1966 : f32 to vector<16xf32>
            %mul3A_1991 = arith.mulf %mul3A_1990, %unpack3A_1974 : vector<16xf32>
            %mul3A_1992 = vector.broadcast %squeeze3A_1968 : f32 to vector<16xf32>
            %mul3A_1993 = arith.mulf %mul3A_1992, %unpack3A_1981 : vector<16xf32>
            %add3A_1994 = arith.addf %mul3A_1991, %mul3A_1993 : vector<16xf32>
            %mul3A_1995 = vector.broadcast %squeeze3A_1970 : f32 to vector<16xf32>
            %mul3A_1996 = arith.mulf %mul3A_1995, %unpack3A_1988 : vector<16xf32>
            %add3A_1997 = arith.addf %add3A_1994, %mul3A_1996 : vector<16xf32>
            %mul3A_1998 = vector.broadcast %squeeze3A_1966 : f32 to vector<16xf32>
            %mul3A_1999 = arith.mulf %mul3A_1998, %unpack3A_1975 : vector<16xf32>
            %mul3A_2000 = vector.broadcast %squeeze3A_1968 : f32 to vector<16xf32>
            %mul3A_2001 = arith.mulf %mul3A_2000, %unpack3A_1982 : vector<16xf32>
            %add3A_2002 = arith.addf %mul3A_1999, %mul3A_2001 : vector<16xf32>
            %mul3A_2003 = vector.broadcast %squeeze3A_1970 : f32 to vector<16xf32>
            %mul3A_2004 = arith.mulf %mul3A_2003, %unpack3A_1989 : vector<16xf32>
            %add3A_2005 = arith.addf %add3A_2002, %mul3A_2004 : vector<16xf32>
            %add3A_2006 = arith.constant 7 : i32
            %add3A_2007 = arith.addi %mul3A_594, %add3A_2006 : i32
            %swap3A_2008 = arith.index_cast %add3A_2007 : i32 to index
            %swap3A_2009 = arith.constant 0 : index
            %swap3A_2010 = tpu.vector_load %arg18[%swap3A_2008, %swap3A_2009] {strides = array<i32>} : memref<80x128xf32, #tpu.memory_space<vmem>>, vector<16xf32>,
            tpu.vector_store %arg18[%swap3A_2008, %swap3A_2009], %add3A_1997 {strides = array<i32>} : memref<80x128xf32, #tpu.memory_space<vmem>>, vector<16xf32>,
            %add3A_2011 = arith.constant 7 : i32
            %add3A_2012 = arith.addi %mul3A_594, %add3A_2011 : i32
            %swap3A_2013 = arith.index_cast %add3A_2012 : i32 to index
            %swap3A_2014 = arith.constant 16 : index
            %swap3A_2015 = tpu.vector_load %arg18[%swap3A_2013, %swap3A_2014] {strides = array<i32>} : memref<80x128xf32, #tpu.memory_space<vmem>>, vector<16xf32>,
            tpu.vector_store %arg18[%swap3A_2013, %swap3A_2014], %add3A_2005 {strides = array<i32>} : memref<80x128xf32, #tpu.memory_space<vmem>>, vector<16xf32>,
            %get3A_2016 = arith.index_cast %add3A_1964 : i32 to index
            %get3A_2017 = arith.constant 32 : index
            %get3A_2018 = tpu.vector_load %arg16[%get3A_2016, %get3A_2017] {strides = array<i32>} : memref<480x64xbf16, #tpu.memory_space<vmem>>, vector<32xbf16>,
            %unpack3A_2019 = tpu.unpack_subelements %get3A_2018, 0 {pack_format = #tpu.pack_format<interleaved>} : vector<32xbf16> -> vector<16xf32>
            %unpack3A_2020 = tpu.unpack_subelements %get3A_2018, 1 {pack_format = #tpu.pack_format<interleaved>} : vector<32xbf16> -> vector<16xf32>
            %add3A_2021 = arith.constant 160 : i32
            %add3A_2022 = arith.addi %add3A_2021, %add3A_1964 : i32
            %get3A_2023 = arith.index_cast %add3A_2022 : i32 to index
            %get3A_2024 = arith.constant 32 : index
            %get3A_2025 = tpu.vector_load %arg16[%get3A_2023, %get3A_2024] {strides = array<i32>} : memref<480x64xbf16, #tpu.memory_space<vmem>>, vector<32xbf16>,
            %unpack3A_2026 = tpu.unpack_subelements %get3A_2025, 0 {pack_format = #tpu.pack_format<interleaved>} : vector<32xbf16> -> vector<16xf32>
            %unpack3A_2027 = tpu.unpack_subelements %get3A_2025, 1 {pack_format = #tpu.pack_format<interleaved>} : vector<32xbf16> -> vector<16xf32>
            %add3A_2028 = arith.constant 320 : i32
            %add3A_2029 = arith.addi %add3A_2028, %add3A_1964 : i32
            %get3A_2030 = arith.index_cast %add3A_2029 : i32 to index
            %get3A_2031 = arith.constant 32 : index
            %get3A_2032 = tpu.vector_load %arg16[%get3A_2030, %get3A_2031] {strides = array<i32>} : memref<480x64xbf16, #tpu.memory_space<vmem>>, vector<32xbf16>,
            %unpack3A_2033 = tpu.unpack_subelements %get3A_2032, 0 {pack_format = #tpu.pack_format<interleaved>} : vector<32xbf16> -> vector<16xf32>
            %unpack3A_2034 = tpu.unpack_subelements %get3A_2032, 1 {pack_format = #tpu.pack_format<interleaved>} : vector<32xbf16> -> vector<16xf32>
            %mul3A_2035 = vector.broadcast %squeeze3A_1966 : f32 to vector<16xf32>
            %mul3A_2036 = arith.mulf %mul3A_2035, %unpack3A_2019 : vector<16xf32>
            %mul3A_2037 = vector.broadcast %squeeze3A_1968 : f32 to vector<16xf32>
            %mul3A_2038 = arith.mulf %mul3A_2037, %unpack3A_2026 : vector<16xf32>
            %add3A_2039 = arith.addf %mul3A_2036, %mul3A_2038 : vector<16xf32>
            %mul3A_2040 = vector.broadcast %squeeze3A_1970 : f32 to vector<16xf32>
            %mul3A_2041 = arith.mulf %mul3A_2040, %unpack3A_2033 : vector<16xf32>
            %add3A_2042 = arith.addf %add3A_2039, %mul3A_2041 : vector<16xf32>
            %mul3A_2043 = vector.broadcast %squeeze3A_1966 : f32 to vector<16xf32>
            %mul3A_2044 = arith.mulf %mul3A_2043, %unpack3A_2020 : vector<16xf32>
            %mul3A_2045 = vector.broadcast %squeeze3A_1968 : f32 to vector<16xf32>
            %mul3A_2046 = arith.mulf %mul3A_2045, %unpack3A_2027 : vector<16xf32>
            %add3A_2047 = arith.addf %mul3A_2044, %mul3A_2046 : vector<16xf32>
            %mul3A_2048 = vector.broadcast %squeeze3A_1970 : f32 to vector<16xf32>
            %mul3A_2049 = arith.mulf %mul3A_2048, %unpack3A_2034 : vector<16xf32>
            %add3A_2050 = arith.addf %add3A_2047, %mul3A_2049 : vector<16xf32>
            %add3A_2051 = arith.constant 7 : i32
            %add3A_2052 = arith.addi %mul3A_594, %add3A_2051 : i32
            %swap3A_2053 = arith.index_cast %add3A_2052 : i32 to index
            %swap3A_2054 = arith.constant 32 : index
            %swap3A_2055 = tpu.vector_load %arg18[%swap3A_2053, %swap3A_2054] {strides = array<i32>} : memref<80x128xf32, #tpu.memory_space<vmem>>, vector<16xf32>,
            tpu.vector_store %arg18[%swap3A_2053, %swap3A_2054], %add3A_2042 {strides = array<i32>} : memref<80x128xf32, #tpu.memory_space<vmem>>, vector<16xf32>,
            %add3A_2056 = arith.constant 7 : i32
            %add3A_2057 = arith.addi %mul3A_594, %add3A_2056 : i32
            %swap3A_2058 = arith.index_cast %add3A_2057 : i32 to index
            %swap3A_2059 = arith.constant 48 : index
            %swap3A_2060 = tpu.vector_load %arg18[%swap3A_2058, %swap3A_2059] {strides = array<i32>} : memref<80x128xf32, #tpu.memory_space<vmem>>, vector<16xf32>,
            tpu.vector_store %arg18[%swap3A_2058, %swap3A_2059], %add3A_2050 {strides = array<i32>} : memref<80x128xf32, #tpu.memory_space<vmem>>, vector<16xf32>,
            %add3A_2061 = arith.constant 15 : i32
            %add3A_2062 = arith.addi %mul3A_583, %add3A_2061 : i32
            %slice3A_2063 = vector.extract_strided_slice %get3A_584 {offsets = [15], sizes = [1], strides = [1]} : vector<16xf32> to vector<1xf32>
            %squeeze3A_2064 = vector.extract %slice3A_2063[0] : f32 from vector<1xf32>
            %slice3A_2065 = vector.extract_strided_slice %get3A_588 {offsets = [15], sizes = [1], strides = [1]} : vector<16xf32> to vector<1xf32>
            %squeeze3A_2066 = vector.extract %slice3A_2065[0] : f32 from vector<1xf32>
            %slice3A_2067 = vector.extract_strided_slice %get3A_592 {offsets = [15], sizes = [1], strides = [1]} : vector<16xf32> to vector<1xf32>
            %squeeze3A_2068 = vector.extract %slice3A_2067[0] : f32 from vector<1xf32>
            %get3A_2069 = arith.index_cast %add3A_2062 : i32 to index
            %get3A_2070 = arith.constant 0 : index
            %get3A_2071 = tpu.vector_load %arg16[%get3A_2069, %get3A_2070] {strides = array<i32>} : memref<480x64xbf16, #tpu.memory_space<vmem>>, vector<32xbf16>,
            %unpack3A_2072 = tpu.unpack_subelements %get3A_2071, 0 {pack_format = #tpu.pack_format<interleaved>} : vector<32xbf16> -> vector<16xf32>
            %unpack3A_2073 = tpu.unpack_subelements %get3A_2071, 1 {pack_format = #tpu.pack_format<interleaved>} : vector<32xbf16> -> vector<16xf32>
            %add3A_2074 = arith.constant 160 : i32
            %add3A_2075 = arith.addi %add3A_2074, %add3A_2062 : i32
            %get3A_2076 = arith.index_cast %add3A_2075 : i32 to index
            %get3A_2077 = arith.constant 0 : index
            %get3A_2078 = tpu.vector_load %arg16[%get3A_2076, %get3A_2077] {strides = array<i32>} : memref<480x64xbf16, #tpu.memory_space<vmem>>, vector<32xbf16>,
            %unpack3A_2079 = tpu.unpack_subelements %get3A_2078, 0 {pack_format = #tpu.pack_format<interleaved>} : vector<32xbf16> -> vector<16xf32>
            %unpack3A_2080 = tpu.unpack_subelements %get3A_2078, 1 {pack_format = #tpu.pack_format<interleaved>} : vector<32xbf16> -> vector<16xf32>
            %add3A_2081 = arith.constant 320 : i32
            %add3A_2082 = arith.addi %add3A_2081, %add3A_2062 : i32
            %get3A_2083 = arith.index_cast %add3A_2082 : i32 to index
            %get3A_2084 = arith.constant 0 : index
            %get3A_2085 = tpu.vector_load %arg16[%get3A_2083, %get3A_2084] {strides = array<i32>} : memref<480x64xbf16, #tpu.memory_space<vmem>>, vector<32xbf16>,
            %unpack3A_2086 = tpu.unpack_subelements %get3A_2085, 0 {pack_format = #tpu.pack_format<interleaved>} : vector<32xbf16> -> vector<16xf32>
            %unpack3A_2087 = tpu.unpack_subelements %get3A_2085, 1 {pack_format = #tpu.pack_format<interleaved>} : vector<32xbf16> -> vector<16xf32>
            %mul3A_2088 = vector.broadcast %squeeze3A_2064 : f32 to vector<16xf32>
            %mul3A_2089 = arith.mulf %mul3A_2088, %unpack3A_2072 : vector<16xf32>
            %mul3A_2090 = vector.broadcast %squeeze3A_2066 : f32 to vector<16xf32>
            %mul3A_2091 = arith.mulf %mul3A_2090, %unpack3A_2079 : vector<16xf32>
            %add3A_2092 = arith.addf %mul3A_2089, %mul3A_2091 : vector<16xf32>
            %mul3A_2093 = vector.broadcast %squeeze3A_2068 : f32 to vector<16xf32>
            %mul3A_2094 = arith.mulf %mul3A_2093, %unpack3A_2086 : vector<16xf32>
            %add3A_2095 = arith.addf %add3A_2092, %mul3A_2094 : vector<16xf32>
            %mul3A_2096 = vector.broadcast %squeeze3A_2064 : f32 to vector<16xf32>
            %mul3A_2097 = arith.mulf %mul3A_2096, %unpack3A_2073 : vector<16xf32>
            %mul3A_2098 = vector.broadcast %squeeze3A_2066 : f32 to vector<16xf32>
            %mul3A_2099 = arith.mulf %mul3A_2098, %unpack3A_2080 : vector<16xf32>
            %add3A_2100 = arith.addf %mul3A_2097, %mul3A_2099 : vector<16xf32>
            %mul3A_2101 = vector.broadcast %squeeze3A_2068 : f32 to vector<16xf32>
            %mul3A_2102 = arith.mulf %mul3A_2101, %unpack3A_2087 : vector<16xf32>
            %add3A_2103 = arith.addf %add3A_2100, %mul3A_2102 : vector<16xf32>
            %add3A_2104 = arith.constant 7 : i32
            %add3A_2105 = arith.addi %mul3A_594, %add3A_2104 : i32
            %swap3A_2106 = arith.index_cast %add3A_2105 : i32 to index
            %swap3A_2107 = arith.constant 64 : index
            %swap3A_2108 = tpu.vector_load %arg18[%swap3A_2106, %swap3A_2107] {strides = array<i32>} : memref<80x128xf32, #tpu.memory_space<vmem>>, vector<16xf32>,
            tpu.vector_store %arg18[%swap3A_2106, %swap3A_2107], %add3A_2095 {strides = array<i32>} : memref<80x128xf32, #tpu.memory_space<vmem>>, vector<16xf32>,
            %add3A_2109 = arith.constant 7 : i32
            %add3A_2110 = arith.addi %mul3A_594, %add3A_2109 : i32
            %swap3A_2111 = arith.index_cast %add3A_2110 : i32 to index
            %swap3A_2112 = arith.constant 80 : index
            %swap3A_2113 = tpu.vector_load %arg18[%swap3A_2111, %swap3A_2112] {strides = array<i32>} : memref<80x128xf32, #tpu.memory_space<vmem>>, vector<16xf32>,
            tpu.vector_store %arg18[%swap3A_2111, %swap3A_2112], %add3A_2103 {strides = array<i32>} : memref<80x128xf32, #tpu.memory_space<vmem>>, vector<16xf32>,
            %get3A_2114 = arith.index_cast %add3A_2062 : i32 to index
            %get3A_2115 = arith.constant 32 : index
            %get3A_2116 = tpu.vector_load %arg16[%get3A_2114, %get3A_2115] {strides = array<i32>} : memref<480x64xbf16, #tpu.memory_space<vmem>>, vector<32xbf16>,
            %unpack3A_2117 = tpu.unpack_subelements %get3A_2116, 0 {pack_format = #tpu.pack_format<interleaved>} : vector<32xbf16> -> vector<16xf32>
            %unpack3A_2118 = tpu.unpack_subelements %get3A_2116, 1 {pack_format = #tpu.pack_format<interleaved>} : vector<32xbf16> -> vector<16xf32>
            %add3A_2119 = arith.constant 160 : i32
            %add3A_2120 = arith.addi %add3A_2119, %add3A_2062 : i32
            %get3A_2121 = arith.index_cast %add3A_2120 : i32 to index
            %get3A_2122 = arith.constant 32 : index
            %get3A_2123 = tpu.vector_load %arg16[%get3A_2121, %get3A_2122] {strides = array<i32>} : memref<480x64xbf16, #tpu.memory_space<vmem>>, vector<32xbf16>,
            %unpack3A_2124 = tpu.unpack_subelements %get3A_2123, 0 {pack_format = #tpu.pack_format<interleaved>} : vector<32xbf16> -> vector<16xf32>
            %unpack3A_2125 = tpu.unpack_subelements %get3A_2123, 1 {pack_format = #tpu.pack_format<interleaved>} : vector<32xbf16> -> vector<16xf32>
            %add3A_2126 = arith.constant 320 : i32
            %add3A_2127 = arith.addi %add3A_2126, %add3A_2062 : i32
            %get3A_2128 = arith.index_cast %add3A_2127 : i32 to index
            %get3A_2129 = arith.constant 32 : index
            %get3A_2130 = tpu.vector_load %arg16[%get3A_2128, %get3A_2129] {strides = array<i32>} : memref<480x64xbf16, #tpu.memory_space<vmem>>, vector<32xbf16>,
            %unpack3A_2131 = tpu.unpack_subelements %get3A_2130, 0 {pack_format = #tpu.pack_format<interleaved>} : vector<32xbf16> -> vector<16xf32>
            %unpack3A_2132 = tpu.unpack_subelements %get3A_2130, 1 {pack_format = #tpu.pack_format<interleaved>} : vector<32xbf16> -> vector<16xf32>
            %mul3A_2133 = vector.broadcast %squeeze3A_2064 : f32 to vector<16xf32>
            %mul3A_2134 = arith.mulf %mul3A_2133, %unpack3A_2117 : vector<16xf32>
            %mul3A_2135 = vector.broadcast %squeeze3A_2066 : f32 to vector<16xf32>
            %mul3A_2136 = arith.mulf %mul3A_2135, %unpack3A_2124 : vector<16xf32>
            %add3A_2137 = arith.addf %mul3A_2134, %mul3A_2136 : vector<16xf32>
            %mul3A_2138 = vector.broadcast %squeeze3A_2068 : f32 to vector<16xf32>
            %mul3A_2139 = arith.mulf %mul3A_2138, %unpack3A_2131 : vector<16xf32>
            %add3A_2140 = arith.addf %add3A_2137, %mul3A_2139 : vector<16xf32>
            %mul3A_2141 = vector.broadcast %squeeze3A_2064 : f32 to vector<16xf32>
            %mul3A_2142 = arith.mulf %mul3A_2141, %unpack3A_2118 : vector<16xf32>
            %mul3A_2143 = vector.broadcast %squeeze3A_2066 : f32 to vector<16xf32>
            %mul3A_2144 = arith.mulf %mul3A_2143, %unpack3A_2125 : vector<16xf32>
            %add3A_2145 = arith.addf %mul3A_2142, %mul3A_2144 : vector<16xf32>
            %mul3A_2146 = vector.broadcast %squeeze3A_2068 : f32 to vector<16xf32>
            %mul3A_2147 = arith.mulf %mul3A_2146, %unpack3A_2132 : vector<16xf32>
            %add3A_2148 = arith.addf %add3A_2145, %mul3A_2147 : vector<16xf32>
            %add3A_2149 = arith.constant 7 : i32
            %add3A_2150 = arith.addi %mul3A_594, %add3A_2149 : i32
            %swap3A_2151 = arith.index_cast %add3A_2150 : i32 to index
            %swap3A_2152 = arith.constant 96 : index
            %swap3A_2153 = tpu.vector_load %arg18[%swap3A_2151, %swap3A_2152] {strides = array<i32>} : memref<80x128xf32, #tpu.memory_space<vmem>>, vector<16xf32>,
            tpu.vector_store %arg18[%swap3A_2151, %swap3A_2152], %add3A_2140 {strides = array<i32>} : memref<80x128xf32, #tpu.memory_space<vmem>>, vector<16xf32>,
            %add3A_2154 = arith.constant 7 : i32
            %add3A_2155 = arith.addi %mul3A_594, %add3A_2154 : i32
            %swap3A_2156 = arith.index_cast %add3A_2155 : i32 to index
            %swap3A_2157 = arith.constant 112 : index
            %swap3A_2158 = tpu.vector_load %arg18[%swap3A_2156, %swap3A_2157] {strides = array<i32>} : memref<80x128xf32, #tpu.memory_space<vmem>>, vector<16xf32>,
            tpu.vector_store %arg18[%swap3A_2156, %swap3A_2157], %add3A_2148 {strides = array<i32>} : memref<80x128xf32, #tpu.memory_space<vmem>>, vector<16xf32>,
          }
          %scan3A_205 = arith.constant 10 : i32
          %mul3A_206 = arith.constant 80 : i32
          %mul3A_207 = arith.muli %add3A_136, %mul3A_206 : i32
          %mul3A_208 = arith.constant 4 : i32
          %mul3A_209 = arith.muli %mul3A_183, %mul3A_208 : i32
          %add3A_210 = arith.addi %mul3A_207, %mul3A_209 : i32
          %add3A_211 = arith.constant 0 : i32
          %add3A_212 = arith.addi %add3A_210, %add3A_211 : i32
          %jit3A = arith.constant 8 : i32
          %div3A = arith.divsi %add3A_212, %jit3A : i32
          %sign3A = arith.constant 0 : i32
          %sign3A_213 = arith.cmpi sgt, %add3A_212, %sign3A : i32
          %sign3A_214 = arith.extui %sign3A_213 : i1 to i32
          %sign3A_215 = arith.constant 0 : i32
          %sign3A_216 = arith.cmpi slt, %add3A_212, %sign3A_215 : i32
          %sign3A_217 = arith.extui %sign3A_216 : i1 to i32
          %sign3A_218 = arith.subi %sign3A_214, %sign3A_217 : i32
          %sign3A_219 = arith.constant 0 : i32
          %sign3A_220 = arith.cmpi sgt, %jit3A, %sign3A_219 : i32
          %sign3A_221 = arith.extui %sign3A_220 : i1 to i32
          %sign3A_222 = arith.constant 0 : i32
          %sign3A_223 = arith.cmpi slt, %jit3A, %sign3A_222 : i32
          %sign3A_224 = arith.extui %sign3A_223 : i1 to i32
          %sign3A_225 = arith.subi %sign3A_221, %sign3A_224 : i32
          %ne3A = arith.cmpi ne, %sign3A_218, %sign3A_225 : i32
          %rem3A = arith.remsi %add3A_212, %jit3A : i32
          %ne3A_226 = arith.constant 0 : i32
          %ne3A_227 = arith.cmpi ne, %rem3A, %ne3A_226 : i32
          %and3A = arith.andi %ne3A, %ne3A_227 : i1
          %sub3A = arith.constant 1 : i32
          %sub3A_228 = arith.subi %div3A, %sub3A : i32
          %select_n3A = arith.select %and3A, %sub3A_228, %div3A : i32
          %mul3A_229 = arith.constant 8 : i32
          %mul3A_230 = arith.muli %select_n3A, %mul3A_229 : i32
          %sub3A_231 = arith.subi %add3A_212, %mul3A_230 : i32
          %dma_start3A_232 = arith.constant 0 : i32
          %dma_start3A_233 = arith.constant 0 : i32
          %dma_start3A_234 = tpu.memref_slice %arg18[%dma_start3A_232, %dma_start3A_233] : memref<80x128xf32, #tpu.memory_space<vmem>> -> memref<20x128xf32, #tpu.memory_space<vmem>>
          %dma_start3A_235 = arith.constant 0 : i32
          %dma_start3A_236 = arith.constant 0 : i32
          %dma_start3A_237 = tpu.memref_slice %arg9[%select_n3A, %dma_start3A_235, %sub3A_231, %dma_start3A_236] : memref<1250x20x8x128xf32, #tpu.memory_space<hbm>> -> memref<1x20x1x128xf32, #tpu.memory_space<hbm>>
          %dma_start3A_238 = tpu.memref_squeeze %dma_start3A_237 : memref<1x20x1x128xf32, #tpu.memory_space<hbm>> -> memref<20x128xf32, #tpu.memory_space<hbm>>
          %dma_start3A_239 = arith.constant 0 : i32
          %dma_start3A_240 = arith.constant 0 : i32
          %dma_start3A_241 = tpu.memref_slice %arg9[%select_n3A, %dma_start3A_239, %sub3A_231, %dma_start3A_240] : memref<1250x20x8x128xf32, #tpu.memory_space<hbm>> -> memref<1x20x1x128xf32, #tpu.memory_space<hbm>>
          %dma_start3A_242 = tpu.memref_squeeze %dma_start3A_241 : memref<1x20x1x128xf32, #tpu.memory_space<hbm>> -> memref<20x128xf32, #tpu.memory_space<hbm>>
          %dma_start3A_243 = arith.constant 0 : i32
          %dma_start3A_244 = arith.constant 0 : i32
          %dma_start3A_245 = tpu.memref_slice %arg18[%dma_start3A_243, %dma_start3A_244] : memref<80x128xf32, #tpu.memory_space<vmem>> -> memref<20x128xf32, #tpu.memory_space<vmem>>
          tpu.enqueue_dma source(%dma_start3A_245 : memref<20x128xf32, #tpu.memory_space<vmem>>) target(%dma_start3A_242 : memref<20x128xf32, #tpu.memory_space<hbm>>) target_semaphore(%arg22 : memref<!tpu.dma_semaphore, #tpu.memory_space<semaphore_mem>>)
          %add3A_246 = arith.constant 1 : i32
          %add3A_247 = arith.addi %add3A_210, %add3A_246 : i32
          %jit3A_248 = arith.constant 8 : i32
          %div3A_249 = arith.divsi %add3A_247, %jit3A_248 : i32
          %sign3A_250 = arith.constant 0 : i32
          %sign3A_251 = arith.cmpi sgt, %add3A_247, %sign3A_250 : i32
          %sign3A_252 = arith.extui %sign3A_251 : i1 to i32
          %sign3A_253 = arith.constant 0 : i32
          %sign3A_254 = arith.cmpi slt, %add3A_247, %sign3A_253 : i32
          %sign3A_255 = arith.extui %sign3A_254 : i1 to i32
          %sign3A_256 = arith.subi %sign3A_252, %sign3A_255 : i32
          %sign3A_257 = arith.constant 0 : i32
          %sign3A_258 = arith.cmpi sgt, %jit3A_248, %sign3A_257 : i32
          %sign3A_259 = arith.extui %sign3A_258 : i1 to i32
          %sign3A_260 = arith.constant 0 : i32
          %sign3A_261 = arith.cmpi slt, %jit3A_248, %sign3A_260 : i32
          %sign3A_262 = arith.extui %sign3A_261 : i1 to i32
          %sign3A_263 = arith.subi %sign3A_259, %sign3A_262 : i32
          %ne3A_264 = arith.cmpi ne, %sign3A_256, %sign3A_263 : i32
          %rem3A_265 = arith.remsi %add3A_247, %jit3A_248 : i32
          %ne3A_266 = arith.constant 0 : i32
          %ne3A_267 = arith.cmpi ne, %rem3A_265, %ne3A_266 : i32
          %and3A_268 = arith.andi %ne3A_264, %ne3A_267 : i1
          %sub3A_269 = arith.constant 1 : i32
          %sub3A_270 = arith.subi %div3A_249, %sub3A_269 : i32
          %select_n3A_271 = arith.select %and3A_268, %sub3A_270, %div3A_249 : i32
          %mul3A_272 = arith.constant 8 : i32
          %mul3A_273 = arith.muli %select_n3A_271, %mul3A_272 : i32
          %sub3A_274 = arith.subi %add3A_247, %mul3A_273 : i32
          %dma_start3A_275 = arith.constant 20 : i32
          %dma_start3A_276 = arith.constant 0 : i32
          %dma_start3A_277 = tpu.memref_slice %arg18[%dma_start3A_275, %dma_start3A_276] : memref<80x128xf32, #tpu.memory_space<vmem>> -> memref<20x128xf32, #tpu.memory_space<vmem>>
          %dma_start3A_278 = arith.constant 0 : i32
          %dma_start3A_279 = arith.constant 0 : i32
          %dma_start3A_280 = tpu.memref_slice %arg9[%select_n3A_271, %dma_start3A_278, %sub3A_274, %dma_start3A_279] : memref<1250x20x8x128xf32, #tpu.memory_space<hbm>> -> memref<1x20x1x128xf32, #tpu.memory_space<hbm>>
          %dma_start3A_281 = tpu.memref_squeeze %dma_start3A_280 : memref<1x20x1x128xf32, #tpu.memory_space<hbm>> -> memref<20x128xf32, #tpu.memory_space<hbm>>
          %dma_start3A_282 = arith.constant 0 : i32
          %dma_start3A_283 = arith.constant 0 : i32
          %dma_start3A_284 = tpu.memref_slice %arg9[%select_n3A_271, %dma_start3A_282, %sub3A_274, %dma_start3A_283] : memref<1250x20x8x128xf32, #tpu.memory_space<hbm>> -> memref<1x20x1x128xf32, #tpu.memory_space<hbm>>
          %dma_start3A_285 = tpu.memref_squeeze %dma_start3A_284 : memref<1x20x1x128xf32, #tpu.memory_space<hbm>> -> memref<20x128xf32, #tpu.memory_space<hbm>>
          %dma_start3A_286 = arith.constant 20 : i32
          %dma_start3A_287 = arith.constant 0 : i32
          %dma_start3A_288 = tpu.memref_slice %arg18[%dma_start3A_286, %dma_start3A_287] : memref<80x128xf32, #tpu.memory_space<vmem>> -> memref<20x128xf32, #tpu.memory_space<vmem>>
          tpu.enqueue_dma source(%dma_start3A_288 : memref<20x128xf32, #tpu.memory_space<vmem>>) target(%dma_start3A_285 : memref<20x128xf32, #tpu.memory_space<hbm>>) target_semaphore(%arg22 : memref<!tpu.dma_semaphore, #tpu.memory_space<semaphore_mem>>)
          %add3A_289 = arith.constant 2 : i32
          %add3A_290 = arith.addi %add3A_210, %add3A_289 : i32
          %jit3A_291 = arith.constant 8 : i32
          %div3A_292 = arith.divsi %add3A_290, %jit3A_291 : i32
          %sign3A_293 = arith.constant 0 : i32
          %sign3A_294 = arith.cmpi sgt, %add3A_290, %sign3A_293 : i32
          %sign3A_295 = arith.extui %sign3A_294 : i1 to i32
          %sign3A_296 = arith.constant 0 : i32
          %sign3A_297 = arith.cmpi slt, %add3A_290, %sign3A_296 : i32
          %sign3A_298 = arith.extui %sign3A_297 : i1 to i32
          %sign3A_299 = arith.subi %sign3A_295, %sign3A_298 : i32
          %sign3A_300 = arith.constant 0 : i32
          %sign3A_301 = arith.cmpi sgt, %jit3A_291, %sign3A_300 : i32
          %sign3A_302 = arith.extui %sign3A_301 : i1 to i32
          %sign3A_303 = arith.constant 0 : i32
          %sign3A_304 = arith.cmpi slt, %jit3A_291, %sign3A_303 : i32
          %sign3A_305 = arith.extui %sign3A_304 : i1 to i32
          %sign3A_306 = arith.subi %sign3A_302, %sign3A_305 : i32
          %ne3A_307 = arith.cmpi ne, %sign3A_299, %sign3A_306 : i32
          %rem3A_308 = arith.remsi %add3A_290, %jit3A_291 : i32
          %ne3A_309 = arith.constant 0 : i32
          %ne3A_310 = arith.cmpi ne, %rem3A_308, %ne3A_309 : i32
          %and3A_311 = arith.andi %ne3A_307, %ne3A_310 : i1
          %sub3A_312 = arith.constant 1 : i32
          %sub3A_313 = arith.subi %div3A_292, %sub3A_312 : i32
          %select_n3A_314 = arith.select %and3A_311, %sub3A_313, %div3A_292 : i32
          %mul3A_315 = arith.constant 8 : i32
          %mul3A_316 = arith.muli %select_n3A_314, %mul3A_315 : i32
          %sub3A_317 = arith.subi %add3A_290, %mul3A_316 : i32
          %dma_start3A_318 = arith.constant 40 : i32
          %dma_start3A_319 = arith.constant 0 : i32
          %dma_start3A_320 = tpu.memref_slice %arg18[%dma_start3A_318, %dma_start3A_319] : memref<80x128xf32, #tpu.memory_space<vmem>> -> memref<20x128xf32, #tpu.memory_space<vmem>>
          %dma_start3A_321 = arith.constant 0 : i32
          %dma_start3A_322 = arith.constant 0 : i32
          %dma_start3A_323 = tpu.memref_slice %arg9[%select_n3A_314, %dma_start3A_321, %sub3A_317, %dma_start3A_322] : memref<1250x20x8x128xf32, #tpu.memory_space<hbm>> -> memref<1x20x1x128xf32, #tpu.memory_space<hbm>>
          %dma_start3A_324 = tpu.memref_squeeze %dma_start3A_323 : memref<1x20x1x128xf32, #tpu.memory_space<hbm>> -> memref<20x128xf32, #tpu.memory_space<hbm>>
          %dma_start3A_325 = arith.constant 0 : i32
          %dma_start3A_326 = arith.constant 0 : i32
          %dma_start3A_327 = tpu.memref_slice %arg9[%select_n3A_314, %dma_start3A_325, %sub3A_317, %dma_start3A_326] : memref<1250x20x8x128xf32, #tpu.memory_space<hbm>> -> memref<1x20x1x128xf32, #tpu.memory_space<hbm>>
          %dma_start3A_328 = tpu.memref_squeeze %dma_start3A_327 : memref<1x20x1x128xf32, #tpu.memory_space<hbm>> -> memref<20x128xf32, #tpu.memory_space<hbm>>
          %dma_start3A_329 = arith.constant 40 : i32
          %dma_start3A_330 = arith.constant 0 : i32
          %dma_start3A_331 = tpu.memref_slice %arg18[%dma_start3A_329, %dma_start3A_330] : memref<80x128xf32, #tpu.memory_space<vmem>> -> memref<20x128xf32, #tpu.memory_space<vmem>>
          tpu.enqueue_dma source(%dma_start3A_331 : memref<20x128xf32, #tpu.memory_space<vmem>>) target(%dma_start3A_328 : memref<20x128xf32, #tpu.memory_space<hbm>>) target_semaphore(%arg22 : memref<!tpu.dma_semaphore, #tpu.memory_space<semaphore_mem>>)
          %add3A_332 = arith.constant 3 : i32
          %add3A_333 = arith.addi %add3A_210, %add3A_332 : i32
          %jit3A_334 = arith.constant 8 : i32
          %div3A_335 = arith.divsi %add3A_333, %jit3A_334 : i32
          %sign3A_336 = arith.constant 0 : i32
          %sign3A_337 = arith.cmpi sgt, %add3A_333, %sign3A_336 : i32
          %sign3A_338 = arith.extui %sign3A_337 : i1 to i32
          %sign3A_339 = arith.constant 0 : i32
          %sign3A_340 = arith.cmpi slt, %add3A_333, %sign3A_339 : i32
          %sign3A_341 = arith.extui %sign3A_340 : i1 to i32
          %sign3A_342 = arith.subi %sign3A_338, %sign3A_341 : i32
          %sign3A_343 = arith.constant 0 : i32
          %sign3A_344 = arith.cmpi sgt, %jit3A_334, %sign3A_343 : i32
          %sign3A_345 = arith.extui %sign3A_344 : i1 to i32
          %sign3A_346 = arith.constant 0 : i32
          %sign3A_347 = arith.cmpi slt, %jit3A_334, %sign3A_346 : i32
          %sign3A_348 = arith.extui %sign3A_347 : i1 to i32
          %sign3A_349 = arith.subi %sign3A_345, %sign3A_348 : i32
          %ne3A_350 = arith.cmpi ne, %sign3A_342, %sign3A_349 : i32
          %rem3A_351 = arith.remsi %add3A_333, %jit3A_334 : i32
          %ne3A_352 = arith.constant 0 : i32
          %ne3A_353 = arith.cmpi ne, %rem3A_351, %ne3A_352 : i32
          %and3A_354 = arith.andi %ne3A_350, %ne3A_353 : i1
          %sub3A_355 = arith.constant 1 : i32
          %sub3A_356 = arith.subi %div3A_335, %sub3A_355 : i32
          %select_n3A_357 = arith.select %and3A_354, %sub3A_356, %div3A_335 : i32
          %mul3A_358 = arith.constant 8 : i32
          %mul3A_359 = arith.muli %select_n3A_357, %mul3A_358 : i32
          %sub3A_360 = arith.subi %add3A_333, %mul3A_359 : i32
          %dma_start3A_361 = arith.constant 60 : i32
          %dma_start3A_362 = arith.constant 0 : i32
          %dma_start3A_363 = tpu.memref_slice %arg18[%dma_start3A_361, %dma_start3A_362] : memref<80x128xf32, #tpu.memory_space<vmem>> -> memref<20x128xf32, #tpu.memory_space<vmem>>
          %dma_start3A_364 = arith.constant 0 : i32
          %dma_start3A_365 = arith.constant 0 : i32
          %dma_start3A_366 = tpu.memref_slice %arg9[%select_n3A_357, %dma_start3A_364, %sub3A_360, %dma_start3A_365] : memref<1250x20x8x128xf32, #tpu.memory_space<hbm>> -> memref<1x20x1x128xf32, #tpu.memory_space<hbm>>
          %dma_start3A_367 = tpu.memref_squeeze %dma_start3A_366 : memref<1x20x1x128xf32, #tpu.memory_space<hbm>> -> memref<20x128xf32, #tpu.memory_space<hbm>>
          %dma_start3A_368 = arith.constant 0 : i32
          %dma_start3A_369 = arith.constant 0 : i32
          %dma_start3A_370 = tpu.memref_slice %arg9[%select_n3A_357, %dma_start3A_368, %sub3A_360, %dma_start3A_369] : memref<1250x20x8x128xf32, #tpu.memory_space<hbm>> -> memref<1x20x1x128xf32, #tpu.memory_space<hbm>>
          %dma_start3A_371 = tpu.memref_squeeze %dma_start3A_370 : memref<1x20x1x128xf32, #tpu.memory_space<hbm>> -> memref<20x128xf32, #tpu.memory_space<hbm>>
          %dma_start3A_372 = arith.constant 60 : i32
          %dma_start3A_373 = arith.constant 0 : i32
          %dma_start3A_374 = tpu.memref_slice %arg18[%dma_start3A_372, %dma_start3A_373] : memref<80x128xf32, #tpu.memory_space<vmem>> -> memref<20x128xf32, #tpu.memory_space<vmem>>
          tpu.enqueue_dma source(%dma_start3A_374 : memref<20x128xf32, #tpu.memory_space<vmem>>) target(%dma_start3A_371 : memref<20x128xf32, #tpu.memory_space<hbm>>) target_semaphore(%arg22 : memref<!tpu.dma_semaphore, #tpu.memory_space<semaphore_mem>>)
          %mul3A_375 = arith.constant 2 : i32
          %mul3A_376 = arith.muli %scan3A_181, %mul3A_375 : i32
          %add3A_377 = arith.constant 1 : i32
          %add3A_378 = arith.addi %mul3A_376, %add3A_377 : i32
          %dma_wait3A_379 = arith.constant 0 : i32
          %dma_wait3A_380 = arith.constant 0 : i32
          %dma_wait3A_381 = tpu.memref_slice %arg2[%dma_wait3A_379, %dma_wait3A_380] : memref<10000x64xbf16, #tpu.memory_space<hbm>> -> memref<480x64xbf16, #tpu.memory_space<hbm>>
          %dma_wait3A_382 = arith.constant 0 : i32
          %dma_wait3A_383 = arith.constant 0 : i32
          %dma_wait3A_384 = tpu.memref_slice %arg2[%dma_wait3A_382, %dma_wait3A_383] : memref<10000x64xbf16, #tpu.memory_space<hbm>> -> memref<480x64xbf16, #tpu.memory_space<hbm>>
          tpu.wait_dma2 semaphore(%arg21 : memref<!tpu.dma_semaphore, #tpu.memory_space<semaphore_mem>>) src(%dma_wait3A_384 : memref<480x64xbf16, #tpu.memory_space<hbm>>) dst(%arg17 : memref<480x64xbf16, #tpu.memory_space<vmem>>)
          %lt3A_385 = arith.constant 19 : i32
          %lt3A_386 = arith.cmpi slt, %add3A_378, %lt3A_385 : i32
          %convert_element_type3A_387 = arith.extui %lt3A_386 : i1 to i32
          %cond3A_388 = arith.constant 0 : i32
          %cond3A_389 = arith.cmpi ne, %convert_element_type3A_387, %cond3A_388 : i32
          scf.if %cond3A_389 {
            %add3A_581 = arith.constant 1 : i32
            %add3A_582 = arith.addi %add3A_378, %add3A_581 : i32
            %scan3A_583 = arith.constant 0 : i32
            %scan3A_584 = arith.constant 0 : i32
            %scan3A_585 = arith.constant 10 : i32
            %scan3A_586 = arith.addi %scan3A_584, %scan3A_585 : i32
            %scan3A_587 = arith.constant 1 : i32
            scf.for %scan3A_613 = %scan3A_584 to %scan3A_586 step %scan3A_587  : i32 {
              %mul3A_614 = arith.constant 160 : i32
              %mul3A_615 = arith.muli %add3A_582, %mul3A_614 : i32
              %mul3A_616 = arith.constant 16 : i32
              %mul3A_617 = arith.muli %scan3A_613, %mul3A_616 : i32
              %add3A_618 = arith.addi %mul3A_615, %mul3A_617 : i32
              %add3A_619 = vector.broadcast %add3A_618 : i32 to vector<16xi32>
              %add3A_620 = arith.addi %add3A_619, %iota3A : vector<16xi32>
              %jit3A_621 = arith.constant 40 : i32
              %div3A_622 = vector.broadcast %jit3A_621 : i32 to vector<16xi32>
              %div3A_623 = arith.divsi %add3A_620, %div3A_622 : vector<16xi32>
              %sign3A_624 = arith.constant 0 : i32
              %sign3A_625 = vector.broadcast %sign3A_624 : i32 to vector<16xi32>
              %sign3A_626 = arith.cmpi sgt, %add3A_620, %sign3A_625 : vector<16xi32>
              %sign3A_627 = arith.extui %sign3A_626 : vector<16xi1> to vector<16xi32>
              %sign3A_628 = arith.constant 0 : i32
              %sign3A_629 = vector.broadcast %sign3A_628 : i32 to vector<16xi32>
              %sign3A_630 = arith.cmpi slt, %add3A_620, %sign3A_629 : vector<16xi32>
              %sign3A_631 = arith.extui %sign3A_630 : vector<16xi1> to vector<16xi32>
              %sign3A_632 = arith.subi %sign3A_627, %sign3A_631 : vector<16xi32>
              %sign3A_633 = arith.constant 0 : i32
              %sign3A_634 = arith.cmpi sgt, %jit3A_621, %sign3A_633 : i32
              %sign3A_635 = arith.extui %sign3A_634 : i1 to i32
              %sign3A_636 = arith.constant 0 : i32
              %sign3A_637 = arith.cmpi slt, %jit3A_621, %sign3A_636 : i32
              %sign3A_638 = arith.extui %sign3A_637 : i1 to i32
              %sign3A_639 = arith.subi %sign3A_635, %sign3A_638 : i32
              %ne3A_640 = vector.broadcast %sign3A_639 : i32 to vector<16xi32>
              %ne3A_641 = arith.cmpi ne, %sign3A_632, %ne3A_640 : vector<16xi32>
              %rem3A_642 = vector.broadcast %jit3A_621 : i32 to vector<16xi32>
              %rem3A_643 = arith.remsi %add3A_620, %rem3A_642 : vector<16xi32>
              %ne3A_644 = arith.constant 0 : i32
              %ne3A_645 = vector.broadcast %ne3A_644 : i32 to vector<16xi32>
              %ne3A_646 = arith.cmpi ne, %rem3A_643, %ne3A_645 : vector<16xi32>
              %and3A_647 = arith.andi %ne3A_641, %ne3A_646 : vector<16xi1>
              %sub3A_648 = arith.constant 1 : i32
              %sub3A_649 = vector.broadcast %sub3A_648 : i32 to vector<16xi32>
              %sub3A_650 = arith.subi %div3A_623, %sub3A_649 : vector<16xi32>
              %select_n3A_651 = arith.select %and3A_647, %sub3A_650, %div3A_623 : vector<16xi1>, vector<16xi32>
              %mul3A_652 = arith.constant 40 : i32
              %mul3A_653 = vector.broadcast %mul3A_652 : i32 to vector<16xi32>
              %mul3A_654 = arith.muli %select_n3A_651, %mul3A_653 : vector<16xi32>
              %sub3A_655 = arith.subi %add3A_620, %mul3A_654 : vector<16xi32>
              %gather3A = arith.constant 0 : i32
              %gather3A_656 = arith.constant 0 : i32
              %gather3A_657 = arith.constant 0 : i32
              %gather3A_658 = tpu.memref_slice %arg10[%gather3A, %gather3A_656, %gather3A_657] : memref<3x40x80xi32, #tpu.memory_space<vmem>> -> memref<1x40x80xi32, #tpu.memory_space<vmem>>
              %gather3A_659 = tpu.memref_squeeze %gather3A_658 : memref<1x40x80xi32, #tpu.memory_space<vmem>> -> memref<40x80xi32, #tpu.memory_space<vmem>>
              %gather3A_660 = tpu.vector_load_idx %gather3A_659[%sub3A_655, %select_n3A_651] : memref<40x80xi32, #tpu.memory_space<vmem>>[vector<16xi32>, vector<16xi32>], vector<16xi32>,
              %mul3A_661 = arith.constant 16 : i32
              %mul3A_662 = arith.muli %scan3A_613, %mul3A_661 : i32
              %add3A_663 = arith.constant 0 : i32
              %add3A_664 = arith.addi %add3A_663, %mul3A_662 : i32
              %swap3A = arith.index_cast %add3A_664 : i32 to index
              %swap3A_665 = tpu.vector_load %arg12[%swap3A] {strides = array<i32>} : memref<480xi32, #tpu.memory_space<vmem>>, vector<16xi32>,
              tpu.vector_store %arg12[%swap3A], %gather3A_660 {strides = array<i32>} : memref<480xi32, #tpu.memory_space<vmem>>, vector<16xi32>,
              %gather3A_666 = arith.constant 0 : i32
              %gather3A_667 = arith.constant 0 : i32
              %gather3A_668 = arith.constant 0 : i32
              %gather3A_669 = tpu.memref_slice %arg11[%gather3A_666, %gather3A_667, %gather3A_668] : memref<3x40x80xf32, #tpu.memory_space<vmem>> -> memref<1x40x80xf32, #tpu.memory_space<vmem>>
              %gather3A_670 = tpu.memref_squeeze %gather3A_669 : memref<1x40x80xf32, #tpu.memory_space<vmem>> -> memref<40x80xf32, #tpu.memory_space<vmem>>
              %gather3A_671 = tpu.vector_load_idx %gather3A_670[%sub3A_655, %select_n3A_651] : memref<40x80xf32, #tpu.memory_space<vmem>>[vector<16xi32>, vector<16xi32>], vector<16xf32>,
              %mul3A_672 = arith.constant 16 : i32
              %mul3A_673 = arith.muli %scan3A_613, %mul3A_672 : i32
              %add3A_674 = arith.constant 0 : i32
              %add3A_675 = arith.addi %add3A_674, %mul3A_673 : i32
              %swap3A_676 = arith.index_cast %add3A_675 : i32 to index
              %swap3A_677 = tpu.vector_load %arg14[%swap3A_676] {strides = array<i32>} : memref<480xf32, #tpu.memory_space<vmem>>, vector<16xf32>,
              tpu.vector_store %arg14[%swap3A_676], %gather3A_671 {strides = array<i32>} : memref<480xf32, #tpu.memory_space<vmem>>, vector<16xf32>,
              %gather3A_678 = arith.constant 1 : i32
              %gather3A_679 = arith.constant 0 : i32
              %gather3A_680 = arith.constant 0 : i32
              %gather3A_681 = tpu.memref_slice %arg10[%gather3A_678, %gather3A_679, %gather3A_680] : memref<3x40x80xi32, #tpu.memory_space<vmem>> -> memref<1x40x80xi32, #tpu.memory_space<vmem>>
              %gather3A_682 = tpu.memref_squeeze %gather3A_681 : memref<1x40x80xi32, #tpu.memory_space<vmem>> -> memref<40x80xi32, #tpu.memory_space<vmem>>
              %gather3A_683 = tpu.vector_load_idx %gather3A_682[%sub3A_655, %select_n3A_651] : memref<40x80xi32, #tpu.memory_space<vmem>>[vector<16xi32>, vector<16xi32>], vector<16xi32>,
              %mul3A_684 = arith.constant 16 : i32
              %mul3A_685 = arith.muli %scan3A_613, %mul3A_684 : i32
              %add3A_686 = arith.constant 160 : i32
              %add3A_687 = arith.addi %add3A_686, %mul3A_685 : i32
              %swap3A_688 = arith.index_cast %add3A_687 : i32 to index
              %swap3A_689 = tpu.vector_load %arg12[%swap3A_688] {strides = array<i32>} : memref<480xi32, #tpu.memory_space<vmem>>, vector<16xi32>,
              tpu.vector_store %arg12[%swap3A_688], %gather3A_683 {strides = array<i32>} : memref<480xi32, #tpu.memory_space<vmem>>, vector<16xi32>,
              %gather3A_690 = arith.constant 1 : i32
              %gather3A_691 = arith.constant 0 : i32
              %gather3A_692 = arith.constant 0 : i32
              %gather3A_693 = tpu.memref_slice %arg11[%gather3A_690, %gather3A_691, %gather3A_692] : memref<3x40x80xf32, #tpu.memory_space<vmem>> -> memref<1x40x80xf32, #tpu.memory_space<vmem>>
              %gather3A_694 = tpu.memref_squeeze %gather3A_693 : memref<1x40x80xf32, #tpu.memory_space<vmem>> -> memref<40x80xf32, #tpu.memory_space<vmem>>
              %gather3A_695 = tpu.vector_load_idx %gather3A_694[%sub3A_655, %select_n3A_651] : memref<40x80xf32, #tpu.memory_space<vmem>>[vector<16xi32>, vector<16xi32>], vector<16xf32>,
              %mul3A_696 = arith.constant 16 : i32
              %mul3A_697 = arith.muli %scan3A_613, %mul3A_696 : i32
              %add3A_698 = arith.constant 160 : i32
              %add3A_699 = arith.addi %add3A_698, %mul3A_697 : i32
              %swap3A_700 = arith.index_cast %add3A_699 : i32 to index
              %swap3A_701 = tpu.vector_load %arg14[%swap3A_700] {strides = array<i32>} : memref<480xf32, #tpu.memory_space<vmem>>, vector<16xf32>,
              tpu.vector_store %arg14[%swap3A_700], %gather3A_695 {strides = array<i32>} : memref<480xf32, #tpu.memory_space<vmem>>, vector<16xf32>,
              %gather3A_702 = arith.constant 2 : i32
              %gather3A_703 = arith.constant 0 : i32
              %gather3A_704 = arith.constant 0 : i32
              %gather3A_705 = tpu.memref_slice %arg10[%gather3A_702, %gather3A_703, %gather3A_704] : memref<3x40x80xi32, #tpu.memory_space<vmem>> -> memref<1x40x80xi32, #tpu.memory_space<vmem>>
              %gather3A_706 = tpu.memref_squeeze %gather3A_705 : memref<1x40x80xi32, #tpu.memory_space<vmem>> -> memref<40x80xi32, #tpu.memory_space<vmem>>
              %gather3A_707 = tpu.vector_load_idx %gather3A_706[%sub3A_655, %select_n3A_651] : memref<40x80xi32, #tpu.memory_space<vmem>>[vector<16xi32>, vector<16xi32>], vector<16xi32>,
              %mul3A_708 = arith.constant 16 : i32
              %mul3A_709 = arith.muli %scan3A_613, %mul3A_708 : i32
              %add3A_710 = arith.constant 320 : i32
              %add3A_711 = arith.addi %add3A_710, %mul3A_709 : i32
              %swap3A_712 = arith.index_cast %add3A_711 : i32 to index
              %swap3A_713 = tpu.vector_load %arg12[%swap3A_712] {strides = array<i32>} : memref<480xi32, #tpu.memory_space<vmem>>, vector<16xi32>,
              tpu.vector_store %arg12[%swap3A_712], %gather3A_707 {strides = array<i32>} : memref<480xi32, #tpu.memory_space<vmem>>, vector<16xi32>,
              %gather3A_714 = arith.constant 2 : i32
              %gather3A_715 = arith.constant 0 : i32
              %gather3A_716 = arith.constant 0 : i32
              %gather3A_717 = tpu.memref_slice %arg11[%gather3A_714, %gather3A_715, %gather3A_716] : memref<3x40x80xf32, #tpu.memory_space<vmem>> -> memref<1x40x80xf32, #tpu.memory_space<vmem>>
              %gather3A_718 = tpu.memref_squeeze %gather3A_717 : memref<1x40x80xf32, #tpu.memory_space<vmem>> -> memref<40x80xf32, #tpu.memory_space<vmem>>
              %gather3A_719 = tpu.vector_load_idx %gather3A_718[%sub3A_655, %select_n3A_651] : memref<40x80xf32, #tpu.memory_space<vmem>>[vector<16xi32>, vector<16xi32>], vector<16xf32>,
              %mul3A_720 = arith.constant 16 : i32
              %mul3A_721 = arith.muli %scan3A_613, %mul3A_720 : i32
              %add3A_722 = arith.constant 320 : i32
              %add3A_723 = arith.addi %add3A_722, %mul3A_721 : i32
              %swap3A_724 = arith.index_cast %add3A_723 : i32 to index
              %swap3A_725 = tpu.vector_load %arg14[%swap3A_724] {strides = array<i32>} : memref<480xf32, #tpu.memory_space<vmem>>, vector<16xf32>,
              tpu.vector_store %arg14[%swap3A_724], %gather3A_719 {strides = array<i32>} : memref<480xf32, #tpu.memory_space<vmem>>, vector<16xf32>,
            }
            %scan3A_588 = arith.constant 10 : i32
            %dma_start3A_589 = arith.constant 0 : i32
            %dma_start3A_590 = arith.constant 0 : i32
            %dma_start3A_591 = tpu.memref_slice %arg16[%dma_start3A_589, %dma_start3A_590] : memref<480x64xbf16, #tpu.memory_space<vmem>> -> memref<160x64xbf16, #tpu.memory_space<vmem>>
            %dma_start3A_592 = arith.constant 0 : i32
            %dma_start3A_593 = tpu.memref_slice %arg12[%dma_start3A_592] : memref<480xi32, #tpu.memory_space<vmem>> -> memref<160xi32, #tpu.memory_space<vmem>>
            %dma_start3A_594 = arith.constant 0 : i32
            %dma_start3A_595 = arith.constant 0 : i32
            %dma_start3A_596 = tpu.memref_slice %arg2[%dma_start3A_594, %dma_start3A_595] : memref<10000x64xbf16, #tpu.memory_space<hbm>> -> memref<10000x64xbf16, #tpu.memory_space<hbm>>
            tpu.enqueue_indirect_dma source(%dma_start3A_596 : memref<10000x64xbf16, #tpu.memory_space<hbm>>) target(%dma_start3A_591 : memref<160x64xbf16, #tpu.memory_space<vmem>>) offsets(%dma_start3A_593 : memref<160xi32, #tpu.memory_space<vmem>>) semaphore(%arg20 : memref<!tpu.dma_semaphore, #tpu.memory_space<semaphore_mem>>)
            %dma_start3A_597 = arith.constant 160 : i32
            %dma_start3A_598 = arith.constant 0 : i32
            %dma_start3A_599 = tpu.memref_slice %arg16[%dma_start3A_597, %dma_start3A_598] : memref<480x64xbf16, #tpu.memory_space<vmem>> -> memref<160x64xbf16, #tpu.memory_space<vmem>>
            %dma_start3A_600 = arith.constant 160 : i32
            %dma_start3A_601 = tpu.memref_slice %arg12[%dma_start3A_600] : memref<480xi32, #tpu.memory_space<vmem>> -> memref<160xi32, #tpu.memory_space<vmem>>
            %dma_start3A_602 = arith.constant 0 : i32
            %dma_start3A_603 = arith.constant 0 : i32
            %dma_start3A_604 = tpu.memref_slice %arg2[%dma_start3A_602, %dma_start3A_603] : memref<10000x64xbf16, #tpu.memory_space<hbm>> -> memref<10000x64xbf16, #tpu.memory_space<hbm>>
            tpu.enqueue_indirect_dma source(%dma_start3A_604 : memref<10000x64xbf16, #tpu.memory_space<hbm>>) target(%dma_start3A_599 : memref<160x64xbf16, #tpu.memory_space<vmem>>) offsets(%dma_start3A_601 : memref<160xi32, #tpu.memory_space<vmem>>) semaphore(%arg20 : memref<!tpu.dma_semaphore, #tpu.memory_space<semaphore_mem>>)
            %dma_start3A_605 = arith.constant 320 : i32
            %dma_start3A_606 = arith.constant 0 : i32
            %dma_start3A_607 = tpu.memref_slice %arg16[%dma_start3A_605, %dma_start3A_606] : memref<480x64xbf16, #tpu.memory_space<vmem>> -> memref<160x64xbf16, #tpu.memory_space<vmem>>
            %dma_start3A_608 = arith.constant 320 : i32
            %dma_start3A_609 = tpu.memref_slice %arg12[%dma_start3A_608] : memref<480xi32, #tpu.memory_space<vmem>> -> memref<160xi32, #tpu.memory_space<vmem>>
            %dma_start3A_610 = arith.constant 0 : i32
            %dma_start3A_611 = arith.constant 0 : i32
            %dma_start3A_612 = tpu.memref_slice %arg2[%dma_start3A_610, %dma_start3A_611] : memref<10000x64xbf16, #tpu.memory_space<hbm>> -> memref<10000x64xbf16, #tpu.memory_space<hbm>>
            tpu.enqueue_indirect_dma source(%dma_start3A_612 : memref<10000x64xbf16, #tpu.memory_space<hbm>>) target(%dma_start3A_607 : memref<160x64xbf16, #tpu.memory_space<vmem>>) offsets(%dma_start3A_609 : memref<160xi32, #tpu.memory_space<vmem>>) semaphore(%arg20 : memref<!tpu.dma_semaphore, #tpu.memory_space<semaphore_mem>>)
          } else {
          }
          %ge3A_390 = arith.constant 2 : i32
          %ge3A_391 = arith.cmpi sge, %add3A_378, %ge3A_390 : i32
          %gt3A_392 = arith.constant 0 : i32
          %gt3A_393 = arith.cmpi sgt, %scan3A_133, %gt3A_392 : i32
          %or3A_394 = arith.ori %ge3A_391, %gt3A_393 : i1
          %convert_element_type3A_395 = arith.extui %or3A_394 : i1 to i32
          %cond3A_396 = arith.constant 0 : i32
          %cond3A_397 = arith.cmpi ne, %convert_element_type3A_395, %cond3A_396 : i32
          scf.if %cond3A_397 {
            %dma_wait3A_581 = arith.constant 0 : i32
            %dma_wait3A_582 = arith.constant 0 : i32
            %dma_wait3A_583 = arith.constant 0 : i32
            %dma_wait3A_584 = arith.constant 0 : i32
            %dma_wait3A_585 = tpu.memref_slice %arg19[%dma_wait3A_583, %dma_wait3A_584] : memref<80x128xf32, #tpu.memory_space<vmem>> -> memref<20x128xf32, #tpu.memory_space<vmem>>
            %dma_wait3A_586 = arith.constant 0 : i32
            %dma_wait3A_587 = arith.constant 0 : i32
            %dma_wait3A_588 = tpu.memref_slice %arg9[%dma_wait3A_581, %dma_wait3A_586, %dma_wait3A_582, %dma_wait3A_587] : memref<1250x20x8x128xf32, #tpu.memory_space<hbm>> -> memref<1x20x1x128xf32, #tpu.memory_space<hbm>>
            %dma_wait3A_589 = tpu.memref_squeeze %dma_wait3A_588 : memref<1x20x1x128xf32, #tpu.memory_space<hbm>> -> memref<20x128xf32, #tpu.memory_space<hbm>>
            %dma_wait3A_590 = arith.constant 0 : i32
            %dma_wait3A_591 = arith.constant 0 : i32
            %dma_wait3A_592 = tpu.memref_slice %arg19[%dma_wait3A_590, %dma_wait3A_591] : memref<80x128xf32, #tpu.memory_space<vmem>> -> memref<20x128xf32, #tpu.memory_space<vmem>>
            %dma_wait3A_593 = arith.constant 0 : i32
            %dma_wait3A_594 = arith.constant 0 : i32
            %dma_wait3A_595 = tpu.memref_slice %arg9[%dma_wait3A_581, %dma_wait3A_593, %dma_wait3A_582, %dma_wait3A_594] : memref<1250x20x8x128xf32, #tpu.memory_space<hbm>> -> memref<1x20x1x128xf32, #tpu.memory_space<hbm>>
            %dma_wait3A_596 = tpu.memref_squeeze %dma_wait3A_595 : memref<1x20x1x128xf32, #tpu.memory_space<hbm>> -> memref<20x128xf32, #tpu.memory_space<hbm>>
            tpu.wait_dma2 semaphore(%arg23 : memref<!tpu.dma_semaphore, #tpu.memory_space<semaphore_mem>>) src(%dma_wait3A_596 : memref<20x128xf32, #tpu.memory_space<hbm>>) dst(%dma_wait3A_592 : memref<20x128xf32, #tpu.memory_space<vmem>>)
            %dma_wait3A_597 = arith.constant 0 : i32
            %dma_wait3A_598 = arith.constant 0 : i32
            %dma_wait3A_599 = arith.constant 20 : i32
            %dma_wait3A_600 = arith.constant 0 : i32
            %dma_wait3A_601 = tpu.memref_slice %arg19[%dma_wait3A_599, %dma_wait3A_600] : memref<80x128xf32, #tpu.memory_space<vmem>> -> memref<20x128xf32, #tpu.memory_space<vmem>>
            %dma_wait3A_602 = arith.constant 0 : i32
            %dma_wait3A_603 = arith.constant 0 : i32
            %dma_wait3A_604 = tpu.memref_slice %arg9[%dma_wait3A_597, %dma_wait3A_602, %dma_wait3A_598, %dma_wait3A_603] : memref<1250x20x8x128xf32, #tpu.memory_space<hbm>> -> memref<1x20x1x128xf32, #tpu.memory_space<hbm>>
            %dma_wait3A_605 = tpu.memref_squeeze %dma_wait3A_604 : memref<1x20x1x128xf32, #tpu.memory_space<hbm>> -> memref<20x128xf32, #tpu.memory_space<hbm>>
            %dma_wait3A_606 = arith.constant 20 : i32
            %dma_wait3A_607 = arith.constant 0 : i32
            %dma_wait3A_608 = tpu.memref_slice %arg19[%dma_wait3A_606, %dma_wait3A_607] : memref<80x128xf32, #tpu.memory_space<vmem>> -> memref<20x128xf32, #tpu.memory_space<vmem>>
            %dma_wait3A_609 = arith.constant 0 : i32
            %dma_wait3A_610 = arith.constant 0 : i32
            %dma_wait3A_611 = tpu.memref_slice %arg9[%dma_wait3A_597, %dma_wait3A_609, %dma_wait3A_598, %dma_wait3A_610] : memref<1250x20x8x128xf32, #tpu.memory_space<hbm>> -> memref<1x20x1x128xf32, #tpu.memory_space<hbm>>
            %dma_wait3A_612 = tpu.memref_squeeze %dma_wait3A_611 : memref<1x20x1x128xf32, #tpu.memory_space<hbm>> -> memref<20x128xf32, #tpu.memory_space<hbm>>
            tpu.wait_dma2 semaphore(%arg23 : memref<!tpu.dma_semaphore, #tpu.memory_space<semaphore_mem>>) src(%dma_wait3A_612 : memref<20x128xf32, #tpu.memory_space<hbm>>) dst(%dma_wait3A_608 : memref<20x128xf32, #tpu.memory_space<vmem>>)
            %dma_wait3A_613 = arith.constant 0 : i32
            %dma_wait3A_614 = arith.constant 0 : i32
            %dma_wait3A_615 = arith.constant 40 : i32
            %dma_wait3A_616 = arith.constant 0 : i32
            %dma_wait3A_617 = tpu.memref_slice %arg19[%dma_wait3A_615, %dma_wait3A_616] : memref<80x128xf32, #tpu.memory_space<vmem>> -> memref<20x128xf32, #tpu.memory_space<vmem>>
            %dma_wait3A_618 = arith.constant 0 : i32
            %dma_wait3A_619 = arith.constant 0 : i32
            %dma_wait3A_620 = tpu.memref_slice %arg9[%dma_wait3A_613, %dma_wait3A_618, %dma_wait3A_614, %dma_wait3A_619] : memref<1250x20x8x128xf32, #tpu.memory_space<hbm>> -> memref<1x20x1x128xf32, #tpu.memory_space<hbm>>
            %dma_wait3A_621 = tpu.memref_squeeze %dma_wait3A_620 : memref<1x20x1x128xf32, #tpu.memory_space<hbm>> -> memref<20x128xf32, #tpu.memory_space<hbm>>
            %dma_wait3A_622 = arith.constant 40 : i32
            %dma_wait3A_623 = arith.constant 0 : i32
            %dma_wait3A_624 = tpu.memref_slice %arg19[%dma_wait3A_622, %dma_wait3A_623] : memref<80x128xf32, #tpu.memory_space<vmem>> -> memref<20x128xf32, #tpu.memory_space<vmem>>
            %dma_wait3A_625 = arith.constant 0 : i32
            %dma_wait3A_626 = arith.constant 0 : i32
            %dma_wait3A_627 = tpu.memref_slice %arg9[%dma_wait3A_613, %dma_wait3A_625, %dma_wait3A_614, %dma_wait3A_626] : memref<1250x20x8x128xf32, #tpu.memory_space<hbm>> -> memref<1x20x1x128xf32, #tpu.memory_space<hbm>>
            %dma_wait3A_628 = tpu.memref_squeeze %dma_wait3A_627 : memref<1x20x1x128xf32, #tpu.memory_space<hbm>> -> memref<20x128xf32, #tpu.memory_space<hbm>>
            tpu.wait_dma2 semaphore(%arg23 : memref<!tpu.dma_semaphore, #tpu.memory_space<semaphore_mem>>) src(%dma_wait3A_628 : memref<20x128xf32, #tpu.memory_space<hbm>>) dst(%dma_wait3A_624 : memref<20x128xf32, #tpu.memory_space<vmem>>)
            %dma_wait3A_629 = arith.constant 0 : i32
            %dma_wait3A_630 = arith.constant 0 : i32
            %dma_wait3A_631 = arith.constant 60 : i32
            %dma_wait3A_632 = arith.constant 0 : i32
            %dma_wait3A_633 = tpu.memref_slice %arg19[%dma_wait3A_631, %dma_wait3A_632] : memref<80x128xf32, #tpu.memory_space<vmem>> -> memref<20x128xf32, #tpu.memory_space<vmem>>
            %dma_wait3A_634 = arith.constant 0 : i32
            %dma_wait3A_635 = arith.constant 0 : i32
            %dma_wait3A_636 = tpu.memref_slice %arg9[%dma_wait3A_629, %dma_wait3A_634, %dma_wait3A_630, %dma_wait3A_635] : memref<1250x20x8x128xf32, #tpu.memory_space<hbm>> -> memref<1x20x1x128xf32, #tpu.memory_space<hbm>>
            %dma_wait3A_637 = tpu.memref_squeeze %dma_wait3A_636 : memref<1x20x1x128xf32, #tpu.memory_space<hbm>> -> memref<20x128xf32, #tpu.memory_space<hbm>>
            %dma_wait3A_638 = arith.constant 60 : i32
            %dma_wait3A_639 = arith.constant 0 : i32
            %dma_wait3A_640 = tpu.memref_slice %arg19[%dma_wait3A_638, %dma_wait3A_639] : memref<80x128xf32, #tpu.memory_space<vmem>> -> memref<20x128xf32, #tpu.memory_space<vmem>>
            %dma_wait3A_641 = arith.constant 0 : i32
            %dma_wait3A_642 = arith.constant 0 : i32
            %dma_wait3A_643 = tpu.memref_slice %arg9[%dma_wait3A_629, %dma_wait3A_641, %dma_wait3A_630, %dma_wait3A_642] : memref<1250x20x8x128xf32, #tpu.memory_space<hbm>> -> memref<1x20x1x128xf32, #tpu.memory_space<hbm>>
            %dma_wait3A_644 = tpu.memref_squeeze %dma_wait3A_643 : memref<1x20x1x128xf32, #tpu.memory_space<hbm>> -> memref<20x128xf32, #tpu.memory_space<hbm>>
            tpu.wait_dma2 semaphore(%arg23 : memref<!tpu.dma_semaphore, #tpu.memory_space<semaphore_mem>>) src(%dma_wait3A_644 : memref<20x128xf32, #tpu.memory_space<hbm>>) dst(%dma_wait3A_640 : memref<20x128xf32, #tpu.memory_space<vmem>>)
          } else {
          }
          %scan3A_398 = arith.constant 0 : i32
          %scan3A_399 = arith.constant 0 : i32
          %scan3A_400 = arith.constant 10 : i32
          %scan3A_401 = arith.addi %scan3A_399, %scan3A_400 : i32
          %scan3A_402 = arith.constant 1 : i32
          scf.for %scan3A_581 = %scan3A_399 to %scan3A_401 step %scan3A_402  : i32 {
            %mul3A_582 = arith.constant 16 : i32
            %mul3A_583 = arith.muli %scan3A_581, %mul3A_582 : i32
            %get3A = arith.index_cast %mul3A_583 : i32 to index
            %get3A_584 = tpu.vector_load %arg15[%get3A] {strides = array<i32>} : memref<480xf32, #tpu.memory_space<vmem>>, vector<16xf32>,
            %add3A_585 = arith.constant 160 : i32
            %add3A_586 = arith.addi %add3A_585, %mul3A_583 : i32
            %get3A_587 = arith.index_cast %add3A_586 : i32 to index
            %get3A_588 = tpu.vector_load %arg15[%get3A_587] {strides = array<i32>} : memref<480xf32, #tpu.memory_space<vmem>>, vector<16xf32>,
            %add3A_589 = arith.constant 320 : i32
            %add3A_590 = arith.addi %add3A_589, %mul3A_583 : i32
            %get3A_591 = arith.index_cast %add3A_590 : i32 to index
            %get3A_592 = tpu.vector_load %arg15[%get3A_591] {strides = array<i32>} : memref<480xf32, #tpu.memory_space<vmem>>, vector<16xf32>,
            %mul3A_593 = arith.constant 8 : i32
            %mul3A_594 = arith.muli %scan3A_581, %mul3A_593 : i32
            %add3A_595 = arith.constant 0 : i32
            %add3A_596 = arith.addi %mul3A_583, %add3A_595 : i32
            %slice3A = vector.extract_strided_slice %get3A_584 {offsets = [0], sizes = [1], strides = [1]} : vector<16xf32> to vector<1xf32>
            %squeeze3A = vector.extract %slice3A[0] : f32 from vector<1xf32>
            %slice3A_597 = vector.extract_strided_slice %get3A_588 {offsets = [0], sizes = [1], strides = [1]} : vector<16xf32> to vector<1xf32>
            %squeeze3A_598 = vector.extract %slice3A_597[0] : f32 from vector<1xf32>
            %slice3A_599 = vector.extract_strided_slice %get3A_592 {offsets = [0], sizes = [1], strides = [1]} : vector<16xf32> to vector<1xf32>
            %squeeze3A_600 = vector.extract %slice3A_599[0] : f32 from vector<1xf32>
            %get3A_601 = arith.index_cast %add3A_596 : i32 to index
            %get3A_602 = arith.constant 0 : index
            %get3A_603 = tpu.vector_load %arg17[%get3A_601, %get3A_602] {strides = array<i32>} : memref<480x64xbf16, #tpu.memory_space<vmem>>, vector<32xbf16>,
            %unpack3A = tpu.unpack_subelements %get3A_603, 0 {pack_format = #tpu.pack_format<interleaved>} : vector<32xbf16> -> vector<16xf32>
            %unpack3A_604 = tpu.unpack_subelements %get3A_603, 1 {pack_format = #tpu.pack_format<interleaved>} : vector<32xbf16> -> vector<16xf32>
            %add3A_605 = arith.constant 160 : i32
            %add3A_606 = arith.addi %add3A_605, %add3A_596 : i32
            %get3A_607 = arith.index_cast %add3A_606 : i32 to index
            %get3A_608 = arith.constant 0 : index
            %get3A_609 = tpu.vector_load %arg17[%get3A_607, %get3A_608] {strides = array<i32>} : memref<480x64xbf16, #tpu.memory_space<vmem>>, vector<32xbf16>,
            %unpack3A_610 = tpu.unpack_subelements %get3A_609, 0 {pack_format = #tpu.pack_format<interleaved>} : vector<32xbf16> -> vector<16xf32>
            %unpack3A_611 = tpu.unpack_subelements %get3A_609, 1 {pack_format = #tpu.pack_format<interleaved>} : vector<32xbf16> -> vector<16xf32>
            %add3A_612 = arith.constant 320 : i32
            %add3A_613 = arith.addi %add3A_612, %add3A_596 : i32
            %get3A_614 = arith.index_cast %add3A_613 : i32 to index
            %get3A_615 = arith.constant 0 : index
            %get3A_616 = tpu.vector_load %arg17[%get3A_614, %get3A_615] {strides = array<i32>} : memref<480x64xbf16, #tpu.memory_space<vmem>>, vector<32xbf16>,
            %unpack3A_617 = tpu.unpack_subelements %get3A_616, 0 {pack_format = #tpu.pack_format<interleaved>} : vector<32xbf16> -> vector<16xf32>
            %unpack3A_618 = tpu.unpack_subelements %get3A_616, 1 {pack_format = #tpu.pack_format<interleaved>} : vector<32xbf16> -> vector<16xf32>
            %mul3A_619 = vector.broadcast %squeeze3A : f32 to vector<16xf32>
            %mul3A_620 = arith.mulf %mul3A_619, %unpack3A : vector<16xf32>
            %mul3A_621 = vector.broadcast %squeeze3A_598 : f32 to vector<16xf32>
            %mul3A_622 = arith.mulf %mul3A_621, %unpack3A_610 : vector<16xf32>
            %add3A_623 = arith.addf %mul3A_620, %mul3A_622 : vector<16xf32>
            %mul3A_624 = vector.broadcast %squeeze3A_600 : f32 to vector<16xf32>
            %mul3A_625 = arith.mulf %mul3A_624, %unpack3A_617 : vector<16xf32>
            %add3A_626 = arith.addf %add3A_623, %mul3A_625 : vector<16xf32>
            %mul3A_627 = vector.broadcast %squeeze3A : f32 to vector<16xf32>
            %mul3A_628 = arith.mulf %mul3A_627, %unpack3A_604 : vector<16xf32>
            %mul3A_629 = vector.broadcast %squeeze3A_598 : f32 to vector<16xf32>
            %mul3A_630 = arith.mulf %mul3A_629, %unpack3A_611 : vector<16xf32>
            %add3A_631 = arith.addf %mul3A_628, %mul3A_630 : vector<16xf32>
            %mul3A_632 = vector.broadcast %squeeze3A_600 : f32 to vector<16xf32>
            %mul3A_633 = arith.mulf %mul3A_632, %unpack3A_618 : vector<16xf32>
            %add3A_634 = arith.addf %add3A_631, %mul3A_633 : vector<16xf32>
            %add3A_635 = arith.constant 0 : i32
            %add3A_636 = arith.addi %mul3A_594, %add3A_635 : i32
            %swap3A = arith.index_cast %add3A_636 : i32 to index
            %swap3A_637 = arith.constant 0 : index
            %swap3A_638 = tpu.vector_load %arg19[%swap3A, %swap3A_637] {strides = array<i32>} : memref<80x128xf32, #tpu.memory_space<vmem>>, vector<16xf32>,
            tpu.vector_store %arg19[%swap3A, %swap3A_637], %add3A_626 {strides = array<i32>} : memref<80x128xf32, #tpu.memory_space<vmem>>, vector<16xf32>,
            %add3A_639 = arith.constant 0 : i32
            %add3A_640 = arith.addi %mul3A_594, %add3A_639 : i32
            %swap3A_641 = arith.index_cast %add3A_640 : i32 to index
            %swap3A_642 = arith.constant 16 : index
            %swap3A_643 = tpu.vector_load %arg19[%swap3A_641, %swap3A_642] {strides = array<i32>} : memref<80x128xf32, #tpu.memory_space<vmem>>, vector<16xf32>,
            tpu.vector_store %arg19[%swap3A_641, %swap3A_642], %add3A_634 {strides = array<i32>} : memref<80x128xf32, #tpu.memory_space<vmem>>, vector<16xf32>,
            %get3A_644 = arith.index_cast %add3A_596 : i32 to index
            %get3A_645 = arith.constant 32 : index
            %get3A_646 = tpu.vector_load %arg17[%get3A_644, %get3A_645] {strides = array<i32>} : memref<480x64xbf16, #tpu.memory_space<vmem>>, vector<32xbf16>,
            %unpack3A_647 = tpu.unpack_subelements %get3A_646, 0 {pack_format = #tpu.pack_format<interleaved>} : vector<32xbf16> -> vector<16xf32>
            %unpack3A_648 = tpu.unpack_subelements %get3A_646, 1 {pack_format = #tpu.pack_format<interleaved>} : vector<32xbf16> -> vector<16xf32>
            %add3A_649 = arith.constant 160 : i32
            %add3A_650 = arith.addi %add3A_649, %add3A_596 : i32
            %get3A_651 = arith.index_cast %add3A_650 : i32 to index
            %get3A_652 = arith.constant 32 : index
            %get3A_653 = tpu.vector_load %arg17[%get3A_651, %get3A_652] {strides = array<i32>} : memref<480x64xbf16, #tpu.memory_space<vmem>>, vector<32xbf16>,
            %unpack3A_654 = tpu.unpack_subelements %get3A_653, 0 {pack_format = #tpu.pack_format<interleaved>} : vector<32xbf16> -> vector<16xf32>
            %unpack3A_655 = tpu.unpack_subelements %get3A_653, 1 {pack_format = #tpu.pack_format<interleaved>} : vector<32xbf16> -> vector<16xf32>
            %add3A_656 = arith.constant 320 : i32
            %add3A_657 = arith.addi %add3A_656, %add3A_596 : i32
            %get3A_658 = arith.index_cast %add3A_657 : i32 to index
            %get3A_659 = arith.constant 32 : index
            %get3A_660 = tpu.vector_load %arg17[%get3A_658, %get3A_659] {strides = array<i32>} : memref<480x64xbf16, #tpu.memory_space<vmem>>, vector<32xbf16>,
            %unpack3A_661 = tpu.unpack_subelements %get3A_660, 0 {pack_format = #tpu.pack_format<interleaved>} : vector<32xbf16> -> vector<16xf32>
            %unpack3A_662 = tpu.unpack_subelements %get3A_660, 1 {pack_format = #tpu.pack_format<interleaved>} : vector<32xbf16> -> vector<16xf32>
            %mul3A_663 = vector.broadcast %squeeze3A : f32 to vector<16xf32>
            %mul3A_664 = arith.mulf %mul3A_663, %unpack3A_647 : vector<16xf32>
            %mul3A_665 = vector.broadcast %squeeze3A_598 : f32 to vector<16xf32>
            %mul3A_666 = arith.mulf %mul3A_665, %unpack3A_654 : vector<16xf32>
            %add3A_667 = arith.addf %mul3A_664, %mul3A_666 : vector<16xf32>
            %mul3A_668 = vector.broadcast %squeeze3A_600 : f32 to vector<16xf32>
            %mul3A_669 = arith.mulf %mul3A_668, %unpack3A_661 : vector<16xf32>
            %add3A_670 = arith.addf %add3A_667, %mul3A_669 : vector<16xf32>
            %mul3A_671 = vector.broadcast %squeeze3A : f32 to vector<16xf32>
            %mul3A_672 = arith.mulf %mul3A_671, %unpack3A_648 : vector<16xf32>
            %mul3A_673 = vector.broadcast %squeeze3A_598 : f32 to vector<16xf32>
            %mul3A_674 = arith.mulf %mul3A_673, %unpack3A_655 : vector<16xf32>
            %add3A_675 = arith.addf %mul3A_672, %mul3A_674 : vector<16xf32>
            %mul3A_676 = vector.broadcast %squeeze3A_600 : f32 to vector<16xf32>
            %mul3A_677 = arith.mulf %mul3A_676, %unpack3A_662 : vector<16xf32>
            %add3A_678 = arith.addf %add3A_675, %mul3A_677 : vector<16xf32>
            %add3A_679 = arith.constant 0 : i32
            %add3A_680 = arith.addi %mul3A_594, %add3A_679 : i32
            %swap3A_681 = arith.index_cast %add3A_680 : i32 to index
            %swap3A_682 = arith.constant 32 : index
            %swap3A_683 = tpu.vector_load %arg19[%swap3A_681, %swap3A_682] {strides = array<i32>} : memref<80x128xf32, #tpu.memory_space<vmem>>, vector<16xf32>,
            tpu.vector_store %arg19[%swap3A_681, %swap3A_682], %add3A_670 {strides = array<i32>} : memref<80x128xf32, #tpu.memory_space<vmem>>, vector<16xf32>,
            %add3A_684 = arith.constant 0 : i32
            %add3A_685 = arith.addi %mul3A_594, %add3A_684 : i32
            %swap3A_686 = arith.index_cast %add3A_685 : i32 to index
            %swap3A_687 = arith.constant 48 : index
            %swap3A_688 = tpu.vector_load %arg19[%swap3A_686, %swap3A_687] {strides = array<i32>} : memref<80x128xf32, #tpu.memory_space<vmem>>, vector<16xf32>,
            tpu.vector_store %arg19[%swap3A_686, %swap3A_687], %add3A_678 {strides = array<i32>} : memref<80x128xf32, #tpu.memory_space<vmem>>, vector<16xf32>,
            %add3A_689 = arith.constant 1 : i32
            %add3A_690 = arith.addi %mul3A_583, %add3A_689 : i32
            %slice3A_691 = vector.extract_strided_slice %get3A_584 {offsets = [1], sizes = [1], strides = [1]} : vector<16xf32> to vector<1xf32>
            %squeeze3A_692 = vector.extract %slice3A_691[0] : f32 from vector<1xf32>
            %slice3A_693 = vector.extract_strided_slice %get3A_588 {offsets = [1], sizes = [1], strides = [1]} : vector<16xf32> to vector<1xf32>
            %squeeze3A_694 = vector.extract %slice3A_693[0] : f32 from vector<1xf32>
            %slice3A_695 = vector.extract_strided_slice %get3A_592 {offsets = [1], sizes = [1], strides = [1]} : vector<16xf32> to vector<1xf32>
            %squeeze3A_696 = vector.extract %slice3A_695[0] : f32 from vector<1xf32>
            %get3A_697 = arith.index_cast %add3A_690 : i32 to index
            %get3A_698 = arith.constant 0 : index
            %get3A_699 = tpu.vector_load %arg17[%get3A_697, %get3A_698] {strides = array<i32>} : memref<480x64xbf16, #tpu.memory_space<vmem>>, vector<32xbf16>,
            %unpack3A_700 = tpu.unpack_subelements %get3A_699, 0 {pack_format = #tpu.pack_format<interleaved>} : vector<32xbf16> -> vector<16xf32>
            %unpack3A_701 = tpu.unpack_subelements %get3A_699, 1 {pack_format = #tpu.pack_format<interleaved>} : vector<32xbf16> -> vector<16xf32>
            %add3A_702 = arith.constant 160 : i32
            %add3A_703 = arith.addi %add3A_702, %add3A_690 : i32
            %get3A_704 = arith.index_cast %add3A_703 : i32 to index
            %get3A_705 = arith.constant 0 : index
            %get3A_706 = tpu.vector_load %arg17[%get3A_704, %get3A_705] {strides = array<i32>} : memref<480x64xbf16, #tpu.memory_space<vmem>>, vector<32xbf16>,
            %unpack3A_707 = tpu.unpack_subelements %get3A_706, 0 {pack_format = #tpu.pack_format<interleaved>} : vector<32xbf16> -> vector<16xf32>
            %unpack3A_708 = tpu.unpack_subelements %get3A_706, 1 {pack_format = #tpu.pack_format<interleaved>} : vector<32xbf16> -> vector<16xf32>
            %add3A_709 = arith.constant 320 : i32
            %add3A_710 = arith.addi %add3A_709, %add3A_690 : i32
            %get3A_711 = arith.index_cast %add3A_710 : i32 to index
            %get3A_712 = arith.constant 0 : index
            %get3A_713 = tpu.vector_load %arg17[%get3A_711, %get3A_712] {strides = array<i32>} : memref<480x64xbf16, #tpu.memory_space<vmem>>, vector<32xbf16>,
            %unpack3A_714 = tpu.unpack_subelements %get3A_713, 0 {pack_format = #tpu.pack_format<interleaved>} : vector<32xbf16> -> vector<16xf32>
            %unpack3A_715 = tpu.unpack_subelements %get3A_713, 1 {pack_format = #tpu.pack_format<interleaved>} : vector<32xbf16> -> vector<16xf32>
            %mul3A_716 = vector.broadcast %squeeze3A_692 : f32 to vector<16xf32>
            %mul3A_717 = arith.mulf %mul3A_716, %unpack3A_700 : vector<16xf32>
            %mul3A_718 = vector.broadcast %squeeze3A_694 : f32 to vector<16xf32>
            %mul3A_719 = arith.mulf %mul3A_718, %unpack3A_707 : vector<16xf32>
            %add3A_720 = arith.addf %mul3A_717, %mul3A_719 : vector<16xf32>
            %mul3A_721 = vector.broadcast %squeeze3A_696 : f32 to vector<16xf32>
            %mul3A_722 = arith.mulf %mul3A_721, %unpack3A_714 : vector<16xf32>
            %add3A_723 = arith.addf %add3A_720, %mul3A_722 : vector<16xf32>
            %mul3A_724 = vector.broadcast %squeeze3A_692 : f32 to vector<16xf32>
            %mul3A_725 = arith.mulf %mul3A_724, %unpack3A_701 : vector<16xf32>
            %mul3A_726 = vector.broadcast %squeeze3A_694 : f32 to vector<16xf32>
            %mul3A_727 = arith.mulf %mul3A_726, %unpack3A_708 : vector<16xf32>
            %add3A_728 = arith.addf %mul3A_725, %mul3A_727 : vector<16xf32>
            %mul3A_729 = vector.broadcast %squeeze3A_696 : f32 to vector<16xf32>
            %mul3A_730 = arith.mulf %mul3A_729, %unpack3A_715 : vector<16xf32>
            %add3A_731 = arith.addf %add3A_728, %mul3A_730 : vector<16xf32>
            %add3A_732 = arith.constant 0 : i32
            %add3A_733 = arith.addi %mul3A_594, %add3A_732 : i32
            %swap3A_734 = arith.index_cast %add3A_733 : i32 to index
            %swap3A_735 = arith.constant 64 : index
            %swap3A_736 = tpu.vector_load %arg19[%swap3A_734, %swap3A_735] {strides = array<i32>} : memref<80x128xf32, #tpu.memory_space<vmem>>, vector<16xf32>,
            tpu.vector_store %arg19[%swap3A_734, %swap3A_735], %add3A_723 {strides = array<i32>} : memref<80x128xf32, #tpu.memory_space<vmem>>, vector<16xf32>,
            %add3A_737 = arith.constant 0 : i32
            %add3A_738 = arith.addi %mul3A_594, %add3A_737 : i32
            %swap3A_739 = arith.index_cast %add3A_738 : i32 to index
            %swap3A_740 = arith.constant 80 : index
            %swap3A_741 = tpu.vector_load %arg19[%swap3A_739, %swap3A_740] {strides = array<i32>} : memref<80x128xf32, #tpu.memory_space<vmem>>, vector<16xf32>,
            tpu.vector_store %arg19[%swap3A_739, %swap3A_740], %add3A_731 {strides = array<i32>} : memref<80x128xf32, #tpu.memory_space<vmem>>, vector<16xf32>,
            %get3A_742 = arith.index_cast %add3A_690 : i32 to index
            %get3A_743 = arith.constant 32 : index
            %get3A_744 = tpu.vector_load %arg17[%get3A_742, %get3A_743] {strides = array<i32>} : memref<480x64xbf16, #tpu.memory_space<vmem>>, vector<32xbf16>,
            %unpack3A_745 = tpu.unpack_subelements %get3A_744, 0 {pack_format = #tpu.pack_format<interleaved>} : vector<32xbf16> -> vector<16xf32>
            %unpack3A_746 = tpu.unpack_subelements %get3A_744, 1 {pack_format = #tpu.pack_format<interleaved>} : vector<32xbf16> -> vector<16xf32>
            %add3A_747 = arith.constant 160 : i32
            %add3A_748 = arith.addi %add3A_747, %add3A_690 : i32
            %get3A_749 = arith.index_cast %add3A_748 : i32 to index
            %get3A_750 = arith.constant 32 : index
            %get3A_751 = tpu.vector_load %arg17[%get3A_749, %get3A_750] {strides = array<i32>} : memref<480x64xbf16, #tpu.memory_space<vmem>>, vector<32xbf16>,
            %unpack3A_752 = tpu.unpack_subelements %get3A_751, 0 {pack_format = #tpu.pack_format<interleaved>} : vector<32xbf16> -> vector<16xf32>
            %unpack3A_753 = tpu.unpack_subelements %get3A_751, 1 {pack_format = #tpu.pack_format<interleaved>} : vector<32xbf16> -> vector<16xf32>
            %add3A_754 = arith.constant 320 : i32
            %add3A_755 = arith.addi %add3A_754, %add3A_690 : i32
            %get3A_756 = arith.index_cast %add3A_755 : i32 to index
            %get3A_757 = arith.constant 32 : index
            %get3A_758 = tpu.vector_load %arg17[%get3A_756, %get3A_757] {strides = array<i32>} : memref<480x64xbf16, #tpu.memory_space<vmem>>, vector<32xbf16>,
            %unpack3A_759 = tpu.unpack_subelements %get3A_758, 0 {pack_format = #tpu.pack_format<interleaved>} : vector<32xbf16> -> vector<16xf32>
            %unpack3A_760 = tpu.unpack_subelements %get3A_758, 1 {pack_format = #tpu.pack_format<interleaved>} : vector<32xbf16> -> vector<16xf32>
            %mul3A_761 = vector.broadcast %squeeze3A_692 : f32 to vector<16xf32>
            %mul3A_762 = arith.mulf %mul3A_761, %unpack3A_745 : vector<16xf32>
            %mul3A_763 = vector.broadcast %squeeze3A_694 : f32 to vector<16xf32>
            %mul3A_764 = arith.mulf %mul3A_763, %unpack3A_752 : vector<16xf32>
            %add3A_765 = arith.addf %mul3A_762, %mul3A_764 : vector<16xf32>
            %mul3A_766 = vector.broadcast %squeeze3A_696 : f32 to vector<16xf32>
            %mul3A_767 = arith.mulf %mul3A_766, %unpack3A_759 : vector<16xf32>
            %add3A_768 = arith.addf %add3A_765, %mul3A_767 : vector<16xf32>
            %mul3A_769 = vector.broadcast %squeeze3A_692 : f32 to vector<16xf32>
            %mul3A_770 = arith.mulf %mul3A_769, %unpack3A_746 : vector<16xf32>
            %mul3A_771 = vector.broadcast %squeeze3A_694 : f32 to vector<16xf32>
            %mul3A_772 = arith.mulf %mul3A_771, %unpack3A_753 : vector<16xf32>
            %add3A_773 = arith.addf %mul3A_770, %mul3A_772 : vector<16xf32>
            %mul3A_774 = vector.broadcast %squeeze3A_696 : f32 to vector<16xf32>
            %mul3A_775 = arith.mulf %mul3A_774, %unpack3A_760 : vector<16xf32>
            %add3A_776 = arith.addf %add3A_773, %mul3A_775 : vector<16xf32>
            %add3A_777 = arith.constant 0 : i32
            %add3A_778 = arith.addi %mul3A_594, %add3A_777 : i32
            %swap3A_779 = arith.index_cast %add3A_778 : i32 to index
            %swap3A_780 = arith.constant 96 : index
            %swap3A_781 = tpu.vector_load %arg19[%swap3A_779, %swap3A_780] {strides = array<i32>} : memref<80x128xf32, #tpu.memory_space<vmem>>, vector<16xf32>,
            tpu.vector_store %arg19[%swap3A_779, %swap3A_780], %add3A_768 {strides = array<i32>} : memref<80x128xf32, #tpu.memory_space<vmem>>, vector<16xf32>,
            %add3A_782 = arith.constant 0 : i32
            %add3A_783 = arith.addi %mul3A_594, %add3A_782 : i32
            %swap3A_784 = arith.index_cast %add3A_783 : i32 to index
            %swap3A_785 = arith.constant 112 : index
            %swap3A_786 = tpu.vector_load %arg19[%swap3A_784, %swap3A_785] {strides = array<i32>} : memref<80x128xf32, #tpu.memory_space<vmem>>, vector<16xf32>,
            tpu.vector_store %arg19[%swap3A_784, %swap3A_785], %add3A_776 {strides = array<i32>} : memref<80x128xf32, #tpu.memory_space<vmem>>, vector<16xf32>,
            %add3A_787 = arith.constant 2 : i32
            %add3A_788 = arith.addi %mul3A_583, %add3A_787 : i32
            %slice3A_789 = vector.extract_strided_slice %get3A_584 {offsets = [2], sizes = [1], strides = [1]} : vector<16xf32> to vector<1xf32>
            %squeeze3A_790 = vector.extract %slice3A_789[0] : f32 from vector<1xf32>
            %slice3A_791 = vector.extract_strided_slice %get3A_588 {offsets = [2], sizes = [1], strides = [1]} : vector<16xf32> to vector<1xf32>
            %squeeze3A_792 = vector.extract %slice3A_791[0] : f32 from vector<1xf32>
            %slice3A_793 = vector.extract_strided_slice %get3A_592 {offsets = [2], sizes = [1], strides = [1]} : vector<16xf32> to vector<1xf32>
            %squeeze3A_794 = vector.extract %slice3A_793[0] : f32 from vector<1xf32>
            %get3A_795 = arith.index_cast %add3A_788 : i32 to index
            %get3A_796 = arith.constant 0 : index
            %get3A_797 = tpu.vector_load %arg17[%get3A_795, %get3A_796] {strides = array<i32>} : memref<480x64xbf16, #tpu.memory_space<vmem>>, vector<32xbf16>,
            %unpack3A_798 = tpu.unpack_subelements %get3A_797, 0 {pack_format = #tpu.pack_format<interleaved>} : vector<32xbf16> -> vector<16xf32>
            %unpack3A_799 = tpu.unpack_subelements %get3A_797, 1 {pack_format = #tpu.pack_format<interleaved>} : vector<32xbf16> -> vector<16xf32>
            %add3A_800 = arith.constant 160 : i32
            %add3A_801 = arith.addi %add3A_800, %add3A_788 : i32
            %get3A_802 = arith.index_cast %add3A_801 : i32 to index
            %get3A_803 = arith.constant 0 : index
            %get3A_804 = tpu.vector_load %arg17[%get3A_802, %get3A_803] {strides = array<i32>} : memref<480x64xbf16, #tpu.memory_space<vmem>>, vector<32xbf16>,
            %unpack3A_805 = tpu.unpack_subelements %get3A_804, 0 {pack_format = #tpu.pack_format<interleaved>} : vector<32xbf16> -> vector<16xf32>
            %unpack3A_806 = tpu.unpack_subelements %get3A_804, 1 {pack_format = #tpu.pack_format<interleaved>} : vector<32xbf16> -> vector<16xf32>
            %add3A_807 = arith.constant 320 : i32
            %add3A_808 = arith.addi %add3A_807, %add3A_788 : i32
            %get3A_809 = arith.index_cast %add3A_808 : i32 to index
            %get3A_810 = arith.constant 0 : index
            %get3A_811 = tpu.vector_load %arg17[%get3A_809, %get3A_810] {strides = array<i32>} : memref<480x64xbf16, #tpu.memory_space<vmem>>, vector<32xbf16>,
            %unpack3A_812 = tpu.unpack_subelements %get3A_811, 0 {pack_format = #tpu.pack_format<interleaved>} : vector<32xbf16> -> vector<16xf32>
            %unpack3A_813 = tpu.unpack_subelements %get3A_811, 1 {pack_format = #tpu.pack_format<interleaved>} : vector<32xbf16> -> vector<16xf32>
            %mul3A_814 = vector.broadcast %squeeze3A_790 : f32 to vector<16xf32>
            %mul3A_815 = arith.mulf %mul3A_814, %unpack3A_798 : vector<16xf32>
            %mul3A_816 = vector.broadcast %squeeze3A_792 : f32 to vector<16xf32>
            %mul3A_817 = arith.mulf %mul3A_816, %unpack3A_805 : vector<16xf32>
            %add3A_818 = arith.addf %mul3A_815, %mul3A_817 : vector<16xf32>
            %mul3A_819 = vector.broadcast %squeeze3A_794 : f32 to vector<16xf32>
            %mul3A_820 = arith.mulf %mul3A_819, %unpack3A_812 : vector<16xf32>
            %add3A_821 = arith.addf %add3A_818, %mul3A_820 : vector<16xf32>
            %mul3A_822 = vector.broadcast %squeeze3A_790 : f32 to vector<16xf32>
            %mul3A_823 = arith.mulf %mul3A_822, %unpack3A_799 : vector<16xf32>
            %mul3A_824 = vector.broadcast %squeeze3A_792 : f32 to vector<16xf32>
            %mul3A_825 = arith.mulf %mul3A_824, %unpack3A_806 : vector<16xf32>
            %add3A_826 = arith.addf %mul3A_823, %mul3A_825 : vector<16xf32>
            %mul3A_827 = vector.broadcast %squeeze3A_794 : f32 to vector<16xf32>
            %mul3A_828 = arith.mulf %mul3A_827, %unpack3A_813 : vector<16xf32>
            %add3A_829 = arith.addf %add3A_826, %mul3A_828 : vector<16xf32>
            %add3A_830 = arith.constant 1 : i32
            %add3A_831 = arith.addi %mul3A_594, %add3A_830 : i32
            %swap3A_832 = arith.index_cast %add3A_831 : i32 to index
            %swap3A_833 = arith.constant 0 : index
            %swap3A_834 = tpu.vector_load %arg19[%swap3A_832, %swap3A_833] {strides = array<i32>} : memref<80x128xf32, #tpu.memory_space<vmem>>, vector<16xf32>,
            tpu.vector_store %arg19[%swap3A_832, %swap3A_833], %add3A_821 {strides = array<i32>} : memref<80x128xf32, #tpu.memory_space<vmem>>, vector<16xf32>,
            %add3A_835 = arith.constant 1 : i32
            %add3A_836 = arith.addi %mul3A_594, %add3A_835 : i32
            %swap3A_837 = arith.index_cast %add3A_836 : i32 to index
            %swap3A_838 = arith.constant 16 : index
            %swap3A_839 = tpu.vector_load %arg19[%swap3A_837, %swap3A_838] {strides = array<i32>} : memref<80x128xf32, #tpu.memory_space<vmem>>, vector<16xf32>,
            tpu.vector_store %arg19[%swap3A_837, %swap3A_838], %add3A_829 {strides = array<i32>} : memref<80x128xf32, #tpu.memory_space<vmem>>, vector<16xf32>,
            %get3A_840 = arith.index_cast %add3A_788 : i32 to index
            %get3A_841 = arith.constant 32 : index
            %get3A_842 = tpu.vector_load %arg17[%get3A_840, %get3A_841] {strides = array<i32>} : memref<480x64xbf16, #tpu.memory_space<vmem>>, vector<32xbf16>,
            %unpack3A_843 = tpu.unpack_subelements %get3A_842, 0 {pack_format = #tpu.pack_format<interleaved>} : vector<32xbf16> -> vector<16xf32>
            %unpack3A_844 = tpu.unpack_subelements %get3A_842, 1 {pack_format = #tpu.pack_format<interleaved>} : vector<32xbf16> -> vector<16xf32>
            %add3A_845 = arith.constant 160 : i32
            %add3A_846 = arith.addi %add3A_845, %add3A_788 : i32
            %get3A_847 = arith.index_cast %add3A_846 : i32 to index
            %get3A_848 = arith.constant 32 : index
            %get3A_849 = tpu.vector_load %arg17[%get3A_847, %get3A_848] {strides = array<i32>} : memref<480x64xbf16, #tpu.memory_space<vmem>>, vector<32xbf16>,
            %unpack3A_850 = tpu.unpack_subelements %get3A_849, 0 {pack_format = #tpu.pack_format<interleaved>} : vector<32xbf16> -> vector<16xf32>
            %unpack3A_851 = tpu.unpack_subelements %get3A_849, 1 {pack_format = #tpu.pack_format<interleaved>} : vector<32xbf16> -> vector<16xf32>
            %add3A_852 = arith.constant 320 : i32
            %add3A_853 = arith.addi %add3A_852, %add3A_788 : i32
            %get3A_854 = arith.index_cast %add3A_853 : i32 to index
            %get3A_855 = arith.constant 32 : index
            %get3A_856 = tpu.vector_load %arg17[%get3A_854, %get3A_855] {strides = array<i32>} : memref<480x64xbf16, #tpu.memory_space<vmem>>, vector<32xbf16>,
            %unpack3A_857 = tpu.unpack_subelements %get3A_856, 0 {pack_format = #tpu.pack_format<interleaved>} : vector<32xbf16> -> vector<16xf32>
            %unpack3A_858 = tpu.unpack_subelements %get3A_856, 1 {pack_format = #tpu.pack_format<interleaved>} : vector<32xbf16> -> vector<16xf32>
            %mul3A_859 = vector.broadcast %squeeze3A_790 : f32 to vector<16xf32>
            %mul3A_860 = arith.mulf %mul3A_859, %unpack3A_843 : vector<16xf32>
            %mul3A_861 = vector.broadcast %squeeze3A_792 : f32 to vector<16xf32>
            %mul3A_862 = arith.mulf %mul3A_861, %unpack3A_850 : vector<16xf32>
            %add3A_863 = arith.addf %mul3A_860, %mul3A_862 : vector<16xf32>
            %mul3A_864 = vector.broadcast %squeeze3A_794 : f32 to vector<16xf32>
            %mul3A_865 = arith.mulf %mul3A_864, %unpack3A_857 : vector<16xf32>
            %add3A_866 = arith.addf %add3A_863, %mul3A_865 : vector<16xf32>
            %mul3A_867 = vector.broadcast %squeeze3A_790 : f32 to vector<16xf32>
            %mul3A_868 = arith.mulf %mul3A_867, %unpack3A_844 : vector<16xf32>
            %mul3A_869 = vector.broadcast %squeeze3A_792 : f32 to vector<16xf32>
            %mul3A_870 = arith.mulf %mul3A_869, %unpack3A_851 : vector<16xf32>
            %add3A_871 = arith.addf %mul3A_868, %mul3A_870 : vector<16xf32>
            %mul3A_872 = vector.broadcast %squeeze3A_794 : f32 to vector<16xf32>
            %mul3A_873 = arith.mulf %mul3A_872, %unpack3A_858 : vector<16xf32>
            %add3A_874 = arith.addf %add3A_871, %mul3A_873 : vector<16xf32>
            %add3A_875 = arith.constant 1 : i32
            %add3A_876 = arith.addi %mul3A_594, %add3A_875 : i32
            %swap3A_877 = arith.index_cast %add3A_876 : i32 to index
            %swap3A_878 = arith.constant 32 : index
            %swap3A_879 = tpu.vector_load %arg19[%swap3A_877, %swap3A_878] {strides = array<i32>} : memref<80x128xf32, #tpu.memory_space<vmem>>, vector<16xf32>,
            tpu.vector_store %arg19[%swap3A_877, %swap3A_878], %add3A_866 {strides = array<i32>} : memref<80x128xf32, #tpu.memory_space<vmem>>, vector<16xf32>,
            %add3A_880 = arith.constant 1 : i32
            %add3A_881 = arith.addi %mul3A_594, %add3A_880 : i32
            %swap3A_882 = arith.index_cast %add3A_881 : i32 to index
            %swap3A_883 = arith.constant 48 : index
            %swap3A_884 = tpu.vector_load %arg19[%swap3A_882, %swap3A_883] {strides = array<i32>} : memref<80x128xf32, #tpu.memory_space<vmem>>, vector<16xf32>,
            tpu.vector_store %arg19[%swap3A_882, %swap3A_883], %add3A_874 {strides = array<i32>} : memref<80x128xf32, #tpu.memory_space<vmem>>, vector<16xf32>,
            %add3A_885 = arith.constant 3 : i32
            %add3A_886 = arith.addi %mul3A_583, %add3A_885 : i32
            %slice3A_887 = vector.extract_strided_slice %get3A_584 {offsets = [3], sizes = [1], strides = [1]} : vector<16xf32> to vector<1xf32>
            %squeeze3A_888 = vector.extract %slice3A_887[0] : f32 from vector<1xf32>
            %slice3A_889 = vector.extract_strided_slice %get3A_588 {offsets = [3], sizes = [1], strides = [1]} : vector<16xf32> to vector<1xf32>
            %squeeze3A_890 = vector.extract %slice3A_889[0] : f32 from vector<1xf32>
            %slice3A_891 = vector.extract_strided_slice %get3A_592 {offsets = [3], sizes = [1], strides = [1]} : vector<16xf32> to vector<1xf32>
            %squeeze3A_892 = vector.extract %slice3A_891[0] : f32 from vector<1xf32>
            %get3A_893 = arith.index_cast %add3A_886 : i32 to index
            %get3A_894 = arith.constant 0 : index
            %get3A_895 = tpu.vector_load %arg17[%get3A_893, %get3A_894] {strides = array<i32>} : memref<480x64xbf16, #tpu.memory_space<vmem>>, vector<32xbf16>,
            %unpack3A_896 = tpu.unpack_subelements %get3A_895, 0 {pack_format = #tpu.pack_format<interleaved>} : vector<32xbf16> -> vector<16xf32>
            %unpack3A_897 = tpu.unpack_subelements %get3A_895, 1 {pack_format = #tpu.pack_format<interleaved>} : vector<32xbf16> -> vector<16xf32>
            %add3A_898 = arith.constant 160 : i32
            %add3A_899 = arith.addi %add3A_898, %add3A_886 : i32
            %get3A_900 = arith.index_cast %add3A_899 : i32 to index
            %get3A_901 = arith.constant 0 : index
            %get3A_902 = tpu.vector_load %arg17[%get3A_900, %get3A_901] {strides = array<i32>} : memref<480x64xbf16, #tpu.memory_space<vmem>>, vector<32xbf16>,
            %unpack3A_903 = tpu.unpack_subelements %get3A_902, 0 {pack_format = #tpu.pack_format<interleaved>} : vector<32xbf16> -> vector<16xf32>
            %unpack3A_904 = tpu.unpack_subelements %get3A_902, 1 {pack_format = #tpu.pack_format<interleaved>} : vector<32xbf16> -> vector<16xf32>
            %add3A_905 = arith.constant 320 : i32
            %add3A_906 = arith.addi %add3A_905, %add3A_886 : i32
            %get3A_907 = arith.index_cast %add3A_906 : i32 to index
            %get3A_908 = arith.constant 0 : index
            %get3A_909 = tpu.vector_load %arg17[%get3A_907, %get3A_908] {strides = array<i32>} : memref<480x64xbf16, #tpu.memory_space<vmem>>, vector<32xbf16>,
            %unpack3A_910 = tpu.unpack_subelements %get3A_909, 0 {pack_format = #tpu.pack_format<interleaved>} : vector<32xbf16> -> vector<16xf32>
            %unpack3A_911 = tpu.unpack_subelements %get3A_909, 1 {pack_format = #tpu.pack_format<interleaved>} : vector<32xbf16> -> vector<16xf32>
            %mul3A_912 = vector.broadcast %squeeze3A_888 : f32 to vector<16xf32>
            %mul3A_913 = arith.mulf %mul3A_912, %unpack3A_896 : vector<16xf32>
            %mul3A_914 = vector.broadcast %squeeze3A_890 : f32 to vector<16xf32>
            %mul3A_915 = arith.mulf %mul3A_914, %unpack3A_903 : vector<16xf32>
            %add3A_916 = arith.addf %mul3A_913, %mul3A_915 : vector<16xf32>
            %mul3A_917 = vector.broadcast %squeeze3A_892 : f32 to vector<16xf32>
            %mul3A_918 = arith.mulf %mul3A_917, %unpack3A_910 : vector<16xf32>
            %add3A_919 = arith.addf %add3A_916, %mul3A_918 : vector<16xf32>
            %mul3A_920 = vector.broadcast %squeeze3A_888 : f32 to vector<16xf32>
            %mul3A_921 = arith.mulf %mul3A_920, %unpack3A_897 : vector<16xf32>
            %mul3A_922 = vector.broadcast %squeeze3A_890 : f32 to vector<16xf32>
            %mul3A_923 = arith.mulf %mul3A_922, %unpack3A_904 : vector<16xf32>
            %add3A_924 = arith.addf %mul3A_921, %mul3A_923 : vector<16xf32>
            %mul3A_925 = vector.broadcast %squeeze3A_892 : f32 to vector<16xf32>
            %mul3A_926 = arith.mulf %mul3A_925, %unpack3A_911 : vector<16xf32>
            %add3A_927 = arith.addf %add3A_924, %mul3A_926 : vector<16xf32>
            %add3A_928 = arith.constant 1 : i32
            %add3A_929 = arith.addi %mul3A_594, %add3A_928 : i32
            %swap3A_930 = arith.index_cast %add3A_929 : i32 to index
            %swap3A_931 = arith.constant 64 : index
            %swap3A_932 = tpu.vector_load %arg19[%swap3A_930, %swap3A_931] {strides = array<i32>} : memref<80x128xf32, #tpu.memory_space<vmem>>, vector<16xf32>,
            tpu.vector_store %arg19[%swap3A_930, %swap3A_931], %add3A_919 {strides = array<i32>} : memref<80x128xf32, #tpu.memory_space<vmem>>, vector<16xf32>,
            %add3A_933 = arith.constant 1 : i32
            %add3A_934 = arith.addi %mul3A_594, %add3A_933 : i32
            %swap3A_935 = arith.index_cast %add3A_934 : i32 to index
            %swap3A_936 = arith.constant 80 : index
            %swap3A_937 = tpu.vector_load %arg19[%swap3A_935, %swap3A_936] {strides = array<i32>} : memref<80x128xf32, #tpu.memory_space<vmem>>, vector<16xf32>,
            tpu.vector_store %arg19[%swap3A_935, %swap3A_936], %add3A_927 {strides = array<i32>} : memref<80x128xf32, #tpu.memory_space<vmem>>, vector<16xf32>,
            %get3A_938 = arith.index_cast %add3A_886 : i32 to index
            %get3A_939 = arith.constant 32 : index
            %get3A_940 = tpu.vector_load %arg17[%get3A_938, %get3A_939] {strides = array<i32>} : memref<480x64xbf16, #tpu.memory_space<vmem>>, vector<32xbf16>,
            %unpack3A_941 = tpu.unpack_subelements %get3A_940, 0 {pack_format = #tpu.pack_format<interleaved>} : vector<32xbf16> -> vector<16xf32>
            %unpack3A_942 = tpu.unpack_subelements %get3A_940, 1 {pack_format = #tpu.pack_format<interleaved>} : vector<32xbf16> -> vector<16xf32>
            %add3A_943 = arith.constant 160 : i32
            %add3A_944 = arith.addi %add3A_943, %add3A_886 : i32
            %get3A_945 = arith.index_cast %add3A_944 : i32 to index
            %get3A_946 = arith.constant 32 : index
            %get3A_947 = tpu.vector_load %arg17[%get3A_945, %get3A_946] {strides = array<i32>} : memref<480x64xbf16, #tpu.memory_space<vmem>>, vector<32xbf16>,
            %unpack3A_948 = tpu.unpack_subelements %get3A_947, 0 {pack_format = #tpu.pack_format<interleaved>} : vector<32xbf16> -> vector<16xf32>
            %unpack3A_949 = tpu.unpack_subelements %get3A_947, 1 {pack_format = #tpu.pack_format<interleaved>} : vector<32xbf16> -> vector<16xf32>
            %add3A_950 = arith.constant 320 : i32
            %add3A_951 = arith.addi %add3A_950, %add3A_886 : i32
            %get3A_952 = arith.index_cast %add3A_951 : i32 to index
            %get3A_953 = arith.constant 32 : index
            %get3A_954 = tpu.vector_load %arg17[%get3A_952, %get3A_953] {strides = array<i32>} : memref<480x64xbf16, #tpu.memory_space<vmem>>, vector<32xbf16>,
            %unpack3A_955 = tpu.unpack_subelements %get3A_954, 0 {pack_format = #tpu.pack_format<interleaved>} : vector<32xbf16> -> vector<16xf32>
            %unpack3A_956 = tpu.unpack_subelements %get3A_954, 1 {pack_format = #tpu.pack_format<interleaved>} : vector<32xbf16> -> vector<16xf32>
            %mul3A_957 = vector.broadcast %squeeze3A_888 : f32 to vector<16xf32>
            %mul3A_958 = arith.mulf %mul3A_957, %unpack3A_941 : vector<16xf32>
            %mul3A_959 = vector.broadcast %squeeze3A_890 : f32 to vector<16xf32>
            %mul3A_960 = arith.mulf %mul3A_959, %unpack3A_948 : vector<16xf32>
            %add3A_961 = arith.addf %mul3A_958, %mul3A_960 : vector<16xf32>
            %mul3A_962 = vector.broadcast %squeeze3A_892 : f32 to vector<16xf32>
            %mul3A_963 = arith.mulf %mul3A_962, %unpack3A_955 : vector<16xf32>
            %add3A_964 = arith.addf %add3A_961, %mul3A_963 : vector<16xf32>
            %mul3A_965 = vector.broadcast %squeeze3A_888 : f32 to vector<16xf32>
            %mul3A_966 = arith.mulf %mul3A_965, %unpack3A_942 : vector<16xf32>
            %mul3A_967 = vector.broadcast %squeeze3A_890 : f32 to vector<16xf32>
            %mul3A_968 = arith.mulf %mul3A_967, %unpack3A_949 : vector<16xf32>
            %add3A_969 = arith.addf %mul3A_966, %mul3A_968 : vector<16xf32>
            %mul3A_970 = vector.broadcast %squeeze3A_892 : f32 to vector<16xf32>
            %mul3A_971 = arith.mulf %mul3A_970, %unpack3A_956 : vector<16xf32>
            %add3A_972 = arith.addf %add3A_969, %mul3A_971 : vector<16xf32>
            %add3A_973 = arith.constant 1 : i32
            %add3A_974 = arith.addi %mul3A_594, %add3A_973 : i32
            %swap3A_975 = arith.index_cast %add3A_974 : i32 to index
            %swap3A_976 = arith.constant 96 : index
            %swap3A_977 = tpu.vector_load %arg19[%swap3A_975, %swap3A_976] {strides = array<i32>} : memref<80x128xf32, #tpu.memory_space<vmem>>, vector<16xf32>,
            tpu.vector_store %arg19[%swap3A_975, %swap3A_976], %add3A_964 {strides = array<i32>} : memref<80x128xf32, #tpu.memory_space<vmem>>, vector<16xf32>,
            %add3A_978 = arith.constant 1 : i32
            %add3A_979 = arith.addi %mul3A_594, %add3A_978 : i32
            %swap3A_980 = arith.index_cast %add3A_979 : i32 to index
            %swap3A_981 = arith.constant 112 : index
            %swap3A_982 = tpu.vector_load %arg19[%swap3A_980, %swap3A_981] {strides = array<i32>} : memref<80x128xf32, #tpu.memory_space<vmem>>, vector<16xf32>,
            tpu.vector_store %arg19[%swap3A_980, %swap3A_981], %add3A_972 {strides = array<i32>} : memref<80x128xf32, #tpu.memory_space<vmem>>, vector<16xf32>,
            %add3A_983 = arith.constant 4 : i32
            %add3A_984 = arith.addi %mul3A_583, %add3A_983 : i32
            %slice3A_985 = vector.extract_strided_slice %get3A_584 {offsets = [4], sizes = [1], strides = [1]} : vector<16xf32> to vector<1xf32>
            %squeeze3A_986 = vector.extract %slice3A_985[0] : f32 from vector<1xf32>
            %slice3A_987 = vector.extract_strided_slice %get3A_588 {offsets = [4], sizes = [1], strides = [1]} : vector<16xf32> to vector<1xf32>
            %squeeze3A_988 = vector.extract %slice3A_987[0] : f32 from vector<1xf32>
            %slice3A_989 = vector.extract_strided_slice %get3A_592 {offsets = [4], sizes = [1], strides = [1]} : vector<16xf32> to vector<1xf32>
            %squeeze3A_990 = vector.extract %slice3A_989[0] : f32 from vector<1xf32>
            %get3A_991 = arith.index_cast %add3A_984 : i32 to index
            %get3A_992 = arith.constant 0 : index
            %get3A_993 = tpu.vector_load %arg17[%get3A_991, %get3A_992] {strides = array<i32>} : memref<480x64xbf16, #tpu.memory_space<vmem>>, vector<32xbf16>,
            %unpack3A_994 = tpu.unpack_subelements %get3A_993, 0 {pack_format = #tpu.pack_format<interleaved>} : vector<32xbf16> -> vector<16xf32>
            %unpack3A_995 = tpu.unpack_subelements %get3A_993, 1 {pack_format = #tpu.pack_format<interleaved>} : vector<32xbf16> -> vector<16xf32>
            %add3A_996 = arith.constant 160 : i32
            %add3A_997 = arith.addi %add3A_996, %add3A_984 : i32
            %get3A_998 = arith.index_cast %add3A_997 : i32 to index
            %get3A_999 = arith.constant 0 : index
            %get3A_1000 = tpu.vector_load %arg17[%get3A_998, %get3A_999] {strides = array<i32>} : memref<480x64xbf16, #tpu.memory_space<vmem>>, vector<32xbf16>,
            %unpack3A_1001 = tpu.unpack_subelements %get3A_1000, 0 {pack_format = #tpu.pack_format<interleaved>} : vector<32xbf16> -> vector<16xf32>
            %unpack3A_1002 = tpu.unpack_subelements %get3A_1000, 1 {pack_format = #tpu.pack_format<interleaved>} : vector<32xbf16> -> vector<16xf32>
            %add3A_1003 = arith.constant 320 : i32
            %add3A_1004 = arith.addi %add3A_1003, %add3A_984 : i32
            %get3A_1005 = arith.index_cast %add3A_1004 : i32 to index
            %get3A_1006 = arith.constant 0 : index
            %get3A_1007 = tpu.vector_load %arg17[%get3A_1005, %get3A_1006] {strides = array<i32>} : memref<480x64xbf16, #tpu.memory_space<vmem>>, vector<32xbf16>,
            %unpack3A_1008 = tpu.unpack_subelements %get3A_1007, 0 {pack_format = #tpu.pack_format<interleaved>} : vector<32xbf16> -> vector<16xf32>
            %unpack3A_1009 = tpu.unpack_subelements %get3A_1007, 1 {pack_format = #tpu.pack_format<interleaved>} : vector<32xbf16> -> vector<16xf32>
            %mul3A_1010 = vector.broadcast %squeeze3A_986 : f32 to vector<16xf32>
            %mul3A_1011 = arith.mulf %mul3A_1010, %unpack3A_994 : vector<16xf32>
            %mul3A_1012 = vector.broadcast %squeeze3A_988 : f32 to vector<16xf32>
            %mul3A_1013 = arith.mulf %mul3A_1012, %unpack3A_1001 : vector<16xf32>
            %add3A_1014 = arith.addf %mul3A_1011, %mul3A_1013 : vector<16xf32>
            %mul3A_1015 = vector.broadcast %squeeze3A_990 : f32 to vector<16xf32>
            %mul3A_1016 = arith.mulf %mul3A_1015, %unpack3A_1008 : vector<16xf32>
            %add3A_1017 = arith.addf %add3A_1014, %mul3A_1016 : vector<16xf32>
            %mul3A_1018 = vector.broadcast %squeeze3A_986 : f32 to vector<16xf32>
            %mul3A_1019 = arith.mulf %mul3A_1018, %unpack3A_995 : vector<16xf32>
            %mul3A_1020 = vector.broadcast %squeeze3A_988 : f32 to vector<16xf32>
            %mul3A_1021 = arith.mulf %mul3A_1020, %unpack3A_1002 : vector<16xf32>
            %add3A_1022 = arith.addf %mul3A_1019, %mul3A_1021 : vector<16xf32>
            %mul3A_1023 = vector.broadcast %squeeze3A_990 : f32 to vector<16xf32>
            %mul3A_1024 = arith.mulf %mul3A_1023, %unpack3A_1009 : vector<16xf32>
            %add3A_1025 = arith.addf %add3A_1022, %mul3A_1024 : vector<16xf32>
            %add3A_1026 = arith.constant 2 : i32
            %add3A_1027 = arith.addi %mul3A_594, %add3A_1026 : i32
            %swap3A_1028 = arith.index_cast %add3A_1027 : i32 to index
            %swap3A_1029 = arith.constant 0 : index
            %swap3A_1030 = tpu.vector_load %arg19[%swap3A_1028, %swap3A_1029] {strides = array<i32>} : memref<80x128xf32, #tpu.memory_space<vmem>>, vector<16xf32>,
            tpu.vector_store %arg19[%swap3A_1028, %swap3A_1029], %add3A_1017 {strides = array<i32>} : memref<80x128xf32, #tpu.memory_space<vmem>>, vector<16xf32>,
            %add3A_1031 = arith.constant 2 : i32
            %add3A_1032 = arith.addi %mul3A_594, %add3A_1031 : i32
            %swap3A_1033 = arith.index_cast %add3A_1032 : i32 to index
            %swap3A_1034 = arith.constant 16 : index
            %swap3A_1035 = tpu.vector_load %arg19[%swap3A_1033, %swap3A_1034] {strides = array<i32>} : memref<80x128xf32, #tpu.memory_space<vmem>>, vector<16xf32>,
            tpu.vector_store %arg19[%swap3A_1033, %swap3A_1034], %add3A_1025 {strides = array<i32>} : memref<80x128xf32, #tpu.memory_space<vmem>>, vector<16xf32>,
            %get3A_1036 = arith.index_cast %add3A_984 : i32 to index
            %get3A_1037 = arith.constant 32 : index
            %get3A_1038 = tpu.vector_load %arg17[%get3A_1036, %get3A_1037] {strides = array<i32>} : memref<480x64xbf16, #tpu.memory_space<vmem>>, vector<32xbf16>,
            %unpack3A_1039 = tpu.unpack_subelements %get3A_1038, 0 {pack_format = #tpu.pack_format<interleaved>} : vector<32xbf16> -> vector<16xf32>
            %unpack3A_1040 = tpu.unpack_subelements %get3A_1038, 1 {pack_format = #tpu.pack_format<interleaved>} : vector<32xbf16> -> vector<16xf32>
            %add3A_1041 = arith.constant 160 : i32
            %add3A_1042 = arith.addi %add3A_1041, %add3A_984 : i32
            %get3A_1043 = arith.index_cast %add3A_1042 : i32 to index
            %get3A_1044 = arith.constant 32 : index
            %get3A_1045 = tpu.vector_load %arg17[%get3A_1043, %get3A_1044] {strides = array<i32>} : memref<480x64xbf16, #tpu.memory_space<vmem>>, vector<32xbf16>,
            %unpack3A_1046 = tpu.unpack_subelements %get3A_1045, 0 {pack_format = #tpu.pack_format<interleaved>} : vector<32xbf16> -> vector<16xf32>
            %unpack3A_1047 = tpu.unpack_subelements %get3A_1045, 1 {pack_format = #tpu.pack_format<interleaved>} : vector<32xbf16> -> vector<16xf32>
            %add3A_1048 = arith.constant 320 : i32
            %add3A_1049 = arith.addi %add3A_1048, %add3A_984 : i32
            %get3A_1050 = arith.index_cast %add3A_1049 : i32 to index
            %get3A_1051 = arith.constant 32 : index
            %get3A_1052 = tpu.vector_load %arg17[%get3A_1050, %get3A_1051] {strides = array<i32>} : memref<480x64xbf16, #tpu.memory_space<vmem>>, vector<32xbf16>,
            %unpack3A_1053 = tpu.unpack_subelements %get3A_1052, 0 {pack_format = #tpu.pack_format<interleaved>} : vector<32xbf16> -> vector<16xf32>
            %unpack3A_1054 = tpu.unpack_subelements %get3A_1052, 1 {pack_format = #tpu.pack_format<interleaved>} : vector<32xbf16> -> vector<16xf32>
            %mul3A_1055 = vector.broadcast %squeeze3A_986 : f32 to vector<16xf32>
            %mul3A_1056 = arith.mulf %mul3A_1055, %unpack3A_1039 : vector<16xf32>
            %mul3A_1057 = vector.broadcast %squeeze3A_988 : f32 to vector<16xf32>
            %mul3A_1058 = arith.mulf %mul3A_1057, %unpack3A_1046 : vector<16xf32>
            %add3A_1059 = arith.addf %mul3A_1056, %mul3A_1058 : vector<16xf32>
            %mul3A_1060 = vector.broadcast %squeeze3A_990 : f32 to vector<16xf32>
            %mul3A_1061 = arith.mulf %mul3A_1060, %unpack3A_1053 : vector<16xf32>
            %add3A_1062 = arith.addf %add3A_1059, %mul3A_1061 : vector<16xf32>
            %mul3A_1063 = vector.broadcast %squeeze3A_986 : f32 to vector<16xf32>
            %mul3A_1064 = arith.mulf %mul3A_1063, %unpack3A_1040 : vector<16xf32>
            %mul3A_1065 = vector.broadcast %squeeze3A_988 : f32 to vector<16xf32>
            %mul3A_1066 = arith.mulf %mul3A_1065, %unpack3A_1047 : vector<16xf32>
            %add3A_1067 = arith.addf %mul3A_1064, %mul3A_1066 : vector<16xf32>
            %mul3A_1068 = vector.broadcast %squeeze3A_990 : f32 to vector<16xf32>
            %mul3A_1069 = arith.mulf %mul3A_1068, %unpack3A_1054 : vector<16xf32>
            %add3A_1070 = arith.addf %add3A_1067, %mul3A_1069 : vector<16xf32>
            %add3A_1071 = arith.constant 2 : i32
            %add3A_1072 = arith.addi %mul3A_594, %add3A_1071 : i32
            %swap3A_1073 = arith.index_cast %add3A_1072 : i32 to index
            %swap3A_1074 = arith.constant 32 : index
            %swap3A_1075 = tpu.vector_load %arg19[%swap3A_1073, %swap3A_1074] {strides = array<i32>} : memref<80x128xf32, #tpu.memory_space<vmem>>, vector<16xf32>,
            tpu.vector_store %arg19[%swap3A_1073, %swap3A_1074], %add3A_1062 {strides = array<i32>} : memref<80x128xf32, #tpu.memory_space<vmem>>, vector<16xf32>,
            %add3A_1076 = arith.constant 2 : i32
            %add3A_1077 = arith.addi %mul3A_594, %add3A_1076 : i32
            %swap3A_1078 = arith.index_cast %add3A_1077 : i32 to index
            %swap3A_1079 = arith.constant 48 : index
            %swap3A_1080 = tpu.vector_load %arg19[%swap3A_1078, %swap3A_1079] {strides = array<i32>} : memref<80x128xf32, #tpu.memory_space<vmem>>, vector<16xf32>,
            tpu.vector_store %arg19[%swap3A_1078, %swap3A_1079], %add3A_1070 {strides = array<i32>} : memref<80x128xf32, #tpu.memory_space<vmem>>, vector<16xf32>,
            %add3A_1081 = arith.constant 5 : i32
            %add3A_1082 = arith.addi %mul3A_583, %add3A_1081 : i32
            %slice3A_1083 = vector.extract_strided_slice %get3A_584 {offsets = [5], sizes = [1], strides = [1]} : vector<16xf32> to vector<1xf32>
            %squeeze3A_1084 = vector.extract %slice3A_1083[0] : f32 from vector<1xf32>
            %slice3A_1085 = vector.extract_strided_slice %get3A_588 {offsets = [5], sizes = [1], strides = [1]} : vector<16xf32> to vector<1xf32>
            %squeeze3A_1086 = vector.extract %slice3A_1085[0] : f32 from vector<1xf32>
            %slice3A_1087 = vector.extract_strided_slice %get3A_592 {offsets = [5], sizes = [1], strides = [1]} : vector<16xf32> to vector<1xf32>
            %squeeze3A_1088 = vector.extract %slice3A_1087[0] : f32 from vector<1xf32>
            %get3A_1089 = arith.index_cast %add3A_1082 : i32 to index
            %get3A_1090 = arith.constant 0 : index
            %get3A_1091 = tpu.vector_load %arg17[%get3A_1089, %get3A_1090] {strides = array<i32>} : memref<480x64xbf16, #tpu.memory_space<vmem>>, vector<32xbf16>,
            %unpack3A_1092 = tpu.unpack_subelements %get3A_1091, 0 {pack_format = #tpu.pack_format<interleaved>} : vector<32xbf16> -> vector<16xf32>
            %unpack3A_1093 = tpu.unpack_subelements %get3A_1091, 1 {pack_format = #tpu.pack_format<interleaved>} : vector<32xbf16> -> vector<16xf32>
            %add3A_1094 = arith.constant 160 : i32
            %add3A_1095 = arith.addi %add3A_1094, %add3A_1082 : i32
            %get3A_1096 = arith.index_cast %add3A_1095 : i32 to index
            %get3A_1097 = arith.constant 0 : index
            %get3A_1098 = tpu.vector_load %arg17[%get3A_1096, %get3A_1097] {strides = array<i32>} : memref<480x64xbf16, #tpu.memory_space<vmem>>, vector<32xbf16>,
            %unpack3A_1099 = tpu.unpack_subelements %get3A_1098, 0 {pack_format = #tpu.pack_format<interleaved>} : vector<32xbf16> -> vector<16xf32>
            %unpack3A_1100 = tpu.unpack_subelements %get3A_1098, 1 {pack_format = #tpu.pack_format<interleaved>} : vector<32xbf16> -> vector<16xf32>
            %add3A_1101 = arith.constant 320 : i32
            %add3A_1102 = arith.addi %add3A_1101, %add3A_1082 : i32
            %get3A_1103 = arith.index_cast %add3A_1102 : i32 to index
            %get3A_1104 = arith.constant 0 : index
            %get3A_1105 = tpu.vector_load %arg17[%get3A_1103, %get3A_1104] {strides = array<i32>} : memref<480x64xbf16, #tpu.memory_space<vmem>>, vector<32xbf16>,
            %unpack3A_1106 = tpu.unpack_subelements %get3A_1105, 0 {pack_format = #tpu.pack_format<interleaved>} : vector<32xbf16> -> vector<16xf32>
            %unpack3A_1107 = tpu.unpack_subelements %get3A_1105, 1 {pack_format = #tpu.pack_format<interleaved>} : vector<32xbf16> -> vector<16xf32>
            %mul3A_1108 = vector.broadcast %squeeze3A_1084 : f32 to vector<16xf32>
            %mul3A_1109 = arith.mulf %mul3A_1108, %unpack3A_1092 : vector<16xf32>
            %mul3A_1110 = vector.broadcast %squeeze3A_1086 : f32 to vector<16xf32>
            %mul3A_1111 = arith.mulf %mul3A_1110, %unpack3A_1099 : vector<16xf32>
            %add3A_1112 = arith.addf %mul3A_1109, %mul3A_1111 : vector<16xf32>
            %mul3A_1113 = vector.broadcast %squeeze3A_1088 : f32 to vector<16xf32>
            %mul3A_1114 = arith.mulf %mul3A_1113, %unpack3A_1106 : vector<16xf32>
            %add3A_1115 = arith.addf %add3A_1112, %mul3A_1114 : vector<16xf32>
            %mul3A_1116 = vector.broadcast %squeeze3A_1084 : f32 to vector<16xf32>
            %mul3A_1117 = arith.mulf %mul3A_1116, %unpack3A_1093 : vector<16xf32>
            %mul3A_1118 = vector.broadcast %squeeze3A_1086 : f32 to vector<16xf32>
            %mul3A_1119 = arith.mulf %mul3A_1118, %unpack3A_1100 : vector<16xf32>
            %add3A_1120 = arith.addf %mul3A_1117, %mul3A_1119 : vector<16xf32>
            %mul3A_1121 = vector.broadcast %squeeze3A_1088 : f32 to vector<16xf32>
            %mul3A_1122 = arith.mulf %mul3A_1121, %unpack3A_1107 : vector<16xf32>
            %add3A_1123 = arith.addf %add3A_1120, %mul3A_1122 : vector<16xf32>
            %add3A_1124 = arith.constant 2 : i32
            %add3A_1125 = arith.addi %mul3A_594, %add3A_1124 : i32
            %swap3A_1126 = arith.index_cast %add3A_1125 : i32 to index
            %swap3A_1127 = arith.constant 64 : index
            %swap3A_1128 = tpu.vector_load %arg19[%swap3A_1126, %swap3A_1127] {strides = array<i32>} : memref<80x128xf32, #tpu.memory_space<vmem>>, vector<16xf32>,
            tpu.vector_store %arg19[%swap3A_1126, %swap3A_1127], %add3A_1115 {strides = array<i32>} : memref<80x128xf32, #tpu.memory_space<vmem>>, vector<16xf32>,
            %add3A_1129 = arith.constant 2 : i32
            %add3A_1130 = arith.addi %mul3A_594, %add3A_1129 : i32
            %swap3A_1131 = arith.index_cast %add3A_1130 : i32 to index
            %swap3A_1132 = arith.constant 80 : index
            %swap3A_1133 = tpu.vector_load %arg19[%swap3A_1131, %swap3A_1132] {strides = array<i32>} : memref<80x128xf32, #tpu.memory_space<vmem>>, vector<16xf32>,
            tpu.vector_store %arg19[%swap3A_1131, %swap3A_1132], %add3A_1123 {strides = array<i32>} : memref<80x128xf32, #tpu.memory_space<vmem>>, vector<16xf32>,
            %get3A_1134 = arith.index_cast %add3A_1082 : i32 to index
            %get3A_1135 = arith.constant 32 : index
            %get3A_1136 = tpu.vector_load %arg17[%get3A_1134, %get3A_1135] {strides = array<i32>} : memref<480x64xbf16, #tpu.memory_space<vmem>>, vector<32xbf16>,
            %unpack3A_1137 = tpu.unpack_subelements %get3A_1136, 0 {pack_format = #tpu.pack_format<interleaved>} : vector<32xbf16> -> vector<16xf32>
            %unpack3A_1138 = tpu.unpack_subelements %get3A_1136, 1 {pack_format = #tpu.pack_format<interleaved>} : vector<32xbf16> -> vector<16xf32>
            %add3A_1139 = arith.constant 160 : i32
            %add3A_1140 = arith.addi %add3A_1139, %add3A_1082 : i32
            %get3A_1141 = arith.index_cast %add3A_1140 : i32 to index
            %get3A_1142 = arith.constant 32 : index
            %get3A_1143 = tpu.vector_load %arg17[%get3A_1141, %get3A_1142] {strides = array<i32>} : memref<480x64xbf16, #tpu.memory_space<vmem>>, vector<32xbf16>,
            %unpack3A_1144 = tpu.unpack_subelements %get3A_1143, 0 {pack_format = #tpu.pack_format<interleaved>} : vector<32xbf16> -> vector<16xf32>
            %unpack3A_1145 = tpu.unpack_subelements %get3A_1143, 1 {pack_format = #tpu.pack_format<interleaved>} : vector<32xbf16> -> vector<16xf32>
            %add3A_1146 = arith.constant 320 : i32
            %add3A_1147 = arith.addi %add3A_1146, %add3A_1082 : i32
            %get3A_1148 = arith.index_cast %add3A_1147 : i32 to index
            %get3A_1149 = arith.constant 32 : index
            %get3A_1150 = tpu.vector_load %arg17[%get3A_1148, %get3A_1149] {strides = array<i32>} : memref<480x64xbf16, #tpu.memory_space<vmem>>, vector<32xbf16>,
            %unpack3A_1151 = tpu.unpack_subelements %get3A_1150, 0 {pack_format = #tpu.pack_format<interleaved>} : vector<32xbf16> -> vector<16xf32>
            %unpack3A_1152 = tpu.unpack_subelements %get3A_1150, 1 {pack_format = #tpu.pack_format<interleaved>} : vector<32xbf16> -> vector<16xf32>
            %mul3A_1153 = vector.broadcast %squeeze3A_1084 : f32 to vector<16xf32>
            %mul3A_1154 = arith.mulf %mul3A_1153, %unpack3A_1137 : vector<16xf32>
            %mul3A_1155 = vector.broadcast %squeeze3A_1086 : f32 to vector<16xf32>
            %mul3A_1156 = arith.mulf %mul3A_1155, %unpack3A_1144 : vector<16xf32>
            %add3A_1157 = arith.addf %mul3A_1154, %mul3A_1156 : vector<16xf32>
            %mul3A_1158 = vector.broadcast %squeeze3A_1088 : f32 to vector<16xf32>
            %mul3A_1159 = arith.mulf %mul3A_1158, %unpack3A_1151 : vector<16xf32>
            %add3A_1160 = arith.addf %add3A_1157, %mul3A_1159 : vector<16xf32>
            %mul3A_1161 = vector.broadcast %squeeze3A_1084 : f32 to vector<16xf32>
            %mul3A_1162 = arith.mulf %mul3A_1161, %unpack3A_1138 : vector<16xf32>
            %mul3A_1163 = vector.broadcast %squeeze3A_1086 : f32 to vector<16xf32>
            %mul3A_1164 = arith.mulf %mul3A_1163, %unpack3A_1145 : vector<16xf32>
            %add3A_1165 = arith.addf %mul3A_1162, %mul3A_1164 : vector<16xf32>
            %mul3A_1166 = vector.broadcast %squeeze3A_1088 : f32 to vector<16xf32>
            %mul3A_1167 = arith.mulf %mul3A_1166, %unpack3A_1152 : vector<16xf32>
            %add3A_1168 = arith.addf %add3A_1165, %mul3A_1167 : vector<16xf32>
            %add3A_1169 = arith.constant 2 : i32
            %add3A_1170 = arith.addi %mul3A_594, %add3A_1169 : i32
            %swap3A_1171 = arith.index_cast %add3A_1170 : i32 to index
            %swap3A_1172 = arith.constant 96 : index
            %swap3A_1173 = tpu.vector_load %arg19[%swap3A_1171, %swap3A_1172] {strides = array<i32>} : memref<80x128xf32, #tpu.memory_space<vmem>>, vector<16xf32>,
            tpu.vector_store %arg19[%swap3A_1171, %swap3A_1172], %add3A_1160 {strides = array<i32>} : memref<80x128xf32, #tpu.memory_space<vmem>>, vector<16xf32>,
            %add3A_1174 = arith.constant 2 : i32
            %add3A_1175 = arith.addi %mul3A_594, %add3A_1174 : i32
            %swap3A_1176 = arith.index_cast %add3A_1175 : i32 to index
            %swap3A_1177 = arith.constant 112 : index
            %swap3A_1178 = tpu.vector_load %arg19[%swap3A_1176, %swap3A_1177] {strides = array<i32>} : memref<80x128xf32, #tpu.memory_space<vmem>>, vector<16xf32>,
            tpu.vector_store %arg19[%swap3A_1176, %swap3A_1177], %add3A_1168 {strides = array<i32>} : memref<80x128xf32, #tpu.memory_space<vmem>>, vector<16xf32>,
            %add3A_1179 = arith.constant 6 : i32
            %add3A_1180 = arith.addi %mul3A_583, %add3A_1179 : i32
            %slice3A_1181 = vector.extract_strided_slice %get3A_584 {offsets = [6], sizes = [1], strides = [1]} : vector<16xf32> to vector<1xf32>
            %squeeze3A_1182 = vector.extract %slice3A_1181[0] : f32 from vector<1xf32>
            %slice3A_1183 = vector.extract_strided_slice %get3A_588 {offsets = [6], sizes = [1], strides = [1]} : vector<16xf32> to vector<1xf32>
            %squeeze3A_1184 = vector.extract %slice3A_1183[0] : f32 from vector<1xf32>
            %slice3A_1185 = vector.extract_strided_slice %get3A_592 {offsets = [6], sizes = [1], strides = [1]} : vector<16xf32> to vector<1xf32>
            %squeeze3A_1186 = vector.extract %slice3A_1185[0] : f32 from vector<1xf32>
            %get3A_1187 = arith.index_cast %add3A_1180 : i32 to index
            %get3A_1188 = arith.constant 0 : index
            %get3A_1189 = tpu.vector_load %arg17[%get3A_1187, %get3A_1188] {strides = array<i32>} : memref<480x64xbf16, #tpu.memory_space<vmem>>, vector<32xbf16>,
            %unpack3A_1190 = tpu.unpack_subelements %get3A_1189, 0 {pack_format = #tpu.pack_format<interleaved>} : vector<32xbf16> -> vector<16xf32>
            %unpack3A_1191 = tpu.unpack_subelements %get3A_1189, 1 {pack_format = #tpu.pack_format<interleaved>} : vector<32xbf16> -> vector<16xf32>
            %add3A_1192 = arith.constant 160 : i32
            %add3A_1193 = arith.addi %add3A_1192, %add3A_1180 : i32
            %get3A_1194 = arith.index_cast %add3A_1193 : i32 to index
            %get3A_1195 = arith.constant 0 : index
            %get3A_1196 = tpu.vector_load %arg17[%get3A_1194, %get3A_1195] {strides = array<i32>} : memref<480x64xbf16, #tpu.memory_space<vmem>>, vector<32xbf16>,
            %unpack3A_1197 = tpu.unpack_subelements %get3A_1196, 0 {pack_format = #tpu.pack_format<interleaved>} : vector<32xbf16> -> vector<16xf32>
            %unpack3A_1198 = tpu.unpack_subelements %get3A_1196, 1 {pack_format = #tpu.pack_format<interleaved>} : vector<32xbf16> -> vector<16xf32>
            %add3A_1199 = arith.constant 320 : i32
            %add3A_1200 = arith.addi %add3A_1199, %add3A_1180 : i32
            %get3A_1201 = arith.index_cast %add3A_1200 : i32 to index
            %get3A_1202 = arith.constant 0 : index
            %get3A_1203 = tpu.vector_load %arg17[%get3A_1201, %get3A_1202] {strides = array<i32>} : memref<480x64xbf16, #tpu.memory_space<vmem>>, vector<32xbf16>,
            %unpack3A_1204 = tpu.unpack_subelements %get3A_1203, 0 {pack_format = #tpu.pack_format<interleaved>} : vector<32xbf16> -> vector<16xf32>
            %unpack3A_1205 = tpu.unpack_subelements %get3A_1203, 1 {pack_format = #tpu.pack_format<interleaved>} : vector<32xbf16> -> vector<16xf32>
            %mul3A_1206 = vector.broadcast %squeeze3A_1182 : f32 to vector<16xf32>
            %mul3A_1207 = arith.mulf %mul3A_1206, %unpack3A_1190 : vector<16xf32>
            %mul3A_1208 = vector.broadcast %squeeze3A_1184 : f32 to vector<16xf32>
            %mul3A_1209 = arith.mulf %mul3A_1208, %unpack3A_1197 : vector<16xf32>
            %add3A_1210 = arith.addf %mul3A_1207, %mul3A_1209 : vector<16xf32>
            %mul3A_1211 = vector.broadcast %squeeze3A_1186 : f32 to vector<16xf32>
            %mul3A_1212 = arith.mulf %mul3A_1211, %unpack3A_1204 : vector<16xf32>
            %add3A_1213 = arith.addf %add3A_1210, %mul3A_1212 : vector<16xf32>
            %mul3A_1214 = vector.broadcast %squeeze3A_1182 : f32 to vector<16xf32>
            %mul3A_1215 = arith.mulf %mul3A_1214, %unpack3A_1191 : vector<16xf32>
            %mul3A_1216 = vector.broadcast %squeeze3A_1184 : f32 to vector<16xf32>
            %mul3A_1217 = arith.mulf %mul3A_1216, %unpack3A_1198 : vector<16xf32>
            %add3A_1218 = arith.addf %mul3A_1215, %mul3A_1217 : vector<16xf32>
            %mul3A_1219 = vector.broadcast %squeeze3A_1186 : f32 to vector<16xf32>
            %mul3A_1220 = arith.mulf %mul3A_1219, %unpack3A_1205 : vector<16xf32>
            %add3A_1221 = arith.addf %add3A_1218, %mul3A_1220 : vector<16xf32>
            %add3A_1222 = arith.constant 3 : i32
            %add3A_1223 = arith.addi %mul3A_594, %add3A_1222 : i32
            %swap3A_1224 = arith.index_cast %add3A_1223 : i32 to index
            %swap3A_1225 = arith.constant 0 : index
            %swap3A_1226 = tpu.vector_load %arg19[%swap3A_1224, %swap3A_1225] {strides = array<i32>} : memref<80x128xf32, #tpu.memory_space<vmem>>, vector<16xf32>,
            tpu.vector_store %arg19[%swap3A_1224, %swap3A_1225], %add3A_1213 {strides = array<i32>} : memref<80x128xf32, #tpu.memory_space<vmem>>, vector<16xf32>,
            %add3A_1227 = arith.constant 3 : i32
            %add3A_1228 = arith.addi %mul3A_594, %add3A_1227 : i32
            %swap3A_1229 = arith.index_cast %add3A_1228 : i32 to index
            %swap3A_1230 = arith.constant 16 : index
            %swap3A_1231 = tpu.vector_load %arg19[%swap3A_1229, %swap3A_1230] {strides = array<i32>} : memref<80x128xf32, #tpu.memory_space<vmem>>, vector<16xf32>,
            tpu.vector_store %arg19[%swap3A_1229, %swap3A_1230], %add3A_1221 {strides = array<i32>} : memref<80x128xf32, #tpu.memory_space<vmem>>, vector<16xf32>,
            %get3A_1232 = arith.index_cast %add3A_1180 : i32 to index
            %get3A_1233 = arith.constant 32 : index
            %get3A_1234 = tpu.vector_load %arg17[%get3A_1232, %get3A_1233] {strides = array<i32>} : memref<480x64xbf16, #tpu.memory_space<vmem>>, vector<32xbf16>,
            %unpack3A_1235 = tpu.unpack_subelements %get3A_1234, 0 {pack_format = #tpu.pack_format<interleaved>} : vector<32xbf16> -> vector<16xf32>
            %unpack3A_1236 = tpu.unpack_subelements %get3A_1234, 1 {pack_format = #tpu.pack_format<interleaved>} : vector<32xbf16> -> vector<16xf32>
            %add3A_1237 = arith.constant 160 : i32
            %add3A_1238 = arith.addi %add3A_1237, %add3A_1180 : i32
            %get3A_1239 = arith.index_cast %add3A_1238 : i32 to index
            %get3A_1240 = arith.constant 32 : index
            %get3A_1241 = tpu.vector_load %arg17[%get3A_1239, %get3A_1240] {strides = array<i32>} : memref<480x64xbf16, #tpu.memory_space<vmem>>, vector<32xbf16>,
            %unpack3A_1242 = tpu.unpack_subelements %get3A_1241, 0 {pack_format = #tpu.pack_format<interleaved>} : vector<32xbf16> -> vector<16xf32>
            %unpack3A_1243 = tpu.unpack_subelements %get3A_1241, 1 {pack_format = #tpu.pack_format<interleaved>} : vector<32xbf16> -> vector<16xf32>
            %add3A_1244 = arith.constant 320 : i32
            %add3A_1245 = arith.addi %add3A_1244, %add3A_1180 : i32
            %get3A_1246 = arith.index_cast %add3A_1245 : i32 to index
            %get3A_1247 = arith.constant 32 : index
            %get3A_1248 = tpu.vector_load %arg17[%get3A_1246, %get3A_1247] {strides = array<i32>} : memref<480x64xbf16, #tpu.memory_space<vmem>>, vector<32xbf16>,
            %unpack3A_1249 = tpu.unpack_subelements %get3A_1248, 0 {pack_format = #tpu.pack_format<interleaved>} : vector<32xbf16> -> vector<16xf32>
            %unpack3A_1250 = tpu.unpack_subelements %get3A_1248, 1 {pack_format = #tpu.pack_format<interleaved>} : vector<32xbf16> -> vector<16xf32>
            %mul3A_1251 = vector.broadcast %squeeze3A_1182 : f32 to vector<16xf32>
            %mul3A_1252 = arith.mulf %mul3A_1251, %unpack3A_1235 : vector<16xf32>
            %mul3A_1253 = vector.broadcast %squeeze3A_1184 : f32 to vector<16xf32>
            %mul3A_1254 = arith.mulf %mul3A_1253, %unpack3A_1242 : vector<16xf32>
            %add3A_1255 = arith.addf %mul3A_1252, %mul3A_1254 : vector<16xf32>
            %mul3A_1256 = vector.broadcast %squeeze3A_1186 : f32 to vector<16xf32>
            %mul3A_1257 = arith.mulf %mul3A_1256, %unpack3A_1249 : vector<16xf32>
            %add3A_1258 = arith.addf %add3A_1255, %mul3A_1257 : vector<16xf32>
            %mul3A_1259 = vector.broadcast %squeeze3A_1182 : f32 to vector<16xf32>
            %mul3A_1260 = arith.mulf %mul3A_1259, %unpack3A_1236 : vector<16xf32>
            %mul3A_1261 = vector.broadcast %squeeze3A_1184 : f32 to vector<16xf32>
            %mul3A_1262 = arith.mulf %mul3A_1261, %unpack3A_1243 : vector<16xf32>
            %add3A_1263 = arith.addf %mul3A_1260, %mul3A_1262 : vector<16xf32>
            %mul3A_1264 = vector.broadcast %squeeze3A_1186 : f32 to vector<16xf32>
            %mul3A_1265 = arith.mulf %mul3A_1264, %unpack3A_1250 : vector<16xf32>
            %add3A_1266 = arith.addf %add3A_1263, %mul3A_1265 : vector<16xf32>
            %add3A_1267 = arith.constant 3 : i32
            %add3A_1268 = arith.addi %mul3A_594, %add3A_1267 : i32
            %swap3A_1269 = arith.index_cast %add3A_1268 : i32 to index
            %swap3A_1270 = arith.constant 32 : index
            %swap3A_1271 = tpu.vector_load %arg19[%swap3A_1269, %swap3A_1270] {strides = array<i32>} : memref<80x128xf32, #tpu.memory_space<vmem>>, vector<16xf32>,
            tpu.vector_store %arg19[%swap3A_1269, %swap3A_1270], %add3A_1258 {strides = array<i32>} : memref<80x128xf32, #tpu.memory_space<vmem>>, vector<16xf32>,
            %add3A_1272 = arith.constant 3 : i32
            %add3A_1273 = arith.addi %mul3A_594, %add3A_1272 : i32
            %swap3A_1274 = arith.index_cast %add3A_1273 : i32 to index
            %swap3A_1275 = arith.constant 48 : index
            %swap3A_1276 = tpu.vector_load %arg19[%swap3A_1274, %swap3A_1275] {strides = array<i32>} : memref<80x128xf32, #tpu.memory_space<vmem>>, vector<16xf32>,
            tpu.vector_store %arg19[%swap3A_1274, %swap3A_1275], %add3A_1266 {strides = array<i32>} : memref<80x128xf32, #tpu.memory_space<vmem>>, vector<16xf32>,
            %add3A_1277 = arith.constant 7 : i32
            %add3A_1278 = arith.addi %mul3A_583, %add3A_1277 : i32
            %slice3A_1279 = vector.extract_strided_slice %get3A_584 {offsets = [7], sizes = [1], strides = [1]} : vector<16xf32> to vector<1xf32>
            %squeeze3A_1280 = vector.extract %slice3A_1279[0] : f32 from vector<1xf32>
            %slice3A_1281 = vector.extract_strided_slice %get3A_588 {offsets = [7], sizes = [1], strides = [1]} : vector<16xf32> to vector<1xf32>
            %squeeze3A_1282 = vector.extract %slice3A_1281[0] : f32 from vector<1xf32>
            %slice3A_1283 = vector.extract_strided_slice %get3A_592 {offsets = [7], sizes = [1], strides = [1]} : vector<16xf32> to vector<1xf32>
            %squeeze3A_1284 = vector.extract %slice3A_1283[0] : f32 from vector<1xf32>
            %get3A_1285 = arith.index_cast %add3A_1278 : i32 to index
            %get3A_1286 = arith.constant 0 : index
            %get3A_1287 = tpu.vector_load %arg17[%get3A_1285, %get3A_1286] {strides = array<i32>} : memref<480x64xbf16, #tpu.memory_space<vmem>>, vector<32xbf16>,
            %unpack3A_1288 = tpu.unpack_subelements %get3A_1287, 0 {pack_format = #tpu.pack_format<interleaved>} : vector<32xbf16> -> vector<16xf32>
            %unpack3A_1289 = tpu.unpack_subelements %get3A_1287, 1 {pack_format = #tpu.pack_format<interleaved>} : vector<32xbf16> -> vector<16xf32>
            %add3A_1290 = arith.constant 160 : i32
            %add3A_1291 = arith.addi %add3A_1290, %add3A_1278 : i32
            %get3A_1292 = arith.index_cast %add3A_1291 : i32 to index
            %get3A_1293 = arith.constant 0 : index
            %get3A_1294 = tpu.vector_load %arg17[%get3A_1292, %get3A_1293] {strides = array<i32>} : memref<480x64xbf16, #tpu.memory_space<vmem>>, vector<32xbf16>,
            %unpack3A_1295 = tpu.unpack_subelements %get3A_1294, 0 {pack_format = #tpu.pack_format<interleaved>} : vector<32xbf16> -> vector<16xf32>
            %unpack3A_1296 = tpu.unpack_subelements %get3A_1294, 1 {pack_format = #tpu.pack_format<interleaved>} : vector<32xbf16> -> vector<16xf32>
            %add3A_1297 = arith.constant 320 : i32
            %add3A_1298 = arith.addi %add3A_1297, %add3A_1278 : i32
            %get3A_1299 = arith.index_cast %add3A_1298 : i32 to index
            %get3A_1300 = arith.constant 0 : index
            %get3A_1301 = tpu.vector_load %arg17[%get3A_1299, %get3A_1300] {strides = array<i32>} : memref<480x64xbf16, #tpu.memory_space<vmem>>, vector<32xbf16>,
            %unpack3A_1302 = tpu.unpack_subelements %get3A_1301, 0 {pack_format = #tpu.pack_format<interleaved>} : vector<32xbf16> -> vector<16xf32>
            %unpack3A_1303 = tpu.unpack_subelements %get3A_1301, 1 {pack_format = #tpu.pack_format<interleaved>} : vector<32xbf16> -> vector<16xf32>
            %mul3A_1304 = vector.broadcast %squeeze3A_1280 : f32 to vector<16xf32>
            %mul3A_1305 = arith.mulf %mul3A_1304, %unpack3A_1288 : vector<16xf32>
            %mul3A_1306 = vector.broadcast %squeeze3A_1282 : f32 to vector<16xf32>
            %mul3A_1307 = arith.mulf %mul3A_1306, %unpack3A_1295 : vector<16xf32>
            %add3A_1308 = arith.addf %mul3A_1305, %mul3A_1307 : vector<16xf32>
            %mul3A_1309 = vector.broadcast %squeeze3A_1284 : f32 to vector<16xf32>
            %mul3A_1310 = arith.mulf %mul3A_1309, %unpack3A_1302 : vector<16xf32>
            %add3A_1311 = arith.addf %add3A_1308, %mul3A_1310 : vector<16xf32>
            %mul3A_1312 = vector.broadcast %squeeze3A_1280 : f32 to vector<16xf32>
            %mul3A_1313 = arith.mulf %mul3A_1312, %unpack3A_1289 : vector<16xf32>
            %mul3A_1314 = vector.broadcast %squeeze3A_1282 : f32 to vector<16xf32>
            %mul3A_1315 = arith.mulf %mul3A_1314, %unpack3A_1296 : vector<16xf32>
            %add3A_1316 = arith.addf %mul3A_1313, %mul3A_1315 : vector<16xf32>
            %mul3A_1317 = vector.broadcast %squeeze3A_1284 : f32 to vector<16xf32>
            %mul3A_1318 = arith.mulf %mul3A_1317, %unpack3A_1303 : vector<16xf32>
            %add3A_1319 = arith.addf %add3A_1316, %mul3A_1318 : vector<16xf32>
            %add3A_1320 = arith.constant 3 : i32
            %add3A_1321 = arith.addi %mul3A_594, %add3A_1320 : i32
            %swap3A_1322 = arith.index_cast %add3A_1321 : i32 to index
            %swap3A_1323 = arith.constant 64 : index
            %swap3A_1324 = tpu.vector_load %arg19[%swap3A_1322, %swap3A_1323] {strides = array<i32>} : memref<80x128xf32, #tpu.memory_space<vmem>>, vector<16xf32>,
            tpu.vector_store %arg19[%swap3A_1322, %swap3A_1323], %add3A_1311 {strides = array<i32>} : memref<80x128xf32, #tpu.memory_space<vmem>>, vector<16xf32>,
            %add3A_1325 = arith.constant 3 : i32
            %add3A_1326 = arith.addi %mul3A_594, %add3A_1325 : i32
            %swap3A_1327 = arith.index_cast %add3A_1326 : i32 to index
            %swap3A_1328 = arith.constant 80 : index
            %swap3A_1329 = tpu.vector_load %arg19[%swap3A_1327, %swap3A_1328] {strides = array<i32>} : memref<80x128xf32, #tpu.memory_space<vmem>>, vector<16xf32>,
            tpu.vector_store %arg19[%swap3A_1327, %swap3A_1328], %add3A_1319 {strides = array<i32>} : memref<80x128xf32, #tpu.memory_space<vmem>>, vector<16xf32>,
            %get3A_1330 = arith.index_cast %add3A_1278 : i32 to index
            %get3A_1331 = arith.constant 32 : index
            %get3A_1332 = tpu.vector_load %arg17[%get3A_1330, %get3A_1331] {strides = array<i32>} : memref<480x64xbf16, #tpu.memory_space<vmem>>, vector<32xbf16>,
            %unpack3A_1333 = tpu.unpack_subelements %get3A_1332, 0 {pack_format = #tpu.pack_format<interleaved>} : vector<32xbf16> -> vector<16xf32>
            %unpack3A_1334 = tpu.unpack_subelements %get3A_1332, 1 {pack_format = #tpu.pack_format<interleaved>} : vector<32xbf16> -> vector<16xf32>
            %add3A_1335 = arith.constant 160 : i32
            %add3A_1336 = arith.addi %add3A_1335, %add3A_1278 : i32
            %get3A_1337 = arith.index_cast %add3A_1336 : i32 to index
            %get3A_1338 = arith.constant 32 : index
            %get3A_1339 = tpu.vector_load %arg17[%get3A_1337, %get3A_1338] {strides = array<i32>} : memref<480x64xbf16, #tpu.memory_space<vmem>>, vector<32xbf16>,
            %unpack3A_1340 = tpu.unpack_subelements %get3A_1339, 0 {pack_format = #tpu.pack_format<interleaved>} : vector<32xbf16> -> vector<16xf32>
            %unpack3A_1341 = tpu.unpack_subelements %get3A_1339, 1 {pack_format = #tpu.pack_format<interleaved>} : vector<32xbf16> -> vector<16xf32>
            %add3A_1342 = arith.constant 320 : i32
            %add3A_1343 = arith.addi %add3A_1342, %add3A_1278 : i32
            %get3A_1344 = arith.index_cast %add3A_1343 : i32 to index
            %get3A_1345 = arith.constant 32 : index
            %get3A_1346 = tpu.vector_load %arg17[%get3A_1344, %get3A_1345] {strides = array<i32>} : memref<480x64xbf16, #tpu.memory_space<vmem>>, vector<32xbf16>,
            %unpack3A_1347 = tpu.unpack_subelements %get3A_1346, 0 {pack_format = #tpu.pack_format<interleaved>} : vector<32xbf16> -> vector<16xf32>
            %unpack3A_1348 = tpu.unpack_subelements %get3A_1346, 1 {pack_format = #tpu.pack_format<interleaved>} : vector<32xbf16> -> vector<16xf32>
            %mul3A_1349 = vector.broadcast %squeeze3A_1280 : f32 to vector<16xf32>
            %mul3A_1350 = arith.mulf %mul3A_1349, %unpack3A_1333 : vector<16xf32>
            %mul3A_1351 = vector.broadcast %squeeze3A_1282 : f32 to vector<16xf32>
            %mul3A_1352 = arith.mulf %mul3A_1351, %unpack3A_1340 : vector<16xf32>
            %add3A_1353 = arith.addf %mul3A_1350, %mul3A_1352 : vector<16xf32>
            %mul3A_1354 = vector.broadcast %squeeze3A_1284 : f32 to vector<16xf32>
            %mul3A_1355 = arith.mulf %mul3A_1354, %unpack3A_1347 : vector<16xf32>
            %add3A_1356 = arith.addf %add3A_1353, %mul3A_1355 : vector<16xf32>
            %mul3A_1357 = vector.broadcast %squeeze3A_1280 : f32 to vector<16xf32>
            %mul3A_1358 = arith.mulf %mul3A_1357, %unpack3A_1334 : vector<16xf32>
            %mul3A_1359 = vector.broadcast %squeeze3A_1282 : f32 to vector<16xf32>
            %mul3A_1360 = arith.mulf %mul3A_1359, %unpack3A_1341 : vector<16xf32>
            %add3A_1361 = arith.addf %mul3A_1358, %mul3A_1360 : vector<16xf32>
            %mul3A_1362 = vector.broadcast %squeeze3A_1284 : f32 to vector<16xf32>
            %mul3A_1363 = arith.mulf %mul3A_1362, %unpack3A_1348 : vector<16xf32>
            %add3A_1364 = arith.addf %add3A_1361, %mul3A_1363 : vector<16xf32>
            %add3A_1365 = arith.constant 3 : i32
            %add3A_1366 = arith.addi %mul3A_594, %add3A_1365 : i32
            %swap3A_1367 = arith.index_cast %add3A_1366 : i32 to index
            %swap3A_1368 = arith.constant 96 : index
            %swap3A_1369 = tpu.vector_load %arg19[%swap3A_1367, %swap3A_1368] {strides = array<i32>} : memref<80x128xf32, #tpu.memory_space<vmem>>, vector<16xf32>,
            tpu.vector_store %arg19[%swap3A_1367, %swap3A_1368], %add3A_1356 {strides = array<i32>} : memref<80x128xf32, #tpu.memory_space<vmem>>, vector<16xf32>,
            %add3A_1370 = arith.constant 3 : i32
            %add3A_1371 = arith.addi %mul3A_594, %add3A_1370 : i32
            %swap3A_1372 = arith.index_cast %add3A_1371 : i32 to index
            %swap3A_1373 = arith.constant 112 : index
            %swap3A_1374 = tpu.vector_load %arg19[%swap3A_1372, %swap3A_1373] {strides = array<i32>} : memref<80x128xf32, #tpu.memory_space<vmem>>, vector<16xf32>,
            tpu.vector_store %arg19[%swap3A_1372, %swap3A_1373], %add3A_1364 {strides = array<i32>} : memref<80x128xf32, #tpu.memory_space<vmem>>, vector<16xf32>,
            %add3A_1375 = arith.constant 8 : i32
            %add3A_1376 = arith.addi %mul3A_583, %add3A_1375 : i32
            %slice3A_1377 = vector.extract_strided_slice %get3A_584 {offsets = [8], sizes = [1], strides = [1]} : vector<16xf32> to vector<1xf32>
            %squeeze3A_1378 = vector.extract %slice3A_1377[0] : f32 from vector<1xf32>
            %slice3A_1379 = vector.extract_strided_slice %get3A_588 {offsets = [8], sizes = [1], strides = [1]} : vector<16xf32> to vector<1xf32>
            %squeeze3A_1380 = vector.extract %slice3A_1379[0] : f32 from vector<1xf32>
            %slice3A_1381 = vector.extract_strided_slice %get3A_592 {offsets = [8], sizes = [1], strides = [1]} : vector<16xf32> to vector<1xf32>
            %squeeze3A_1382 = vector.extract %slice3A_1381[0] : f32 from vector<1xf32>
            %get3A_1383 = arith.index_cast %add3A_1376 : i32 to index
            %get3A_1384 = arith.constant 0 : index
            %get3A_1385 = tpu.vector_load %arg17[%get3A_1383, %get3A_1384] {strides = array<i32>} : memref<480x64xbf16, #tpu.memory_space<vmem>>, vector<32xbf16>,
            %unpack3A_1386 = tpu.unpack_subelements %get3A_1385, 0 {pack_format = #tpu.pack_format<interleaved>} : vector<32xbf16> -> vector<16xf32>
            %unpack3A_1387 = tpu.unpack_subelements %get3A_1385, 1 {pack_format = #tpu.pack_format<interleaved>} : vector<32xbf16> -> vector<16xf32>
            %add3A_1388 = arith.constant 160 : i32
            %add3A_1389 = arith.addi %add3A_1388, %add3A_1376 : i32
            %get3A_1390 = arith.index_cast %add3A_1389 : i32 to index
            %get3A_1391 = arith.constant 0 : index
            %get3A_1392 = tpu.vector_load %arg17[%get3A_1390, %get3A_1391] {strides = array<i32>} : memref<480x64xbf16, #tpu.memory_space<vmem>>, vector<32xbf16>,
            %unpack3A_1393 = tpu.unpack_subelements %get3A_1392, 0 {pack_format = #tpu.pack_format<interleaved>} : vector<32xbf16> -> vector<16xf32>
            %unpack3A_1394 = tpu.unpack_subelements %get3A_1392, 1 {pack_format = #tpu.pack_format<interleaved>} : vector<32xbf16> -> vector<16xf32>
            %add3A_1395 = arith.constant 320 : i32
            %add3A_1396 = arith.addi %add3A_1395, %add3A_1376 : i32
            %get3A_1397 = arith.index_cast %add3A_1396 : i32 to index
            %get3A_1398 = arith.constant 0 : index
            %get3A_1399 = tpu.vector_load %arg17[%get3A_1397, %get3A_1398] {strides = array<i32>} : memref<480x64xbf16, #tpu.memory_space<vmem>>, vector<32xbf16>,
            %unpack3A_1400 = tpu.unpack_subelements %get3A_1399, 0 {pack_format = #tpu.pack_format<interleaved>} : vector<32xbf16> -> vector<16xf32>
            %unpack3A_1401 = tpu.unpack_subelements %get3A_1399, 1 {pack_format = #tpu.pack_format<interleaved>} : vector<32xbf16> -> vector<16xf32>
            %mul3A_1402 = vector.broadcast %squeeze3A_1378 : f32 to vector<16xf32>
            %mul3A_1403 = arith.mulf %mul3A_1402, %unpack3A_1386 : vector<16xf32>
            %mul3A_1404 = vector.broadcast %squeeze3A_1380 : f32 to vector<16xf32>
            %mul3A_1405 = arith.mulf %mul3A_1404, %unpack3A_1393 : vector<16xf32>
            %add3A_1406 = arith.addf %mul3A_1403, %mul3A_1405 : vector<16xf32>
            %mul3A_1407 = vector.broadcast %squeeze3A_1382 : f32 to vector<16xf32>
            %mul3A_1408 = arith.mulf %mul3A_1407, %unpack3A_1400 : vector<16xf32>
            %add3A_1409 = arith.addf %add3A_1406, %mul3A_1408 : vector<16xf32>
            %mul3A_1410 = vector.broadcast %squeeze3A_1378 : f32 to vector<16xf32>
            %mul3A_1411 = arith.mulf %mul3A_1410, %unpack3A_1387 : vector<16xf32>
            %mul3A_1412 = vector.broadcast %squeeze3A_1380 : f32 to vector<16xf32>
            %mul3A_1413 = arith.mulf %mul3A_1412, %unpack3A_1394 : vector<16xf32>
            %add3A_1414 = arith.addf %mul3A_1411, %mul3A_1413 : vector<16xf32>
            %mul3A_1415 = vector.broadcast %squeeze3A_1382 : f32 to vector<16xf32>
            %mul3A_1416 = arith.mulf %mul3A_1415, %unpack3A_1401 : vector<16xf32>
            %add3A_1417 = arith.addf %add3A_1414, %mul3A_1416 : vector<16xf32>
            %add3A_1418 = arith.constant 4 : i32
            %add3A_1419 = arith.addi %mul3A_594, %add3A_1418 : i32
            %swap3A_1420 = arith.index_cast %add3A_1419 : i32 to index
            %swap3A_1421 = arith.constant 0 : index
            %swap3A_1422 = tpu.vector_load %arg19[%swap3A_1420, %swap3A_1421] {strides = array<i32>} : memref<80x128xf32, #tpu.memory_space<vmem>>, vector<16xf32>,
            tpu.vector_store %arg19[%swap3A_1420, %swap3A_1421], %add3A_1409 {strides = array<i32>} : memref<80x128xf32, #tpu.memory_space<vmem>>, vector<16xf32>,
            %add3A_1423 = arith.constant 4 : i32
            %add3A_1424 = arith.addi %mul3A_594, %add3A_1423 : i32
            %swap3A_1425 = arith.index_cast %add3A_1424 : i32 to index
            %swap3A_1426 = arith.constant 16 : index
            %swap3A_1427 = tpu.vector_load %arg19[%swap3A_1425, %swap3A_1426] {strides = array<i32>} : memref<80x128xf32, #tpu.memory_space<vmem>>, vector<16xf32>,
            tpu.vector_store %arg19[%swap3A_1425, %swap3A_1426], %add3A_1417 {strides = array<i32>} : memref<80x128xf32, #tpu.memory_space<vmem>>, vector<16xf32>,
            %get3A_1428 = arith.index_cast %add3A_1376 : i32 to index
            %get3A_1429 = arith.constant 32 : index
            %get3A_1430 = tpu.vector_load %arg17[%get3A_1428, %get3A_1429] {strides = array<i32>} : memref<480x64xbf16, #tpu.memory_space<vmem>>, vector<32xbf16>,
            %unpack3A_1431 = tpu.unpack_subelements %get3A_1430, 0 {pack_format = #tpu.pack_format<interleaved>} : vector<32xbf16> -> vector<16xf32>
            %unpack3A_1432 = tpu.unpack_subelements %get3A_1430, 1 {pack_format = #tpu.pack_format<interleaved>} : vector<32xbf16> -> vector<16xf32>
            %add3A_1433 = arith.constant 160 : i32
            %add3A_1434 = arith.addi %add3A_1433, %add3A_1376 : i32
            %get3A_1435 = arith.index_cast %add3A_1434 : i32 to index
            %get3A_1436 = arith.constant 32 : index
            %get3A_1437 = tpu.vector_load %arg17[%get3A_1435, %get3A_1436] {strides = array<i32>} : memref<480x64xbf16, #tpu.memory_space<vmem>>, vector<32xbf16>,
            %unpack3A_1438 = tpu.unpack_subelements %get3A_1437, 0 {pack_format = #tpu.pack_format<interleaved>} : vector<32xbf16> -> vector<16xf32>
            %unpack3A_1439 = tpu.unpack_subelements %get3A_1437, 1 {pack_format = #tpu.pack_format<interleaved>} : vector<32xbf16> -> vector<16xf32>
            %add3A_1440 = arith.constant 320 : i32
            %add3A_1441 = arith.addi %add3A_1440, %add3A_1376 : i32
            %get3A_1442 = arith.index_cast %add3A_1441 : i32 to index
            %get3A_1443 = arith.constant 32 : index
            %get3A_1444 = tpu.vector_load %arg17[%get3A_1442, %get3A_1443] {strides = array<i32>} : memref<480x64xbf16, #tpu.memory_space<vmem>>, vector<32xbf16>,
            %unpack3A_1445 = tpu.unpack_subelements %get3A_1444, 0 {pack_format = #tpu.pack_format<interleaved>} : vector<32xbf16> -> vector<16xf32>
            %unpack3A_1446 = tpu.unpack_subelements %get3A_1444, 1 {pack_format = #tpu.pack_format<interleaved>} : vector<32xbf16> -> vector<16xf32>
            %mul3A_1447 = vector.broadcast %squeeze3A_1378 : f32 to vector<16xf32>
            %mul3A_1448 = arith.mulf %mul3A_1447, %unpack3A_1431 : vector<16xf32>
            %mul3A_1449 = vector.broadcast %squeeze3A_1380 : f32 to vector<16xf32>
            %mul3A_1450 = arith.mulf %mul3A_1449, %unpack3A_1438 : vector<16xf32>
            %add3A_1451 = arith.addf %mul3A_1448, %mul3A_1450 : vector<16xf32>
            %mul3A_1452 = vector.broadcast %squeeze3A_1382 : f32 to vector<16xf32>
            %mul3A_1453 = arith.mulf %mul3A_1452, %unpack3A_1445 : vector<16xf32>
            %add3A_1454 = arith.addf %add3A_1451, %mul3A_1453 : vector<16xf32>
            %mul3A_1455 = vector.broadcast %squeeze3A_1378 : f32 to vector<16xf32>
            %mul3A_1456 = arith.mulf %mul3A_1455, %unpack3A_1432 : vector<16xf32>
            %mul3A_1457 = vector.broadcast %squeeze3A_1380 : f32 to vector<16xf32>
            %mul3A_1458 = arith.mulf %mul3A_1457, %unpack3A_1439 : vector<16xf32>
            %add3A_1459 = arith.addf %mul3A_1456, %mul3A_1458 : vector<16xf32>
            %mul3A_1460 = vector.broadcast %squeeze3A_1382 : f32 to vector<16xf32>
            %mul3A_1461 = arith.mulf %mul3A_1460, %unpack3A_1446 : vector<16xf32>
            %add3A_1462 = arith.addf %add3A_1459, %mul3A_1461 : vector<16xf32>
            %add3A_1463 = arith.constant 4 : i32
            %add3A_1464 = arith.addi %mul3A_594, %add3A_1463 : i32
            %swap3A_1465 = arith.index_cast %add3A_1464 : i32 to index
            %swap3A_1466 = arith.constant 32 : index
            %swap3A_1467 = tpu.vector_load %arg19[%swap3A_1465, %swap3A_1466] {strides = array<i32>} : memref<80x128xf32, #tpu.memory_space<vmem>>, vector<16xf32>,
            tpu.vector_store %arg19[%swap3A_1465, %swap3A_1466], %add3A_1454 {strides = array<i32>} : memref<80x128xf32, #tpu.memory_space<vmem>>, vector<16xf32>,
            %add3A_1468 = arith.constant 4 : i32
            %add3A_1469 = arith.addi %mul3A_594, %add3A_1468 : i32
            %swap3A_1470 = arith.index_cast %add3A_1469 : i32 to index
            %swap3A_1471 = arith.constant 48 : index
            %swap3A_1472 = tpu.vector_load %arg19[%swap3A_1470, %swap3A_1471] {strides = array<i32>} : memref<80x128xf32, #tpu.memory_space<vmem>>, vector<16xf32>,
            tpu.vector_store %arg19[%swap3A_1470, %swap3A_1471], %add3A_1462 {strides = array<i32>} : memref<80x128xf32, #tpu.memory_space<vmem>>, vector<16xf32>,
            %add3A_1473 = arith.constant 9 : i32
            %add3A_1474 = arith.addi %mul3A_583, %add3A_1473 : i32
            %slice3A_1475 = vector.extract_strided_slice %get3A_584 {offsets = [9], sizes = [1], strides = [1]} : vector<16xf32> to vector<1xf32>
            %squeeze3A_1476 = vector.extract %slice3A_1475[0] : f32 from vector<1xf32>
            %slice3A_1477 = vector.extract_strided_slice %get3A_588 {offsets = [9], sizes = [1], strides = [1]} : vector<16xf32> to vector<1xf32>
            %squeeze3A_1478 = vector.extract %slice3A_1477[0] : f32 from vector<1xf32>
            %slice3A_1479 = vector.extract_strided_slice %get3A_592 {offsets = [9], sizes = [1], strides = [1]} : vector<16xf32> to vector<1xf32>
            %squeeze3A_1480 = vector.extract %slice3A_1479[0] : f32 from vector<1xf32>
            %get3A_1481 = arith.index_cast %add3A_1474 : i32 to index
            %get3A_1482 = arith.constant 0 : index
            %get3A_1483 = tpu.vector_load %arg17[%get3A_1481, %get3A_1482] {strides = array<i32>} : memref<480x64xbf16, #tpu.memory_space<vmem>>, vector<32xbf16>,
            %unpack3A_1484 = tpu.unpack_subelements %get3A_1483, 0 {pack_format = #tpu.pack_format<interleaved>} : vector<32xbf16> -> vector<16xf32>
            %unpack3A_1485 = tpu.unpack_subelements %get3A_1483, 1 {pack_format = #tpu.pack_format<interleaved>} : vector<32xbf16> -> vector<16xf32>
            %add3A_1486 = arith.constant 160 : i32
            %add3A_1487 = arith.addi %add3A_1486, %add3A_1474 : i32
            %get3A_1488 = arith.index_cast %add3A_1487 : i32 to index
            %get3A_1489 = arith.constant 0 : index
            %get3A_1490 = tpu.vector_load %arg17[%get3A_1488, %get3A_1489] {strides = array<i32>} : memref<480x64xbf16, #tpu.memory_space<vmem>>, vector<32xbf16>,
            %unpack3A_1491 = tpu.unpack_subelements %get3A_1490, 0 {pack_format = #tpu.pack_format<interleaved>} : vector<32xbf16> -> vector<16xf32>
            %unpack3A_1492 = tpu.unpack_subelements %get3A_1490, 1 {pack_format = #tpu.pack_format<interleaved>} : vector<32xbf16> -> vector<16xf32>
            %add3A_1493 = arith.constant 320 : i32
            %add3A_1494 = arith.addi %add3A_1493, %add3A_1474 : i32
            %get3A_1495 = arith.index_cast %add3A_1494 : i32 to index
            %get3A_1496 = arith.constant 0 : index
            %get3A_1497 = tpu.vector_load %arg17[%get3A_1495, %get3A_1496] {strides = array<i32>} : memref<480x64xbf16, #tpu.memory_space<vmem>>, vector<32xbf16>,
            %unpack3A_1498 = tpu.unpack_subelements %get3A_1497, 0 {pack_format = #tpu.pack_format<interleaved>} : vector<32xbf16> -> vector<16xf32>
            %unpack3A_1499 = tpu.unpack_subelements %get3A_1497, 1 {pack_format = #tpu.pack_format<interleaved>} : vector<32xbf16> -> vector<16xf32>
            %mul3A_1500 = vector.broadcast %squeeze3A_1476 : f32 to vector<16xf32>
            %mul3A_1501 = arith.mulf %mul3A_1500, %unpack3A_1484 : vector<16xf32>
            %mul3A_1502 = vector.broadcast %squeeze3A_1478 : f32 to vector<16xf32>
            %mul3A_1503 = arith.mulf %mul3A_1502, %unpack3A_1491 : vector<16xf32>
            %add3A_1504 = arith.addf %mul3A_1501, %mul3A_1503 : vector<16xf32>
            %mul3A_1505 = vector.broadcast %squeeze3A_1480 : f32 to vector<16xf32>
            %mul3A_1506 = arith.mulf %mul3A_1505, %unpack3A_1498 : vector<16xf32>
            %add3A_1507 = arith.addf %add3A_1504, %mul3A_1506 : vector<16xf32>
            %mul3A_1508 = vector.broadcast %squeeze3A_1476 : f32 to vector<16xf32>
            %mul3A_1509 = arith.mulf %mul3A_1508, %unpack3A_1485 : vector<16xf32>
            %mul3A_1510 = vector.broadcast %squeeze3A_1478 : f32 to vector<16xf32>
            %mul3A_1511 = arith.mulf %mul3A_1510, %unpack3A_1492 : vector<16xf32>
            %add3A_1512 = arith.addf %mul3A_1509, %mul3A_1511 : vector<16xf32>
            %mul3A_1513 = vector.broadcast %squeeze3A_1480 : f32 to vector<16xf32>
            %mul3A_1514 = arith.mulf %mul3A_1513, %unpack3A_1499 : vector<16xf32>
            %add3A_1515 = arith.addf %add3A_1512, %mul3A_1514 : vector<16xf32>
            %add3A_1516 = arith.constant 4 : i32
            %add3A_1517 = arith.addi %mul3A_594, %add3A_1516 : i32
            %swap3A_1518 = arith.index_cast %add3A_1517 : i32 to index
            %swap3A_1519 = arith.constant 64 : index
            %swap3A_1520 = tpu.vector_load %arg19[%swap3A_1518, %swap3A_1519] {strides = array<i32>} : memref<80x128xf32, #tpu.memory_space<vmem>>, vector<16xf32>,
            tpu.vector_store %arg19[%swap3A_1518, %swap3A_1519], %add3A_1507 {strides = array<i32>} : memref<80x128xf32, #tpu.memory_space<vmem>>, vector<16xf32>,
            %add3A_1521 = arith.constant 4 : i32
            %add3A_1522 = arith.addi %mul3A_594, %add3A_1521 : i32
            %swap3A_1523 = arith.index_cast %add3A_1522 : i32 to index
            %swap3A_1524 = arith.constant 80 : index
            %swap3A_1525 = tpu.vector_load %arg19[%swap3A_1523, %swap3A_1524] {strides = array<i32>} : memref<80x128xf32, #tpu.memory_space<vmem>>, vector<16xf32>,
            tpu.vector_store %arg19[%swap3A_1523, %swap3A_1524], %add3A_1515 {strides = array<i32>} : memref<80x128xf32, #tpu.memory_space<vmem>>, vector<16xf32>,
            %get3A_1526 = arith.index_cast %add3A_1474 : i32 to index
            %get3A_1527 = arith.constant 32 : index
            %get3A_1528 = tpu.vector_load %arg17[%get3A_1526, %get3A_1527] {strides = array<i32>} : memref<480x64xbf16, #tpu.memory_space<vmem>>, vector<32xbf16>,
            %unpack3A_1529 = tpu.unpack_subelements %get3A_1528, 0 {pack_format = #tpu.pack_format<interleaved>} : vector<32xbf16> -> vector<16xf32>
            %unpack3A_1530 = tpu.unpack_subelements %get3A_1528, 1 {pack_format = #tpu.pack_format<interleaved>} : vector<32xbf16> -> vector<16xf32>
            %add3A_1531 = arith.constant 160 : i32
            %add3A_1532 = arith.addi %add3A_1531, %add3A_1474 : i32
            %get3A_1533 = arith.index_cast %add3A_1532 : i32 to index
            %get3A_1534 = arith.constant 32 : index
            %get3A_1535 = tpu.vector_load %arg17[%get3A_1533, %get3A_1534] {strides = array<i32>} : memref<480x64xbf16, #tpu.memory_space<vmem>>, vector<32xbf16>,
            %unpack3A_1536 = tpu.unpack_subelements %get3A_1535, 0 {pack_format = #tpu.pack_format<interleaved>} : vector<32xbf16> -> vector<16xf32>
            %unpack3A_1537 = tpu.unpack_subelements %get3A_1535, 1 {pack_format = #tpu.pack_format<interleaved>} : vector<32xbf16> -> vector<16xf32>
            %add3A_1538 = arith.constant 320 : i32
            %add3A_1539 = arith.addi %add3A_1538, %add3A_1474 : i32
            %get3A_1540 = arith.index_cast %add3A_1539 : i32 to index
            %get3A_1541 = arith.constant 32 : index
            %get3A_1542 = tpu.vector_load %arg17[%get3A_1540, %get3A_1541] {strides = array<i32>} : memref<480x64xbf16, #tpu.memory_space<vmem>>, vector<32xbf16>,
            %unpack3A_1543 = tpu.unpack_subelements %get3A_1542, 0 {pack_format = #tpu.pack_format<interleaved>} : vector<32xbf16> -> vector<16xf32>
            %unpack3A_1544 = tpu.unpack_subelements %get3A_1542, 1 {pack_format = #tpu.pack_format<interleaved>} : vector<32xbf16> -> vector<16xf32>
            %mul3A_1545 = vector.broadcast %squeeze3A_1476 : f32 to vector<16xf32>
            %mul3A_1546 = arith.mulf %mul3A_1545, %unpack3A_1529 : vector<16xf32>
            %mul3A_1547 = vector.broadcast %squeeze3A_1478 : f32 to vector<16xf32>
            %mul3A_1548 = arith.mulf %mul3A_1547, %unpack3A_1536 : vector<16xf32>
            %add3A_1549 = arith.addf %mul3A_1546, %mul3A_1548 : vector<16xf32>
            %mul3A_1550 = vector.broadcast %squeeze3A_1480 : f32 to vector<16xf32>
            %mul3A_1551 = arith.mulf %mul3A_1550, %unpack3A_1543 : vector<16xf32>
            %add3A_1552 = arith.addf %add3A_1549, %mul3A_1551 : vector<16xf32>
            %mul3A_1553 = vector.broadcast %squeeze3A_1476 : f32 to vector<16xf32>
            %mul3A_1554 = arith.mulf %mul3A_1553, %unpack3A_1530 : vector<16xf32>
            %mul3A_1555 = vector.broadcast %squeeze3A_1478 : f32 to vector<16xf32>
            %mul3A_1556 = arith.mulf %mul3A_1555, %unpack3A_1537 : vector<16xf32>
            %add3A_1557 = arith.addf %mul3A_1554, %mul3A_1556 : vector<16xf32>
            %mul3A_1558 = vector.broadcast %squeeze3A_1480 : f32 to vector<16xf32>
            %mul3A_1559 = arith.mulf %mul3A_1558, %unpack3A_1544 : vector<16xf32>
            %add3A_1560 = arith.addf %add3A_1557, %mul3A_1559 : vector<16xf32>
            %add3A_1561 = arith.constant 4 : i32
            %add3A_1562 = arith.addi %mul3A_594, %add3A_1561 : i32
            %swap3A_1563 = arith.index_cast %add3A_1562 : i32 to index
            %swap3A_1564 = arith.constant 96 : index
            %swap3A_1565 = tpu.vector_load %arg19[%swap3A_1563, %swap3A_1564] {strides = array<i32>} : memref<80x128xf32, #tpu.memory_space<vmem>>, vector<16xf32>,
            tpu.vector_store %arg19[%swap3A_1563, %swap3A_1564], %add3A_1552 {strides = array<i32>} : memref<80x128xf32, #tpu.memory_space<vmem>>, vector<16xf32>,
            %add3A_1566 = arith.constant 4 : i32
            %add3A_1567 = arith.addi %mul3A_594, %add3A_1566 : i32
            %swap3A_1568 = arith.index_cast %add3A_1567 : i32 to index
            %swap3A_1569 = arith.constant 112 : index
            %swap3A_1570 = tpu.vector_load %arg19[%swap3A_1568, %swap3A_1569] {strides = array<i32>} : memref<80x128xf32, #tpu.memory_space<vmem>>, vector<16xf32>,
            tpu.vector_store %arg19[%swap3A_1568, %swap3A_1569], %add3A_1560 {strides = array<i32>} : memref<80x128xf32, #tpu.memory_space<vmem>>, vector<16xf32>,
            %add3A_1571 = arith.constant 10 : i32
            %add3A_1572 = arith.addi %mul3A_583, %add3A_1571 : i32
            %slice3A_1573 = vector.extract_strided_slice %get3A_584 {offsets = [10], sizes = [1], strides = [1]} : vector<16xf32> to vector<1xf32>
            %squeeze3A_1574 = vector.extract %slice3A_1573[0] : f32 from vector<1xf32>
            %slice3A_1575 = vector.extract_strided_slice %get3A_588 {offsets = [10], sizes = [1], strides = [1]} : vector<16xf32> to vector<1xf32>
            %squeeze3A_1576 = vector.extract %slice3A_1575[0] : f32 from vector<1xf32>
            %slice3A_1577 = vector.extract_strided_slice %get3A_592 {offsets = [10], sizes = [1], strides = [1]} : vector<16xf32> to vector<1xf32>
            %squeeze3A_1578 = vector.extract %slice3A_1577[0] : f32 from vector<1xf32>
            %get3A_1579 = arith.index_cast %add3A_1572 : i32 to index
            %get3A_1580 = arith.constant 0 : index
            %get3A_1581 = tpu.vector_load %arg17[%get3A_1579, %get3A_1580] {strides = array<i32>} : memref<480x64xbf16, #tpu.memory_space<vmem>>, vector<32xbf16>,
            %unpack3A_1582 = tpu.unpack_subelements %get3A_1581, 0 {pack_format = #tpu.pack_format<interleaved>} : vector<32xbf16> -> vector<16xf32>
            %unpack3A_1583 = tpu.unpack_subelements %get3A_1581, 1 {pack_format = #tpu.pack_format<interleaved>} : vector<32xbf16> -> vector<16xf32>
            %add3A_1584 = arith.constant 160 : i32
            %add3A_1585 = arith.addi %add3A_1584, %add3A_1572 : i32
            %get3A_1586 = arith.index_cast %add3A_1585 : i32 to index
            %get3A_1587 = arith.constant 0 : index
            %get3A_1588 = tpu.vector_load %arg17[%get3A_1586, %get3A_1587] {strides = array<i32>} : memref<480x64xbf16, #tpu.memory_space<vmem>>, vector<32xbf16>,
            %unpack3A_1589 = tpu.unpack_subelements %get3A_1588, 0 {pack_format = #tpu.pack_format<interleaved>} : vector<32xbf16> -> vector<16xf32>
            %unpack3A_1590 = tpu.unpack_subelements %get3A_1588, 1 {pack_format = #tpu.pack_format<interleaved>} : vector<32xbf16> -> vector<16xf32>
            %add3A_1591 = arith.constant 320 : i32
            %add3A_1592 = arith.addi %add3A_1591, %add3A_1572 : i32
            %get3A_1593 = arith.index_cast %add3A_1592 : i32 to index
            %get3A_1594 = arith.constant 0 : index
            %get3A_1595 = tpu.vector_load %arg17[%get3A_1593, %get3A_1594] {strides = array<i32>} : memref<480x64xbf16, #tpu.memory_space<vmem>>, vector<32xbf16>,
            %unpack3A_1596 = tpu.unpack_subelements %get3A_1595, 0 {pack_format = #tpu.pack_format<interleaved>} : vector<32xbf16> -> vector<16xf32>
            %unpack3A_1597 = tpu.unpack_subelements %get3A_1595, 1 {pack_format = #tpu.pack_format<interleaved>} : vector<32xbf16> -> vector<16xf32>
            %mul3A_1598 = vector.broadcast %squeeze3A_1574 : f32 to vector<16xf32>
            %mul3A_1599 = arith.mulf %mul3A_1598, %unpack3A_1582 : vector<16xf32>
            %mul3A_1600 = vector.broadcast %squeeze3A_1576 : f32 to vector<16xf32>
            %mul3A_1601 = arith.mulf %mul3A_1600, %unpack3A_1589 : vector<16xf32>
            %add3A_1602 = arith.addf %mul3A_1599, %mul3A_1601 : vector<16xf32>
            %mul3A_1603 = vector.broadcast %squeeze3A_1578 : f32 to vector<16xf32>
            %mul3A_1604 = arith.mulf %mul3A_1603, %unpack3A_1596 : vector<16xf32>
            %add3A_1605 = arith.addf %add3A_1602, %mul3A_1604 : vector<16xf32>
            %mul3A_1606 = vector.broadcast %squeeze3A_1574 : f32 to vector<16xf32>
            %mul3A_1607 = arith.mulf %mul3A_1606, %unpack3A_1583 : vector<16xf32>
            %mul3A_1608 = vector.broadcast %squeeze3A_1576 : f32 to vector<16xf32>
            %mul3A_1609 = arith.mulf %mul3A_1608, %unpack3A_1590 : vector<16xf32>
            %add3A_1610 = arith.addf %mul3A_1607, %mul3A_1609 : vector<16xf32>
            %mul3A_1611 = vector.broadcast %squeeze3A_1578 : f32 to vector<16xf32>
            %mul3A_1612 = arith.mulf %mul3A_1611, %unpack3A_1597 : vector<16xf32>
            %add3A_1613 = arith.addf %add3A_1610, %mul3A_1612 : vector<16xf32>
            %add3A_1614 = arith.constant 5 : i32
            %add3A_1615 = arith.addi %mul3A_594, %add3A_1614 : i32
            %swap3A_1616 = arith.index_cast %add3A_1615 : i32 to index
            %swap3A_1617 = arith.constant 0 : index
            %swap3A_1618 = tpu.vector_load %arg19[%swap3A_1616, %swap3A_1617] {strides = array<i32>} : memref<80x128xf32, #tpu.memory_space<vmem>>, vector<16xf32>,
            tpu.vector_store %arg19[%swap3A_1616, %swap3A_1617], %add3A_1605 {strides = array<i32>} : memref<80x128xf32, #tpu.memory_space<vmem>>, vector<16xf32>,
            %add3A_1619 = arith.constant 5 : i32
            %add3A_1620 = arith.addi %mul3A_594, %add3A_1619 : i32
            %swap3A_1621 = arith.index_cast %add3A_1620 : i32 to index
            %swap3A_1622 = arith.constant 16 : index
            %swap3A_1623 = tpu.vector_load %arg19[%swap3A_1621, %swap3A_1622] {strides = array<i32>} : memref<80x128xf32, #tpu.memory_space<vmem>>, vector<16xf32>,
            tpu.vector_store %arg19[%swap3A_1621, %swap3A_1622], %add3A_1613 {strides = array<i32>} : memref<80x128xf32, #tpu.memory_space<vmem>>, vector<16xf32>,
            %get3A_1624 = arith.index_cast %add3A_1572 : i32 to index
            %get3A_1625 = arith.constant 32 : index
            %get3A_1626 = tpu.vector_load %arg17[%get3A_1624, %get3A_1625] {strides = array<i32>} : memref<480x64xbf16, #tpu.memory_space<vmem>>, vector<32xbf16>,
            %unpack3A_1627 = tpu.unpack_subelements %get3A_1626, 0 {pack_format = #tpu.pack_format<interleaved>} : vector<32xbf16> -> vector<16xf32>
            %unpack3A_1628 = tpu.unpack_subelements %get3A_1626, 1 {pack_format = #tpu.pack_format<interleaved>} : vector<32xbf16> -> vector<16xf32>
            %add3A_1629 = arith.constant 160 : i32
            %add3A_1630 = arith.addi %add3A_1629, %add3A_1572 : i32
            %get3A_1631 = arith.index_cast %add3A_1630 : i32 to index
            %get3A_1632 = arith.constant 32 : index
            %get3A_1633 = tpu.vector_load %arg17[%get3A_1631, %get3A_1632] {strides = array<i32>} : memref<480x64xbf16, #tpu.memory_space<vmem>>, vector<32xbf16>,
            %unpack3A_1634 = tpu.unpack_subelements %get3A_1633, 0 {pack_format = #tpu.pack_format<interleaved>} : vector<32xbf16> -> vector<16xf32>
            %unpack3A_1635 = tpu.unpack_subelements %get3A_1633, 1 {pack_format = #tpu.pack_format<interleaved>} : vector<32xbf16> -> vector<16xf32>
            %add3A_1636 = arith.constant 320 : i32
            %add3A_1637 = arith.addi %add3A_1636, %add3A_1572 : i32
            %get3A_1638 = arith.index_cast %add3A_1637 : i32 to index
            %get3A_1639 = arith.constant 32 : index
            %get3A_1640 = tpu.vector_load %arg17[%get3A_1638, %get3A_1639] {strides = array<i32>} : memref<480x64xbf16, #tpu.memory_space<vmem>>, vector<32xbf16>,
            %unpack3A_1641 = tpu.unpack_subelements %get3A_1640, 0 {pack_format = #tpu.pack_format<interleaved>} : vector<32xbf16> -> vector<16xf32>
            %unpack3A_1642 = tpu.unpack_subelements %get3A_1640, 1 {pack_format = #tpu.pack_format<interleaved>} : vector<32xbf16> -> vector<16xf32>
            %mul3A_1643 = vector.broadcast %squeeze3A_1574 : f32 to vector<16xf32>
            %mul3A_1644 = arith.mulf %mul3A_1643, %unpack3A_1627 : vector<16xf32>
            %mul3A_1645 = vector.broadcast %squeeze3A_1576 : f32 to vector<16xf32>
            %mul3A_1646 = arith.mulf %mul3A_1645, %unpack3A_1634 : vector<16xf32>
            %add3A_1647 = arith.addf %mul3A_1644, %mul3A_1646 : vector<16xf32>
            %mul3A_1648 = vector.broadcast %squeeze3A_1578 : f32 to vector<16xf32>
            %mul3A_1649 = arith.mulf %mul3A_1648, %unpack3A_1641 : vector<16xf32>
            %add3A_1650 = arith.addf %add3A_1647, %mul3A_1649 : vector<16xf32>
            %mul3A_1651 = vector.broadcast %squeeze3A_1574 : f32 to vector<16xf32>
            %mul3A_1652 = arith.mulf %mul3A_1651, %unpack3A_1628 : vector<16xf32>
            %mul3A_1653 = vector.broadcast %squeeze3A_1576 : f32 to vector<16xf32>
            %mul3A_1654 = arith.mulf %mul3A_1653, %unpack3A_1635 : vector<16xf32>
            %add3A_1655 = arith.addf %mul3A_1652, %mul3A_1654 : vector<16xf32>
            %mul3A_1656 = vector.broadcast %squeeze3A_1578 : f32 to vector<16xf32>
            %mul3A_1657 = arith.mulf %mul3A_1656, %unpack3A_1642 : vector<16xf32>
            %add3A_1658 = arith.addf %add3A_1655, %mul3A_1657 : vector<16xf32>
            %add3A_1659 = arith.constant 5 : i32
            %add3A_1660 = arith.addi %mul3A_594, %add3A_1659 : i32
            %swap3A_1661 = arith.index_cast %add3A_1660 : i32 to index
            %swap3A_1662 = arith.constant 32 : index
            %swap3A_1663 = tpu.vector_load %arg19[%swap3A_1661, %swap3A_1662] {strides = array<i32>} : memref<80x128xf32, #tpu.memory_space<vmem>>, vector<16xf32>,
            tpu.vector_store %arg19[%swap3A_1661, %swap3A_1662], %add3A_1650 {strides = array<i32>} : memref<80x128xf32, #tpu.memory_space<vmem>>, vector<16xf32>,
            %add3A_1664 = arith.constant 5 : i32
            %add3A_1665 = arith.addi %mul3A_594, %add3A_1664 : i32
            %swap3A_1666 = arith.index_cast %add3A_1665 : i32 to index
            %swap3A_1667 = arith.constant 48 : index
            %swap3A_1668 = tpu.vector_load %arg19[%swap3A_1666, %swap3A_1667] {strides = array<i32>} : memref<80x128xf32, #tpu.memory_space<vmem>>, vector<16xf32>,
            tpu.vector_store %arg19[%swap3A_1666, %swap3A_1667], %add3A_1658 {strides = array<i32>} : memref<80x128xf32, #tpu.memory_space<vmem>>, vector<16xf32>,
            %add3A_1669 = arith.constant 11 : i32
            %add3A_1670 = arith.addi %mul3A_583, %add3A_1669 : i32
            %slice3A_1671 = vector.extract_strided_slice %get3A_584 {offsets = [11], sizes = [1], strides = [1]} : vector<16xf32> to vector<1xf32>
            %squeeze3A_1672 = vector.extract %slice3A_1671[0] : f32 from vector<1xf32>
            %slice3A_1673 = vector.extract_strided_slice %get3A_588 {offsets = [11], sizes = [1], strides = [1]} : vector<16xf32> to vector<1xf32>
            %squeeze3A_1674 = vector.extract %slice3A_1673[0] : f32 from vector<1xf32>
            %slice3A_1675 = vector.extract_strided_slice %get3A_592 {offsets = [11], sizes = [1], strides = [1]} : vector<16xf32> to vector<1xf32>
            %squeeze3A_1676 = vector.extract %slice3A_1675[0] : f32 from vector<1xf32>
            %get3A_1677 = arith.index_cast %add3A_1670 : i32 to index
            %get3A_1678 = arith.constant 0 : index
            %get3A_1679 = tpu.vector_load %arg17[%get3A_1677, %get3A_1678] {strides = array<i32>} : memref<480x64xbf16, #tpu.memory_space<vmem>>, vector<32xbf16>,
            %unpack3A_1680 = tpu.unpack_subelements %get3A_1679, 0 {pack_format = #tpu.pack_format<interleaved>} : vector<32xbf16> -> vector<16xf32>
            %unpack3A_1681 = tpu.unpack_subelements %get3A_1679, 1 {pack_format = #tpu.pack_format<interleaved>} : vector<32xbf16> -> vector<16xf32>
            %add3A_1682 = arith.constant 160 : i32
            %add3A_1683 = arith.addi %add3A_1682, %add3A_1670 : i32
            %get3A_1684 = arith.index_cast %add3A_1683 : i32 to index
            %get3A_1685 = arith.constant 0 : index
            %get3A_1686 = tpu.vector_load %arg17[%get3A_1684, %get3A_1685] {strides = array<i32>} : memref<480x64xbf16, #tpu.memory_space<vmem>>, vector<32xbf16>,
            %unpack3A_1687 = tpu.unpack_subelements %get3A_1686, 0 {pack_format = #tpu.pack_format<interleaved>} : vector<32xbf16> -> vector<16xf32>
            %unpack3A_1688 = tpu.unpack_subelements %get3A_1686, 1 {pack_format = #tpu.pack_format<interleaved>} : vector<32xbf16> -> vector<16xf32>
            %add3A_1689 = arith.constant 320 : i32
            %add3A_1690 = arith.addi %add3A_1689, %add3A_1670 : i32
            %get3A_1691 = arith.index_cast %add3A_1690 : i32 to index
            %get3A_1692 = arith.constant 0 : index
            %get3A_1693 = tpu.vector_load %arg17[%get3A_1691, %get3A_1692] {strides = array<i32>} : memref<480x64xbf16, #tpu.memory_space<vmem>>, vector<32xbf16>,
            %unpack3A_1694 = tpu.unpack_subelements %get3A_1693, 0 {pack_format = #tpu.pack_format<interleaved>} : vector<32xbf16> -> vector<16xf32>
            %unpack3A_1695 = tpu.unpack_subelements %get3A_1693, 1 {pack_format = #tpu.pack_format<interleaved>} : vector<32xbf16> -> vector<16xf32>
            %mul3A_1696 = vector.broadcast %squeeze3A_1672 : f32 to vector<16xf32>
            %mul3A_1697 = arith.mulf %mul3A_1696, %unpack3A_1680 : vector<16xf32>
            %mul3A_1698 = vector.broadcast %squeeze3A_1674 : f32 to vector<16xf32>
            %mul3A_1699 = arith.mulf %mul3A_1698, %unpack3A_1687 : vector<16xf32>
            %add3A_1700 = arith.addf %mul3A_1697, %mul3A_1699 : vector<16xf32>
            %mul3A_1701 = vector.broadcast %squeeze3A_1676 : f32 to vector<16xf32>
            %mul3A_1702 = arith.mulf %mul3A_1701, %unpack3A_1694 : vector<16xf32>
            %add3A_1703 = arith.addf %add3A_1700, %mul3A_1702 : vector<16xf32>
            %mul3A_1704 = vector.broadcast %squeeze3A_1672 : f32 to vector<16xf32>
            %mul3A_1705 = arith.mulf %mul3A_1704, %unpack3A_1681 : vector<16xf32>
            %mul3A_1706 = vector.broadcast %squeeze3A_1674 : f32 to vector<16xf32>
            %mul3A_1707 = arith.mulf %mul3A_1706, %unpack3A_1688 : vector<16xf32>
            %add3A_1708 = arith.addf %mul3A_1705, %mul3A_1707 : vector<16xf32>
            %mul3A_1709 = vector.broadcast %squeeze3A_1676 : f32 to vector<16xf32>
            %mul3A_1710 = arith.mulf %mul3A_1709, %unpack3A_1695 : vector<16xf32>
            %add3A_1711 = arith.addf %add3A_1708, %mul3A_1710 : vector<16xf32>
            %add3A_1712 = arith.constant 5 : i32
            %add3A_1713 = arith.addi %mul3A_594, %add3A_1712 : i32
            %swap3A_1714 = arith.index_cast %add3A_1713 : i32 to index
            %swap3A_1715 = arith.constant 64 : index
            %swap3A_1716 = tpu.vector_load %arg19[%swap3A_1714, %swap3A_1715] {strides = array<i32>} : memref<80x128xf32, #tpu.memory_space<vmem>>, vector<16xf32>,
            tpu.vector_store %arg19[%swap3A_1714, %swap3A_1715], %add3A_1703 {strides = array<i32>} : memref<80x128xf32, #tpu.memory_space<vmem>>, vector<16xf32>,
            %add3A_1717 = arith.constant 5 : i32
            %add3A_1718 = arith.addi %mul3A_594, %add3A_1717 : i32
            %swap3A_1719 = arith.index_cast %add3A_1718 : i32 to index
            %swap3A_1720 = arith.constant 80 : index
            %swap3A_1721 = tpu.vector_load %arg19[%swap3A_1719, %swap3A_1720] {strides = array<i32>} : memref<80x128xf32, #tpu.memory_space<vmem>>, vector<16xf32>,
            tpu.vector_store %arg19[%swap3A_1719, %swap3A_1720], %add3A_1711 {strides = array<i32>} : memref<80x128xf32, #tpu.memory_space<vmem>>, vector<16xf32>,
            %get3A_1722 = arith.index_cast %add3A_1670 : i32 to index
            %get3A_1723 = arith.constant 32 : index
            %get3A_1724 = tpu.vector_load %arg17[%get3A_1722, %get3A_1723] {strides = array<i32>} : memref<480x64xbf16, #tpu.memory_space<vmem>>, vector<32xbf16>,
            %unpack3A_1725 = tpu.unpack_subelements %get3A_1724, 0 {pack_format = #tpu.pack_format<interleaved>} : vector<32xbf16> -> vector<16xf32>
            %unpack3A_1726 = tpu.unpack_subelements %get3A_1724, 1 {pack_format = #tpu.pack_format<interleaved>} : vector<32xbf16> -> vector<16xf32>
            %add3A_1727 = arith.constant 160 : i32
            %add3A_1728 = arith.addi %add3A_1727, %add3A_1670 : i32
            %get3A_1729 = arith.index_cast %add3A_1728 : i32 to index
            %get3A_1730 = arith.constant 32 : index
            %get3A_1731 = tpu.vector_load %arg17[%get3A_1729, %get3A_1730] {strides = array<i32>} : memref<480x64xbf16, #tpu.memory_space<vmem>>, vector<32xbf16>,
            %unpack3A_1732 = tpu.unpack_subelements %get3A_1731, 0 {pack_format = #tpu.pack_format<interleaved>} : vector<32xbf16> -> vector<16xf32>
            %unpack3A_1733 = tpu.unpack_subelements %get3A_1731, 1 {pack_format = #tpu.pack_format<interleaved>} : vector<32xbf16> -> vector<16xf32>
            %add3A_1734 = arith.constant 320 : i32
            %add3A_1735 = arith.addi %add3A_1734, %add3A_1670 : i32
            %get3A_1736 = arith.index_cast %add3A_1735 : i32 to index
            %get3A_1737 = arith.constant 32 : index
            %get3A_1738 = tpu.vector_load %arg17[%get3A_1736, %get3A_1737] {strides = array<i32>} : memref<480x64xbf16, #tpu.memory_space<vmem>>, vector<32xbf16>,
            %unpack3A_1739 = tpu.unpack_subelements %get3A_1738, 0 {pack_format = #tpu.pack_format<interleaved>} : vector<32xbf16> -> vector<16xf32>
            %unpack3A_1740 = tpu.unpack_subelements %get3A_1738, 1 {pack_format = #tpu.pack_format<interleaved>} : vector<32xbf16> -> vector<16xf32>
            %mul3A_1741 = vector.broadcast %squeeze3A_1672 : f32 to vector<16xf32>
            %mul3A_1742 = arith.mulf %mul3A_1741, %unpack3A_1725 : vector<16xf32>
            %mul3A_1743 = vector.broadcast %squeeze3A_1674 : f32 to vector<16xf32>
            %mul3A_1744 = arith.mulf %mul3A_1743, %unpack3A_1732 : vector<16xf32>
            %add3A_1745 = arith.addf %mul3A_1742, %mul3A_1744 : vector<16xf32>
            %mul3A_1746 = vector.broadcast %squeeze3A_1676 : f32 to vector<16xf32>
            %mul3A_1747 = arith.mulf %mul3A_1746, %unpack3A_1739 : vector<16xf32>
            %add3A_1748 = arith.addf %add3A_1745, %mul3A_1747 : vector<16xf32>
            %mul3A_1749 = vector.broadcast %squeeze3A_1672 : f32 to vector<16xf32>
            %mul3A_1750 = arith.mulf %mul3A_1749, %unpack3A_1726 : vector<16xf32>
            %mul3A_1751 = vector.broadcast %squeeze3A_1674 : f32 to vector<16xf32>
            %mul3A_1752 = arith.mulf %mul3A_1751, %unpack3A_1733 : vector<16xf32>
            %add3A_1753 = arith.addf %mul3A_1750, %mul3A_1752 : vector<16xf32>
            %mul3A_1754 = vector.broadcast %squeeze3A_1676 : f32 to vector<16xf32>
            %mul3A_1755 = arith.mulf %mul3A_1754, %unpack3A_1740 : vector<16xf32>
            %add3A_1756 = arith.addf %add3A_1753, %mul3A_1755 : vector<16xf32>
            %add3A_1757 = arith.constant 5 : i32
            %add3A_1758 = arith.addi %mul3A_594, %add3A_1757 : i32
            %swap3A_1759 = arith.index_cast %add3A_1758 : i32 to index
            %swap3A_1760 = arith.constant 96 : index
            %swap3A_1761 = tpu.vector_load %arg19[%swap3A_1759, %swap3A_1760] {strides = array<i32>} : memref<80x128xf32, #tpu.memory_space<vmem>>, vector<16xf32>,
            tpu.vector_store %arg19[%swap3A_1759, %swap3A_1760], %add3A_1748 {strides = array<i32>} : memref<80x128xf32, #tpu.memory_space<vmem>>, vector<16xf32>,
            %add3A_1762 = arith.constant 5 : i32
            %add3A_1763 = arith.addi %mul3A_594, %add3A_1762 : i32
            %swap3A_1764 = arith.index_cast %add3A_1763 : i32 to index
            %swap3A_1765 = arith.constant 112 : index
            %swap3A_1766 = tpu.vector_load %arg19[%swap3A_1764, %swap3A_1765] {strides = array<i32>} : memref<80x128xf32, #tpu.memory_space<vmem>>, vector<16xf32>,
            tpu.vector_store %arg19[%swap3A_1764, %swap3A_1765], %add3A_1756 {strides = array<i32>} : memref<80x128xf32, #tpu.memory_space<vmem>>, vector<16xf32>,
            %add3A_1767 = arith.constant 12 : i32
            %add3A_1768 = arith.addi %mul3A_583, %add3A_1767 : i32
            %slice3A_1769 = vector.extract_strided_slice %get3A_584 {offsets = [12], sizes = [1], strides = [1]} : vector<16xf32> to vector<1xf32>
            %squeeze3A_1770 = vector.extract %slice3A_1769[0] : f32 from vector<1xf32>
            %slice3A_1771 = vector.extract_strided_slice %get3A_588 {offsets = [12], sizes = [1], strides = [1]} : vector<16xf32> to vector<1xf32>
            %squeeze3A_1772 = vector.extract %slice3A_1771[0] : f32 from vector<1xf32>
            %slice3A_1773 = vector.extract_strided_slice %get3A_592 {offsets = [12], sizes = [1], strides = [1]} : vector<16xf32> to vector<1xf32>
            %squeeze3A_1774 = vector.extract %slice3A_1773[0] : f32 from vector<1xf32>
            %get3A_1775 = arith.index_cast %add3A_1768 : i32 to index
            %get3A_1776 = arith.constant 0 : index
            %get3A_1777 = tpu.vector_load %arg17[%get3A_1775, %get3A_1776] {strides = array<i32>} : memref<480x64xbf16, #tpu.memory_space<vmem>>, vector<32xbf16>,
            %unpack3A_1778 = tpu.unpack_subelements %get3A_1777, 0 {pack_format = #tpu.pack_format<interleaved>} : vector<32xbf16> -> vector<16xf32>
            %unpack3A_1779 = tpu.unpack_subelements %get3A_1777, 1 {pack_format = #tpu.pack_format<interleaved>} : vector<32xbf16> -> vector<16xf32>
            %add3A_1780 = arith.constant 160 : i32
            %add3A_1781 = arith.addi %add3A_1780, %add3A_1768 : i32
            %get3A_1782 = arith.index_cast %add3A_1781 : i32 to index
            %get3A_1783 = arith.constant 0 : index
            %get3A_1784 = tpu.vector_load %arg17[%get3A_1782, %get3A_1783] {strides = array<i32>} : memref<480x64xbf16, #tpu.memory_space<vmem>>, vector<32xbf16>,
            %unpack3A_1785 = tpu.unpack_subelements %get3A_1784, 0 {pack_format = #tpu.pack_format<interleaved>} : vector<32xbf16> -> vector<16xf32>
            %unpack3A_1786 = tpu.unpack_subelements %get3A_1784, 1 {pack_format = #tpu.pack_format<interleaved>} : vector<32xbf16> -> vector<16xf32>
            %add3A_1787 = arith.constant 320 : i32
            %add3A_1788 = arith.addi %add3A_1787, %add3A_1768 : i32
            %get3A_1789 = arith.index_cast %add3A_1788 : i32 to index
            %get3A_1790 = arith.constant 0 : index
            %get3A_1791 = tpu.vector_load %arg17[%get3A_1789, %get3A_1790] {strides = array<i32>} : memref<480x64xbf16, #tpu.memory_space<vmem>>, vector<32xbf16>,
            %unpack3A_1792 = tpu.unpack_subelements %get3A_1791, 0 {pack_format = #tpu.pack_format<interleaved>} : vector<32xbf16> -> vector<16xf32>
            %unpack3A_1793 = tpu.unpack_subelements %get3A_1791, 1 {pack_format = #tpu.pack_format<interleaved>} : vector<32xbf16> -> vector<16xf32>
            %mul3A_1794 = vector.broadcast %squeeze3A_1770 : f32 to vector<16xf32>
            %mul3A_1795 = arith.mulf %mul3A_1794, %unpack3A_1778 : vector<16xf32>
            %mul3A_1796 = vector.broadcast %squeeze3A_1772 : f32 to vector<16xf32>
            %mul3A_1797 = arith.mulf %mul3A_1796, %unpack3A_1785 : vector<16xf32>
            %add3A_1798 = arith.addf %mul3A_1795, %mul3A_1797 : vector<16xf32>
            %mul3A_1799 = vector.broadcast %squeeze3A_1774 : f32 to vector<16xf32>
            %mul3A_1800 = arith.mulf %mul3A_1799, %unpack3A_1792 : vector<16xf32>
            %add3A_1801 = arith.addf %add3A_1798, %mul3A_1800 : vector<16xf32>
            %mul3A_1802 = vector.broadcast %squeeze3A_1770 : f32 to vector<16xf32>
            %mul3A_1803 = arith.mulf %mul3A_1802, %unpack3A_1779 : vector<16xf32>
            %mul3A_1804 = vector.broadcast %squeeze3A_1772 : f32 to vector<16xf32>
            %mul3A_1805 = arith.mulf %mul3A_1804, %unpack3A_1786 : vector<16xf32>
            %add3A_1806 = arith.addf %mul3A_1803, %mul3A_1805 : vector<16xf32>
            %mul3A_1807 = vector.broadcast %squeeze3A_1774 : f32 to vector<16xf32>
            %mul3A_1808 = arith.mulf %mul3A_1807, %unpack3A_1793 : vector<16xf32>
            %add3A_1809 = arith.addf %add3A_1806, %mul3A_1808 : vector<16xf32>
            %add3A_1810 = arith.constant 6 : i32
            %add3A_1811 = arith.addi %mul3A_594, %add3A_1810 : i32
            %swap3A_1812 = arith.index_cast %add3A_1811 : i32 to index
            %swap3A_1813 = arith.constant 0 : index
            %swap3A_1814 = tpu.vector_load %arg19[%swap3A_1812, %swap3A_1813] {strides = array<i32>} : memref<80x128xf32, #tpu.memory_space<vmem>>, vector<16xf32>,
            tpu.vector_store %arg19[%swap3A_1812, %swap3A_1813], %add3A_1801 {strides = array<i32>} : memref<80x128xf32, #tpu.memory_space<vmem>>, vector<16xf32>,
            %add3A_1815 = arith.constant 6 : i32
            %add3A_1816 = arith.addi %mul3A_594, %add3A_1815 : i32
            %swap3A_1817 = arith.index_cast %add3A_1816 : i32 to index
            %swap3A_1818 = arith.constant 16 : index
            %swap3A_1819 = tpu.vector_load %arg19[%swap3A_1817, %swap3A_1818] {strides = array<i32>} : memref<80x128xf32, #tpu.memory_space<vmem>>, vector<16xf32>,
            tpu.vector_store %arg19[%swap3A_1817, %swap3A_1818], %add3A_1809 {strides = array<i32>} : memref<80x128xf32, #tpu.memory_space<vmem>>, vector<16xf32>,
            %get3A_1820 = arith.index_cast %add3A_1768 : i32 to index
            %get3A_1821 = arith.constant 32 : index
            %get3A_1822 = tpu.vector_load %arg17[%get3A_1820, %get3A_1821] {strides = array<i32>} : memref<480x64xbf16, #tpu.memory_space<vmem>>, vector<32xbf16>,
            %unpack3A_1823 = tpu.unpack_subelements %get3A_1822, 0 {pack_format = #tpu.pack_format<interleaved>} : vector<32xbf16> -> vector<16xf32>
            %unpack3A_1824 = tpu.unpack_subelements %get3A_1822, 1 {pack_format = #tpu.pack_format<interleaved>} : vector<32xbf16> -> vector<16xf32>
            %add3A_1825 = arith.constant 160 : i32
            %add3A_1826 = arith.addi %add3A_1825, %add3A_1768 : i32
            %get3A_1827 = arith.index_cast %add3A_1826 : i32 to index
            %get3A_1828 = arith.constant 32 : index
            %get3A_1829 = tpu.vector_load %arg17[%get3A_1827, %get3A_1828] {strides = array<i32>} : memref<480x64xbf16, #tpu.memory_space<vmem>>, vector<32xbf16>,
            %unpack3A_1830 = tpu.unpack_subelements %get3A_1829, 0 {pack_format = #tpu.pack_format<interleaved>} : vector<32xbf16> -> vector<16xf32>
            %unpack3A_1831 = tpu.unpack_subelements %get3A_1829, 1 {pack_format = #tpu.pack_format<interleaved>} : vector<32xbf16> -> vector<16xf32>
            %add3A_1832 = arith.constant 320 : i32
            %add3A_1833 = arith.addi %add3A_1832, %add3A_1768 : i32
            %get3A_1834 = arith.index_cast %add3A_1833 : i32 to index
            %get3A_1835 = arith.constant 32 : index
            %get3A_1836 = tpu.vector_load %arg17[%get3A_1834, %get3A_1835] {strides = array<i32>} : memref<480x64xbf16, #tpu.memory_space<vmem>>, vector<32xbf16>,
            %unpack3A_1837 = tpu.unpack_subelements %get3A_1836, 0 {pack_format = #tpu.pack_format<interleaved>} : vector<32xbf16> -> vector<16xf32>
            %unpack3A_1838 = tpu.unpack_subelements %get3A_1836, 1 {pack_format = #tpu.pack_format<interleaved>} : vector<32xbf16> -> vector<16xf32>
            %mul3A_1839 = vector.broadcast %squeeze3A_1770 : f32 to vector<16xf32>
            %mul3A_1840 = arith.mulf %mul3A_1839, %unpack3A_1823 : vector<16xf32>
            %mul3A_1841 = vector.broadcast %squeeze3A_1772 : f32 to vector<16xf32>
            %mul3A_1842 = arith.mulf %mul3A_1841, %unpack3A_1830 : vector<16xf32>
            %add3A_1843 = arith.addf %mul3A_1840, %mul3A_1842 : vector<16xf32>
            %mul3A_1844 = vector.broadcast %squeeze3A_1774 : f32 to vector<16xf32>
            %mul3A_1845 = arith.mulf %mul3A_1844, %unpack3A_1837 : vector<16xf32>
            %add3A_1846 = arith.addf %add3A_1843, %mul3A_1845 : vector<16xf32>
            %mul3A_1847 = vector.broadcast %squeeze3A_1770 : f32 to vector<16xf32>
            %mul3A_1848 = arith.mulf %mul3A_1847, %unpack3A_1824 : vector<16xf32>
            %mul3A_1849 = vector.broadcast %squeeze3A_1772 : f32 to vector<16xf32>
            %mul3A_1850 = arith.mulf %mul3A_1849, %unpack3A_1831 : vector<16xf32>
            %add3A_1851 = arith.addf %mul3A_1848, %mul3A_1850 : vector<16xf32>
            %mul3A_1852 = vector.broadcast %squeeze3A_1774 : f32 to vector<16xf32>
            %mul3A_1853 = arith.mulf %mul3A_1852, %unpack3A_1838 : vector<16xf32>
            %add3A_1854 = arith.addf %add3A_1851, %mul3A_1853 : vector<16xf32>
            %add3A_1855 = arith.constant 6 : i32
            %add3A_1856 = arith.addi %mul3A_594, %add3A_1855 : i32
            %swap3A_1857 = arith.index_cast %add3A_1856 : i32 to index
            %swap3A_1858 = arith.constant 32 : index
            %swap3A_1859 = tpu.vector_load %arg19[%swap3A_1857, %swap3A_1858] {strides = array<i32>} : memref<80x128xf32, #tpu.memory_space<vmem>>, vector<16xf32>,
            tpu.vector_store %arg19[%swap3A_1857, %swap3A_1858], %add3A_1846 {strides = array<i32>} : memref<80x128xf32, #tpu.memory_space<vmem>>, vector<16xf32>,
            %add3A_1860 = arith.constant 6 : i32
            %add3A_1861 = arith.addi %mul3A_594, %add3A_1860 : i32
            %swap3A_1862 = arith.index_cast %add3A_1861 : i32 to index
            %swap3A_1863 = arith.constant 48 : index
            %swap3A_1864 = tpu.vector_load %arg19[%swap3A_1862, %swap3A_1863] {strides = array<i32>} : memref<80x128xf32, #tpu.memory_space<vmem>>, vector<16xf32>,
            tpu.vector_store %arg19[%swap3A_1862, %swap3A_1863], %add3A_1854 {strides = array<i32>} : memref<80x128xf32, #tpu.memory_space<vmem>>, vector<16xf32>,
            %add3A_1865 = arith.constant 13 : i32
            %add3A_1866 = arith.addi %mul3A_583, %add3A_1865 : i32
            %slice3A_1867 = vector.extract_strided_slice %get3A_584 {offsets = [13], sizes = [1], strides = [1]} : vector<16xf32> to vector<1xf32>
            %squeeze3A_1868 = vector.extract %slice3A_1867[0] : f32 from vector<1xf32>
            %slice3A_1869 = vector.extract_strided_slice %get3A_588 {offsets = [13], sizes = [1], strides = [1]} : vector<16xf32> to vector<1xf32>
            %squeeze3A_1870 = vector.extract %slice3A_1869[0] : f32 from vector<1xf32>
            %slice3A_1871 = vector.extract_strided_slice %get3A_592 {offsets = [13], sizes = [1], strides = [1]} : vector<16xf32> to vector<1xf32>
            %squeeze3A_1872 = vector.extract %slice3A_1871[0] : f32 from vector<1xf32>
            %get3A_1873 = arith.index_cast %add3A_1866 : i32 to index
            %get3A_1874 = arith.constant 0 : index
            %get3A_1875 = tpu.vector_load %arg17[%get3A_1873, %get3A_1874] {strides = array<i32>} : memref<480x64xbf16, #tpu.memory_space<vmem>>, vector<32xbf16>,
            %unpack3A_1876 = tpu.unpack_subelements %get3A_1875, 0 {pack_format = #tpu.pack_format<interleaved>} : vector<32xbf16> -> vector<16xf32>
            %unpack3A_1877 = tpu.unpack_subelements %get3A_1875, 1 {pack_format = #tpu.pack_format<interleaved>} : vector<32xbf16> -> vector<16xf32>
            %add3A_1878 = arith.constant 160 : i32
            %add3A_1879 = arith.addi %add3A_1878, %add3A_1866 : i32
            %get3A_1880 = arith.index_cast %add3A_1879 : i32 to index
            %get3A_1881 = arith.constant 0 : index
            %get3A_1882 = tpu.vector_load %arg17[%get3A_1880, %get3A_1881] {strides = array<i32>} : memref<480x64xbf16, #tpu.memory_space<vmem>>, vector<32xbf16>,
            %unpack3A_1883 = tpu.unpack_subelements %get3A_1882, 0 {pack_format = #tpu.pack_format<interleaved>} : vector<32xbf16> -> vector<16xf32>
            %unpack3A_1884 = tpu.unpack_subelements %get3A_1882, 1 {pack_format = #tpu.pack_format<interleaved>} : vector<32xbf16> -> vector<16xf32>
            %add3A_1885 = arith.constant 320 : i32
            %add3A_1886 = arith.addi %add3A_1885, %add3A_1866 : i32
            %get3A_1887 = arith.index_cast %add3A_1886 : i32 to index
            %get3A_1888 = arith.constant 0 : index
            %get3A_1889 = tpu.vector_load %arg17[%get3A_1887, %get3A_1888] {strides = array<i32>} : memref<480x64xbf16, #tpu.memory_space<vmem>>, vector<32xbf16>,
            %unpack3A_1890 = tpu.unpack_subelements %get3A_1889, 0 {pack_format = #tpu.pack_format<interleaved>} : vector<32xbf16> -> vector<16xf32>
            %unpack3A_1891 = tpu.unpack_subelements %get3A_1889, 1 {pack_format = #tpu.pack_format<interleaved>} : vector<32xbf16> -> vector<16xf32>
            %mul3A_1892 = vector.broadcast %squeeze3A_1868 : f32 to vector<16xf32>
            %mul3A_1893 = arith.mulf %mul3A_1892, %unpack3A_1876 : vector<16xf32>
            %mul3A_1894 = vector.broadcast %squeeze3A_1870 : f32 to vector<16xf32>
            %mul3A_1895 = arith.mulf %mul3A_1894, %unpack3A_1883 : vector<16xf32>
            %add3A_1896 = arith.addf %mul3A_1893, %mul3A_1895 : vector<16xf32>
            %mul3A_1897 = vector.broadcast %squeeze3A_1872 : f32 to vector<16xf32>
            %mul3A_1898 = arith.mulf %mul3A_1897, %unpack3A_1890 : vector<16xf32>
            %add3A_1899 = arith.addf %add3A_1896, %mul3A_1898 : vector<16xf32>
            %mul3A_1900 = vector.broadcast %squeeze3A_1868 : f32 to vector<16xf32>
            %mul3A_1901 = arith.mulf %mul3A_1900, %unpack3A_1877 : vector<16xf32>
            %mul3A_1902 = vector.broadcast %squeeze3A_1870 : f32 to vector<16xf32>
            %mul3A_1903 = arith.mulf %mul3A_1902, %unpack3A_1884 : vector<16xf32>
            %add3A_1904 = arith.addf %mul3A_1901, %mul3A_1903 : vector<16xf32>
            %mul3A_1905 = vector.broadcast %squeeze3A_1872 : f32 to vector<16xf32>
            %mul3A_1906 = arith.mulf %mul3A_1905, %unpack3A_1891 : vector<16xf32>
            %add3A_1907 = arith.addf %add3A_1904, %mul3A_1906 : vector<16xf32>
            %add3A_1908 = arith.constant 6 : i32
            %add3A_1909 = arith.addi %mul3A_594, %add3A_1908 : i32
            %swap3A_1910 = arith.index_cast %add3A_1909 : i32 to index
            %swap3A_1911 = arith.constant 64 : index
            %swap3A_1912 = tpu.vector_load %arg19[%swap3A_1910, %swap3A_1911] {strides = array<i32>} : memref<80x128xf32, #tpu.memory_space<vmem>>, vector<16xf32>,
            tpu.vector_store %arg19[%swap3A_1910, %swap3A_1911], %add3A_1899 {strides = array<i32>} : memref<80x128xf32, #tpu.memory_space<vmem>>, vector<16xf32>,
            %add3A_1913 = arith.constant 6 : i32
            %add3A_1914 = arith.addi %mul3A_594, %add3A_1913 : i32
            %swap3A_1915 = arith.index_cast %add3A_1914 : i32 to index
            %swap3A_1916 = arith.constant 80 : index
            %swap3A_1917 = tpu.vector_load %arg19[%swap3A_1915, %swap3A_1916] {strides = array<i32>} : memref<80x128xf32, #tpu.memory_space<vmem>>, vector<16xf32>,
            tpu.vector_store %arg19[%swap3A_1915, %swap3A_1916], %add3A_1907 {strides = array<i32>} : memref<80x128xf32, #tpu.memory_space<vmem>>, vector<16xf32>,
            %get3A_1918 = arith.index_cast %add3A_1866 : i32 to index
            %get3A_1919 = arith.constant 32 : index
            %get3A_1920 = tpu.vector_load %arg17[%get3A_1918, %get3A_1919] {strides = array<i32>} : memref<480x64xbf16, #tpu.memory_space<vmem>>, vector<32xbf16>,
            %unpack3A_1921 = tpu.unpack_subelements %get3A_1920, 0 {pack_format = #tpu.pack_format<interleaved>} : vector<32xbf16> -> vector<16xf32>
            %unpack3A_1922 = tpu.unpack_subelements %get3A_1920, 1 {pack_format = #tpu.pack_format<interleaved>} : vector<32xbf16> -> vector<16xf32>
            %add3A_1923 = arith.constant 160 : i32
            %add3A_1924 = arith.addi %add3A_1923, %add3A_1866 : i32
            %get3A_1925 = arith.index_cast %add3A_1924 : i32 to index
            %get3A_1926 = arith.constant 32 : index
            %get3A_1927 = tpu.vector_load %arg17[%get3A_1925, %get3A_1926] {strides = array<i32>} : memref<480x64xbf16, #tpu.memory_space<vmem>>, vector<32xbf16>,
            %unpack3A_1928 = tpu.unpack_subelements %get3A_1927, 0 {pack_format = #tpu.pack_format<interleaved>} : vector<32xbf16> -> vector<16xf32>
            %unpack3A_1929 = tpu.unpack_subelements %get3A_1927, 1 {pack_format = #tpu.pack_format<interleaved>} : vector<32xbf16> -> vector<16xf32>
            %add3A_1930 = arith.constant 320 : i32
            %add3A_1931 = arith.addi %add3A_1930, %add3A_1866 : i32
            %get3A_1932 = arith.index_cast %add3A_1931 : i32 to index
            %get3A_1933 = arith.constant 32 : index
            %get3A_1934 = tpu.vector_load %arg17[%get3A_1932, %get3A_1933] {strides = array<i32>} : memref<480x64xbf16, #tpu.memory_space<vmem>>, vector<32xbf16>,
            %unpack3A_1935 = tpu.unpack_subelements %get3A_1934, 0 {pack_format = #tpu.pack_format<interleaved>} : vector<32xbf16> -> vector<16xf32>
            %unpack3A_1936 = tpu.unpack_subelements %get3A_1934, 1 {pack_format = #tpu.pack_format<interleaved>} : vector<32xbf16> -> vector<16xf32>
            %mul3A_1937 = vector.broadcast %squeeze3A_1868 : f32 to vector<16xf32>
            %mul3A_1938 = arith.mulf %mul3A_1937, %unpack3A_1921 : vector<16xf32>
            %mul3A_1939 = vector.broadcast %squeeze3A_1870 : f32 to vector<16xf32>
            %mul3A_1940 = arith.mulf %mul3A_1939, %unpack3A_1928 : vector<16xf32>
            %add3A_1941 = arith.addf %mul3A_1938, %mul3A_1940 : vector<16xf32>
            %mul3A_1942 = vector.broadcast %squeeze3A_1872 : f32 to vector<16xf32>
            %mul3A_1943 = arith.mulf %mul3A_1942, %unpack3A_1935 : vector<16xf32>
            %add3A_1944 = arith.addf %add3A_1941, %mul3A_1943 : vector<16xf32>
            %mul3A_1945 = vector.broadcast %squeeze3A_1868 : f32 to vector<16xf32>
            %mul3A_1946 = arith.mulf %mul3A_1945, %unpack3A_1922 : vector<16xf32>
            %mul3A_1947 = vector.broadcast %squeeze3A_1870 : f32 to vector<16xf32>
            %mul3A_1948 = arith.mulf %mul3A_1947, %unpack3A_1929 : vector<16xf32>
            %add3A_1949 = arith.addf %mul3A_1946, %mul3A_1948 : vector<16xf32>
            %mul3A_1950 = vector.broadcast %squeeze3A_1872 : f32 to vector<16xf32>
            %mul3A_1951 = arith.mulf %mul3A_1950, %unpack3A_1936 : vector<16xf32>
            %add3A_1952 = arith.addf %add3A_1949, %mul3A_1951 : vector<16xf32>
            %add3A_1953 = arith.constant 6 : i32
            %add3A_1954 = arith.addi %mul3A_594, %add3A_1953 : i32
            %swap3A_1955 = arith.index_cast %add3A_1954 : i32 to index
            %swap3A_1956 = arith.constant 96 : index
            %swap3A_1957 = tpu.vector_load %arg19[%swap3A_1955, %swap3A_1956] {strides = array<i32>} : memref<80x128xf32, #tpu.memory_space<vmem>>, vector<16xf32>,
            tpu.vector_store %arg19[%swap3A_1955, %swap3A_1956], %add3A_1944 {strides = array<i32>} : memref<80x128xf32, #tpu.memory_space<vmem>>, vector<16xf32>,
            %add3A_1958 = arith.constant 6 : i32
            %add3A_1959 = arith.addi %mul3A_594, %add3A_1958 : i32
            %swap3A_1960 = arith.index_cast %add3A_1959 : i32 to index
            %swap3A_1961 = arith.constant 112 : index
            %swap3A_1962 = tpu.vector_load %arg19[%swap3A_1960, %swap3A_1961] {strides = array<i32>} : memref<80x128xf32, #tpu.memory_space<vmem>>, vector<16xf32>,
            tpu.vector_store %arg19[%swap3A_1960, %swap3A_1961], %add3A_1952 {strides = array<i32>} : memref<80x128xf32, #tpu.memory_space<vmem>>, vector<16xf32>,
            %add3A_1963 = arith.constant 14 : i32
            %add3A_1964 = arith.addi %mul3A_583, %add3A_1963 : i32
            %slice3A_1965 = vector.extract_strided_slice %get3A_584 {offsets = [14], sizes = [1], strides = [1]} : vector<16xf32> to vector<1xf32>
            %squeeze3A_1966 = vector.extract %slice3A_1965[0] : f32 from vector<1xf32>
            %slice3A_1967 = vector.extract_strided_slice %get3A_588 {offsets = [14], sizes = [1], strides = [1]} : vector<16xf32> to vector<1xf32>
            %squeeze3A_1968 = vector.extract %slice3A_1967[0] : f32 from vector<1xf32>
            %slice3A_1969 = vector.extract_strided_slice %get3A_592 {offsets = [14], sizes = [1], strides = [1]} : vector<16xf32> to vector<1xf32>
            %squeeze3A_1970 = vector.extract %slice3A_1969[0] : f32 from vector<1xf32>
            %get3A_1971 = arith.index_cast %add3A_1964 : i32 to index
            %get3A_1972 = arith.constant 0 : index
            %get3A_1973 = tpu.vector_load %arg17[%get3A_1971, %get3A_1972] {strides = array<i32>} : memref<480x64xbf16, #tpu.memory_space<vmem>>, vector<32xbf16>,
            %unpack3A_1974 = tpu.unpack_subelements %get3A_1973, 0 {pack_format = #tpu.pack_format<interleaved>} : vector<32xbf16> -> vector<16xf32>
            %unpack3A_1975 = tpu.unpack_subelements %get3A_1973, 1 {pack_format = #tpu.pack_format<interleaved>} : vector<32xbf16> -> vector<16xf32>
            %add3A_1976 = arith.constant 160 : i32
            %add3A_1977 = arith.addi %add3A_1976, %add3A_1964 : i32
            %get3A_1978 = arith.index_cast %add3A_1977 : i32 to index
            %get3A_1979 = arith.constant 0 : index
            %get3A_1980 = tpu.vector_load %arg17[%get3A_1978, %get3A_1979] {strides = array<i32>} : memref<480x64xbf16, #tpu.memory_space<vmem>>, vector<32xbf16>,
            %unpack3A_1981 = tpu.unpack_subelements %get3A_1980, 0 {pack_format = #tpu.pack_format<interleaved>} : vector<32xbf16> -> vector<16xf32>
            %unpack3A_1982 = tpu.unpack_subelements %get3A_1980, 1 {pack_format = #tpu.pack_format<interleaved>} : vector<32xbf16> -> vector<16xf32>
            %add3A_1983 = arith.constant 320 : i32
            %add3A_1984 = arith.addi %add3A_1983, %add3A_1964 : i32
            %get3A_1985 = arith.index_cast %add3A_1984 : i32 to index
            %get3A_1986 = arith.constant 0 : index
            %get3A_1987 = tpu.vector_load %arg17[%get3A_1985, %get3A_1986] {strides = array<i32>} : memref<480x64xbf16, #tpu.memory_space<vmem>>, vector<32xbf16>,
            %unpack3A_1988 = tpu.unpack_subelements %get3A_1987, 0 {pack_format = #tpu.pack_format<interleaved>} : vector<32xbf16> -> vector<16xf32>
            %unpack3A_1989 = tpu.unpack_subelements %get3A_1987, 1 {pack_format = #tpu.pack_format<interleaved>} : vector<32xbf16> -> vector<16xf32>
            %mul3A_1990 = vector.broadcast %squeeze3A_1966 : f32 to vector<16xf32>
            %mul3A_1991 = arith.mulf %mul3A_1990, %unpack3A_1974 : vector<16xf32>
            %mul3A_1992 = vector.broadcast %squeeze3A_1968 : f32 to vector<16xf32>
            %mul3A_1993 = arith.mulf %mul3A_1992, %unpack3A_1981 : vector<16xf32>
            %add3A_1994 = arith.addf %mul3A_1991, %mul3A_1993 : vector<16xf32>
            %mul3A_1995 = vector.broadcast %squeeze3A_1970 : f32 to vector<16xf32>
            %mul3A_1996 = arith.mulf %mul3A_1995, %unpack3A_1988 : vector<16xf32>
            %add3A_1997 = arith.addf %add3A_1994, %mul3A_1996 : vector<16xf32>
            %mul3A_1998 = vector.broadcast %squeeze3A_1966 : f32 to vector<16xf32>
            %mul3A_1999 = arith.mulf %mul3A_1998, %unpack3A_1975 : vector<16xf32>
            %mul3A_2000 = vector.broadcast %squeeze3A_1968 : f32 to vector<16xf32>
            %mul3A_2001 = arith.mulf %mul3A_2000, %unpack3A_1982 : vector<16xf32>
            %add3A_2002 = arith.addf %mul3A_1999, %mul3A_2001 : vector<16xf32>
            %mul3A_2003 = vector.broadcast %squeeze3A_1970 : f32 to vector<16xf32>
            %mul3A_2004 = arith.mulf %mul3A_2003, %unpack3A_1989 : vector<16xf32>
            %add3A_2005 = arith.addf %add3A_2002, %mul3A_2004 : vector<16xf32>
            %add3A_2006 = arith.constant 7 : i32
            %add3A_2007 = arith.addi %mul3A_594, %add3A_2006 : i32
            %swap3A_2008 = arith.index_cast %add3A_2007 : i32 to index
            %swap3A_2009 = arith.constant 0 : index
            %swap3A_2010 = tpu.vector_load %arg19[%swap3A_2008, %swap3A_2009] {strides = array<i32>} : memref<80x128xf32, #tpu.memory_space<vmem>>, vector<16xf32>,
            tpu.vector_store %arg19[%swap3A_2008, %swap3A_2009], %add3A_1997 {strides = array<i32>} : memref<80x128xf32, #tpu.memory_space<vmem>>, vector<16xf32>,
            %add3A_2011 = arith.constant 7 : i32
            %add3A_2012 = arith.addi %mul3A_594, %add3A_2011 : i32
            %swap3A_2013 = arith.index_cast %add3A_2012 : i32 to index
            %swap3A_2014 = arith.constant 16 : index
            %swap3A_2015 = tpu.vector_load %arg19[%swap3A_2013, %swap3A_2014] {strides = array<i32>} : memref<80x128xf32, #tpu.memory_space<vmem>>, vector<16xf32>,
            tpu.vector_store %arg19[%swap3A_2013, %swap3A_2014], %add3A_2005 {strides = array<i32>} : memref<80x128xf32, #tpu.memory_space<vmem>>, vector<16xf32>,
            %get3A_2016 = arith.index_cast %add3A_1964 : i32 to index
            %get3A_2017 = arith.constant 32 : index
            %get3A_2018 = tpu.vector_load %arg17[%get3A_2016, %get3A_2017] {strides = array<i32>} : memref<480x64xbf16, #tpu.memory_space<vmem>>, vector<32xbf16>,
            %unpack3A_2019 = tpu.unpack_subelements %get3A_2018, 0 {pack_format = #tpu.pack_format<interleaved>} : vector<32xbf16> -> vector<16xf32>
            %unpack3A_2020 = tpu.unpack_subelements %get3A_2018, 1 {pack_format = #tpu.pack_format<interleaved>} : vector<32xbf16> -> vector<16xf32>
            %add3A_2021 = arith.constant 160 : i32
            %add3A_2022 = arith.addi %add3A_2021, %add3A_1964 : i32
            %get3A_2023 = arith.index_cast %add3A_2022 : i32 to index
            %get3A_2024 = arith.constant 32 : index
            %get3A_2025 = tpu.vector_load %arg17[%get3A_2023, %get3A_2024] {strides = array<i32>} : memref<480x64xbf16, #tpu.memory_space<vmem>>, vector<32xbf16>,
            %unpack3A_2026 = tpu.unpack_subelements %get3A_2025, 0 {pack_format = #tpu.pack_format<interleaved>} : vector<32xbf16> -> vector<16xf32>
            %unpack3A_2027 = tpu.unpack_subelements %get3A_2025, 1 {pack_format = #tpu.pack_format<interleaved>} : vector<32xbf16> -> vector<16xf32>
            %add3A_2028 = arith.constant 320 : i32
            %add3A_2029 = arith.addi %add3A_2028, %add3A_1964 : i32
            %get3A_2030 = arith.index_cast %add3A_2029 : i32 to index
            %get3A_2031 = arith.constant 32 : index
            %get3A_2032 = tpu.vector_load %arg17[%get3A_2030, %get3A_2031] {strides = array<i32>} : memref<480x64xbf16, #tpu.memory_space<vmem>>, vector<32xbf16>,
            %unpack3A_2033 = tpu.unpack_subelements %get3A_2032, 0 {pack_format = #tpu.pack_format<interleaved>} : vector<32xbf16> -> vector<16xf32>
            %unpack3A_2034 = tpu.unpack_subelements %get3A_2032, 1 {pack_format = #tpu.pack_format<interleaved>} : vector<32xbf16> -> vector<16xf32>
            %mul3A_2035 = vector.broadcast %squeeze3A_1966 : f32 to vector<16xf32>
            %mul3A_2036 = arith.mulf %mul3A_2035, %unpack3A_2019 : vector<16xf32>
            %mul3A_2037 = vector.broadcast %squeeze3A_1968 : f32 to vector<16xf32>
            %mul3A_2038 = arith.mulf %mul3A_2037, %unpack3A_2026 : vector<16xf32>
            %add3A_2039 = arith.addf %mul3A_2036, %mul3A_2038 : vector<16xf32>
            %mul3A_2040 = vector.broadcast %squeeze3A_1970 : f32 to vector<16xf32>
            %mul3A_2041 = arith.mulf %mul3A_2040, %unpack3A_2033 : vector<16xf32>
            %add3A_2042 = arith.addf %add3A_2039, %mul3A_2041 : vector<16xf32>
            %mul3A_2043 = vector.broadcast %squeeze3A_1966 : f32 to vector<16xf32>
            %mul3A_2044 = arith.mulf %mul3A_2043, %unpack3A_2020 : vector<16xf32>
            %mul3A_2045 = vector.broadcast %squeeze3A_1968 : f32 to vector<16xf32>
            %mul3A_2046 = arith.mulf %mul3A_2045, %unpack3A_2027 : vector<16xf32>
            %add3A_2047 = arith.addf %mul3A_2044, %mul3A_2046 : vector<16xf32>
            %mul3A_2048 = vector.broadcast %squeeze3A_1970 : f32 to vector<16xf32>
            %mul3A_2049 = arith.mulf %mul3A_2048, %unpack3A_2034 : vector<16xf32>
            %add3A_2050 = arith.addf %add3A_2047, %mul3A_2049 : vector<16xf32>
            %add3A_2051 = arith.constant 7 : i32
            %add3A_2052 = arith.addi %mul3A_594, %add3A_2051 : i32
            %swap3A_2053 = arith.index_cast %add3A_2052 : i32 to index
            %swap3A_2054 = arith.constant 32 : index
            %swap3A_2055 = tpu.vector_load %arg19[%swap3A_2053, %swap3A_2054] {strides = array<i32>} : memref<80x128xf32, #tpu.memory_space<vmem>>, vector<16xf32>,
            tpu.vector_store %arg19[%swap3A_2053, %swap3A_2054], %add3A_2042 {strides = array<i32>} : memref<80x128xf32, #tpu.memory_space<vmem>>, vector<16xf32>,
            %add3A_2056 = arith.constant 7 : i32
            %add3A_2057 = arith.addi %mul3A_594, %add3A_2056 : i32
            %swap3A_2058 = arith.index_cast %add3A_2057 : i32 to index
            %swap3A_2059 = arith.constant 48 : index
            %swap3A_2060 = tpu.vector_load %arg19[%swap3A_2058, %swap3A_2059] {strides = array<i32>} : memref<80x128xf32, #tpu.memory_space<vmem>>, vector<16xf32>,
            tpu.vector_store %arg19[%swap3A_2058, %swap3A_2059], %add3A_2050 {strides = array<i32>} : memref<80x128xf32, #tpu.memory_space<vmem>>, vector<16xf32>,
            %add3A_2061 = arith.constant 15 : i32
            %add3A_2062 = arith.addi %mul3A_583, %add3A_2061 : i32
            %slice3A_2063 = vector.extract_strided_slice %get3A_584 {offsets = [15], sizes = [1], strides = [1]} : vector<16xf32> to vector<1xf32>
            %squeeze3A_2064 = vector.extract %slice3A_2063[0] : f32 from vector<1xf32>
            %slice3A_2065 = vector.extract_strided_slice %get3A_588 {offsets = [15], sizes = [1], strides = [1]} : vector<16xf32> to vector<1xf32>
            %squeeze3A_2066 = vector.extract %slice3A_2065[0] : f32 from vector<1xf32>
            %slice3A_2067 = vector.extract_strided_slice %get3A_592 {offsets = [15], sizes = [1], strides = [1]} : vector<16xf32> to vector<1xf32>
            %squeeze3A_2068 = vector.extract %slice3A_2067[0] : f32 from vector<1xf32>
            %get3A_2069 = arith.index_cast %add3A_2062 : i32 to index
            %get3A_2070 = arith.constant 0 : index
            %get3A_2071 = tpu.vector_load %arg17[%get3A_2069, %get3A_2070] {strides = array<i32>} : memref<480x64xbf16, #tpu.memory_space<vmem>>, vector<32xbf16>,
            %unpack3A_2072 = tpu.unpack_subelements %get3A_2071, 0 {pack_format = #tpu.pack_format<interleaved>} : vector<32xbf16> -> vector<16xf32>
            %unpack3A_2073 = tpu.unpack_subelements %get3A_2071, 1 {pack_format = #tpu.pack_format<interleaved>} : vector<32xbf16> -> vector<16xf32>
            %add3A_2074 = arith.constant 160 : i32
            %add3A_2075 = arith.addi %add3A_2074, %add3A_2062 : i32
            %get3A_2076 = arith.index_cast %add3A_2075 : i32 to index
            %get3A_2077 = arith.constant 0 : index
            %get3A_2078 = tpu.vector_load %arg17[%get3A_2076, %get3A_2077] {strides = array<i32>} : memref<480x64xbf16, #tpu.memory_space<vmem>>, vector<32xbf16>,
            %unpack3A_2079 = tpu.unpack_subelements %get3A_2078, 0 {pack_format = #tpu.pack_format<interleaved>} : vector<32xbf16> -> vector<16xf32>
            %unpack3A_2080 = tpu.unpack_subelements %get3A_2078, 1 {pack_format = #tpu.pack_format<interleaved>} : vector<32xbf16> -> vector<16xf32>
            %add3A_2081 = arith.constant 320 : i32
            %add3A_2082 = arith.addi %add3A_2081, %add3A_2062 : i32
            %get3A_2083 = arith.index_cast %add3A_2082 : i32 to index
            %get3A_2084 = arith.constant 0 : index
            %get3A_2085 = tpu.vector_load %arg17[%get3A_2083, %get3A_2084] {strides = array<i32>} : memref<480x64xbf16, #tpu.memory_space<vmem>>, vector<32xbf16>,
            %unpack3A_2086 = tpu.unpack_subelements %get3A_2085, 0 {pack_format = #tpu.pack_format<interleaved>} : vector<32xbf16> -> vector<16xf32>
            %unpack3A_2087 = tpu.unpack_subelements %get3A_2085, 1 {pack_format = #tpu.pack_format<interleaved>} : vector<32xbf16> -> vector<16xf32>
            %mul3A_2088 = vector.broadcast %squeeze3A_2064 : f32 to vector<16xf32>
            %mul3A_2089 = arith.mulf %mul3A_2088, %unpack3A_2072 : vector<16xf32>
            %mul3A_2090 = vector.broadcast %squeeze3A_2066 : f32 to vector<16xf32>
            %mul3A_2091 = arith.mulf %mul3A_2090, %unpack3A_2079 : vector<16xf32>
            %add3A_2092 = arith.addf %mul3A_2089, %mul3A_2091 : vector<16xf32>
            %mul3A_2093 = vector.broadcast %squeeze3A_2068 : f32 to vector<16xf32>
            %mul3A_2094 = arith.mulf %mul3A_2093, %unpack3A_2086 : vector<16xf32>
            %add3A_2095 = arith.addf %add3A_2092, %mul3A_2094 : vector<16xf32>
            %mul3A_2096 = vector.broadcast %squeeze3A_2064 : f32 to vector<16xf32>
            %mul3A_2097 = arith.mulf %mul3A_2096, %unpack3A_2073 : vector<16xf32>
            %mul3A_2098 = vector.broadcast %squeeze3A_2066 : f32 to vector<16xf32>
            %mul3A_2099 = arith.mulf %mul3A_2098, %unpack3A_2080 : vector<16xf32>
            %add3A_2100 = arith.addf %mul3A_2097, %mul3A_2099 : vector<16xf32>
            %mul3A_2101 = vector.broadcast %squeeze3A_2068 : f32 to vector<16xf32>
            %mul3A_2102 = arith.mulf %mul3A_2101, %unpack3A_2087 : vector<16xf32>
            %add3A_2103 = arith.addf %add3A_2100, %mul3A_2102 : vector<16xf32>
            %add3A_2104 = arith.constant 7 : i32
            %add3A_2105 = arith.addi %mul3A_594, %add3A_2104 : i32
            %swap3A_2106 = arith.index_cast %add3A_2105 : i32 to index
            %swap3A_2107 = arith.constant 64 : index
            %swap3A_2108 = tpu.vector_load %arg19[%swap3A_2106, %swap3A_2107] {strides = array<i32>} : memref<80x128xf32, #tpu.memory_space<vmem>>, vector<16xf32>,
            tpu.vector_store %arg19[%swap3A_2106, %swap3A_2107], %add3A_2095 {strides = array<i32>} : memref<80x128xf32, #tpu.memory_space<vmem>>, vector<16xf32>,
            %add3A_2109 = arith.constant 7 : i32
            %add3A_2110 = arith.addi %mul3A_594, %add3A_2109 : i32
            %swap3A_2111 = arith.index_cast %add3A_2110 : i32 to index
            %swap3A_2112 = arith.constant 80 : index
            %swap3A_2113 = tpu.vector_load %arg19[%swap3A_2111, %swap3A_2112] {strides = array<i32>} : memref<80x128xf32, #tpu.memory_space<vmem>>, vector<16xf32>,
            tpu.vector_store %arg19[%swap3A_2111, %swap3A_2112], %add3A_2103 {strides = array<i32>} : memref<80x128xf32, #tpu.memory_space<vmem>>, vector<16xf32>,
            %get3A_2114 = arith.index_cast %add3A_2062 : i32 to index
            %get3A_2115 = arith.constant 32 : index
            %get3A_2116 = tpu.vector_load %arg17[%get3A_2114, %get3A_2115] {strides = array<i32>} : memref<480x64xbf16, #tpu.memory_space<vmem>>, vector<32xbf16>,
            %unpack3A_2117 = tpu.unpack_subelements %get3A_2116, 0 {pack_format = #tpu.pack_format<interleaved>} : vector<32xbf16> -> vector<16xf32>
            %unpack3A_2118 = tpu.unpack_subelements %get3A_2116, 1 {pack_format = #tpu.pack_format<interleaved>} : vector<32xbf16> -> vector<16xf32>
            %add3A_2119 = arith.constant 160 : i32
            %add3A_2120 = arith.addi %add3A_2119, %add3A_2062 : i32
            %get3A_2121 = arith.index_cast %add3A_2120 : i32 to index
            %get3A_2122 = arith.constant 32 : index
            %get3A_2123 = tpu.vector_load %arg17[%get3A_2121, %get3A_2122] {strides = array<i32>} : memref<480x64xbf16, #tpu.memory_space<vmem>>, vector<32xbf16>,
            %unpack3A_2124 = tpu.unpack_subelements %get3A_2123, 0 {pack_format = #tpu.pack_format<interleaved>} : vector<32xbf16> -> vector<16xf32>
            %unpack3A_2125 = tpu.unpack_subelements %get3A_2123, 1 {pack_format = #tpu.pack_format<interleaved>} : vector<32xbf16> -> vector<16xf32>
            %add3A_2126 = arith.constant 320 : i32
            %add3A_2127 = arith.addi %add3A_2126, %add3A_2062 : i32
            %get3A_2128 = arith.index_cast %add3A_2127 : i32 to index
            %get3A_2129 = arith.constant 32 : index
            %get3A_2130 = tpu.vector_load %arg17[%get3A_2128, %get3A_2129] {strides = array<i32>} : memref<480x64xbf16, #tpu.memory_space<vmem>>, vector<32xbf16>,
            %unpack3A_2131 = tpu.unpack_subelements %get3A_2130, 0 {pack_format = #tpu.pack_format<interleaved>} : vector<32xbf16> -> vector<16xf32>
            %unpack3A_2132 = tpu.unpack_subelements %get3A_2130, 1 {pack_format = #tpu.pack_format<interleaved>} : vector<32xbf16> -> vector<16xf32>
            %mul3A_2133 = vector.broadcast %squeeze3A_2064 : f32 to vector<16xf32>
            %mul3A_2134 = arith.mulf %mul3A_2133, %unpack3A_2117 : vector<16xf32>
            %mul3A_2135 = vector.broadcast %squeeze3A_2066 : f32 to vector<16xf32>
            %mul3A_2136 = arith.mulf %mul3A_2135, %unpack3A_2124 : vector<16xf32>
            %add3A_2137 = arith.addf %mul3A_2134, %mul3A_2136 : vector<16xf32>
            %mul3A_2138 = vector.broadcast %squeeze3A_2068 : f32 to vector<16xf32>
            %mul3A_2139 = arith.mulf %mul3A_2138, %unpack3A_2131 : vector<16xf32>
            %add3A_2140 = arith.addf %add3A_2137, %mul3A_2139 : vector<16xf32>
            %mul3A_2141 = vector.broadcast %squeeze3A_2064 : f32 to vector<16xf32>
            %mul3A_2142 = arith.mulf %mul3A_2141, %unpack3A_2118 : vector<16xf32>
            %mul3A_2143 = vector.broadcast %squeeze3A_2066 : f32 to vector<16xf32>
            %mul3A_2144 = arith.mulf %mul3A_2143, %unpack3A_2125 : vector<16xf32>
            %add3A_2145 = arith.addf %mul3A_2142, %mul3A_2144 : vector<16xf32>
            %mul3A_2146 = vector.broadcast %squeeze3A_2068 : f32 to vector<16xf32>
            %mul3A_2147 = arith.mulf %mul3A_2146, %unpack3A_2132 : vector<16xf32>
            %add3A_2148 = arith.addf %add3A_2145, %mul3A_2147 : vector<16xf32>
            %add3A_2149 = arith.constant 7 : i32
            %add3A_2150 = arith.addi %mul3A_594, %add3A_2149 : i32
            %swap3A_2151 = arith.index_cast %add3A_2150 : i32 to index
            %swap3A_2152 = arith.constant 96 : index
            %swap3A_2153 = tpu.vector_load %arg19[%swap3A_2151, %swap3A_2152] {strides = array<i32>} : memref<80x128xf32, #tpu.memory_space<vmem>>, vector<16xf32>,
            tpu.vector_store %arg19[%swap3A_2151, %swap3A_2152], %add3A_2140 {strides = array<i32>} : memref<80x128xf32, #tpu.memory_space<vmem>>, vector<16xf32>,
            %add3A_2154 = arith.constant 7 : i32
            %add3A_2155 = arith.addi %mul3A_594, %add3A_2154 : i32
            %swap3A_2156 = arith.index_cast %add3A_2155 : i32 to index
            %swap3A_2157 = arith.constant 112 : index
            %swap3A_2158 = tpu.vector_load %arg19[%swap3A_2156, %swap3A_2157] {strides = array<i32>} : memref<80x128xf32, #tpu.memory_space<vmem>>, vector<16xf32>,
            tpu.vector_store %arg19[%swap3A_2156, %swap3A_2157], %add3A_2148 {strides = array<i32>} : memref<80x128xf32, #tpu.memory_space<vmem>>, vector<16xf32>,
          }
          %scan3A_403 = arith.constant 10 : i32
          %mul3A_404 = arith.constant 80 : i32
          %mul3A_405 = arith.muli %add3A_136, %mul3A_404 : i32
          %mul3A_406 = arith.constant 4 : i32
          %mul3A_407 = arith.muli %add3A_378, %mul3A_406 : i32
          %add3A_408 = arith.addi %mul3A_405, %mul3A_407 : i32
          %add3A_409 = arith.constant 0 : i32
          %add3A_410 = arith.addi %add3A_408, %add3A_409 : i32
          %jit3A_411 = arith.constant 8 : i32
          %div3A_412 = arith.divsi %add3A_410, %jit3A_411 : i32
          %sign3A_413 = arith.constant 0 : i32
          %sign3A_414 = arith.cmpi sgt, %add3A_410, %sign3A_413 : i32
          %sign3A_415 = arith.extui %sign3A_414 : i1 to i32
          %sign3A_416 = arith.constant 0 : i32
          %sign3A_417 = arith.cmpi slt, %add3A_410, %sign3A_416 : i32
          %sign3A_418 = arith.extui %sign3A_417 : i1 to i32
          %sign3A_419 = arith.subi %sign3A_415, %sign3A_418 : i32
          %sign3A_420 = arith.constant 0 : i32
          %sign3A_421 = arith.cmpi sgt, %jit3A_411, %sign3A_420 : i32
          %sign3A_422 = arith.extui %sign3A_421 : i1 to i32
          %sign3A_423 = arith.constant 0 : i32
          %sign3A_424 = arith.cmpi slt, %jit3A_411, %sign3A_423 : i32
          %sign3A_425 = arith.extui %sign3A_424 : i1 to i32
          %sign3A_426 = arith.subi %sign3A_422, %sign3A_425 : i32
          %ne3A_427 = arith.cmpi ne, %sign3A_419, %sign3A_426 : i32
          %rem3A_428 = arith.remsi %add3A_410, %jit3A_411 : i32
          %ne3A_429 = arith.constant 0 : i32
          %ne3A_430 = arith.cmpi ne, %rem3A_428, %ne3A_429 : i32
          %and3A_431 = arith.andi %ne3A_427, %ne3A_430 : i1
          %sub3A_432 = arith.constant 1 : i32
          %sub3A_433 = arith.subi %div3A_412, %sub3A_432 : i32
          %select_n3A_434 = arith.select %and3A_431, %sub3A_433, %div3A_412 : i32
          %mul3A_435 = arith.constant 8 : i32
          %mul3A_436 = arith.muli %select_n3A_434, %mul3A_435 : i32
          %sub3A_437 = arith.subi %add3A_410, %mul3A_436 : i32
          %dma_start3A_438 = arith.constant 0 : i32
          %dma_start3A_439 = arith.constant 0 : i32
          %dma_start3A_440 = tpu.memref_slice %arg19[%dma_start3A_438, %dma_start3A_439] : memref<80x128xf32, #tpu.memory_space<vmem>> -> memref<20x128xf32, #tpu.memory_space<vmem>>
          %dma_start3A_441 = arith.constant 0 : i32
          %dma_start3A_442 = arith.constant 0 : i32
          %dma_start3A_443 = tpu.memref_slice %arg9[%select_n3A_434, %dma_start3A_441, %sub3A_437, %dma_start3A_442] : memref<1250x20x8x128xf32, #tpu.memory_space<hbm>> -> memref<1x20x1x128xf32, #tpu.memory_space<hbm>>
          %dma_start3A_444 = tpu.memref_squeeze %dma_start3A_443 : memref<1x20x1x128xf32, #tpu.memory_space<hbm>> -> memref<20x128xf32, #tpu.memory_space<hbm>>
          %dma_start3A_445 = arith.constant 0 : i32
          %dma_start3A_446 = arith.constant 0 : i32
          %dma_start3A_447 = tpu.memref_slice %arg9[%select_n3A_434, %dma_start3A_445, %sub3A_437, %dma_start3A_446] : memref<1250x20x8x128xf32, #tpu.memory_space<hbm>> -> memref<1x20x1x128xf32, #tpu.memory_space<hbm>>
          %dma_start3A_448 = tpu.memref_squeeze %dma_start3A_447 : memref<1x20x1x128xf32, #tpu.memory_space<hbm>> -> memref<20x128xf32, #tpu.memory_space<hbm>>
          %dma_start3A_449 = arith.constant 0 : i32
          %dma_start3A_450 = arith.constant 0 : i32
          %dma_start3A_451 = tpu.memref_slice %arg19[%dma_start3A_449, %dma_start3A_450] : memref<80x128xf32, #tpu.memory_space<vmem>> -> memref<20x128xf32, #tpu.memory_space<vmem>>
          tpu.enqueue_dma source(%dma_start3A_451 : memref<20x128xf32, #tpu.memory_space<vmem>>) target(%dma_start3A_448 : memref<20x128xf32, #tpu.memory_space<hbm>>) target_semaphore(%arg23 : memref<!tpu.dma_semaphore, #tpu.memory_space<semaphore_mem>>)
          %add3A_452 = arith.constant 1 : i32
          %add3A_453 = arith.addi %add3A_408, %add3A_452 : i32
          %jit3A_454 = arith.constant 8 : i32
          %div3A_455 = arith.divsi %add3A_453, %jit3A_454 : i32
          %sign3A_456 = arith.constant 0 : i32
          %sign3A_457 = arith.cmpi sgt, %add3A_453, %sign3A_456 : i32
          %sign3A_458 = arith.extui %sign3A_457 : i1 to i32
          %sign3A_459 = arith.constant 0 : i32
          %sign3A_460 = arith.cmpi slt, %add3A_453, %sign3A_459 : i32
          %sign3A_461 = arith.extui %sign3A_460 : i1 to i32
          %sign3A_462 = arith.subi %sign3A_458, %sign3A_461 : i32
          %sign3A_463 = arith.constant 0 : i32
          %sign3A_464 = arith.cmpi sgt, %jit3A_454, %sign3A_463 : i32
          %sign3A_465 = arith.extui %sign3A_464 : i1 to i32
          %sign3A_466 = arith.constant 0 : i32
          %sign3A_467 = arith.cmpi slt, %jit3A_454, %sign3A_466 : i32
          %sign3A_468 = arith.extui %sign3A_467 : i1 to i32
          %sign3A_469 = arith.subi %sign3A_465, %sign3A_468 : i32
          %ne3A_470 = arith.cmpi ne, %sign3A_462, %sign3A_469 : i32
          %rem3A_471 = arith.remsi %add3A_453, %jit3A_454 : i32
          %ne3A_472 = arith.constant 0 : i32
          %ne3A_473 = arith.cmpi ne, %rem3A_471, %ne3A_472 : i32
          %and3A_474 = arith.andi %ne3A_470, %ne3A_473 : i1
          %sub3A_475 = arith.constant 1 : i32
          %sub3A_476 = arith.subi %div3A_455, %sub3A_475 : i32
          %select_n3A_477 = arith.select %and3A_474, %sub3A_476, %div3A_455 : i32
          %mul3A_478 = arith.constant 8 : i32
          %mul3A_479 = arith.muli %select_n3A_477, %mul3A_478 : i32
          %sub3A_480 = arith.subi %add3A_453, %mul3A_479 : i32
          %dma_start3A_481 = arith.constant 20 : i32
          %dma_start3A_482 = arith.constant 0 : i32
          %dma_start3A_483 = tpu.memref_slice %arg19[%dma_start3A_481, %dma_start3A_482] : memref<80x128xf32, #tpu.memory_space<vmem>> -> memref<20x128xf32, #tpu.memory_space<vmem>>
          %dma_start3A_484 = arith.constant 0 : i32
          %dma_start3A_485 = arith.constant 0 : i32
          %dma_start3A_486 = tpu.memref_slice %arg9[%select_n3A_477, %dma_start3A_484, %sub3A_480, %dma_start3A_485] : memref<1250x20x8x128xf32, #tpu.memory_space<hbm>> -> memref<1x20x1x128xf32, #tpu.memory_space<hbm>>
          %dma_start3A_487 = tpu.memref_squeeze %dma_start3A_486 : memref<1x20x1x128xf32, #tpu.memory_space<hbm>> -> memref<20x128xf32, #tpu.memory_space<hbm>>
          %dma_start3A_488 = arith.constant 0 : i32
          %dma_start3A_489 = arith.constant 0 : i32
          %dma_start3A_490 = tpu.memref_slice %arg9[%select_n3A_477, %dma_start3A_488, %sub3A_480, %dma_start3A_489] : memref<1250x20x8x128xf32, #tpu.memory_space<hbm>> -> memref<1x20x1x128xf32, #tpu.memory_space<hbm>>
          %dma_start3A_491 = tpu.memref_squeeze %dma_start3A_490 : memref<1x20x1x128xf32, #tpu.memory_space<hbm>> -> memref<20x128xf32, #tpu.memory_space<hbm>>
          %dma_start3A_492 = arith.constant 20 : i32
          %dma_start3A_493 = arith.constant 0 : i32
          %dma_start3A_494 = tpu.memref_slice %arg19[%dma_start3A_492, %dma_start3A_493] : memref<80x128xf32, #tpu.memory_space<vmem>> -> memref<20x128xf32, #tpu.memory_space<vmem>>
          tpu.enqueue_dma source(%dma_start3A_494 : memref<20x128xf32, #tpu.memory_space<vmem>>) target(%dma_start3A_491 : memref<20x128xf32, #tpu.memory_space<hbm>>) target_semaphore(%arg23 : memref<!tpu.dma_semaphore, #tpu.memory_space<semaphore_mem>>)
          %add3A_495 = arith.constant 2 : i32
          %add3A_496 = arith.addi %add3A_408, %add3A_495 : i32
          %jit3A_497 = arith.constant 8 : i32
          %div3A_498 = arith.divsi %add3A_496, %jit3A_497 : i32
          %sign3A_499 = arith.constant 0 : i32
          %sign3A_500 = arith.cmpi sgt, %add3A_496, %sign3A_499 : i32
          %sign3A_501 = arith.extui %sign3A_500 : i1 to i32
          %sign3A_502 = arith.constant 0 : i32
          %sign3A_503 = arith.cmpi slt, %add3A_496, %sign3A_502 : i32
          %sign3A_504 = arith.extui %sign3A_503 : i1 to i32
          %sign3A_505 = arith.subi %sign3A_501, %sign3A_504 : i32
          %sign3A_506 = arith.constant 0 : i32
          %sign3A_507 = arith.cmpi sgt, %jit3A_497, %sign3A_506 : i32
          %sign3A_508 = arith.extui %sign3A_507 : i1 to i32
          %sign3A_509 = arith.constant 0 : i32
          %sign3A_510 = arith.cmpi slt, %jit3A_497, %sign3A_509 : i32
          %sign3A_511 = arith.extui %sign3A_510 : i1 to i32
          %sign3A_512 = arith.subi %sign3A_508, %sign3A_511 : i32
          %ne3A_513 = arith.cmpi ne, %sign3A_505, %sign3A_512 : i32
          %rem3A_514 = arith.remsi %add3A_496, %jit3A_497 : i32
          %ne3A_515 = arith.constant 0 : i32
          %ne3A_516 = arith.cmpi ne, %rem3A_514, %ne3A_515 : i32
          %and3A_517 = arith.andi %ne3A_513, %ne3A_516 : i1
          %sub3A_518 = arith.constant 1 : i32
          %sub3A_519 = arith.subi %div3A_498, %sub3A_518 : i32
          %select_n3A_520 = arith.select %and3A_517, %sub3A_519, %div3A_498 : i32
          %mul3A_521 = arith.constant 8 : i32
          %mul3A_522 = arith.muli %select_n3A_520, %mul3A_521 : i32
          %sub3A_523 = arith.subi %add3A_496, %mul3A_522 : i32
          %dma_start3A_524 = arith.constant 40 : i32
          %dma_start3A_525 = arith.constant 0 : i32
          %dma_start3A_526 = tpu.memref_slice %arg19[%dma_start3A_524, %dma_start3A_525] : memref<80x128xf32, #tpu.memory_space<vmem>> -> memref<20x128xf32, #tpu.memory_space<vmem>>
          %dma_start3A_527 = arith.constant 0 : i32
          %dma_start3A_528 = arith.constant 0 : i32
          %dma_start3A_529 = tpu.memref_slice %arg9[%select_n3A_520, %dma_start3A_527, %sub3A_523, %dma_start3A_528] : memref<1250x20x8x128xf32, #tpu.memory_space<hbm>> -> memref<1x20x1x128xf32, #tpu.memory_space<hbm>>
          %dma_start3A_530 = tpu.memref_squeeze %dma_start3A_529 : memref<1x20x1x128xf32, #tpu.memory_space<hbm>> -> memref<20x128xf32, #tpu.memory_space<hbm>>
          %dma_start3A_531 = arith.constant 0 : i32
          %dma_start3A_532 = arith.constant 0 : i32
          %dma_start3A_533 = tpu.memref_slice %arg9[%select_n3A_520, %dma_start3A_531, %sub3A_523, %dma_start3A_532] : memref<1250x20x8x128xf32, #tpu.memory_space<hbm>> -> memref<1x20x1x128xf32, #tpu.memory_space<hbm>>
          %dma_start3A_534 = tpu.memref_squeeze %dma_start3A_533 : memref<1x20x1x128xf32, #tpu.memory_space<hbm>> -> memref<20x128xf32, #tpu.memory_space<hbm>>
          %dma_start3A_535 = arith.constant 40 : i32
          %dma_start3A_536 = arith.constant 0 : i32
          %dma_start3A_537 = tpu.memref_slice %arg19[%dma_start3A_535, %dma_start3A_536] : memref<80x128xf32, #tpu.memory_space<vmem>> -> memref<20x128xf32, #tpu.memory_space<vmem>>
          tpu.enqueue_dma source(%dma_start3A_537 : memref<20x128xf32, #tpu.memory_space<vmem>>) target(%dma_start3A_534 : memref<20x128xf32, #tpu.memory_space<hbm>>) target_semaphore(%arg23 : memref<!tpu.dma_semaphore, #tpu.memory_space<semaphore_mem>>)
          %add3A_538 = arith.constant 3 : i32
          %add3A_539 = arith.addi %add3A_408, %add3A_538 : i32
          %jit3A_540 = arith.constant 8 : i32
          %div3A_541 = arith.divsi %add3A_539, %jit3A_540 : i32
          %sign3A_542 = arith.constant 0 : i32
          %sign3A_543 = arith.cmpi sgt, %add3A_539, %sign3A_542 : i32
          %sign3A_544 = arith.extui %sign3A_543 : i1 to i32
          %sign3A_545 = arith.constant 0 : i32
          %sign3A_546 = arith.cmpi slt, %add3A_539, %sign3A_545 : i32
          %sign3A_547 = arith.extui %sign3A_546 : i1 to i32
          %sign3A_548 = arith.subi %sign3A_544, %sign3A_547 : i32
          %sign3A_549 = arith.constant 0 : i32
          %sign3A_550 = arith.cmpi sgt, %jit3A_540, %sign3A_549 : i32
          %sign3A_551 = arith.extui %sign3A_550 : i1 to i32
          %sign3A_552 = arith.constant 0 : i32
          %sign3A_553 = arith.cmpi slt, %jit3A_540, %sign3A_552 : i32
          %sign3A_554 = arith.extui %sign3A_553 : i1 to i32
          %sign3A_555 = arith.subi %sign3A_551, %sign3A_554 : i32
          %ne3A_556 = arith.cmpi ne, %sign3A_548, %sign3A_555 : i32
          %rem3A_557 = arith.remsi %add3A_539, %jit3A_540 : i32
          %ne3A_558 = arith.constant 0 : i32
          %ne3A_559 = arith.cmpi ne, %rem3A_557, %ne3A_558 : i32
          %and3A_560 = arith.andi %ne3A_556, %ne3A_559 : i1
          %sub3A_561 = arith.constant 1 : i32
          %sub3A_562 = arith.subi %div3A_541, %sub3A_561 : i32
          %select_n3A_563 = arith.select %and3A_560, %sub3A_562, %div3A_541 : i32
          %mul3A_564 = arith.constant 8 : i32
          %mul3A_565 = arith.muli %select_n3A_563, %mul3A_564 : i32
          %sub3A_566 = arith.subi %add3A_539, %mul3A_565 : i32
          %dma_start3A_567 = arith.constant 60 : i32
          %dma_start3A_568 = arith.constant 0 : i32
          %dma_start3A_569 = tpu.memref_slice %arg19[%dma_start3A_567, %dma_start3A_568] : memref<80x128xf32, #tpu.memory_space<vmem>> -> memref<20x128xf32, #tpu.memory_space<vmem>>
          %dma_start3A_570 = arith.constant 0 : i32
          %dma_start3A_571 = arith.constant 0 : i32
          %dma_start3A_572 = tpu.memref_slice %arg9[%select_n3A_563, %dma_start3A_570, %sub3A_566, %dma_start3A_571] : memref<1250x20x8x128xf32, #tpu.memory_space<hbm>> -> memref<1x20x1x128xf32, #tpu.memory_space<hbm>>
          %dma_start3A_573 = tpu.memref_squeeze %dma_start3A_572 : memref<1x20x1x128xf32, #tpu.memory_space<hbm>> -> memref<20x128xf32, #tpu.memory_space<hbm>>
          %dma_start3A_574 = arith.constant 0 : i32
          %dma_start3A_575 = arith.constant 0 : i32
          %dma_start3A_576 = tpu.memref_slice %arg9[%select_n3A_563, %dma_start3A_574, %sub3A_566, %dma_start3A_575] : memref<1250x20x8x128xf32, #tpu.memory_space<hbm>> -> memref<1x20x1x128xf32, #tpu.memory_space<hbm>>
          %dma_start3A_577 = tpu.memref_squeeze %dma_start3A_576 : memref<1x20x1x128xf32, #tpu.memory_space<hbm>> -> memref<20x128xf32, #tpu.memory_space<hbm>>
          %dma_start3A_578 = arith.constant 60 : i32
          %dma_start3A_579 = arith.constant 0 : i32
          %dma_start3A_580 = tpu.memref_slice %arg19[%dma_start3A_578, %dma_start3A_579] : memref<80x128xf32, #tpu.memory_space<vmem>> -> memref<20x128xf32, #tpu.memory_space<vmem>>
          tpu.enqueue_dma source(%dma_start3A_580 : memref<20x128xf32, #tpu.memory_space<vmem>>) target(%dma_start3A_577 : memref<20x128xf32, #tpu.memory_space<hbm>>) target_semaphore(%arg23 : memref<!tpu.dma_semaphore, #tpu.memory_space<semaphore_mem>>)
        }
        %scan3A_180 = arith.constant 10 : i32
      } else {
      }
    }
    %scan3A_5 = arith.constant 4 : i32
    %dma_wait3A = arith.constant 0 : i32
    %dma_wait3A_6 = arith.constant 0 : i32
    %dma_wait3A_7 = arith.constant 0 : i32
    %dma_wait3A_8 = arith.constant 0 : i32
    %dma_wait3A_9 = tpu.memref_slice %arg18[%dma_wait3A_7, %dma_wait3A_8] : memref<80x128xf32, #tpu.memory_space<vmem>> -> memref<20x128xf32, #tpu.memory_space<vmem>>
    %dma_wait3A_10 = arith.constant 0 : i32
    %dma_wait3A_11 = arith.constant 0 : i32
    %dma_wait3A_12 = tpu.memref_slice %arg9[%dma_wait3A, %dma_wait3A_10, %dma_wait3A_6, %dma_wait3A_11] : memref<1250x20x8x128xf32, #tpu.memory_space<hbm>> -> memref<1x20x1x128xf32, #tpu.memory_space<hbm>>
    %dma_wait3A_13 = tpu.memref_squeeze %dma_wait3A_12 : memref<1x20x1x128xf32, #tpu.memory_space<hbm>> -> memref<20x128xf32, #tpu.memory_space<hbm>>
    %dma_wait3A_14 = arith.constant 0 : i32
    %dma_wait3A_15 = arith.constant 0 : i32
    %dma_wait3A_16 = tpu.memref_slice %arg18[%dma_wait3A_14, %dma_wait3A_15] : memref<80x128xf32, #tpu.memory_space<vmem>> -> memref<20x128xf32, #tpu.memory_space<vmem>>
    %dma_wait3A_17 = arith.constant 0 : i32
    %dma_wait3A_18 = arith.constant 0 : i32
    %dma_wait3A_19 = tpu.memref_slice %arg9[%dma_wait3A, %dma_wait3A_17, %dma_wait3A_6, %dma_wait3A_18] : memref<1250x20x8x128xf32, #tpu.memory_space<hbm>> -> memref<1x20x1x128xf32, #tpu.memory_space<hbm>>
    %dma_wait3A_20 = tpu.memref_squeeze %dma_wait3A_19 : memref<1x20x1x128xf32, #tpu.memory_space<hbm>> -> memref<20x128xf32, #tpu.memory_space<hbm>>
    tpu.wait_dma2 semaphore(%arg22 : memref<!tpu.dma_semaphore, #tpu.memory_space<semaphore_mem>>) src(%dma_wait3A_20 : memref<20x128xf32, #tpu.memory_space<hbm>>) dst(%dma_wait3A_16 : memref<20x128xf32, #tpu.memory_space<vmem>>)
    %dma_wait3A_21 = arith.constant 0 : i32
    %dma_wait3A_22 = arith.constant 0 : i32
    %dma_wait3A_23 = arith.constant 20 : i32
    %dma_wait3A_24 = arith.constant 0 : i32
    %dma_wait3A_25 = tpu.memref_slice %arg18[%dma_wait3A_23, %dma_wait3A_24] : memref<80x128xf32, #tpu.memory_space<vmem>> -> memref<20x128xf32, #tpu.memory_space<vmem>>
    %dma_wait3A_26 = arith.constant 0 : i32
    %dma_wait3A_27 = arith.constant 0 : i32
    %dma_wait3A_28 = tpu.memref_slice %arg9[%dma_wait3A_21, %dma_wait3A_26, %dma_wait3A_22, %dma_wait3A_27] : memref<1250x20x8x128xf32, #tpu.memory_space<hbm>> -> memref<1x20x1x128xf32, #tpu.memory_space<hbm>>
    %dma_wait3A_29 = tpu.memref_squeeze %dma_wait3A_28 : memref<1x20x1x128xf32, #tpu.memory_space<hbm>> -> memref<20x128xf32, #tpu.memory_space<hbm>>
    %dma_wait3A_30 = arith.constant 20 : i32
    %dma_wait3A_31 = arith.constant 0 : i32
    %dma_wait3A_32 = tpu.memref_slice %arg18[%dma_wait3A_30, %dma_wait3A_31] : memref<80x128xf32, #tpu.memory_space<vmem>> -> memref<20x128xf32, #tpu.memory_space<vmem>>
    %dma_wait3A_33 = arith.constant 0 : i32
    %dma_wait3A_34 = arith.constant 0 : i32
    %dma_wait3A_35 = tpu.memref_slice %arg9[%dma_wait3A_21, %dma_wait3A_33, %dma_wait3A_22, %dma_wait3A_34] : memref<1250x20x8x128xf32, #tpu.memory_space<hbm>> -> memref<1x20x1x128xf32, #tpu.memory_space<hbm>>
    %dma_wait3A_36 = tpu.memref_squeeze %dma_wait3A_35 : memref<1x20x1x128xf32, #tpu.memory_space<hbm>> -> memref<20x128xf32, #tpu.memory_space<hbm>>
    tpu.wait_dma2 semaphore(%arg22 : memref<!tpu.dma_semaphore, #tpu.memory_space<semaphore_mem>>) src(%dma_wait3A_36 : memref<20x128xf32, #tpu.memory_space<hbm>>) dst(%dma_wait3A_32 : memref<20x128xf32, #tpu.memory_space<vmem>>)
    %dma_wait3A_37 = arith.constant 0 : i32
    %dma_wait3A_38 = arith.constant 0 : i32
    %dma_wait3A_39 = arith.constant 40 : i32
    %dma_wait3A_40 = arith.constant 0 : i32
    %dma_wait3A_41 = tpu.memref_slice %arg18[%dma_wait3A_39, %dma_wait3A_40] : memref<80x128xf32, #tpu.memory_space<vmem>> -> memref<20x128xf32, #tpu.memory_space<vmem>>
    %dma_wait3A_42 = arith.constant 0 : i32
    %dma_wait3A_43 = arith.constant 0 : i32
    %dma_wait3A_44 = tpu.memref_slice %arg9[%dma_wait3A_37, %dma_wait3A_42, %dma_wait3A_38, %dma_wait3A_43] : memref<1250x20x8x128xf32, #tpu.memory_space<hbm>> -> memref<1x20x1x128xf32, #tpu.memory_space<hbm>>
    %dma_wait3A_45 = tpu.memref_squeeze %dma_wait3A_44 : memref<1x20x1x128xf32, #tpu.memory_space<hbm>> -> memref<20x128xf32, #tpu.memory_space<hbm>>
    %dma_wait3A_46 = arith.constant 40 : i32
    %dma_wait3A_47 = arith.constant 0 : i32
    %dma_wait3A_48 = tpu.memref_slice %arg18[%dma_wait3A_46, %dma_wait3A_47] : memref<80x128xf32, #tpu.memory_space<vmem>> -> memref<20x128xf32, #tpu.memory_space<vmem>>
    %dma_wait3A_49 = arith.constant 0 : i32
    %dma_wait3A_50 = arith.constant 0 : i32
    %dma_wait3A_51 = tpu.memref_slice %arg9[%dma_wait3A_37, %dma_wait3A_49, %dma_wait3A_38, %dma_wait3A_50] : memref<1250x20x8x128xf32, #tpu.memory_space<hbm>> -> memref<1x20x1x128xf32, #tpu.memory_space<hbm>>
    %dma_wait3A_52 = tpu.memref_squeeze %dma_wait3A_51 : memref<1x20x1x128xf32, #tpu.memory_space<hbm>> -> memref<20x128xf32, #tpu.memory_space<hbm>>
    tpu.wait_dma2 semaphore(%arg22 : memref<!tpu.dma_semaphore, #tpu.memory_space<semaphore_mem>>) src(%dma_wait3A_52 : memref<20x128xf32, #tpu.memory_space<hbm>>) dst(%dma_wait3A_48 : memref<20x128xf32, #tpu.memory_space<vmem>>)
    %dma_wait3A_53 = arith.constant 0 : i32
    %dma_wait3A_54 = arith.constant 0 : i32
    %dma_wait3A_55 = arith.constant 60 : i32
    %dma_wait3A_56 = arith.constant 0 : i32
    %dma_wait3A_57 = tpu.memref_slice %arg18[%dma_wait3A_55, %dma_wait3A_56] : memref<80x128xf32, #tpu.memory_space<vmem>> -> memref<20x128xf32, #tpu.memory_space<vmem>>
    %dma_wait3A_58 = arith.constant 0 : i32
    %dma_wait3A_59 = arith.constant 0 : i32
    %dma_wait3A_60 = tpu.memref_slice %arg9[%dma_wait3A_53, %dma_wait3A_58, %dma_wait3A_54, %dma_wait3A_59] : memref<1250x20x8x128xf32, #tpu.memory_space<hbm>> -> memref<1x20x1x128xf32, #tpu.memory_space<hbm>>
    %dma_wait3A_61 = tpu.memref_squeeze %dma_wait3A_60 : memref<1x20x1x128xf32, #tpu.memory_space<hbm>> -> memref<20x128xf32, #tpu.memory_space<hbm>>
    %dma_wait3A_62 = arith.constant 60 : i32
    %dma_wait3A_63 = arith.constant 0 : i32
    %dma_wait3A_64 = tpu.memref_slice %arg18[%dma_wait3A_62, %dma_wait3A_63] : memref<80x128xf32, #tpu.memory_space<vmem>> -> memref<20x128xf32, #tpu.memory_space<vmem>>
    %dma_wait3A_65 = arith.constant 0 : i32
    %dma_wait3A_66 = arith.constant 0 : i32
    %dma_wait3A_67 = tpu.memref_slice %arg9[%dma_wait3A_53, %dma_wait3A_65, %dma_wait3A_54, %dma_wait3A_66] : memref<1250x20x8x128xf32, #tpu.memory_space<hbm>> -> memref<1x20x1x128xf32, #tpu.memory_space<hbm>>
    %dma_wait3A_68 = tpu.memref_squeeze %dma_wait3A_67 : memref<1x20x1x128xf32, #tpu.memory_space<hbm>> -> memref<20x128xf32, #tpu.memory_space<hbm>>
    tpu.wait_dma2 semaphore(%arg22 : memref<!tpu.dma_semaphore, #tpu.memory_space<semaphore_mem>>) src(%dma_wait3A_68 : memref<20x128xf32, #tpu.memory_space<hbm>>) dst(%dma_wait3A_64 : memref<20x128xf32, #tpu.memory_space<vmem>>)
    %dma_wait3A_69 = arith.constant 0 : i32
    %dma_wait3A_70 = arith.constant 0 : i32
    %dma_wait3A_71 = arith.constant 0 : i32
    %dma_wait3A_72 = arith.constant 0 : i32
    %dma_wait3A_73 = tpu.memref_slice %arg19[%dma_wait3A_71, %dma_wait3A_72] : memref<80x128xf32, #tpu.memory_space<vmem>> -> memref<20x128xf32, #tpu.memory_space<vmem>>
    %dma_wait3A_74 = arith.constant 0 : i32
    %dma_wait3A_75 = arith.constant 0 : i32
    %dma_wait3A_76 = tpu.memref_slice %arg9[%dma_wait3A_69, %dma_wait3A_74, %dma_wait3A_70, %dma_wait3A_75] : memref<1250x20x8x128xf32, #tpu.memory_space<hbm>> -> memref<1x20x1x128xf32, #tpu.memory_space<hbm>>
    %dma_wait3A_77 = tpu.memref_squeeze %dma_wait3A_76 : memref<1x20x1x128xf32, #tpu.memory_space<hbm>> -> memref<20x128xf32, #tpu.memory_space<hbm>>
    %dma_wait3A_78 = arith.constant 0 : i32
    %dma_wait3A_79 = arith.constant 0 : i32
    %dma_wait3A_80 = tpu.memref_slice %arg19[%dma_wait3A_78, %dma_wait3A_79] : memref<80x128xf32, #tpu.memory_space<vmem>> -> memref<20x128xf32, #tpu.memory_space<vmem>>
    %dma_wait3A_81 = arith.constant 0 : i32
    %dma_wait3A_82 = arith.constant 0 : i32
    %dma_wait3A_83 = tpu.memref_slice %arg9[%dma_wait3A_69, %dma_wait3A_81, %dma_wait3A_70, %dma_wait3A_82] : memref<1250x20x8x128xf32, #tpu.memory_space<hbm>> -> memref<1x20x1x128xf32, #tpu.memory_space<hbm>>
    %dma_wait3A_84 = tpu.memref_squeeze %dma_wait3A_83 : memref<1x20x1x128xf32, #tpu.memory_space<hbm>> -> memref<20x128xf32, #tpu.memory_space<hbm>>
    tpu.wait_dma2 semaphore(%arg23 : memref<!tpu.dma_semaphore, #tpu.memory_space<semaphore_mem>>) src(%dma_wait3A_84 : memref<20x128xf32, #tpu.memory_space<hbm>>) dst(%dma_wait3A_80 : memref<20x128xf32, #tpu.memory_space<vmem>>)
    %dma_wait3A_85 = arith.constant 0 : i32
    %dma_wait3A_86 = arith.constant 0 : i32
    %dma_wait3A_87 = arith.constant 20 : i32
    %dma_wait3A_88 = arith.constant 0 : i32
    %dma_wait3A_89 = tpu.memref_slice %arg19[%dma_wait3A_87, %dma_wait3A_88] : memref<80x128xf32, #tpu.memory_space<vmem>> -> memref<20x128xf32, #tpu.memory_space<vmem>>
    %dma_wait3A_90 = arith.constant 0 : i32
    %dma_wait3A_91 = arith.constant 0 : i32
    %dma_wait3A_92 = tpu.memref_slice %arg9[%dma_wait3A_85, %dma_wait3A_90, %dma_wait3A_86, %dma_wait3A_91] : memref<1250x20x8x128xf32, #tpu.memory_space<hbm>> -> memref<1x20x1x128xf32, #tpu.memory_space<hbm>>
    %dma_wait3A_93 = tpu.memref_squeeze %dma_wait3A_92 : memref<1x20x1x128xf32, #tpu.memory_space<hbm>> -> memref<20x128xf32, #tpu.memory_space<hbm>>
    %dma_wait3A_94 = arith.constant 20 : i32
    %dma_wait3A_95 = arith.constant 0 : i32
    %dma_wait3A_96 = tpu.memref_slice %arg19[%dma_wait3A_94, %dma_wait3A_95] : memref<80x128xf32, #tpu.memory_space<vmem>> -> memref<20x128xf32, #tpu.memory_space<vmem>>
    %dma_wait3A_97 = arith.constant 0 : i32
    %dma_wait3A_98 = arith.constant 0 : i32
    %dma_wait3A_99 = tpu.memref_slice %arg9[%dma_wait3A_85, %dma_wait3A_97, %dma_wait3A_86, %dma_wait3A_98] : memref<1250x20x8x128xf32, #tpu.memory_space<hbm>> -> memref<1x20x1x128xf32, #tpu.memory_space<hbm>>
    %dma_wait3A_100 = tpu.memref_squeeze %dma_wait3A_99 : memref<1x20x1x128xf32, #tpu.memory_space<hbm>> -> memref<20x128xf32, #tpu.memory_space<hbm>>
    tpu.wait_dma2 semaphore(%arg23 : memref<!tpu.dma_semaphore, #tpu.memory_space<semaphore_mem>>) src(%dma_wait3A_100 : memref<20x128xf32, #tpu.memory_space<hbm>>) dst(%dma_wait3A_96 : memref<20x128xf32, #tpu.memory_space<vmem>>)
    %dma_wait3A_101 = arith.constant 0 : i32
    %dma_wait3A_102 = arith.constant 0 : i32
    %dma_wait3A_103 = arith.constant 40 : i32
    %dma_wait3A_104 = arith.constant 0 : i32
    %dma_wait3A_105 = tpu.memref_slice %arg19[%dma_wait3A_103, %dma_wait3A_104] : memref<80x128xf32, #tpu.memory_space<vmem>> -> memref<20x128xf32, #tpu.memory_space<vmem>>
    %dma_wait3A_106 = arith.constant 0 : i32
    %dma_wait3A_107 = arith.constant 0 : i32
    %dma_wait3A_108 = tpu.memref_slice %arg9[%dma_wait3A_101, %dma_wait3A_106, %dma_wait3A_102, %dma_wait3A_107] : memref<1250x20x8x128xf32, #tpu.memory_space<hbm>> -> memref<1x20x1x128xf32, #tpu.memory_space<hbm>>
    %dma_wait3A_109 = tpu.memref_squeeze %dma_wait3A_108 : memref<1x20x1x128xf32, #tpu.memory_space<hbm>> -> memref<20x128xf32, #tpu.memory_space<hbm>>
    %dma_wait3A_110 = arith.constant 40 : i32
    %dma_wait3A_111 = arith.constant 0 : i32
    %dma_wait3A_112 = tpu.memref_slice %arg19[%dma_wait3A_110, %dma_wait3A_111] : memref<80x128xf32, #tpu.memory_space<vmem>> -> memref<20x128xf32, #tpu.memory_space<vmem>>
    %dma_wait3A_113 = arith.constant 0 : i32
    %dma_wait3A_114 = arith.constant 0 : i32
    %dma_wait3A_115 = tpu.memref_slice %arg9[%dma_wait3A_101, %dma_wait3A_113, %dma_wait3A_102, %dma_wait3A_114] : memref<1250x20x8x128xf32, #tpu.memory_space<hbm>> -> memref<1x20x1x128xf32, #tpu.memory_space<hbm>>
    %dma_wait3A_116 = tpu.memref_squeeze %dma_wait3A_115 : memref<1x20x1x128xf32, #tpu.memory_space<hbm>> -> memref<20x128xf32, #tpu.memory_space<hbm>>
    tpu.wait_dma2 semaphore(%arg23 : memref<!tpu.dma_semaphore, #tpu.memory_space<semaphore_mem>>) src(%dma_wait3A_116 : memref<20x128xf32, #tpu.memory_space<hbm>>) dst(%dma_wait3A_112 : memref<20x128xf32, #tpu.memory_space<vmem>>)
    %dma_wait3A_117 = arith.constant 0 : i32
    %dma_wait3A_118 = arith.constant 0 : i32
    %dma_wait3A_119 = arith.constant 60 : i32
    %dma_wait3A_120 = arith.constant 0 : i32
    %dma_wait3A_121 = tpu.memref_slice %arg19[%dma_wait3A_119, %dma_wait3A_120] : memref<80x128xf32, #tpu.memory_space<vmem>> -> memref<20x128xf32, #tpu.memory_space<vmem>>
    %dma_wait3A_122 = arith.constant 0 : i32
    %dma_wait3A_123 = arith.constant 0 : i32
    %dma_wait3A_124 = tpu.memref_slice %arg9[%dma_wait3A_117, %dma_wait3A_122, %dma_wait3A_118, %dma_wait3A_123] : memref<1250x20x8x128xf32, #tpu.memory_space<hbm>> -> memref<1x20x1x128xf32, #tpu.memory_space<hbm>>
    %dma_wait3A_125 = tpu.memref_squeeze %dma_wait3A_124 : memref<1x20x1x128xf32, #tpu.memory_space<hbm>> -> memref<20x128xf32, #tpu.memory_space<hbm>>
    %dma_wait3A_126 = arith.constant 60 : i32
    %dma_wait3A_127 = arith.constant 0 : i32
    %dma_wait3A_128 = tpu.memref_slice %arg19[%dma_wait3A_126, %dma_wait3A_127] : memref<80x128xf32, #tpu.memory_space<vmem>> -> memref<20x128xf32, #tpu.memory_space<vmem>>
    %dma_wait3A_129 = arith.constant 0 : i32
    %dma_wait3A_130 = arith.constant 0 : i32
    %dma_wait3A_131 = tpu.memref_slice %arg9[%dma_wait3A_117, %dma_wait3A_129, %dma_wait3A_118, %dma_wait3A_130] : memref<1250x20x8x128xf32, #tpu.memory_space<hbm>> -> memref<1x20x1x128xf32, #tpu.memory_space<hbm>>
    %dma_wait3A_132 = tpu.memref_squeeze %dma_wait3A_131 : memref<1x20x1x128xf32, #tpu.memory_space<hbm>> -> memref<20x128xf32, #tpu.memory_space<hbm>>
    tpu.wait_dma2 semaphore(%arg23 : memref<!tpu.dma_semaphore, #tpu.memory_space<semaphore_mem>>) src(%dma_wait3A_132 : memref<20x128xf32, #tpu.memory_space<hbm>>) dst(%dma_wait3A_128 : memref<20x128xf32, #tpu.memory_space<vmem>>)
    return
  }
}

module attributes {stable_mosaic.version = 14 : i64} {
  func.func @mmk(%arg0: i32, %arg1: memref<1000x2560xf32, #tpu.memory_space<vmem>>, %arg2: memref<2560x128xf32, #tpu.memory_space<vmem>>, %arg3: memref<1x128xf32, #tpu.memory_space<vmem>>, %arg4: memref<1000x128xf32, #tpu.memory_space<vmem>>) attributes {dimension_semantics = [#tpu.dimension_semantics<arbitrary>], iteration_bounds = array<i64: 10>, scalar_prefetch = 0 : i64, scratch_operands = 0 : i64, tpu.core_type = #tpu.core_type<tc>, window_params = [{transform_indices = @transform_0, window_bounds = array<i64: 1000, 2560>}, {pipeline_mode = #tpu.pipeline_mode<synchronous>, transform_indices = @transform_1, window_bounds = array<i64: 2560, 128>}, {pipeline_mode = #tpu.pipeline_mode<synchronous>, transform_indices = @transform_2, window_bounds = array<i64: 1, 128>}, {transform_indices = @transform_3, window_bounds = array<i64: 1000, 128>}]} {
    %get3A = arith.constant 0 : index
    %get3A_0 = arith.constant 0 : index
    %get3A_1 = vector.load %arg1[%get3A, %get3A_0] : memref<1000x2560xf32, #tpu.memory_space<vmem>>, vector<1000x2560xf32>
    %get3A_2 = arith.constant 0 : index
    %get3A_3 = arith.constant 0 : index
    %get3A_4 = vector.load %arg2[%get3A_2, %get3A_3] : memref<2560x128xf32, #tpu.memory_space<vmem>>, vector<2560x128xf32>
    %dot_general3A = arith.constant dense<0.000000e+00> : vector<1000x128xf32>
    %dot_general3A_5 = tpu.matmul %get3A_1, %get3A_4, %dot_general3A {dimension_numbers = #tpu.dot_dimension_numbers<[1], [0], [0], [1], [0, 0, 1, 1], [], []>, transpose_lhs_hint = false} : vector<1000x2560xf32>, vector<2560x128xf32>, vector<1000x128xf32> -> vector<1000x128xf32>
    %get3A_6 = arith.constant 0 : index
    %get3A_7 = arith.constant 0 : index
    %get3A_8 = vector.load %arg3[%get3A_6, %get3A_7] : memref<1x128xf32, #tpu.memory_space<vmem>>, vector<1x128xf32>
    %add3A = vector.broadcast %get3A_8 : vector<1x128xf32> to vector<1000x128xf32>
    %add3A_9 = arith.addf %dot_general3A_5, %add3A : vector<1000x128xf32>
    %max3A = arith.constant 0.000000e+00 : f32
    %max3A_10 = vector.broadcast %max3A : f32 to vector<1000x128xf32>
    %max3A_11 = arith.maximumf %add3A_9, %max3A_10 : vector<1000x128xf32>
    %swap3A = arith.constant 0 : index
    %swap3A_12 = arith.constant 0 : index
    %swap3A_13 = vector.load %arg4[%swap3A, %swap3A_12] : memref<1000x128xf32, #tpu.memory_space<vmem>>, vector<1000x128xf32>
    tpu.vector_store %arg4[%swap3A, %swap3A_12], %max3A_11 {strides = array<i32>} : memref<1000x128xf32, #tpu.memory_space<vmem>>, vector<1000x128xf32>,
    return
  }
  func.func @transform_0(%arg0: i32) -> (i32, i32) {
    %c0_i32 = arith.constant 0 : i32
    %c0_i32_0 = arith.constant 0 : i32
    return %arg0, %c0_i32 : i32, i32
  }
  func.func @transform_1(%arg0: i32) -> (i32, i32) {
    %c0_i32 = arith.constant 0 : i32
    %c0_i32_0 = arith.constant 0 : i32
    %c0_i32_1 = arith.constant 0 : i32
    return %c0_i32, %c0_i32_0 : i32, i32
  }
  func.func @transform_2(%arg0: i32) -> (i32, i32) {
    %c0_i32 = arith.constant 0 : i32
    %c0_i32_0 = arith.constant 0 : i32
    %c0_i32_1 = arith.constant 0 : i32
    return %c0_i32, %c0_i32_0 : i32, i32
  }
  func.func @transform_3(%arg0: i32) -> (i32, i32) {
    %c0_i32 = arith.constant 0 : i32
    %c0_i32_0 = arith.constant 0 : i32
    return %arg0, %c0_i32 : i32, i32
  }
}

</mosaic_0001>

<sc_bundles>
// kernel: kernel.4.cloned.1.call-start
scs
__scs_entry_jumppad:
0x0: {  	(pc) =	sbr.rel $0x88, $3  }
0x1: {  	(tag) =	ssettag $0x0;
	lr =	simm.s32 $0x1  }
0x2: {  	[smem:$0x3F9D] =	sst lr;
	_ =	strace $0xD0000000  }
0x3: {  	_ = 	snop  }
0x4: {  	_ = 	snop  }
0x5: {  	_ = 	snop  }
0x6: {  	_ = 	snop  }
0x7: {  	_ = 	snop  }
__scs_overlays_trampoline_lowered:
0x8: {  	[smem:$0x3FAC] =	sst s0  }
0x9: {  	[smem:$0x3FAD] =	sst s1  }
0xa: {  	[smem:$0x3FAE] =	sst s2  }
0xb: {  	[smem:$0x3FAF] =	sst s3  }
0xc: {  	[smem:$0x3FB0] =	sst s4  }
0xd: {  	[smem:$0x3FB1] =	sst s5  }
0xe: {  	[smem:$0x3FB2] =	sst s6  }
0xf: {  	[smem:$0x3FB3] =	sst s7  }
0x10: {  	[smem:$0x3FB4] =	sst s8  }
0x11: {  	[smem:$0x3FB5] =	sst s9;
	s0 =	simm.s32 @!p0 $0x0  }
0x12: {  	s1 =	sld [smem:$0x3F9B];
	s0 =	simm.s32 @p0 $0x1  }
0x13: {  	[smem:$0x3FB6] =	sst s0;
	s0 =	simm.s32 @!p1 $0x0  }
0x14: {  	s2 =	sld [smem:$0x3F9A];
	s0 =	simm.s32 @p1 $0x1  }
0x15: {  	[smem:$0x3FB7] =	sst s0;
	s0 =	simm.s32 @!p2 $0x0  }
0x16: {  	s3 =	sld [smem:$0x3FDB];
	s0 =	simm.s32 @p2 $0x1  }
0x17: {  	s4 =	simm.s32 $0x1BF5;
	[smem:$0x3FB9] =	sst s0  }
0x18: {  	s0 =	sld [smem:$0x3F9C];
	_ =	swait.ge [sflag:s4], $0x0  }
0x19: {  	s7 =	sld [smem:$0x3F9D]  }
0x1a: {  	s8 =	sadd.s32 $0xFFFFE003, lr  }
0x1b: {  	s9 =	sadd.s32 $0xFFFFFEF7, lr;
	s5 =	simm.s32 $0xFFFFFFFF;
	p2 =	slt.u32 s8, $0xFFFFF086  }
0x1c: {  	p1 =	slt.u32 s9, $0xF7A;
	s5 =	simm.s32 @!p2 $0x0  }
0x1d: {  	s5 =	simm.s32 @p1 $0x1;
	p0 =	seq.s32 s7, s2  }
0x1e: {  	s7 =	smul.u32 @!p0 $0xF7A, s2;
	p2 =	seq.s32 @!p0 s5, $0x0  }
0x1f: {  	s9 =	smul.u32 $0xF7A, s1;
	s8 =	simm.s32 @!p0 $0x1BF5;
	p2 =	por !p2, p0  }
0x20: {  	[sflag:s8] =	ssyncset.s32 @!p0 $0xFFFFF086;
	s6 =	sadd.s32 @!p0 s3, s7;
	s7 =	simm.s32 @!p0 $0x108  }
0x21: {  	s3 =	sadd.s32 s3, s9;
	s6 =	sadd.s32 @!p0 $0x88, s6;
	s7 =	simm.s32 @p2 $0x1082  }
0x22: {  	[simem:s7], [sflag:s8] =	dma.local @!p0 [hbm:s6], $0xF7A  }
0x23: {  	s9 =	sor.u32 $0xD0000000, s2;
	s6 =	simm.s32 $0x108;
	_ =	swait.ge @!p0 [sflag:s8], $0x0  }
0x24: {  	s3 =	sadd.s32 $0x88, s3;
	s6 =	simm.s32 @!p1 $0x1082;
	[sflag:s4] =	ssyncset.s32 $0xFFFFF086  }
0x25: {  	[simem:s6], [sflag:s4] =	dma.local [hbm:s3], $0xF7A  }
0x26: {  	[smem:$0x3F9D] =	sst s1;
	(tag) =	ssettag s2;
	_ =	strace s9  }
0x27: {  	s1 =	sld [smem:$0x3FAD]  }
0x28: {  	s2 =	sld [smem:$0x3FAE]  }
0x29: {  	s4 =	sld [smem:$0x3FB0]  }
0x2a: {  	p0 =	seq.s32 s5, $0x0;
	s5 =	sld [smem:$0x3FB1]  }
0x2b: {  	s6 =	sld [smem:$0x3FB2]  }
0x2c: {  	s7 =	sld [smem:$0x3FB3]  }
0x2d: {  	s3 =	simm.s32 $0x108;
	s8 =	sld [smem:$0x3FB4]  }
0x2e: {  	s3 =	simm.s32 @!p0 $0x1082;
	s9 =	sld [smem:$0x3FB5]  }
0x2f: {  	lr =	sadd.s32 s0, s3;
	s0 =	sld [smem:$0x3FAC]  }
0x30: {  	s3 =	sld [smem:$0x3FAF]  }
0x31: {  	[smem:$0x3FB8] =	sst s10  }
0x32: {  	s10 =	sld [smem:$0x3FB6];
	_ =	sdelay $0x3  }
0x33: {  	p0 =	seq.s32 s10, $0x1;
	s10 =	sld [smem:$0x3FB8];
	_ =	sdelay $0x3  }
0x34: {  	[smem:$0x3FB8] =	sst s10  }
0x35: {  	s10 =	sld [smem:$0x3FB7];
	_ =	sdelay $0x3  }
0x36: {  	p1 =	seq.s32 s10, $0x1;
	s10 =	sld [smem:$0x3FB8];
	_ =	sdelay $0x3  }
0x37: {  	[smem:$0x3FB8] =	sst s10  }
0x38: {  	s10 =	sld [smem:$0x3FB9]  }
0x39: {  	_ = 	snop;
	(pc) =	sbr.ind lr, $3  }
0x3a: {  	_ = 	snop  }
0x3b: {  	_ = 	snop  }
0x3c: {  	p2 =	seq.s32 s10, $0x1;
	s10 =	sld [smem:$0x3FB8]  }
0x3d: {  	_ =	shalt  }
0x3e: {  	_ =	shalt  }
0x3f: {  	_ =	shalt  }
0x40: {  	_ =	shalt  }
0x41: {  	_ =	shalt  }
0x42: {  	_ =	shalt  }
0x43: {  	_ =	shalt  }
0x44: {  	_ =	shalt  }
0x45: {  	_ =	shalt  }
0x46: {  	_ =	shalt  }
0x47: {  	_ =	shalt  }
0x48: {  	_ =	shalt  }
0x49: {  	_ =	shalt  }
0x4a: {  	_ =	shalt  }
0x4b: {  	_ =	shalt  }
0x4c: {  	_ =	shalt  }
0x4d: {  	_ =	shalt  }
0x4e: {  	_ =	shalt  }
0x4f: {  	_ =	shalt  }
0x50: {  	_ =	shalt  }
0x51: {  	_ =	shalt  }
0x52: {  	_ =	shalt  }
0x53: {  	_ =	shalt  }
0x54: {  	_ =	shalt  }
0x55: {  	_ =	shalt  }
0x56: {  	_ =	shalt  }
0x57: {  	_ =	shalt  }
0x58: {  	_ =	shalt  }
0x59: {  	_ =	shalt  }
0x5a: {  	_ =	shalt  }
0x5b: {  	_ =	shalt  }
0x5c: {  	_ =	shalt  }
0x5d: {  	_ =	shalt  }
0x5e: {  	_ =	shalt  }
0x5f: {  	_ =	shalt  }
0x60: {  	_ =	shalt  }
0x61: {  	_ =	shalt  }
0x62: {  	_ =	shalt  }
0x63: {  	_ =	shalt  }
0x64: {  	_ =	shalt  }
0x65: {  	_ =	shalt  }
0x66: {  	_ =	shalt  }
0x67: {  	_ =	shalt  }
0x68: {  	_ =	shalt  }
0x69: {  	_ =	shalt  }
0x6a: {  	_ =	shalt  }
0x6b: {  	_ =	shalt  }
0x6c: {  	_ =	shalt  }
0x6d: {  	_ =	shalt  }
0x6e: {  	_ =	shalt  }
0x6f: {  	_ =	shalt  }
0x70: {  	_ =	shalt  }
0x71: {  	_ =	shalt  }
0x72: {  	_ =	shalt  }
0x73: {  	_ =	shalt  }
0x74: {  	_ =	shalt  }
0x75: {  	_ =	shalt  }
0x76: {  	_ =	shalt  }
0x77: {  	_ =	shalt  }
0x78: {  	_ =	shalt  }
0x79: {  	_ =	shalt  }
0x7a: {  	_ =	shalt  }
0x7b: {  	_ =	shalt  }
0x7c: {  	_ =	shalt  }
0x7d: {  	_ =	shalt  }
0x7e: {  	_ =	shalt  }
0x7f: {  	_ =	shalt  }
0x80: {  	_ =	shalt  }
0x81: {  	_ =	shalt  }
0x82: {  	_ =	shalt  }
0x83: {  	_ =	shalt  }
0x84: {  	_ =	shalt  }
0x85: {  	_ =	shalt  }
0x86: {  	_ =	shalt  }
0x87: {  	_ =	shalt  }
.Lfunc_end0:
.L_simem_size_0:
called_computation_lowered:
.L_overlay_start_0:
0x88: {  	s2 =	sld [smem:$0x3FD9]  }
0x89: {  	s3 =	sld [smem:$0x3FFE];
	_ =	sdelay $0x1  }
0x8a: {  	s1 =	srdreg.scid  }
0x8b: {  	s0 =	sand.u32 $0x1, s1  }
0x8c: {  	s17 =	sshll.u32 s0, $0xA;
	s2 =	sadd.s32 s3, s2  }
0x8d: {  	s2 =	sadd.s32 s2, s17  }
0x8e: {  	[smem:$0x3FC4] =	sst s2  }
0x8f: {  	_ = 	snop  }
0x90: {  	s2 =	sld [smem:$0x3FD0];
	(tm) =	ssettm $0x1  }
0x91: {  	s18 =	sld [smem:$0x3FFB];
	_ =	sdelay $0x3  }
0x92: {  	_ =	strace s18  }
0x93: {  	s3 =	sld [smem:$0x3FFC];
	_ =	sdelay $0x3  }
0x94: {  	_ =	strace s3  }
0x95: {  	s3 =	sld [smem:$0x3FFD];
	_ =	sdelay $0x3  }
0x96: {  	_ =	strace s3  }
0x97: {  	_ =	strace $0x8FFFFFFF  }
0x98: {  	s19 =	sld [smem:$0x3FDB];
	_ =	sdelay $0x1  }
0x99: {  	s4 =	simm.s32 $_scs_section_size  }
0x9a: {  	s5 =	simm.s32 $_size__tile_overlayer_lowered;
	s6 =	simm.s32 $_tile_overlayer_lowered  }
0x9b: {  	s22 =	simm.s32 $0x1BFF;
	s21 =	sshll.u32 s6, $0x1;
	s3 =	sadd.s32 s4, s19  }
0x9c: {  	s7 =	simm.s32 $0x0;
	s20 =	sshll.u32 s5, $0x1;
	s5 =	sadd.s32 s21, s3  }
0x9d: {  	[timem:s7], [sflag:s22] =	dma.local [hbm:s5], s20  }
0x9e: {  	_ =	swait.ge [sflag:s22], s20  }
0x9f: {  	s4 =	ssub.s32 $0x0, s20;
	[sflag:s22] =	ssyncset.done $0x0  }
0xa0: {  	[sflag:s22] =	ssyncadd.s32 s4;
	_ =	sdelay $0x1  }
0xa1: {  	s23 =	simm.s32 $0x1B8B  }
0xa2: {  	_ =	swait.ge [sflag:s23], $0x1  }
0xa3: {  	[sflag:s23] =	ssyncset.done $0x0  }
0xa4: {  	s25 =	simm.s32 $0x1B8E;
	s24 =	sld [smem:$0x3FFE];
	[sflag:s23] =	ssyncadd.s32 $0xFFFFFFFF  }
0xa5: {  	s26 =	simm.s32 $execute0_lowered;
	[smem:$0x3FD2] =	sst s25  }
0xa6: {  	s5 =	sshll.u32 s26, $0x1;
	_ =	strace $0x80000046;
	[dreg:$0x1] =	wrdreg $0xFFFFFFFF  }
0xa7: {  	s28 =	simm.s32 $_size_execute0_lowered;
	s3 =	sadd.s32 s3, s5;
	[dreg:$0x0] =	wrdreg $0x0  }
0xa8: {  	s5 =	sshll.u32 s28, $0x1;
	[dreg:$0x2] =	wrdreg s3  }
0xa9: {  	[dreg:$0x3] =	wrdreg s5  }
0xaa: {  	[dreg:$0x4] =	wrdreg $0xC0  }
0xab: {  	_ =	task [dreg:s7], $0x5FFFF  }
0xac: {  	[dreg:$0x1] =	wrdreg $0xFFFFFFFF  }
0xad: {  	[dreg:$0x0] =	wrdreg $0x60  }
0xae: {  	[dreg:$0x2] =	wrdreg s24  }
0xaf: {  	[dreg:$0x3] =	wrdreg s2  }
0xb0: {  	[dreg:$0x4] =	wrdreg $0x9  }
0xb1: {  	_ =	task.clear_ibuf [dreg:s7], $0x5FFFF;
	_ =	strace $0x90000046  }
0xb2: {  	s29 =	simm.s32 $0x9;
	_ =	strace $0x80000048  }
0xb3: {  	_ =	swait.ge [sflag:s29], $0x1  }
0xb4: {  	[sflag:s29] =	ssyncadd.s32 $0xFFFFFFFF  }
0xb5: {  	_ =	strace $0x90000048  }
0xb6: {  	_ =	sfence  }
0xb7: {  	s30 =	sld [smem:$0x0];
	_ =	sdelay $0x2  }
0xb8: {  	s31 =	sshll.u32 s1, $0xD;
	s1 =	sshrl.u32 s1, $0x2  }
0xb9: {  	s3 =	sand.u32 $0x4000, s31;
	s1 =	sadd.s32 s1, s30  }
0xba: {  	s0 =	sor.u32 s3, s0;
	s1 =	sshll.u32 s1, $0x11  }
0xbb: {  	s0 =	sor.u32 s1, s0  }
0xbc: {  	s0 =	sadd.s32 $0x8F2B, s0  }
0xbd: {  	[sflag:s0] =	ssyncadd.remote.s32 $0x1  }
0xbe: {  	_ =	sfence.sel $0xFFFF  }
0xbf: {  	[dreg:$0x0] =	wrdreg $0xFFFFFFFF;
	(pc) =	sbr.abs _section_cstart, $3  }
0xc0: {  	[dreg:$0x1] =	wrdreg $0xFFFFFFFF  }
0xc1: {  	_ =	task.clear_ibuf [dreg:s7], $0x2FFFF;
	_ =	strace $0x9FFFFFFF  }
0xc2: {  	(tm) =	ssettm $0x7FFFFFFF  }
0xc3: {  	_ =	shalt  }
tec
execute0_lowered:
.L_overlay_start_1:
0x0: {  	(tag) =	ssettag $0x1  }
0x1: {  	s0 =	rddreg [dreg:$0x0]  }
0x2: {  	s2 =	simm.s32 $0x0;
	s20 =	srdreg.scid;
	s5 =	stileid.u32  }
0x3: {  	s8 =	simm.s32 $0xA0;
	s28 =	simm.s32 $0x4CE0;
	s10 =	simm.s32 $0x80  }
0x4: {  	s7 =	simm.s32 $0x400;
	s29 =	simm.s32 $0xFC80;
	s30 =	simm.s32 $0x10680  }
0x5: {  	s31 =	simm.s32 $0x11080;
	[smem:$0x7FF] =	sst s2;
	s3 =	sadd.s32 $0x3EA00, s0  }
0x6: {  	s1 =	sadd.s32 $0x32600, s0;
	s4 =	sadd.s32 $0x26200, s0;
	s21 =	sadd.s32 $0x19E00, s0  }
0x7: {  	s22 =	sadd.s32 $0xDA00, s0;
	_ =	strace $0x80000047;
	[dreg:$0x3] =	wrdreg s1  }
0x8: {  	s23 =	sadd.s32 $0x1600, s0;
	s11 =	sadd.s32 $0x48800, s0;
	[dreg:$0x4] =	wrdreg s4  }
0x9: {  	s25 =	sshll.u32 s5, $0x1;
	s13 =	sadd.s32 $0x48810, s0;
	[dreg:$0x5] =	wrdreg s21  }
0xa: {  	s14 =	sadd.s32 $0x48820, s0;
	s15 =	sadd.s32 $0x48830, s0;
	[dreg:$0x7] =	wrdreg s22  }
0xb: {  	s0 =	simm.s32 $0x1;
	s1 =	sand.u32 $0x1, s20;
	[dreg:$0x8] =	wrdreg s23  }
.Ltmp0:
0xc: {  	[dreg:$0x6] =	wrdreg s1;
	s1 =	ssub.s32 $0x2, s1;
	(pc) =	sbr.rel .LBB2_1-.Ltmp0, $4  }
0xd: {  	s5 =	simm.s32 $0x0;
	[dreg:$0x9] =	wrdreg s25;
	s24 =	sshrl.u32 s1, $0x1  }
0xe: {  	s20 =	simm.s32 $0x2580;
	s21 =	simm.s32 $0xC80;
	s1 =	ssub.s32 s1, s24  }
0xf: {  	s22 =	simm.s32 $0x3200;
	s23 =	simm.s32 $0x1900;
	s26 =	smax.u32 s1, $0x1  }
0x10: {  	v0 =	vlaneseq.u32;
	v1 =	vimm.s32 $0x0;
	s24 =	simm.s32 $0x3E80;
	[dreg:$0xa] =	wrdreg s26;
	s26 =	simm.s32 $0x2  }
.LBB2_18:
0x11: {  	s1 =	simm.s32 $0x3  }
0x12: {  	_ =	swait.ge [sflag:s1], $0xA00  }
0x13: {  	[sflag:s1] =	ssyncset.done $0x0  }
0x14: {  	[sflag:s1] =	ssyncadd.s32 $0xFFFFF600  }
0x15: {  	_ =	swait.ge [sflag:s1], $0xA00  }
0x16: {  	[sflag:s1] =	ssyncset.done $0x0  }
0x17: {  	[sflag:s1] =	ssyncadd.s32 $0xFFFFF600  }
0x18: {  	_ =	swait.ge [sflag:s1], $0xA00  }
0x19: {  	[sflag:s1] =	ssyncset.done $0x0  }
0x1a: {  	[sflag:s1] =	ssyncadd.s32 $0xFFFFF600  }
0x1b: {  	_ =	swait.ge [sflag:s1], $0xA00  }
0x1c: {  	[sflag:s1] =	ssyncset.done $0x0  }
0x1d: {  	s4 =	simm.s32 $0x4;
	[sflag:s1] =	ssyncadd.s32 $0xFFFFF600  }
0x1e: {  	_ =	swait.ge [sflag:s4], $0xA00  }
0x1f: {  	[sflag:s4] =	ssyncset.done $0x0  }
0x20: {  	[sflag:s4] =	ssyncadd.s32 $0xFFFFF600  }
0x21: {  	_ =	swait.ge [sflag:s4], $0xA00  }
0x22: {  	[sflag:s4] =	ssyncset.done $0x0  }
0x23: {  	[sflag:s4] =	ssyncadd.s32 $0xFFFFF600  }
0x24: {  	_ =	swait.ge [sflag:s4], $0xA00  }
0x25: {  	[sflag:s4] =	ssyncset.done $0x0  }
0x26: {  	[sflag:s4] =	ssyncadd.s32 $0xFFFFF600  }
0x27: {  	_ =	swait.ge [sflag:s4], $0xA00  }
0x28: {  	s5 =	rddreg [dreg:$0xb]  }
0x29: {  	s25 =	rddreg [dreg:$0xa];
	s5 =	sadd.s32 $0x1, s5  }
0x2a: {  	p0 =	sne.s32 s5, s25  }
.Ltmp1:
0x2b: {  	_ = 	snop;
	(pc) =	sbr.rel @!p0 .LBB2_19-.Ltmp1, $3  }
0x2c: {  	_ =	sdelay $0x1  }
0x2d: {  	[sflag:s4] =	ssyncset.done $0x0  }
0x2e: {  	[sflag:s4] =	ssyncadd.s32 $0xFFFFF600  }
.LBB2_1:
.Ltmp2:
0x2f: {  	(pc) =	sbr.rel .LBB2_2-.Ltmp2, $2  }
0x30: {  	_ =	sdelay $0x2  }
0x31: {  	[dreg:$0xb] =	wrdreg s5;
	s19 =	simm.s32 $0x0  }
.LBB2_17:
0x32: {  	s19 =	sadd.s32 $0x1, s19  }
0x33: {  	p0 =	sne.s32 s19, $0x4  }
.Ltmp3:
0x34: {  	_ = 	snop;
	(pc) =	sbr.rel @!p0 .LBB2_18-.Ltmp3, $1  }
0x35: {  	_ =	sdelay $0x3  }
.LBB2_2:
0x36: {  	s1 =	sshll.u32 s19, $0x5;
	s4 =	rddreg [dreg:$0x9]  }
0x37: {  	s25 =	rddreg [dreg:$0x6];
	s1 =	sor.u32 s1, s4  }
0x38: {  	s1 =	sor.u32 s25, s1  }
0x39: {  	p0 =	sgt.u32 s1, $0x7C  }
.Ltmp4:
0x3a: {  	_ = 	snop;
	(pc) =	sbr.rel @p0 .LBB2_17-.Ltmp4, $1  }
0x3b: {  	_ =	sdelay $0x3  }
0x3c: {  	s16 =	smul.u32 $0x50, s1  }
0x3d: {  	s4 =	rddreg [dreg:$0x1]  }
0x3e: {  	s5 =	simm.s32 $0x0;
	s6 =	simm.s32 $0x50;
	s1 =	sshrl.u32 s16, $0x3  }
0x3f: {  	s9 =	simm.s32 $0x2710;
	s12 =	simm.s32 $0x5;
	s4 =	sadd.s32 s4, s1  }
0x40: {  	[tilespmem:s5], [sflag:$0x5] =	stream.strided.gather [hbm4b:s4+s6], $0xC80, s9, s6, $0x38;
	[tilespmem:$0x11A80] =	vst v63  }
0x41: {  	_ =	swait.ge [sflag:s12], $0xC80  }
0x42: {  	[sflag:s12] =	ssyncset.done $0x0;
	s18 =	rddreg [dreg:$0x5]  }
0x43: {  	v2 =	vor.u32 s5, v0;
	[sflag:s12] =	ssyncadd.s32 $0xFFFFF380;
	s4 =	sadd.s32 s18, s1  }
0x44: {  	v3 =	vmulhi.u32 $0xCCCCCCCD, v2;
	[tilespmem:s20], [sflag:$0x5] =	stream.strided.gather [hbm4b:s4+s6], $0xC80, s9, s6, $0x38;
	[tilespmem:$0x11A80] =	vst v63  }
0x45: {  	_ =	swait.ge [sflag:s12], $0xC80  }
0x46: {  	v3 =	vshrl.u32 v3, $0x5;
	[sflag:s12] =	ssyncset.done $0x0;
	s25 =	rddreg [dreg:$0x3]  }
0x47: {  	v4 =	vmul.u32 $0xFFFFFFD8, v3;
	[sflag:s12] =	ssyncadd.s32 $0xFFFFF380;
	s4 =	sadd.s32 s25, s1  }
0x48: {  	v5 =	vmov s5;
	v6 =	vsub.s32 $0x0, v2;
	[tilespmem:s21], [sflag:$0x5] =	stream.strided.gather [hbm4b:s4+s6], $0xC80, s9, s6, $0x38;
	[tilespmem:$0x11A80] =	vst v63  }
0x49: {  	vm0 =	veq.s32 v5, v0;
	vm1 =	vne.s32 v4, v6;
	_ =	swait.ge [sflag:s12], $0xC80  }
0x4a: {  	vm0 =	vmand vm0, vm1;
	[sflag:s12] =	ssyncset.done $0x0;
	s17 =	rddreg [dreg:$0x7]  }
0x4b: {  	v4 =	vsel vm0, $0xFFFFFFFF, v1;
	[sflag:s12] =	ssyncadd.s32 $0xFFFFF380;
	s4 =	sadd.s32 s17, s1  }
0x4c: {  	v3 =	vadd.s32 v4, v3;
	[tilespmem:s22], [sflag:$0x5] =	stream.strided.gather [hbm4b:s4+s6], $0xC80, s9, s6, $0x38;
	[tilespmem:$0x11A80] =	vst v63  }
0x4d: {  	v4 =	vmul.u32 $0xFFFFFFD8, v3;
	_ =	swait.ge [sflag:s12], $0xC80  }
0x4e: {  	[sflag:s12] =	ssyncset.done $0x0;
	s18 =	rddreg [dreg:$0x4]  }
0x4f: {  	v2 =	vadd.s32 v2, v4;
	[sflag:s12] =	ssyncadd.s32 $0xFFFFF380;
	s4 =	sadd.s32 s18, s1  }
0x50: {  	v2 =	vmul.u32 $0x50, v2;
	[tilespmem:s23], [sflag:$0x5] =	stream.strided.gather [hbm4b:s4+s6], $0xC80, s9, s6, $0x38;
	[tilespmem:$0x11A80] =	vst v63  }
0x51: {  	v4 =	vand.u32 $0xFFFFFFF8, v3;
	_ =	swait.ge [sflag:s12], $0xC80  }
0x52: {  	v3 =	vand.u32 $0x7, v3;
	v2 =	vadd.s32 v4, v2;
	[sflag:s12] =	ssyncset.done $0x0;
	s25 =	rddreg [dreg:$0x8]  }
0x53: {  	v2 =	vor.u32 v3, v2;
	[sflag:s12] =	ssyncadd.s32 $0xFFFFF380;
	s4 =	sadd.s32 s25, s1  }
0x54: {  	[tilespmem:s24], [sflag:$0x5] =	stream.strided.gather [hbm4b:s4+s6], $0xC80, s9, s6, $0x38;
	[tilespmem:$0x11A80] =	vst v63  }
0x55: {  	_ =	swait.ge [sflag:s12], $0xC80  }
0x56: {  	[sflag:s12] =	ssyncset.done $0x0  }
0x57: {  	[sflag:s12] =	ssyncadd.s32 $0xFFFFF380  }
0x58: {  	v3 =	vld.idx.msk [tilespmem:v2+s2+$0x0], $0xffff;
	_ =	sdelay $0x3  }
0x59: {  	s5 =	simm.s32 $0x4BA0  }
0x5a: {  	[tilespmem:s5+$0xFFFFFF60] =	vst v3  }
0x5b: {  	v3 =	vld.idx.msk [tilespmem:v2+s20+$0x0], $0xffff;
	_ =	sdelay $0x3  }
0x5c: {  	s4 =	simm.s32 $0x4F60  }
0x5d: {  	[tilespmem:s4+$0xFFFFFF60] =	vst v3  }
0x5e: {  	v3 =	vld.idx.msk [tilespmem:v2+s21+$0x0], $0xffff;
	_ =	sdelay $0x4  }
0x5f: {  	s6 =	simm.s32 $0x10;
	[tilespmem:s5+$0x0] =	vst v3  }
0x60: {  	s9 =	simm.s32 $0x20;
	v3 =	vor.u32 s6, v0;
	v4 =	vld.idx.msk [tilespmem:v2+s22+$0x0], $0xffff  }
.LBB2_4:
0x61: {  	p0 =	sne.s32 s9, $0x90;
	v5 =	vmulhi.u32 $0xCCCCCCCD, v3;
	_ =	sdelay $0x1  }
0x62: {  	v5 =	vshrl.u32 v5, $0x5  }
0x63: {  	v6 =	vmul.u32 $0xFFFFFFD8, v5  }
0x64: {  	v7 =	vmov s6;
	v8 =	vsub.s32 $0x0, v3;
	s6 =	smov.u32 s9  }
0x65: {  	vm0 =	veq.s32 v7, v0;
	vm1 =	vne.s32 v6, v8;
	[tilespmem:s4+$0x0] =	vst v4  }
0x66: {  	vm0 =	vmand vm0, vm1;
	v4 =	vld.idx.msk [tilespmem:v2+s23+$0x0], $0xffff  }
0x67: {  	v6 =	vsel vm0, $0xFFFFFFFF, v1  }
0x68: {  	v5 =	vadd.s32 v6, v5  }
0x69: {  	v6 =	vmul.u32 $0xFFFFFFD8, v5;
	_ =	sdelay $0x1  }
0x6a: {  	v3 =	vadd.s32 v3, v6  }
0x6b: {  	v3 =	vmul.u32 $0x50, v3;
	[tilespmem:s5+$0xA0] =	vst v4  }
0x6c: {  	v4 =	vand.u32 $0xFFFFFFF8, v5;
	v6 =	vld.idx.msk [tilespmem:v2+s24+$0x0], $0xffff  }
0x6d: {  	v2 =	vand.u32 $0x7, v5;
	v3 =	vadd.s32 v4, v3  }
0x6e: {  	v2 =	vor.u32 v2, v3;
	_ =	sdelay $0x3  }
0x6f: {  	[tilespmem:s4+$0xA0] =	vst v6  }
0x70: {  	v3 =	vld.idx.msk [tilespmem:v2+s2+$0x0], $0xffff;
	_ =	sdelay $0x4  }
0x71: {  	s5 =	sadd.s32 $0x10, s5  }
0x72: {  	[tilespmem:s5+$0xFFFFFF60] =	vst v3  }
0x73: {  	v3 =	vld.idx.msk [tilespmem:v2+s20+$0x0], $0xffff;
	_ =	sdelay $0x4  }
0x74: {  	s4 =	sadd.s32 $0x10, s4  }
0x75: {  	[tilespmem:s4+$0xFFFFFF60] =	vst v3  }
0x76: {  	v3 =	vld.idx.msk [tilespmem:v2+s21+$0x0], $0xffff;
	_ =	sdelay $0x2  }
.Ltmp5:
0x77: {  	(pc) =	sbr.rel @p0 .LBB2_4-.Ltmp5, $3  }
0x78: {  	_ =	sdelay $0x1  }
0x79: {  	[tilespmem:s5+$0x0] =	vst v3  }
0x7a: {  	s9 =	sadd.s32 $0x10, s9;
	v3 =	vor.u32 s6, v0;
	v4 =	vld.idx.msk [tilespmem:v2+s22+$0x0], $0xffff  }
0x7b: {  	v5 =	vmulhi.u32 $0xCCCCCCCD, v3;
	_ =	sdelay $0x1  }
0x7c: {  	v5 =	vshrl.u32 v5, $0x5  }
0x7d: {  	v6 =	vmul.u32 $0xFFFFFFD8, v5  }
0x7e: {  	v7 =	vmov s6;
	v8 =	vsub.s32 $0x0, v3  }
0x7f: {  	vm0 =	veq.s32 v7, v0;
	vm1 =	vne.s32 v6, v8  }
0x80: {  	vm0 =	vmand vm0, vm1  }
0x81: {  	[tilespmem:s4+$0x0] =	vst v4;
	v61 =	vsel vm0, $0xFFFFFFFF, v1  }
0x82: {  	v62 =	vld.idx.msk [tilespmem:v2+s23+$0x0], $0xffff;
	v4 =	vadd.s32 v61, v5  }
0x83: {  	v5 =	vmul.u32 $0xFFFFFFD8, v4;
	_ =	sdelay $0x1  }
0x84: {  	v3 =	vadd.s32 v3, v5  }
0x85: {  	v3 =	vmul.u32 $0x50, v3  }
0x86: {  	v63 =	vand.u32 $0xFFFFFFF8, v4;
	[tilespmem:s5+$0xA0] =	vst v62  }
0x87: {  	v4 =	vand.u32 $0x7, v4;
	v2 =	vld.idx.msk [tilespmem:v2+s24+$0x0], $0xffff;
	v3 =	vadd.s32 v63, v3  }
0x88: {  	v3 =	vor.u32 v4, v3;
	_ =	sdelay $0x3  }
0x89: {  	[tilespmem:s4+$0xA0] =	vst v2  }
0x8a: {  	v2 =	vld.idx.msk [tilespmem:v3+s2+$0x0], $0xffff;
	_ =	sdelay $0x3  }
0x8b: {  	s18 =	sadd.s32 $0x10, s5  }
0x8c: {  	[tilespmem:s18+$0xFFFFFF60] =	vst v2  }
0x8d: {  	v2 =	vld.idx.msk [tilespmem:v3+s20+$0x0], $0xffff;
	_ =	sdelay $0x3  }
0x8e: {  	s25 =	sadd.s32 $0x10, s4  }
0x8f: {  	[tilespmem:s25+$0xFFFFFF60] =	vst v2  }
0x90: {  	v2 =	vld.idx.msk [tilespmem:v3+s21+$0x0], $0xffff;
	_ =	sdelay $0x4  }
0x91: {  	[tilespmem:s18+$0x0] =	vst v2  }
0x92: {  	v2 =	vld.idx.msk [tilespmem:v3+s22+$0x0], $0xffff;
	_ =	sdelay $0x4  }
0x93: {  	[tilespmem:s25+$0x0] =	vst v2  }
0x94: {  	v2 =	vld.idx.msk [tilespmem:v3+s23+$0x0], $0xffff;
	_ =	sdelay $0x4  }
0x95: {  	[tilespmem:s18+$0xA0] =	vst v2  }
0x96: {  	v2 =	vld.idx.msk [tilespmem:v3+s24+$0x0], $0xffff;
	_ =	sdelay $0x4  }
0x97: {  	s6 =	simm.s32 $0x4B00;
	s9 =	simm.s32 $0x5280;
	s4 =	simm.s32 $0xA0;
	[tilespmem:s25+$0xA0] =	vst v2  }
0x98: {  	[tilespmem:s9], [sflag:$0x1] =	stream.indirect.gather [hbm4b:s3+s4], $0x20, s6, s4, $0xb8;
	[tilespmem:$0x11A80] =	vst v63  }
0x99: {  	s12 =	simm.s32 $0x4BA0;
	s17 =	simm.s32 $0x6680;
	s5 =	simm.s32 $0x0  }
0x9a: {  	[tilespmem:s17], [sflag:$0x1] =	stream.indirect.gather [hbm4b:s3+s4], $0x20, s12, s4, $0xb8;
	[tilespmem:$0x11A80] =	vst v63  }
0x9b: {  	s18 =	simm.s32 $0x4C40;
	s25 =	simm.s32 $0x7A80;
	s6 =	simm.s32 $0x140  }
0x9c: {  	[tilespmem:s25], [sflag:$0x1] =	stream.indirect.gather [hbm4b:s3+s4], $0x20, s18, s4, $0xb8;
	[tilespmem:$0x11A80] =	vst v63  }
.LBB2_6:
0x9d: {  	v2 =	vor.u32 s4, v0  }
0x9e: {  	v3 =	vmulhi.u32 $0xCCCCCCCD, v2;
	_ =	sdelay $0x1  }
0x9f: {  	v3 =	vshrl.u32 v3, $0x5  }
0xa0: {  	v4 =	vmul.u32 $0xFFFFFFD8, v3;
	_ =	sdelay $0x1  }
0xa1: {  	v2 =	vadd.s32 v2, v4  }
0xa2: {  	v2 =	vmul.u32 $0x50, v2  }
0xa3: {  	v4 =	vand.u32 $0x7FFFFF8, v3  }
0xa4: {  	v3 =	vand.u32 $0x7, v3;
	v2 =	vadd.s32 v4, v2  }
0xa5: {  	v2 =	vor.u32 v3, v2;
	_ =	sdelay $0x1  }
0xa6: {  	_ =	swait.ge [sflag:s0], $0x3C00  }
0xa7: {  	[sflag:s0] =	ssyncset.done $0x0  }
0xa8: {  	[sflag:s0] =	ssyncadd.s32 $0xFFFFC400  }
0xa9: {  	v3 =	vld.idx.msk [tilespmem:v2+s2+$0x0], $0xffff;
	_ =	sdelay $0x3  }
0xaa: {  	s12 =	simm.s32 $0x0  }
0xab: {  	[tilespmem:s12+$0x4CE0] =	vst v3  }
0xac: {  	v3 =	vld.idx.msk [tilespmem:v2+s20+$0x0], $0xffff;
	_ =	sdelay $0x4  }
0xad: {  	[tilespmem:s12+$0x50A0] =	vst v3  }
0xae: {  	v3 =	vld.idx.msk [tilespmem:v2+s21+$0x0], $0xffff;
	_ =	sdelay $0x4  }
0xaf: {  	[tilespmem:s12+$0x4D80] =	vst v3  }
0xb0: {  	v4 =	vld.idx.msk [tilespmem:v2+s22+$0x0], $0xffff;
	_ =	sdelay $0x3  }
0xb1: {  	s17 =	sadd.s32 $0x10, s4  }
0xb2: {  	s9 =	simm.s32 $0x40;
	s18 =	simm.s32 $0x80;
	v3 =	vor.u32 s17, v0;
	[tilespmem:s12+$0x5140] =	vst v4  }
.LBB2_7:
0xb3: {  	p0 =	sne.s32 s18, $0x240;
	v4 =	vmulhi.u32 $0xCCCCCCCD, v3;
	v5 =	vld.idx.msk [tilespmem:v2+s23+$0x0], $0xffff;
	_ =	sdelay $0x1  }
0xb4: {  	v4 =	vshrl.u32 v4, $0x5  }
0xb5: {  	v6 =	vmul.u32 $0xFFFFFFD8, v4;
	_ =	sdelay $0x1  }
0xb6: {  	v3 =	vadd.s32 v3, v6  }
0xb7: {  	v3 =	vmul.u32 $0x50, v3;
	[tilespmem:s12+$0x4E20] =	vst v5  }
0xb8: {  	v5 =	vand.u32 $0x7FFFFF8, v4;
	v6 =	vld.idx.msk [tilespmem:v2+s24+$0x0], $0xffff  }
0xb9: {  	v2 =	vand.u32 $0x7, v4;
	v3 =	vadd.s32 v5, v3  }
0xba: {  	v2 =	vor.u32 v2, v3;
	_ =	sdelay $0x3  }
0xbb: {  	[tilespmem:s12+$0x51E0] =	vst v6  }
0xbc: {  	v3 =	vld.idx.msk [tilespmem:v2+s2+$0x0], $0xffff;
	_ =	sdelay $0x4  }
0xbd: {  	s12 =	sshra.s32 s9, $0x2;
	s9 =	smov.u32 s18  }
0xbe: {  	[tilespmem:s12+$0x4CE0] =	vst v3  }
0xbf: {  	v3 =	vld.idx.msk [tilespmem:v2+s20+$0x0], $0xffff;
	_ =	sdelay $0x5  }
0xc0: {  	[tilespmem:s12+$0x50A0] =	vst v3  }
0xc1: {  	v3 =	vld.idx.msk [tilespmem:v2+s21+$0x0], $0xffff;
	_ =	sdelay $0x5  }
0xc2: {  	[tilespmem:s12+$0x4D80] =	vst v3  }
0xc3: {  	v4 =	vld.idx.msk [tilespmem:v2+s22+$0x0], $0xffff;
	_ =	sdelay $0x1  }
.Ltmp6:
0xc4: {  	(pc) =	sbr.rel @p0 .LBB2_7-.Ltmp6, $3  }
0xc5: {  	_ =	sdelay $0x1  }
0xc6: {  	s17 =	sadd.s32 $0x10, s17  }
0xc7: {  	s18 =	sadd.s32 $0x40, s18;
	v3 =	vor.u32 s17, v0;
	[tilespmem:s12+$0x5140] =	vst v4  }
0xc8: {  	_ =	sdelay $0x1  }
0xc9: {  	v4 =	vmulhi.u32 $0xCCCCCCCD, v3;
	_ =	sdelay $0x1  }
0xca: {  	v5 =	vld.idx.msk [tilespmem:v2+s23+$0x0], $0xffff;
	v4 =	vshrl.u32 v4, $0x5  }
0xcb: {  	v6 =	vmul.u32 $0xFFFFFFD8, v4;
	_ =	sdelay $0x1  }
0xcc: {  	v3 =	vadd.s32 v3, v6  }
0xcd: {  	v3 =	vmul.u32 $0x50, v3  }
0xce: {  	v63 =	vand.u32 $0x7FFFFF8, v4;
	[tilespmem:s12+$0x4E20] =	vst v5  }
0xcf: {  	v4 =	vand.u32 $0x7, v4;
	v2 =	vld.idx.msk [tilespmem:v2+s24+$0x0], $0xffff;
	v3 =	vadd.s32 v63, v3  }
0xd0: {  	v3 =	vor.u32 v4, v3;
	_ =	sdelay $0x3  }
0xd1: {  	[tilespmem:s12+$0x51E0] =	vst v2  }
0xd2: {  	v2 =	vld.idx.msk [tilespmem:v3+s2+$0x0], $0xffff;
	_ =	sdelay $0x3  }
0xd3: {  	s9 =	sshra.s32 s9, $0x2  }
0xd4: {  	[tilespmem:s9+$0x4CE0] =	vst v2  }
0xd5: {  	v2 =	vld.idx.msk [tilespmem:v3+s20+$0x0], $0xffff;
	_ =	sdelay $0x4  }
0xd6: {  	[tilespmem:s9+$0x50A0] =	vst v2  }
0xd7: {  	v2 =	vld.idx.msk [tilespmem:v3+s21+$0x0], $0xffff;
	_ =	sdelay $0x4  }
0xd8: {  	[tilespmem:s9+$0x4D80] =	vst v2  }
0xd9: {  	v2 =	vld.idx.msk [tilespmem:v3+s22+$0x0], $0xffff;
	_ =	sdelay $0x4  }
0xda: {  	[tilespmem:s9+$0x5140] =	vst v2  }
0xdb: {  	v2 =	vld.idx.msk [tilespmem:v3+s23+$0x0], $0xffff;
	_ =	sdelay $0x4  }
0xdc: {  	[tilespmem:s9+$0x4E20] =	vst v2  }
0xdd: {  	v2 =	vld.idx.msk [tilespmem:v3+s24+$0x0], $0xffff;
	_ =	sdelay $0x4  }
0xde: {  	s17 =	simm.s32 $0x8E80;
	[tilespmem:s9+$0x51E0] =	vst v2  }
0xdf: {  	[tilespmem:s17], [sflag:$0x2] =	stream.indirect.gather [hbm4b:s3+s8], $0x20, s28, s8, $0xb8;
	[tilespmem:$0x11A80] =	vst v63  }
0xe0: {  	s18 =	simm.s32 $0x4D80;
	s25 =	simm.s32 $0xA280  }
0xe1: {  	[tilespmem:s25], [sflag:$0x2] =	stream.indirect.gather [hbm4b:s3+s8], $0x20, s18, s8, $0xb8;
	[tilespmem:$0x11A80] =	vst v63  }
0xe2: {  	s25 =	sor.u32 s19, s5  }
0xe3: {  	s17 =	simm.s32 $0x4E20;
	s18 =	simm.s32 $0xB680;
	p0 =	seq.s32 s25, $0x0  }
0xe4: {  	[tilespmem:s18], [sflag:$0x2] =	stream.indirect.gather [hbm4b:s3+s8], $0x20, s17, s8, $0xb8;
	[tilespmem:$0x11A80] =	vst v63  }
0xe5: {  	s12 =	simm.s32 @!p0 $0x3  }
0xe6: {  	_ =	swait.ge @!p0 [sflag:s12], $0xA00  }
0xe7: {  	[sflag:s12] =	ssyncset.done @!p0 $0x0  }
0xe8: {  	[sflag:s12] =	ssyncadd.s32 @!p0 $0xFFFFF600  }
0xe9: {  	_ =	swait.ge @!p0 [sflag:s12], $0xA00  }
0xea: {  	[sflag:s12] =	ssyncset.done @!p0 $0x0  }
0xeb: {  	[sflag:s12] =	ssyncadd.s32 @!p0 $0xFFFFF600  }
0xec: {  	_ =	swait.ge @!p0 [sflag:s12], $0xA00  }
0xed: {  	[sflag:s12] =	ssyncset.done @!p0 $0x0  }
0xee: {  	[sflag:s12] =	ssyncadd.s32 @!p0 $0xFFFFF600  }
0xef: {  	_ =	swait.ge @!p0 [sflag:s12], $0xA00  }
0xf0: {  	s9 =	sshll.u32 s5, $0x1;
	s17 =	simm.s32 $0x6780;
	[sflag:s12] =	ssyncset.done @!p0 $0x0  }
0xf1: {  	s18 =	simm.s32 $0xCC80;
	[sflag:s12] =	ssyncadd.s32 @!p0 $0xFFFFF600;
	s12 =	simm.s32 $0x0  }
.LBB2_9:
0xf2: {  	v5 =	vld [tilespmem:s17+$0xFFFFEB00]  }
0xf3: {  	s25 =	sshra.s32 s12, $0x2;
	v6 =	vld [tilespmem:s17+$0xFFFFFF00]  }
0xf4: {  	v4 =	vld [tilespmem:s25+$0x4EC0]  }
0xf5: {  	v3 =	vld [tilespmem:s25+$0x4F60]  }
0xf6: {  	v2 =	vld [tilespmem:s25+$0x5000];
	_ =	sdelay $0x1  }
0xf7: {  	v7 =	vld [tilespmem:s17+$0x1300];
	_ =	sdelay $0x1  }
0xf8: {  	v9 =	vunpack.i.l.bf16.f32 v5;
	v8 =	vbroadcast v4, $0x0;
	v10 =	vbroadcast v3, $0x0  }
0xf9: {  	v5 =	vunpack.i.u.bf16.f32 v5;
	v11 =	vunpack.i.l.bf16.f32 v6;
	v12 =	vbroadcast v2, $0x0  }
0xfa: {  	v6 =	vunpack.i.u.bf16.f32 v6;
	v9 =	vmul.f32 v9, v8;
	v11 =	vmul.f32 v11, v10  }
0xfb: {  	v13 =	vunpack.i.l.bf16.f32 v7;
	v5 =	vmul.f32 v5, v8;
	v6 =	vmul.f32 v6, v10  }
0xfc: {  	v7 =	vunpack.i.u.bf16.f32 v7;
	v29 =	vmul.f32 v13, v12;
	v9 =	vadd.f32 v11, v9  }
0xfd: {  	v30 =	vmul.f32 v7, v12;
	v5 =	vadd.f32 v6, v5  }
0xfe: {  	v31 =	vadd.f32 v29, v9  }
0xff: {  	v5 =	vadd.f32 v30, v5  }
0x100: {  	[tilespmem:s18+$0xFFFFFE00] =	vst v31  }
0x101: {  	[tilespmem:s18+$0xFFFFFE10] =	vst v5  }
0x102: {  	v5 =	vld [tilespmem:s17+$0xFFFFEB10]  }
0x103: {  	v32 =	vld [tilespmem:s17+$0xFFFFFF10];
	_ =	sdelay $0x1  }
0x104: {  	v7 =	vld [tilespmem:s17+$0x1310];
	_ =	sdelay $0x2  }
0x105: {  	v33 =	vunpack.i.u.bf16.f32 v5;
	v5 =	vunpack.i.l.bf16.f32 v5;
	v34 =	vunpack.i.l.bf16.f32 v32  }
0x106: {  	v6 =	vunpack.i.u.bf16.f32 v32;
	v5 =	vmul.f32 v5, v8;
	v11 =	vmul.f32 v34, v10  }
0x107: {  	v35 =	vunpack.i.l.bf16.f32 v7;
	v8 =	vmul.f32 v33, v8;
	v6 =	vmul.f32 v6, v10  }
0x108: {  	v7 =	vunpack.i.u.bf16.f32 v7;
	v36 =	vmul.f32 v35, v12;
	v5 =	vadd.f32 v11, v5  }
0x109: {  	v7 =	vmul.f32 v7, v12;
	v6 =	vadd.f32 v6, v8  }
0x10a: {  	v5 =	vadd.f32 v36, v5  }
0x10b: {  	v6 =	vadd.f32 v7, v6  }
0x10c: {  	[tilespmem:s18+$0xFFFFFE20] =	vst v5  }
0x10d: {  	[tilespmem:s18+$0xFFFFFE30] =	vst v6  }
0x10e: {  	v5 =	vld [tilespmem:s17+$0xFFFFEB20]  }
0x10f: {  	v6 =	vld [tilespmem:s17+$0xFFFFFF20];
	_ =	sdelay $0x1  }
0x110: {  	v37 =	vld [tilespmem:s17+$0x1320]  }
0x111: {  	v38 =	vbroadcast v4, $0x1  }
0x112: {  	v40 =	vbroadcast v3, $0x1;
	v42 =	vbroadcast v2, $0x1  }
0x113: {  	v39 =	vunpack.i.l.bf16.f32 v5;
	v5 =	vunpack.i.u.bf16.f32 v5;
	v41 =	vunpack.i.l.bf16.f32 v6  }
0x114: {  	v6 =	vunpack.i.u.bf16.f32 v6;
	v9 =	vmul.f32 v39, v38;
	v11 =	vmul.f32 v41, v40  }
0x115: {  	v43 =	vunpack.i.l.bf16.f32 v37;
	v5 =	vmul.f32 v5, v38;
	v6 =	vmul.f32 v6, v40  }
0x116: {  	v7 =	vunpack.i.u.bf16.f32 v37;
	v44 =	vmul.f32 v43, v42;
	v9 =	vadd.f32 v11, v9  }
0x117: {  	v45 =	vmul.f32 v7, v42;
	v5 =	vadd.f32 v6, v5  }
0x118: {  	v46 =	vadd.f32 v44, v9  }
0x119: {  	v5 =	vadd.f32 v45, v5  }
0x11a: {  	[tilespmem:s18+$0xFFFFFE40] =	vst v46  }
0x11b: {  	[tilespmem:s18+$0xFFFFFE50] =	vst v5  }
0x11c: {  	v5 =	vld [tilespmem:s17+$0xFFFFEB30]  }
0x11d: {  	v47 =	vld [tilespmem:s17+$0xFFFFFF30];
	_ =	sdelay $0x1  }
0x11e: {  	v7 =	vld [tilespmem:s17+$0x1330];
	_ =	sdelay $0x2  }
0x11f: {  	v48 =	vunpack.i.u.bf16.f32 v5;
	v5 =	vunpack.i.l.bf16.f32 v5;
	v49 =	vunpack.i.l.bf16.f32 v47  }
0x120: {  	v6 =	vunpack.i.u.bf16.f32 v47;
	v5 =	vmul.f32 v5, v38;
	v11 =	vmul.f32 v49, v40  }
0x121: {  	v50 =	vunpack.i.l.bf16.f32 v7;
	v8 =	vmul.f32 v48, v38;
	v6 =	vmul.f32 v6, v40  }
0x122: {  	v7 =	vunpack.i.u.bf16.f32 v7;
	v51 =	vmul.f32 v50, v42;
	v5 =	vadd.f32 v11, v5  }
0x123: {  	v7 =	vmul.f32 v7, v42;
	v6 =	vadd.f32 v6, v8  }
0x124: {  	v5 =	vadd.f32 v51, v5  }
0x125: {  	v6 =	vadd.f32 v7, v6  }
0x126: {  	[tilespmem:s18+$0xFFFFFE60] =	vst v5  }
0x127: {  	[tilespmem:s18+$0xFFFFFE70] =	vst v6  }
0x128: {  	v5 =	vld [tilespmem:s17+$0xFFFFEB40]  }
0x129: {  	v6 =	vld [tilespmem:s17+$0xFFFFFF40];
	_ =	sdelay $0x1  }
0x12a: {  	v52 =	vld [tilespmem:s17+$0x1340]  }
0x12b: {  	v53 =	vbroadcast v4, $0x2  }
0x12c: {  	v55 =	vbroadcast v3, $0x2;
	v57 =	vbroadcast v2, $0x2  }
0x12d: {  	v54 =	vunpack.i.l.bf16.f32 v5;
	v5 =	vunpack.i.u.bf16.f32 v5;
	v56 =	vunpack.i.l.bf16.f32 v6  }
0x12e: {  	v6 =	vunpack.i.u.bf16.f32 v6;
	v9 =	vmul.f32 v54, v53;
	v11 =	vmul.f32 v56, v55  }
0x12f: {  	v58 =	vunpack.i.l.bf16.f32 v52;
	v5 =	vmul.f32 v5, v53;
	v6 =	vmul.f32 v6, v55  }
0x130: {  	v7 =	vunpack.i.u.bf16.f32 v52;
	v59 =	vmul.f32 v58, v57;
	v9 =	vadd.f32 v11, v9  }
0x131: {  	v60 =	vmul.f32 v7, v57;
	v5 =	vadd.f32 v6, v5  }
0x132: {  	v61 =	vadd.f32 v59, v9  }
0x133: {  	v5 =	vadd.f32 v60, v5  }
0x134: {  	[tilespmem:s18+$0xFFFFFE80] =	vst v61  }
0x135: {  	[tilespmem:s18+$0xFFFFFE90] =	vst v5  }
0x136: {  	v5 =	vld [tilespmem:s17+$0xFFFFEB50]  }
0x137: {  	v62 =	vld [tilespmem:s17+$0xFFFFFF50];
	_ =	sdelay $0x1  }
0x138: {  	v7 =	vld [tilespmem:s17+$0x1350];
	_ =	sdelay $0x2  }
0x139: {  	v63 =	vunpack.i.u.bf16.f32 v5;
	v5 =	vunpack.i.l.bf16.f32 v5;
	v15 =	vunpack.i.l.bf16.f32 v62  }
0x13a: {  	v6 =	vunpack.i.u.bf16.f32 v62;
	v5 =	vmul.f32 v5, v53;
	v11 =	vmul.f32 v15, v55  }
0x13b: {  	v16 =	vunpack.i.l.bf16.f32 v7;
	v8 =	vmul.f32 v63, v53;
	v6 =	vmul.f32 v6, v55  }
0x13c: {  	v7 =	vunpack.i.u.bf16.f32 v7;
	v17 =	vmul.f32 v16, v57;
	v5 =	vadd.f32 v11, v5  }
0x13d: {  	v7 =	vmul.f32 v7, v57;
	v6 =	vadd.f32 v6, v8  }
0x13e: {  	v5 =	vadd.f32 v17, v5  }
0x13f: {  	v6 =	vadd.f32 v7, v6  }
0x140: {  	[tilespmem:s18+$0xFFFFFEA0] =	vst v5  }
0x141: {  	[tilespmem:s18+$0xFFFFFEB0] =	vst v6  }
0x142: {  	v5 =	vld [tilespmem:s17+$0xFFFFEB60]  }
0x143: {  	v6 =	vld [tilespmem:s17+$0xFFFFFF60];
	_ =	sdelay $0x1  }
0x144: {  	v18 =	vld [tilespmem:s17+$0x1360]  }
0x145: {  	v19 =	vbroadcast v4, $0x3  }
0x146: {  	v21 =	vbroadcast v3, $0x3;
	v23 =	vbroadcast v2, $0x3  }
0x147: {  	v20 =	vunpack.i.l.bf16.f32 v5;
	v5 =	vunpack.i.u.bf16.f32 v5;
	v22 =	vunpack.i.l.bf16.f32 v6  }
0x148: {  	v6 =	vunpack.i.u.bf16.f32 v6;
	v9 =	vmul.f32 v20, v19;
	v11 =	vmul.f32 v22, v21  }
0x149: {  	v24 =	vunpack.i.l.bf16.f32 v18;
	v5 =	vmul.f32 v5, v19;
	v6 =	vmul.f32 v6, v21  }
0x14a: {  	v7 =	vunpack.i.u.bf16.f32 v18;
	v25 =	vmul.f32 v24, v23;
	v9 =	vadd.f32 v11, v9  }
0x14b: {  	v26 =	vmul.f32 v7, v23;
	v5 =	vadd.f32 v6, v5  }
0x14c: {  	v27 =	vadd.f32 v25, v9  }
0x14d: {  	v5 =	vadd.f32 v26, v5  }
0x14e: {  	[tilespmem:s18+$0xFFFFFEC0] =	vst v27  }
0x14f: {  	[tilespmem:s18+$0xFFFFFED0] =	vst v5  }
0x150: {  	v5 =	vld [tilespmem:s17+$0xFFFFEB70]  }
0x151: {  	v28 =	vld [tilespmem:s17+$0xFFFFFF70];
	_ =	sdelay $0x1  }
0x152: {  	v7 =	vld [tilespmem:s17+$0x1370];
	_ =	sdelay $0x2  }
0x153: {  	v29 =	vunpack.i.u.bf16.f32 v5;
	v5 =	vunpack.i.l.bf16.f32 v5;
	v30 =	vunpack.i.l.bf16.f32 v28  }
0x154: {  	v6 =	vunpack.i.u.bf16.f32 v28;
	v5 =	vmul.f32 v5, v19;
	v11 =	vmul.f32 v30, v21  }
0x155: {  	v31 =	vunpack.i.l.bf16.f32 v7;
	v8 =	vmul.f32 v29, v19;
	v6 =	vmul.f32 v6, v21  }
0x156: {  	v7 =	vunpack.i.u.bf16.f32 v7;
	v32 =	vmul.f32 v31, v23;
	v5 =	vadd.f32 v11, v5  }
0x157: {  	v7 =	vmul.f32 v7, v23;
	v6 =	vadd.f32 v6, v8  }
0x158: {  	v5 =	vadd.f32 v32, v5  }
0x159: {  	v6 =	vadd.f32 v7, v6  }
0x15a: {  	[tilespmem:s18+$0xFFFFFEE0] =	vst v5  }
0x15b: {  	[tilespmem:s18+$0xFFFFFEF0] =	vst v6  }
0x15c: {  	v5 =	vld [tilespmem:s17+$0xFFFFEB80]  }
0x15d: {  	v6 =	vld [tilespmem:s17+$0xFFFFFF80];
	_ =	sdelay $0x1  }
0x15e: {  	v33 =	vld [tilespmem:s17+$0x1380]  }
0x15f: {  	v34 =	vbroadcast v4, $0x4  }
0x160: {  	v36 =	vbroadcast v3, $0x4;
	v38 =	vbroadcast v2, $0x4  }
0x161: {  	v35 =	vunpack.i.l.bf16.f32 v5;
	v5 =	vunpack.i.u.bf16.f32 v5;
	v37 =	vunpack.i.l.bf16.f32 v6  }
0x162: {  	v6 =	vunpack.i.u.bf16.f32 v6;
	v9 =	vmul.f32 v35, v34;
	v11 =	vmul.f32 v37, v36  }
0x163: {  	v39 =	vunpack.i.l.bf16.f32 v33;
	v5 =	vmul.f32 v5, v34;
	v6 =	vmul.f32 v6, v36  }
0x164: {  	v7 =	vunpack.i.u.bf16.f32 v33;
	v40 =	vmul.f32 v39, v38;
	v9 =	vadd.f32 v11, v9  }
0x165: {  	v41 =	vmul.f32 v7, v38;
	v5 =	vadd.f32 v6, v5  }
0x166: {  	v42 =	vadd.f32 v40, v9  }
0x167: {  	v5 =	vadd.f32 v41, v5  }
0x168: {  	[tilespmem:s18+$0xFFFFFF00] =	vst v42  }
0x169: {  	[tilespmem:s18+$0xFFFFFF10] =	vst v5  }
0x16a: {  	v5 =	vld [tilespmem:s17+$0xFFFFEB90]  }
0x16b: {  	v43 =	vld [tilespmem:s17+$0xFFFFFF90];
	_ =	sdelay $0x1  }
0x16c: {  	v7 =	vld [tilespmem:s17+$0x1390];
	_ =	sdelay $0x2  }
0x16d: {  	v44 =	vunpack.i.u.bf16.f32 v5;
	v5 =	vunpack.i.l.bf16.f32 v5;
	v45 =	vunpack.i.l.bf16.f32 v43  }
0x16e: {  	v6 =	vunpack.i.u.bf16.f32 v43;
	v5 =	vmul.f32 v5, v34;
	v11 =	vmul.f32 v45, v36  }
0x16f: {  	v46 =	vunpack.i.l.bf16.f32 v7;
	v8 =	vmul.f32 v44, v34;
	v6 =	vmul.f32 v6, v36  }
0x170: {  	v7 =	vunpack.i.u.bf16.f32 v7;
	v47 =	vmul.f32 v46, v38;
	v5 =	vadd.f32 v11, v5  }
0x171: {  	v7 =	vmul.f32 v7, v38;
	v6 =	vadd.f32 v6, v8  }
0x172: {  	v5 =	vadd.f32 v47, v5  }
0x173: {  	v6 =	vadd.f32 v7, v6  }
0x174: {  	[tilespmem:s18+$0xFFFFFF20] =	vst v5  }
0x175: {  	[tilespmem:s18+$0xFFFFFF30] =	vst v6  }
0x176: {  	v5 =	vld [tilespmem:s17+$0xFFFFEBA0]  }
0x177: {  	v6 =	vld [tilespmem:s17+$0xFFFFFFA0];
	_ =	sdelay $0x1  }
0x178: {  	v48 =	vld [tilespmem:s17+$0x13A0]  }
0x179: {  	v49 =	vbroadcast v4, $0x5  }
0x17a: {  	v51 =	vbroadcast v3, $0x5;
	v53 =	vbroadcast v2, $0x5  }
0x17b: {  	v50 =	vunpack.i.l.bf16.f32 v5;
	v5 =	vunpack.i.u.bf16.f32 v5;
	v52 =	vunpack.i.l.bf16.f32 v6  }
0x17c: {  	v6 =	vunpack.i.u.bf16.f32 v6;
	v9 =	vmul.f32 v50, v49;
	v11 =	vmul.f32 v52, v51  }
0x17d: {  	v54 =	vunpack.i.l.bf16.f32 v48;
	v5 =	vmul.f32 v5, v49;
	v6 =	vmul.f32 v6, v51  }
0x17e: {  	v7 =	vunpack.i.u.bf16.f32 v48;
	v55 =	vmul.f32 v54, v53;
	v9 =	vadd.f32 v11, v9  }
0x17f: {  	v56 =	vmul.f32 v7, v53;
	v5 =	vadd.f32 v6, v5  }
0x180: {  	v57 =	vadd.f32 v55, v9  }
0x181: {  	v5 =	vadd.f32 v56, v5  }
0x182: {  	[tilespmem:s18+$0xFFFFFF40] =	vst v57  }
0x183: {  	[tilespmem:s18+$0xFFFFFF50] =	vst v5  }
0x184: {  	v5 =	vld [tilespmem:s17+$0xFFFFEBB0]  }
0x185: {  	v58 =	vld [tilespmem:s17+$0xFFFFFFB0];
	_ =	sdelay $0x1  }
0x186: {  	v7 =	vld [tilespmem:s17+$0x13B0];
	_ =	sdelay $0x2  }
0x187: {  	v59 =	vunpack.i.u.bf16.f32 v5;
	v5 =	vunpack.i.l.bf16.f32 v5;
	v60 =	vunpack.i.l.bf16.f32 v58  }
0x188: {  	v6 =	vunpack.i.u.bf16.f32 v58;
	v5 =	vmul.f32 v5, v49;
	v11 =	vmul.f32 v60, v51  }
0x189: {  	v61 =	vunpack.i.l.bf16.f32 v7;
	v8 =	vmul.f32 v59, v49;
	v6 =	vmul.f32 v6, v51  }
0x18a: {  	v7 =	vunpack.i.u.bf16.f32 v7;
	v62 =	vmul.f32 v61, v53;
	v5 =	vadd.f32 v11, v5  }
0x18b: {  	v7 =	vmul.f32 v7, v53;
	v6 =	vadd.f32 v6, v8  }
0x18c: {  	v5 =	vadd.f32 v62, v5  }
0x18d: {  	v6 =	vadd.f32 v7, v6  }
0x18e: {  	[tilespmem:s18+$0xFFFFFF60] =	vst v5  }
0x18f: {  	[tilespmem:s18+$0xFFFFFF70] =	vst v6  }
0x190: {  	v5 =	vld [tilespmem:s17+$0xFFFFEBC0]  }
0x191: {  	v6 =	vld [tilespmem:s17+$0xFFFFFFC0];
	_ =	sdelay $0x1  }
0x192: {  	v63 =	vld [tilespmem:s17+$0x13C0]  }
0x193: {  	v16 =	vbroadcast v4, $0x6  }
0x194: {  	v18 =	vbroadcast v3, $0x6;
	v20 =	vbroadcast v2, $0x6  }
0x195: {  	v17 =	vunpack.i.l.bf16.f32 v5;
	v5 =	vunpack.i.u.bf16.f32 v5;
	v19 =	vunpack.i.l.bf16.f32 v6  }
0x196: {  	v6 =	vunpack.i.u.bf16.f32 v6;
	v9 =	vmul.f32 v17, v16;
	v11 =	vmul.f32 v19, v18  }
0x197: {  	v21 =	vunpack.i.l.bf16.f32 v63;
	v5 =	vmul.f32 v5, v16;
	v6 =	vmul.f32 v6, v18  }
0x198: {  	v7 =	vunpack.i.u.bf16.f32 v63;
	v22 =	vmul.f32 v21, v20;
	v9 =	vadd.f32 v11, v9  }
0x199: {  	v23 =	vmul.f32 v7, v20;
	v5 =	vadd.f32 v6, v5  }
0x19a: {  	v24 =	vadd.f32 v22, v9  }
0x19b: {  	v5 =	vadd.f32 v23, v5  }
0x19c: {  	[tilespmem:s18+$0xFFFFFF80] =	vst v24  }
0x19d: {  	[tilespmem:s18+$0xFFFFFF90] =	vst v5  }
0x19e: {  	v5 =	vld [tilespmem:s17+$0xFFFFEBD0]  }
0x19f: {  	v25 =	vld [tilespmem:s17+$0xFFFFFFD0];
	_ =	sdelay $0x1  }
0x1a0: {  	v7 =	vld [tilespmem:s17+$0x13D0];
	_ =	sdelay $0x2  }
0x1a1: {  	v26 =	vunpack.i.u.bf16.f32 v5;
	v5 =	vunpack.i.l.bf16.f32 v5;
	v27 =	vunpack.i.l.bf16.f32 v25  }
0x1a2: {  	v6 =	vunpack.i.u.bf16.f32 v25;
	v5 =	vmul.f32 v5, v16;
	v11 =	vmul.f32 v27, v18  }
0x1a3: {  	v28 =	vunpack.i.l.bf16.f32 v7;
	v8 =	vmul.f32 v26, v16;
	v6 =	vmul.f32 v6, v18  }
0x1a4: {  	v7 =	vunpack.i.u.bf16.f32 v7;
	v29 =	vmul.f32 v28, v20;
	v5 =	vadd.f32 v11, v5  }
0x1a5: {  	v7 =	vmul.f32 v7, v20;
	v6 =	vadd.f32 v6, v8  }
0x1a6: {  	v5 =	vadd.f32 v29, v5  }
0x1a7: {  	v6 =	vadd.f32 v7, v6  }
0x1a8: {  	[tilespmem:s18+$0xFFFFFFA0] =	vst v5  }
0x1a9: {  	[tilespmem:s18+$0xFFFFFFB0] =	vst v6  }
0x1aa: {  	v5 =	vld [tilespmem:s17+$0xFFFFEBE0]  }
0x1ab: {  	v6 =	vld [tilespmem:s17+$0xFFFFFFE0];
	_ =	sdelay $0x1  }
0x1ac: {  	v30 =	vld [tilespmem:s17+$0x13E0]  }
0x1ad: {  	v31 =	vbroadcast v4, $0x7  }
0x1ae: {  	v33 =	vbroadcast v3, $0x7;
	v35 =	vbroadcast v2, $0x7  }
0x1af: {  	v32 =	vunpack.i.l.bf16.f32 v5;
	v5 =	vunpack.i.u.bf16.f32 v5;
	v34 =	vunpack.i.l.bf16.f32 v6  }
0x1b0: {  	v6 =	vunpack.i.u.bf16.f32 v6;
	v9 =	vmul.f32 v32, v31;
	v11 =	vmul.f32 v34, v33  }
0x1b1: {  	v36 =	vunpack.i.l.bf16.f32 v30;
	v5 =	vmul.f32 v5, v31;
	v6 =	vmul.f32 v6, v33  }
0x1b2: {  	v7 =	vunpack.i.u.bf16.f32 v30;
	v37 =	vmul.f32 v36, v35;
	v9 =	vadd.f32 v11, v9  }
0x1b3: {  	v38 =	vmul.f32 v7, v35;
	v5 =	vadd.f32 v6, v5  }
0x1b4: {  	v39 =	vadd.f32 v37, v9  }
0x1b5: {  	v5 =	vadd.f32 v38, v5  }
0x1b6: {  	[tilespmem:s18+$0xFFFFFFC0] =	vst v39  }
0x1b7: {  	[tilespmem:s18+$0xFFFFFFD0] =	vst v5  }
0x1b8: {  	v5 =	vld [tilespmem:s17+$0xFFFFEBF0]  }
0x1b9: {  	v40 =	vld [tilespmem:s17+$0xFFFFFFF0];
	_ =	sdelay $0x1  }
0x1ba: {  	v7 =	vld [tilespmem:s17+$0x13F0];
	_ =	sdelay $0x2  }
0x1bb: {  	v41 =	vunpack.i.u.bf16.f32 v5;
	v5 =	vunpack.i.l.bf16.f32 v5;
	v42 =	vunpack.i.l.bf16.f32 v40  }
0x1bc: {  	v6 =	vunpack.i.u.bf16.f32 v40;
	v5 =	vmul.f32 v5, v31;
	v11 =	vmul.f32 v42, v33  }
0x1bd: {  	v43 =	vunpack.i.l.bf16.f32 v7;
	v8 =	vmul.f32 v41, v31;
	v6 =	vmul.f32 v6, v33  }
0x1be: {  	v7 =	vunpack.i.u.bf16.f32 v7;
	v44 =	vmul.f32 v43, v35;
	v5 =	vadd.f32 v11, v5  }
0x1bf: {  	v7 =	vmul.f32 v7, v35;
	v6 =	vadd.f32 v6, v8  }
0x1c0: {  	v5 =	vadd.f32 v44, v5  }
0x1c1: {  	v6 =	vadd.f32 v7, v6  }
0x1c2: {  	[tilespmem:s18+$0xFFFFFFE0] =	vst v5  }
0x1c3: {  	[tilespmem:s18+$0xFFFFFFF0] =	vst v6  }
0x1c4: {  	v5 =	vld [tilespmem:s17+$0xFFFFEC00]  }
0x1c5: {  	v6 =	vld [tilespmem:s17+$0x0];
	_ =	sdelay $0x1  }
0x1c6: {  	v45 =	vld [tilespmem:s17+$0x1400]  }
0x1c7: {  	v46 =	vbroadcast v4, $0x8  }
0x1c8: {  	v48 =	vbroadcast v3, $0x8;
	v50 =	vbroadcast v2, $0x8  }
0x1c9: {  	v47 =	vunpack.i.l.bf16.f32 v5;
	v5 =	vunpack.i.u.bf16.f32 v5;
	v49 =	vunpack.i.l.bf16.f32 v6  }
0x1ca: {  	v6 =	vunpack.i.u.bf16.f32 v6;
	v9 =	vmul.f32 v47, v46;
	v11 =	vmul.f32 v49, v48  }
0x1cb: {  	v51 =	vunpack.i.l.bf16.f32 v45;
	v5 =	vmul.f32 v5, v46;
	v6 =	vmul.f32 v6, v48  }
0x1cc: {  	v7 =	vunpack.i.u.bf16.f32 v45;
	v52 =	vmul.f32 v51, v50;
	v9 =	vadd.f32 v11, v9  }
0x1cd: {  	v53 =	vmul.f32 v7, v50;
	v5 =	vadd.f32 v6, v5  }
0x1ce: {  	v54 =	vadd.f32 v52, v9  }
0x1cf: {  	v5 =	vadd.f32 v53, v5  }
0x1d0: {  	[tilespmem:s18+$0x0] =	vst v54  }
0x1d1: {  	[tilespmem:s18+$0x10] =	vst v5  }
0x1d2: {  	v5 =	vld [tilespmem:s17+$0xFFFFEC10]  }
0x1d3: {  	v55 =	vld [tilespmem:s17+$0x10];
	_ =	sdelay $0x1  }
0x1d4: {  	v7 =	vld [tilespmem:s17+$0x1410];
	_ =	sdelay $0x2  }
0x1d5: {  	v56 =	vunpack.i.u.bf16.f32 v5;
	v5 =	vunpack.i.l.bf16.f32 v5;
	v57 =	vunpack.i.l.bf16.f32 v55  }
0x1d6: {  	v6 =	vunpack.i.u.bf16.f32 v55;
	v5 =	vmul.f32 v5, v46;
	v11 =	vmul.f32 v57, v48  }
0x1d7: {  	v58 =	vunpack.i.l.bf16.f32 v7;
	v8 =	vmul.f32 v56, v46;
	v6 =	vmul.f32 v6, v48  }
0x1d8: {  	v7 =	vunpack.i.u.bf16.f32 v7;
	v59 =	vmul.f32 v58, v50;
	v5 =	vadd.f32 v11, v5  }
0x1d9: {  	v7 =	vmul.f32 v7, v50;
	v6 =	vadd.f32 v6, v8  }
0x1da: {  	v5 =	vadd.f32 v59, v5  }
0x1db: {  	v6 =	vadd.f32 v7, v6  }
0x1dc: {  	[tilespmem:s18+$0x20] =	vst v5  }
0x1dd: {  	[tilespmem:s18+$0x30] =	vst v6  }
0x1de: {  	v5 =	vld [tilespmem:s17+$0xFFFFEC20]  }
0x1df: {  	v6 =	vld [tilespmem:s17+$0x20];
	_ =	sdelay $0x1  }
0x1e0: {  	v60 =	vld [tilespmem:s17+$0x1420]  }
0x1e1: {  	v61 =	vbroadcast v4, $0x9  }
0x1e2: {  	v63 =	vbroadcast v3, $0x9;
	v16 =	vbroadcast v2, $0x9  }
0x1e3: {  	v62 =	vunpack.i.l.bf16.f32 v5;
	v5 =	vunpack.i.u.bf16.f32 v5;
	v15 =	vunpack.i.l.bf16.f32 v6  }
0x1e4: {  	v6 =	vunpack.i.u.bf16.f32 v6;
	v9 =	vmul.f32 v62, v61;
	v11 =	vmul.f32 v15, v63  }
0x1e5: {  	v17 =	vunpack.i.l.bf16.f32 v60;
	v5 =	vmul.f32 v5, v61;
	v6 =	vmul.f32 v6, v63  }
0x1e6: {  	v7 =	vunpack.i.u.bf16.f32 v60;
	v18 =	vmul.f32 v17, v16;
	v9 =	vadd.f32 v11, v9  }
0x1e7: {  	v19 =	vmul.f32 v7, v16;
	v5 =	vadd.f32 v6, v5  }
0x1e8: {  	v20 =	vadd.f32 v18, v9  }
0x1e9: {  	v5 =	vadd.f32 v19, v5  }
0x1ea: {  	[tilespmem:s18+$0x40] =	vst v20  }
0x1eb: {  	[tilespmem:s18+$0x50] =	vst v5  }
0x1ec: {  	v5 =	vld [tilespmem:s17+$0xFFFFEC30]  }
0x1ed: {  	v21 =	vld [tilespmem:s17+$0x30];
	_ =	sdelay $0x1  }
0x1ee: {  	v7 =	vld [tilespmem:s17+$0x1430];
	_ =	sdelay $0x2  }
0x1ef: {  	v22 =	vunpack.i.u.bf16.f32 v5;
	v5 =	vunpack.i.l.bf16.f32 v5;
	v23 =	vunpack.i.l.bf16.f32 v21  }
0x1f0: {  	v6 =	vunpack.i.u.bf16.f32 v21;
	v5 =	vmul.f32 v5, v61;
	v11 =	vmul.f32 v23, v63  }
0x1f1: {  	v24 =	vunpack.i.l.bf16.f32 v7;
	v8 =	vmul.f32 v22, v61;
	v6 =	vmul.f32 v6, v63  }
0x1f2: {  	v7 =	vunpack.i.u.bf16.f32 v7;
	v25 =	vmul.f32 v24, v16;
	v5 =	vadd.f32 v11, v5  }
0x1f3: {  	v7 =	vmul.f32 v7, v16;
	v6 =	vadd.f32 v6, v8  }
0x1f4: {  	v5 =	vadd.f32 v25, v5  }
0x1f5: {  	v6 =	vadd.f32 v7, v6  }
0x1f6: {  	[tilespmem:s18+$0x60] =	vst v5  }
0x1f7: {  	[tilespmem:s18+$0x70] =	vst v6  }
0x1f8: {  	v5 =	vld [tilespmem:s17+$0xFFFFEC40]  }
0x1f9: {  	v6 =	vld [tilespmem:s17+$0x40];
	_ =	sdelay $0x1  }
0x1fa: {  	v26 =	vld [tilespmem:s17+$0x1440]  }
0x1fb: {  	v27 =	vbroadcast v4, $0xA  }
0x1fc: {  	v29 =	vbroadcast v3, $0xA;
	v31 =	vbroadcast v2, $0xA  }
0x1fd: {  	v28 =	vunpack.i.l.bf16.f32 v5;
	v5 =	vunpack.i.u.bf16.f32 v5;
	v30 =	vunpack.i.l.bf16.f32 v6  }
0x1fe: {  	v6 =	vunpack.i.u.bf16.f32 v6;
	v9 =	vmul.f32 v28, v27;
	v11 =	vmul.f32 v30, v29  }
0x1ff: {  	v32 =	vunpack.i.l.bf16.f32 v26;
	v5 =	vmul.f32 v5, v27;
	v6 =	vmul.f32 v6, v29  }
0x200: {  	v7 =	vunpack.i.u.bf16.f32 v26;
	v33 =	vmul.f32 v32, v31;
	v9 =	vadd.f32 v11, v9  }
0x201: {  	v34 =	vmul.f32 v7, v31;
	v5 =	vadd.f32 v6, v5  }
0x202: {  	v35 =	vadd.f32 v33, v9  }
0x203: {  	v5 =	vadd.f32 v34, v5  }
0x204: {  	[tilespmem:s18+$0x80] =	vst v35  }
0x205: {  	[tilespmem:s18+$0x90] =	vst v5  }
0x206: {  	v5 =	vld [tilespmem:s17+$0xFFFFEC50]  }
0x207: {  	v36 =	vld [tilespmem:s17+$0x50];
	_ =	sdelay $0x1  }
0x208: {  	v7 =	vld [tilespmem:s17+$0x1450];
	_ =	sdelay $0x2  }
0x209: {  	v37 =	vunpack.i.u.bf16.f32 v5;
	v5 =	vunpack.i.l.bf16.f32 v5;
	v38 =	vunpack.i.l.bf16.f32 v36  }
0x20a: {  	v6 =	vunpack.i.u.bf16.f32 v36;
	v5 =	vmul.f32 v5, v27;
	v11 =	vmul.f32 v38, v29  }
0x20b: {  	v39 =	vunpack.i.l.bf16.f32 v7;
	v8 =	vmul.f32 v37, v27;
	v6 =	vmul.f32 v6, v29  }
0x20c: {  	v7 =	vunpack.i.u.bf16.f32 v7;
	v40 =	vmul.f32 v39, v31;
	v5 =	vadd.f32 v11, v5  }
0x20d: {  	v7 =	vmul.f32 v7, v31;
	v6 =	vadd.f32 v6, v8  }
0x20e: {  	v5 =	vadd.f32 v40, v5  }
0x20f: {  	v6 =	vadd.f32 v7, v6  }
0x210: {  	[tilespmem:s18+$0xA0] =	vst v5  }
0x211: {  	[tilespmem:s18+$0xB0] =	vst v6  }
0x212: {  	v5 =	vld [tilespmem:s17+$0xFFFFEC60]  }
0x213: {  	v6 =	vld [tilespmem:s17+$0x60];
	_ =	sdelay $0x1  }
0x214: {  	v41 =	vld [tilespmem:s17+$0x1460]  }
0x215: {  	v42 =	vbroadcast v4, $0xB  }
0x216: {  	v44 =	vbroadcast v3, $0xB;
	v46 =	vbroadcast v2, $0xB  }
0x217: {  	v43 =	vunpack.i.l.bf16.f32 v5;
	v5 =	vunpack.i.u.bf16.f32 v5;
	v45 =	vunpack.i.l.bf16.f32 v6  }
0x218: {  	v6 =	vunpack.i.u.bf16.f32 v6;
	v9 =	vmul.f32 v43, v42;
	v11 =	vmul.f32 v45, v44  }
0x219: {  	v47 =	vunpack.i.l.bf16.f32 v41;
	v5 =	vmul.f32 v5, v42;
	v6 =	vmul.f32 v6, v44  }
0x21a: {  	v7 =	vunpack.i.u.bf16.f32 v41;
	v48 =	vmul.f32 v47, v46;
	v9 =	vadd.f32 v11, v9  }
0x21b: {  	v49 =	vmul.f32 v7, v46;
	v5 =	vadd.f32 v6, v5  }
0x21c: {  	v50 =	vadd.f32 v48, v9  }
0x21d: {  	v5 =	vadd.f32 v49, v5  }
0x21e: {  	[tilespmem:s18+$0xC0] =	vst v50  }
0x21f: {  	[tilespmem:s18+$0xD0] =	vst v5  }
0x220: {  	v5 =	vld [tilespmem:s17+$0xFFFFEC70]  }
0x221: {  	v51 =	vld [tilespmem:s17+$0x70];
	_ =	sdelay $0x1  }
0x222: {  	v7 =	vld [tilespmem:s17+$0x1470];
	_ =	sdelay $0x2  }
0x223: {  	v52 =	vunpack.i.u.bf16.f32 v5;
	v5 =	vunpack.i.l.bf16.f32 v5;
	v53 =	vunpack.i.l.bf16.f32 v51  }
0x224: {  	v6 =	vunpack.i.u.bf16.f32 v51;
	v5 =	vmul.f32 v5, v42;
	v11 =	vmul.f32 v53, v44  }
0x225: {  	v54 =	vunpack.i.l.bf16.f32 v7;
	v8 =	vmul.f32 v52, v42;
	v6 =	vmul.f32 v6, v44  }
0x226: {  	v7 =	vunpack.i.u.bf16.f32 v7;
	v55 =	vmul.f32 v54, v46;
	v5 =	vadd.f32 v11, v5  }
0x227: {  	v7 =	vmul.f32 v7, v46;
	v6 =	vadd.f32 v6, v8  }
0x228: {  	v5 =	vadd.f32 v55, v5  }
0x229: {  	v6 =	vadd.f32 v7, v6  }
0x22a: {  	[tilespmem:s18+$0xE0] =	vst v5  }
0x22b: {  	[tilespmem:s18+$0xF0] =	vst v6  }
0x22c: {  	v5 =	vld [tilespmem:s17+$0xFFFFEC80]  }
0x22d: {  	v6 =	vld [tilespmem:s17+$0x80];
	_ =	sdelay $0x1  }
0x22e: {  	v56 =	vld [tilespmem:s17+$0x1480]  }
0x22f: {  	v57 =	vbroadcast v4, $0xC  }
0x230: {  	v59 =	vbroadcast v3, $0xC;
	v61 =	vbroadcast v2, $0xC  }
0x231: {  	v58 =	vunpack.i.l.bf16.f32 v5;
	v5 =	vunpack.i.u.bf16.f32 v5;
	v60 =	vunpack.i.l.bf16.f32 v6  }
0x232: {  	v6 =	vunpack.i.u.bf16.f32 v6;
	v9 =	vmul.f32 v58, v57;
	v11 =	vmul.f32 v60, v59  }
0x233: {  	v62 =	vunpack.i.l.bf16.f32 v56;
	v5 =	vmul.f32 v5, v57;
	v6 =	vmul.f32 v6, v59  }
0x234: {  	v7 =	vunpack.i.u.bf16.f32 v56;
	v63 =	vmul.f32 v62, v61;
	v9 =	vadd.f32 v11, v9  }
0x235: {  	v13 =	vmul.f32 v7, v61;
	v5 =	vadd.f32 v6, v5  }
0x236: {  	v14 =	vadd.f32 v63, v9  }
0x237: {  	v5 =	vadd.f32 v13, v5  }
0x238: {  	[tilespmem:s18+$0x100] =	vst v14  }
0x239: {  	[tilespmem:s18+$0x110] =	vst v5  }
0x23a: {  	v5 =	vld [tilespmem:s17+$0xFFFFEC90]  }
0x23b: {  	v15 =	vld [tilespmem:s17+$0x90];
	_ =	sdelay $0x1  }
0x23c: {  	v7 =	vld [tilespmem:s17+$0x1490];
	_ =	sdelay $0x2  }
0x23d: {  	v16 =	vunpack.i.u.bf16.f32 v5;
	v5 =	vunpack.i.l.bf16.f32 v5;
	v17 =	vunpack.i.l.bf16.f32 v15  }
0x23e: {  	v6 =	vunpack.i.u.bf16.f32 v15;
	v5 =	vmul.f32 v5, v57;
	v11 =	vmul.f32 v17, v59  }
0x23f: {  	v18 =	vunpack.i.l.bf16.f32 v7;
	v8 =	vmul.f32 v16, v57;
	v6 =	vmul.f32 v6, v59  }
0x240: {  	v7 =	vunpack.i.u.bf16.f32 v7;
	v19 =	vmul.f32 v18, v61;
	v5 =	vadd.f32 v11, v5  }
0x241: {  	v7 =	vmul.f32 v7, v61;
	v6 =	vadd.f32 v6, v8  }
0x242: {  	v5 =	vadd.f32 v19, v5  }
0x243: {  	v6 =	vadd.f32 v7, v6  }
0x244: {  	[tilespmem:s18+$0x120] =	vst v5  }
0x245: {  	[tilespmem:s18+$0x130] =	vst v6  }
0x246: {  	v5 =	vld [tilespmem:s17+$0xFFFFECA0]  }
0x247: {  	v6 =	vld [tilespmem:s17+$0xA0];
	_ =	sdelay $0x1  }
0x248: {  	v20 =	vld [tilespmem:s17+$0x14A0]  }
0x249: {  	v21 =	vbroadcast v4, $0xD  }
0x24a: {  	v23 =	vbroadcast v3, $0xD;
	v25 =	vbroadcast v2, $0xD  }
0x24b: {  	v22 =	vunpack.i.l.bf16.f32 v5;
	v5 =	vunpack.i.u.bf16.f32 v5;
	v24 =	vunpack.i.l.bf16.f32 v6  }
0x24c: {  	v6 =	vunpack.i.u.bf16.f32 v6;
	v9 =	vmul.f32 v22, v21;
	v11 =	vmul.f32 v24, v23  }
0x24d: {  	v26 =	vunpack.i.l.bf16.f32 v20;
	v5 =	vmul.f32 v5, v21;
	v6 =	vmul.f32 v6, v23  }
0x24e: {  	v7 =	vunpack.i.u.bf16.f32 v20;
	v27 =	vmul.f32 v26, v25;
	v9 =	vadd.f32 v11, v9  }
0x24f: {  	v28 =	vmul.f32 v7, v25;
	v5 =	vadd.f32 v6, v5  }
0x250: {  	v29 =	vadd.f32 v27, v9  }
0x251: {  	v5 =	vadd.f32 v28, v5  }
0x252: {  	[tilespmem:s18+$0x140] =	vst v29  }
0x253: {  	[tilespmem:s18+$0x150] =	vst v5  }
0x254: {  	v5 =	vld [tilespmem:s17+$0xFFFFECB0]  }
0x255: {  	v30 =	vld [tilespmem:s17+$0xB0];
	_ =	sdelay $0x1  }
0x256: {  	v7 =	vld [tilespmem:s17+$0x14B0];
	_ =	sdelay $0x2  }
0x257: {  	v31 =	vunpack.i.u.bf16.f32 v5;
	v5 =	vunpack.i.l.bf16.f32 v5;
	v32 =	vunpack.i.l.bf16.f32 v30  }
0x258: {  	v6 =	vunpack.i.u.bf16.f32 v30;
	v5 =	vmul.f32 v5, v21;
	v11 =	vmul.f32 v32, v23  }
0x259: {  	v33 =	vunpack.i.l.bf16.f32 v7;
	v8 =	vmul.f32 v31, v21;
	v6 =	vmul.f32 v6, v23  }
0x25a: {  	v7 =	vunpack.i.u.bf16.f32 v7;
	v34 =	vmul.f32 v33, v25;
	v5 =	vadd.f32 v11, v5  }
0x25b: {  	v7 =	vmul.f32 v7, v25;
	v6 =	vadd.f32 v6, v8  }
0x25c: {  	v5 =	vadd.f32 v34, v5  }
0x25d: {  	v6 =	vadd.f32 v7, v6  }
0x25e: {  	[tilespmem:s18+$0x160] =	vst v5  }
0x25f: {  	[tilespmem:s18+$0x170] =	vst v6  }
0x260: {  	v5 =	vld [tilespmem:s17+$0xFFFFECC0]  }
0x261: {  	v6 =	vld [tilespmem:s17+$0xC0];
	_ =	sdelay $0x1  }
0x262: {  	v35 =	vld [tilespmem:s17+$0x14C0]  }
0x263: {  	v36 =	vbroadcast v4, $0xE  }
0x264: {  	v38 =	vbroadcast v3, $0xE;
	v40 =	vbroadcast v2, $0xE  }
0x265: {  	v37 =	vunpack.i.l.bf16.f32 v5;
	v5 =	vunpack.i.u.bf16.f32 v5;
	v39 =	vunpack.i.l.bf16.f32 v6  }
0x266: {  	v6 =	vunpack.i.u.bf16.f32 v6;
	v9 =	vmul.f32 v37, v36;
	v11 =	vmul.f32 v39, v38  }
0x267: {  	v41 =	vunpack.i.l.bf16.f32 v35;
	v5 =	vmul.f32 v5, v36;
	v6 =	vmul.f32 v6, v38  }
0x268: {  	v7 =	vunpack.i.u.bf16.f32 v35;
	v42 =	vmul.f32 v41, v40;
	v9 =	vadd.f32 v11, v9  }
0x269: {  	v43 =	vmul.f32 v7, v40;
	v5 =	vadd.f32 v6, v5  }
0x26a: {  	v44 =	vadd.f32 v42, v9  }
0x26b: {  	v5 =	vadd.f32 v43, v5  }
0x26c: {  	[tilespmem:s18+$0x180] =	vst v44  }
0x26d: {  	[tilespmem:s18+$0x190] =	vst v5  }
0x26e: {  	v5 =	vld [tilespmem:s17+$0xFFFFECD0]  }
0x26f: {  	v45 =	vld [tilespmem:s17+$0xD0];
	_ =	sdelay $0x1  }
0x270: {  	v7 =	vld [tilespmem:s17+$0x14D0];
	_ =	sdelay $0x2  }
0x271: {  	v46 =	vunpack.i.u.bf16.f32 v5;
	v5 =	vunpack.i.l.bf16.f32 v5;
	v47 =	vunpack.i.l.bf16.f32 v45  }
0x272: {  	v6 =	vunpack.i.u.bf16.f32 v45;
	v5 =	vmul.f32 v5, v36;
	v11 =	vmul.f32 v47, v38  }
0x273: {  	v48 =	vunpack.i.l.bf16.f32 v7;
	v8 =	vmul.f32 v46, v36;
	v6 =	vmul.f32 v6, v38  }
0x274: {  	v7 =	vunpack.i.u.bf16.f32 v7;
	v49 =	vmul.f32 v48, v40;
	v5 =	vadd.f32 v11, v5  }
0x275: {  	v7 =	vmul.f32 v7, v40;
	v6 =	vadd.f32 v6, v8  }
0x276: {  	v5 =	vadd.f32 v49, v5  }
0x277: {  	v6 =	vadd.f32 v7, v6  }
0x278: {  	[tilespmem:s18+$0x1A0] =	vst v5  }
0x279: {  	[tilespmem:s18+$0x1B0] =	vst v6  }
0x27a: {  	v5 =	vld [tilespmem:s17+$0xFFFFECE0]  }
0x27b: {  	v6 =	vld [tilespmem:s17+$0xE0];
	_ =	sdelay $0x1  }
0x27c: {  	v50 =	vld [tilespmem:s17+$0x14E0]  }
0x27d: {  	v4 =	vbroadcast v4, $0xF  }
0x27e: {  	v3 =	vbroadcast v3, $0xF;
	v2 =	vbroadcast v2, $0xF  }
0x27f: {  	v51 =	vunpack.i.l.bf16.f32 v5;
	v5 =	vunpack.i.u.bf16.f32 v5;
	v52 =	vunpack.i.l.bf16.f32 v6  }
0x280: {  	v6 =	vunpack.i.u.bf16.f32 v6;
	v8 =	vmul.f32 v51, v4;
	v9 =	vmul.f32 v52, v3  }
0x281: {  	v53 =	vunpack.i.l.bf16.f32 v50;
	v5 =	vmul.f32 v5, v4;
	v6 =	vmul.f32 v6, v3  }
0x282: {  	v7 =	vunpack.i.u.bf16.f32 v50;
	v54 =	vmul.f32 v53, v2;
	v8 =	vadd.f32 v9, v8  }
0x283: {  	v55 =	vmul.f32 v7, v2;
	v5 =	vadd.f32 v6, v5  }
0x284: {  	v56 =	vadd.f32 v54, v8  }
0x285: {  	v5 =	vadd.f32 v55, v5  }
0x286: {  	[tilespmem:s18+$0x1C0] =	vst v56  }
0x287: {  	[tilespmem:s18+$0x1D0] =	vst v5  }
0x288: {  	v5 =	vld [tilespmem:s17+$0xFFFFECF0]  }
0x289: {  	v57 =	vld [tilespmem:s17+$0xF0];
	_ =	sdelay $0x1  }
0x28a: {  	v7 =	vld [tilespmem:s17+$0x14F0];
	_ =	sdelay $0x2  }
0x28b: {  	v58 =	vunpack.i.u.bf16.f32 v5;
	v5 =	vunpack.i.l.bf16.f32 v5;
	v59 =	vunpack.i.l.bf16.f32 v57  }
0x28c: {  	v6 =	vunpack.i.u.bf16.f32 v57;
	v5 =	vmul.f32 v5, v4;
	v9 =	vmul.f32 v59, v3  }
0x28d: {  	v60 =	vunpack.i.l.bf16.f32 v7;
	v4 =	vmul.f32 v58, v4;
	v3 =	vmul.f32 v6, v3  }
0x28e: {  	p1 =	sne.s32 s12, $0x240;
	v61 =	vunpack.i.u.bf16.f32 v7;
	v62 =	vmul.f32 v60, v2;
	v5 =	vadd.f32 v9, v5  }
.Ltmp7:
0x28f: {  	v2 =	vmul.f32 v61, v2;
	v3 =	vadd.f32 v3, v4;
	(pc) =	sbr.rel @p1 .LBB2_9-.Ltmp7, $4  }
0x290: {  	v63 =	vadd.f32 v62, v5  }
0x291: {  	v2 =	vadd.f32 v2, v3  }
0x292: {  	[tilespmem:s18+$0x1E0] =	vst v63  }
0x293: {  	s12 =	sadd.s32 $0x40, s12;
	s17 =	sadd.s32 $0x200, s17;
	[tilespmem:s18+$0x1F0] =	vst v2;
	s18 =	sadd.s32 $0x400, s18  }
0x294: {  	s12 =	sadd.s32 s1, s5  }
0x295: {  	s12 =	smul.u32 $0xA00, s12;
	_ =	sdelay $0x1  }
0x296: {  	s18 =	simm.s32 $0xCA80;
	s17 =	sadd.s32 s11, s12  }
0x297: {  	[hbm4b:s17+s10] =	stream.strided.scatter [tilespmem:s18], [sflag:$0x3], $0xA00, s7, s10, $0x38;
	[tilespmem:$0x11A80] =	vst v63  }
0x298: {  	s25 =	simm.s32 $0xD480;
	s9 =	sor.u32 $0x1, s9;
	s18 =	sadd.s32 s12, s13  }
0x299: {  	[hbm4b:s18+s10] =	stream.strided.scatter [tilespmem:s25], [sflag:$0x3], $0xA00, s7, s10, $0x38;
	[tilespmem:$0x11A80] =	vst v63  }
0x29a: {  	p1 =	sgt.u32 s9, $0x12;
	s18 =	sadd.s32 s12, s14;
	s25 =	simm.s32 $0xDE80  }
0x29b: {  	[hbm4b:s18+s10] =	stream.strided.scatter [tilespmem:s25], [sflag:$0x3], $0xA00, s7, s10, $0x38;
	[tilespmem:$0x11A80] =	vst v63  }
.Ltmp8:
0x29c: {  	s12 =	sadd.s32 s12, s15;
	s25 =	simm.s32 $0xE880;
	(pc) =	sbr.rel @p1 .LBB2_14-.Ltmp8, $4  }
0x29d: {  	[hbm4b:s12+s10] =	stream.strided.scatter [tilespmem:s25], [sflag:$0x3], $0xA00, s7, s10, $0x38;
	[tilespmem:$0x11A80] =	vst v63  }
0x29e: {  	_ =	swait.ge [sflag:s26], $0x3C00  }
0x29f: {  	[sflag:s26] =	ssyncset.done $0x0  }
0x2a0: {  	s12 =	simm.s32 $0x0;
	[sflag:s26] =	ssyncadd.s32 $0xFFFFC400  }
0x2a1: {  	v2 =	vor.u32 s6, v0  }
0x2a2: {  	v3 =	vmulhi.u32 $0xCCCCCCCD, v2;
	_ =	sdelay $0x1  }
0x2a3: {  	v3 =	vshrl.u32 v3, $0x5  }
0x2a4: {  	v4 =	vmul.u32 $0xFFFFFFD8, v3;
	_ =	sdelay $0x1  }
0x2a5: {  	v2 =	vadd.s32 v2, v4  }
0x2a6: {  	v2 =	vmul.u32 $0x50, v2  }
0x2a7: {  	v4 =	vand.u32 $0x7FFFFF8, v3  }
0x2a8: {  	v3 =	vand.u32 $0x7, v3;
	v2 =	vadd.s32 v4, v2  }
0x2a9: {  	v2 =	vor.u32 v3, v2;
	_ =	sdelay $0x4  }
0x2aa: {  	v3 =	vld.idx.msk [tilespmem:v2+s2+$0x0], $0xffff;
	_ =	sdelay $0x3  }
0x2ab: {  	s18 =	simm.s32 $0x0  }
0x2ac: {  	[tilespmem:s18+$0x4B00] =	vst v3  }
0x2ad: {  	v3 =	vld.idx.msk [tilespmem:v2+s20+$0x0], $0xffff;
	_ =	sdelay $0x4  }
0x2ae: {  	[tilespmem:s18+$0x4EC0] =	vst v3  }
0x2af: {  	v3 =	vld.idx.msk [tilespmem:v2+s21+$0x0], $0xffff;
	_ =	sdelay $0x4  }
0x2b0: {  	[tilespmem:s18+$0x4BA0] =	vst v3  }
0x2b1: {  	v4 =	vld.idx.msk [tilespmem:v2+s22+$0x0], $0xffff;
	_ =	sdelay $0x3  }
0x2b2: {  	s25 =	sadd.s32 $0x10, s6  }
0x2b3: {  	s17 =	simm.s32 $0x40;
	s28 =	simm.s32 $0x80;
	v3 =	vor.u32 s25, v0;
	[tilespmem:s18+$0x4F60] =	vst v4  }
.LBB2_12:
0x2b4: {  	p1 =	sne.s32 s28, $0x240;
	v4 =	vmulhi.u32 $0xCCCCCCCD, v3;
	v5 =	vld.idx.msk [tilespmem:v2+s23+$0x0], $0xffff;
	_ =	sdelay $0x1  }
0x2b5: {  	v4 =	vshrl.u32 v4, $0x5  }
0x2b6: {  	v6 =	vmul.u32 $0xFFFFFFD8, v4;
	_ =	sdelay $0x1  }
0x2b7: {  	v3 =	vadd.s32 v3, v6  }
0x2b8: {  	v3 =	vmul.u32 $0x50, v3;
	[tilespmem:s18+$0x4C40] =	vst v5  }
0x2b9: {  	v5 =	vand.u32 $0x7FFFFF8, v4;
	v6 =	vld.idx.msk [tilespmem:v2+s24+$0x0], $0xffff  }
0x2ba: {  	v2 =	vand.u32 $0x7, v4;
	v3 =	vadd.s32 v5, v3  }
0x2bb: {  	v2 =	vor.u32 v2, v3;
	_ =	sdelay $0x3  }
0x2bc: {  	[tilespmem:s18+$0x5000] =	vst v6  }
0x2bd: {  	v3 =	vld.idx.msk [tilespmem:v2+s2+$0x0], $0xffff;
	_ =	sdelay $0x4  }
0x2be: {  	s18 =	sshra.s32 s17, $0x2;
	s17 =	smov.u32 s28  }
0x2bf: {  	[tilespmem:s18+$0x4B00] =	vst v3  }
0x2c0: {  	v3 =	vld.idx.msk [tilespmem:v2+s20+$0x0], $0xffff;
	_ =	sdelay $0x5  }
0x2c1: {  	[tilespmem:s18+$0x4EC0] =	vst v3  }
0x2c2: {  	v3 =	vld.idx.msk [tilespmem:v2+s21+$0x0], $0xffff;
	_ =	sdelay $0x5  }
0x2c3: {  	[tilespmem:s18+$0x4BA0] =	vst v3  }
0x2c4: {  	v4 =	vld.idx.msk [tilespmem:v2+s22+$0x0], $0xffff;
	_ =	sdelay $0x1  }
.Ltmp9:
0x2c5: {  	(pc) =	sbr.rel @p1 .LBB2_12-.Ltmp9, $3  }
0x2c6: {  	_ =	sdelay $0x1  }
0x2c7: {  	s25 =	sadd.s32 $0x10, s25  }
0x2c8: {  	s28 =	sadd.s32 $0x40, s28;
	v3 =	vor.u32 s25, v0;
	[tilespmem:s18+$0x4F60] =	vst v4  }
0x2c9: {  	_ =	sdelay $0x1  }
0x2ca: {  	v4 =	vmulhi.u32 $0xCCCCCCCD, v3;
	_ =	sdelay $0x1  }
0x2cb: {  	v5 =	vld.idx.msk [tilespmem:v2+s23+$0x0], $0xffff;
	v4 =	vshrl.u32 v4, $0x5  }
0x2cc: {  	v6 =	vmul.u32 $0xFFFFFFD8, v4;
	_ =	sdelay $0x1  }
0x2cd: {  	v3 =	vadd.s32 v3, v6  }
0x2ce: {  	v3 =	vmul.u32 $0x50, v3  }
0x2cf: {  	v63 =	vand.u32 $0x7FFFFF8, v4;
	[tilespmem:s18+$0x4C40] =	vst v5  }
0x2d0: {  	v4 =	vand.u32 $0x7, v4;
	v2 =	vld.idx.msk [tilespmem:v2+s24+$0x0], $0xffff;
	v3 =	vadd.s32 v63, v3  }
0x2d1: {  	v3 =	vor.u32 v4, v3;
	_ =	sdelay $0x3  }
0x2d2: {  	[tilespmem:s18+$0x5000] =	vst v2  }
0x2d3: {  	v2 =	vld.idx.msk [tilespmem:v3+s2+$0x0], $0xffff;
	_ =	sdelay $0x3  }
0x2d4: {  	s17 =	sshra.s32 s17, $0x2  }
0x2d5: {  	[tilespmem:s17+$0x4B00] =	vst v2  }
0x2d6: {  	v2 =	vld.idx.msk [tilespmem:v3+s20+$0x0], $0xffff;
	_ =	sdelay $0x4  }
0x2d7: {  	[tilespmem:s17+$0x4EC0] =	vst v2  }
0x2d8: {  	v2 =	vld.idx.msk [tilespmem:v3+s21+$0x0], $0xffff;
	_ =	sdelay $0x4  }
0x2d9: {  	[tilespmem:s17+$0x4BA0] =	vst v2  }
0x2da: {  	v2 =	vld.idx.msk [tilespmem:v3+s22+$0x0], $0xffff;
	_ =	sdelay $0x4  }
0x2db: {  	[tilespmem:s17+$0x4F60] =	vst v2  }
0x2dc: {  	v2 =	vld.idx.msk [tilespmem:v3+s23+$0x0], $0xffff;
	_ =	sdelay $0x4  }
0x2dd: {  	[tilespmem:s17+$0x4C40] =	vst v2  }
0x2de: {  	v2 =	vld.idx.msk [tilespmem:v3+s24+$0x0], $0xffff;
	_ =	sdelay $0x4  }
0x2df: {  	s25 =	simm.s32 $0x5280;
	s18 =	simm.s32 $0x4B00;
	[tilespmem:s17+$0x5000] =	vst v2  }
0x2e0: {  	[tilespmem:s25], [sflag:$0x1] =	stream.indirect.gather [hbm4b:s3+s8], $0x20, s18, s8, $0xb8;
	[tilespmem:$0x11A80] =	vst v63  }
0x2e1: {  	s18 =	simm.s32 $0x4BA0;
	s25 =	simm.s32 $0x6680  }
0x2e2: {  	[tilespmem:s25], [sflag:$0x1] =	stream.indirect.gather [hbm4b:s3+s8], $0x20, s18, s8, $0xb8;
	[tilespmem:$0x11A80] =	vst v63  }
0x2e3: {  	s28 =	simm.s32 $0x4CE0;
	s18 =	simm.s32 $0x4C40;
	s25 =	simm.s32 $0x7A80  }
0x2e4: {  	[tilespmem:s25], [sflag:$0x1] =	stream.indirect.gather [hbm4b:s3+s8], $0x20, s18, s8, $0xb8;
	[tilespmem:$0x11A80] =	vst v63  }
.LBB2_14:
0x2e5: {  	s17 =	simm.s32 @!p0 $0x4  }
0x2e6: {  	_ =	swait.ge @!p0 [sflag:s17], $0xA00  }
0x2e7: {  	[sflag:s17] =	ssyncset.done @!p0 $0x0  }
0x2e8: {  	[sflag:s17] =	ssyncadd.s32 @!p0 $0xFFFFF600  }
0x2e9: {  	_ =	swait.ge @!p0 [sflag:s17], $0xA00  }
0x2ea: {  	[sflag:s17] =	ssyncset.done @!p0 $0x0  }
0x2eb: {  	[sflag:s17] =	ssyncadd.s32 @!p0 $0xFFFFF600  }
0x2ec: {  	_ =	swait.ge @!p0 [sflag:s17], $0xA00  }
0x2ed: {  	[sflag:s17] =	ssyncset.done @!p0 $0x0  }
0x2ee: {  	[sflag:s17] =	ssyncadd.s32 @!p0 $0xFFFFF600  }
0x2ef: {  	_ =	swait.ge @!p0 [sflag:s17], $0xA00  }
0x2f0: {  	[sflag:s17] =	ssyncset.done @!p0 $0x0  }
0x2f1: {  	s18 =	simm.s32 $0xF480;
	[sflag:s17] =	ssyncadd.s32 @!p0 $0xFFFFF600;
	s17 =	simm.s32 $0xA380  }
.LBB2_15:
0x2f2: {  	v5 =	vld [tilespmem:s17+$0xFFFFEB00]  }
0x2f3: {  	s25 =	sshra.s32 s12, $0x2;
	v6 =	vld [tilespmem:s17+$0xFFFFFF00]  }
0x2f4: {  	v4 =	vld [tilespmem:s25+$0x50A0]  }
0x2f5: {  	v3 =	vld [tilespmem:s25+$0x5140]  }
0x2f6: {  	v2 =	vld [tilespmem:s25+$0x51E0];
	_ =	sdelay $0x1  }
0x2f7: {  	v7 =	vld [tilespmem:s17+$0x1300];
	_ =	sdelay $0x1  }
0x2f8: {  	v9 =	vunpack.i.l.bf16.f32 v5;
	v8 =	vbroadcast v4, $0x0;
	v10 =	vbroadcast v3, $0x0  }
0x2f9: {  	v5 =	vunpack.i.u.bf16.f32 v5;
	v11 =	vunpack.i.l.bf16.f32 v6;
	v12 =	vbroadcast v2, $0x0  }
0x2fa: {  	v6 =	vunpack.i.u.bf16.f32 v6;
	v9 =	vmul.f32 v9, v8;
	v11 =	vmul.f32 v11, v10  }
0x2fb: {  	v13 =	vunpack.i.l.bf16.f32 v7;
	v5 =	vmul.f32 v5, v8;
	v6 =	vmul.f32 v6, v10  }
0x2fc: {  	v7 =	vunpack.i.u.bf16.f32 v7;
	v29 =	vmul.f32 v13, v12;
	v9 =	vadd.f32 v11, v9  }
0x2fd: {  	v30 =	vmul.f32 v7, v12;
	v5 =	vadd.f32 v6, v5  }
0x2fe: {  	v31 =	vadd.f32 v29, v9  }
0x2ff: {  	v5 =	vadd.f32 v30, v5  }
0x300: {  	[tilespmem:s18+$0xFFFFFE00] =	vst v31  }
0x301: {  	[tilespmem:s18+$0xFFFFFE10] =	vst v5  }
0x302: {  	v5 =	vld [tilespmem:s17+$0xFFFFEB10]  }
0x303: {  	v32 =	vld [tilespmem:s17+$0xFFFFFF10];
	_ =	sdelay $0x1  }
0x304: {  	v7 =	vld [tilespmem:s17+$0x1310];
	_ =	sdelay $0x2  }
0x305: {  	v33 =	vunpack.i.u.bf16.f32 v5;
	v5 =	vunpack.i.l.bf16.f32 v5;
	v34 =	vunpack.i.l.bf16.f32 v32  }
0x306: {  	v6 =	vunpack.i.u.bf16.f32 v32;
	v5 =	vmul.f32 v5, v8;
	v11 =	vmul.f32 v34, v10  }
0x307: {  	v35 =	vunpack.i.l.bf16.f32 v7;
	v8 =	vmul.f32 v33, v8;
	v6 =	vmul.f32 v6, v10  }
0x308: {  	v7 =	vunpack.i.u.bf16.f32 v7;
	v36 =	vmul.f32 v35, v12;
	v5 =	vadd.f32 v11, v5  }
0x309: {  	v7 =	vmul.f32 v7, v12;
	v6 =	vadd.f32 v6, v8  }
0x30a: {  	v5 =	vadd.f32 v36, v5  }
0x30b: {  	v6 =	vadd.f32 v7, v6  }
0x30c: {  	[tilespmem:s18+$0xFFFFFE20] =	vst v5  }
0x30d: {  	[tilespmem:s18+$0xFFFFFE30] =	vst v6  }
0x30e: {  	v5 =	vld [tilespmem:s17+$0xFFFFEB20]  }
0x30f: {  	v6 =	vld [tilespmem:s17+$0xFFFFFF20];
	_ =	sdelay $0x1  }
0x310: {  	v37 =	vld [tilespmem:s17+$0x1320]  }
0x311: {  	v38 =	vbroadcast v4, $0x1  }
0x312: {  	v40 =	vbroadcast v3, $0x1;
	v42 =	vbroadcast v2, $0x1  }
0x313: {  	v39 =	vunpack.i.l.bf16.f32 v5;
	v5 =	vunpack.i.u.bf16.f32 v5;
	v41 =	vunpack.i.l.bf16.f32 v6  }
0x314: {  	v6 =	vunpack.i.u.bf16.f32 v6;
	v9 =	vmul.f32 v39, v38;
	v11 =	vmul.f32 v41, v40  }
0x315: {  	v43 =	vunpack.i.l.bf16.f32 v37;
	v5 =	vmul.f32 v5, v38;
	v6 =	vmul.f32 v6, v40  }
0x316: {  	v7 =	vunpack.i.u.bf16.f32 v37;
	v44 =	vmul.f32 v43, v42;
	v9 =	vadd.f32 v11, v9  }
0x317: {  	v45 =	vmul.f32 v7, v42;
	v5 =	vadd.f32 v6, v5  }
0x318: {  	v46 =	vadd.f32 v44, v9  }
0x319: {  	v5 =	vadd.f32 v45, v5  }
0x31a: {  	[tilespmem:s18+$0xFFFFFE40] =	vst v46  }
0x31b: {  	[tilespmem:s18+$0xFFFFFE50] =	vst v5  }
0x31c: {  	v5 =	vld [tilespmem:s17+$0xFFFFEB30]  }
0x31d: {  	v47 =	vld [tilespmem:s17+$0xFFFFFF30];
	_ =	sdelay $0x1  }
0x31e: {  	v7 =	vld [tilespmem:s17+$0x1330];
	_ =	sdelay $0x2  }
0x31f: {  	v48 =	vunpack.i.u.bf16.f32 v5;
	v5 =	vunpack.i.l.bf16.f32 v5;
	v49 =	vunpack.i.l.bf16.f32 v47  }
0x320: {  	v6 =	vunpack.i.u.bf16.f32 v47;
	v5 =	vmul.f32 v5, v38;
	v11 =	vmul.f32 v49, v40  }
0x321: {  	v50 =	vunpack.i.l.bf16.f32 v7;
	v8 =	vmul.f32 v48, v38;
	v6 =	vmul.f32 v6, v40  }
0x322: {  	v7 =	vunpack.i.u.bf16.f32 v7;
	v51 =	vmul.f32 v50, v42;
	v5 =	vadd.f32 v11, v5  }
0x323: {  	v7 =	vmul.f32 v7, v42;
	v6 =	vadd.f32 v6, v8  }
0x324: {  	v5 =	vadd.f32 v51, v5  }
0x325: {  	v6 =	vadd.f32 v7, v6  }
0x326: {  	[tilespmem:s18+$0xFFFFFE60] =	vst v5  }
0x327: {  	[tilespmem:s18+$0xFFFFFE70] =	vst v6  }
0x328: {  	v5 =	vld [tilespmem:s17+$0xFFFFEB40]  }
0x329: {  	v6 =	vld [tilespmem:s17+$0xFFFFFF40];
	_ =	sdelay $0x1  }
0x32a: {  	v52 =	vld [tilespmem:s17+$0x1340]  }
0x32b: {  	v53 =	vbroadcast v4, $0x2  }
0x32c: {  	v55 =	vbroadcast v3, $0x2;
	v57 =	vbroadcast v2, $0x2  }
0x32d: {  	v54 =	vunpack.i.l.bf16.f32 v5;
	v5 =	vunpack.i.u.bf16.f32 v5;
	v56 =	vunpack.i.l.bf16.f32 v6  }
0x32e: {  	v6 =	vunpack.i.u.bf16.f32 v6;
	v9 =	vmul.f32 v54, v53;
	v11 =	vmul.f32 v56, v55  }
0x32f: {  	v58 =	vunpack.i.l.bf16.f32 v52;
	v5 =	vmul.f32 v5, v53;
	v6 =	vmul.f32 v6, v55  }
0x330: {  	v7 =	vunpack.i.u.bf16.f32 v52;
	v59 =	vmul.f32 v58, v57;
	v9 =	vadd.f32 v11, v9  }
0x331: {  	v60 =	vmul.f32 v7, v57;
	v5 =	vadd.f32 v6, v5  }
0x332: {  	v61 =	vadd.f32 v59, v9  }
0x333: {  	v5 =	vadd.f32 v60, v5  }
0x334: {  	[tilespmem:s18+$0xFFFFFE80] =	vst v61  }
0x335: {  	[tilespmem:s18+$0xFFFFFE90] =	vst v5  }
0x336: {  	v5 =	vld [tilespmem:s17+$0xFFFFEB50]  }
0x337: {  	v62 =	vld [tilespmem:s17+$0xFFFFFF50];
	_ =	sdelay $0x1  }
0x338: {  	v7 =	vld [tilespmem:s17+$0x1350];
	_ =	sdelay $0x2  }
0x339: {  	v63 =	vunpack.i.u.bf16.f32 v5;
	v5 =	vunpack.i.l.bf16.f32 v5;
	v15 =	vunpack.i.l.bf16.f32 v62  }
0x33a: {  	v6 =	vunpack.i.u.bf16.f32 v62;
	v5 =	vmul.f32 v5, v53;
	v11 =	vmul.f32 v15, v55  }
0x33b: {  	v16 =	vunpack.i.l.bf16.f32 v7;
	v8 =	vmul.f32 v63, v53;
	v6 =	vmul.f32 v6, v55  }
0x33c: {  	v7 =	vunpack.i.u.bf16.f32 v7;
	v17 =	vmul.f32 v16, v57;
	v5 =	vadd.f32 v11, v5  }
0x33d: {  	v7 =	vmul.f32 v7, v57;
	v6 =	vadd.f32 v6, v8  }
0x33e: {  	v5 =	vadd.f32 v17, v5  }
0x33f: {  	v6 =	vadd.f32 v7, v6  }
0x340: {  	[tilespmem:s18+$0xFFFFFEA0] =	vst v5  }
0x341: {  	[tilespmem:s18+$0xFFFFFEB0] =	vst v6  }
0x342: {  	v5 =	vld [tilespmem:s17+$0xFFFFEB60]  }
0x343: {  	v6 =	vld [tilespmem:s17+$0xFFFFFF60];
	_ =	sdelay $0x1  }
0x344: {  	v18 =	vld [tilespmem:s17+$0x1360]  }
0x345: {  	v19 =	vbroadcast v4, $0x3  }
0x346: {  	v21 =	vbroadcast v3, $0x3;
	v23 =	vbroadcast v2, $0x3  }
0x347: {  	v20 =	vunpack.i.l.bf16.f32 v5;
	v5 =	vunpack.i.u.bf16.f32 v5;
	v22 =	vunpack.i.l.bf16.f32 v6  }
0x348: {  	v6 =	vunpack.i.u.bf16.f32 v6;
	v9 =	vmul.f32 v20, v19;
	v11 =	vmul.f32 v22, v21  }
0x349: {  	v24 =	vunpack.i.l.bf16.f32 v18;
	v5 =	vmul.f32 v5, v19;
	v6 =	vmul.f32 v6, v21  }
0x34a: {  	v7 =	vunpack.i.u.bf16.f32 v18;
	v25 =	vmul.f32 v24, v23;
	v9 =	vadd.f32 v11, v9  }
0x34b: {  	v26 =	vmul.f32 v7, v23;
	v5 =	vadd.f32 v6, v5  }
0x34c: {  	v27 =	vadd.f32 v25, v9  }
0x34d: {  	v5 =	vadd.f32 v26, v5  }
0x34e: {  	[tilespmem:s18+$0xFFFFFEC0] =	vst v27  }
0x34f: {  	[tilespmem:s18+$0xFFFFFED0] =	vst v5  }
0x350: {  	v5 =	vld [tilespmem:s17+$0xFFFFEB70]  }
0x351: {  	v28 =	vld [tilespmem:s17+$0xFFFFFF70];
	_ =	sdelay $0x1  }
0x352: {  	v7 =	vld [tilespmem:s17+$0x1370];
	_ =	sdelay $0x2  }
0x353: {  	v29 =	vunpack.i.u.bf16.f32 v5;
	v5 =	vunpack.i.l.bf16.f32 v5;
	v30 =	vunpack.i.l.bf16.f32 v28  }
0x354: {  	v6 =	vunpack.i.u.bf16.f32 v28;
	v5 =	vmul.f32 v5, v19;
	v11 =	vmul.f32 v30, v21  }
0x355: {  	v31 =	vunpack.i.l.bf16.f32 v7;
	v8 =	vmul.f32 v29, v19;
	v6 =	vmul.f32 v6, v21  }
0x356: {  	v7 =	vunpack.i.u.bf16.f32 v7;
	v32 =	vmul.f32 v31, v23;
	v5 =	vadd.f32 v11, v5  }
0x357: {  	v7 =	vmul.f32 v7, v23;
	v6 =	vadd.f32 v6, v8  }
0x358: {  	v5 =	vadd.f32 v32, v5  }
0x359: {  	v6 =	vadd.f32 v7, v6  }
0x35a: {  	[tilespmem:s18+$0xFFFFFEE0] =	vst v5  }
0x35b: {  	[tilespmem:s18+$0xFFFFFEF0] =	vst v6  }
0x35c: {  	v5 =	vld [tilespmem:s17+$0xFFFFEB80]  }
0x35d: {  	v6 =	vld [tilespmem:s17+$0xFFFFFF80];
	_ =	sdelay $0x1  }
0x35e: {  	v33 =	vld [tilespmem:s17+$0x1380]  }
0x35f: {  	v34 =	vbroadcast v4, $0x4  }
0x360: {  	v36 =	vbroadcast v3, $0x4;
	v38 =	vbroadcast v2, $0x4  }
0x361: {  	v35 =	vunpack.i.l.bf16.f32 v5;
	v5 =	vunpack.i.u.bf16.f32 v5;
	v37 =	vunpack.i.l.bf16.f32 v6  }
0x362: {  	v6 =	vunpack.i.u.bf16.f32 v6;
	v9 =	vmul.f32 v35, v34;
	v11 =	vmul.f32 v37, v36  }
0x363: {  	v39 =	vunpack.i.l.bf16.f32 v33;
	v5 =	vmul.f32 v5, v34;
	v6 =	vmul.f32 v6, v36  }
0x364: {  	v7 =	vunpack.i.u.bf16.f32 v33;
	v40 =	vmul.f32 v39, v38;
	v9 =	vadd.f32 v11, v9  }
0x365: {  	v41 =	vmul.f32 v7, v38;
	v5 =	vadd.f32 v6, v5  }
0x366: {  	v42 =	vadd.f32 v40, v9  }
0x367: {  	v5 =	vadd.f32 v41, v5  }
0x368: {  	[tilespmem:s18+$0xFFFFFF00] =	vst v42  }
0x369: {  	[tilespmem:s18+$0xFFFFFF10] =	vst v5  }
0x36a: {  	v5 =	vld [tilespmem:s17+$0xFFFFEB90]  }
0x36b: {  	v43 =	vld [tilespmem:s17+$0xFFFFFF90];
	_ =	sdelay $0x1  }
0x36c: {  	v7 =	vld [tilespmem:s17+$0x1390];
	_ =	sdelay $0x2  }
0x36d: {  	v44 =	vunpack.i.u.bf16.f32 v5;
	v5 =	vunpack.i.l.bf16.f32 v5;
	v45 =	vunpack.i.l.bf16.f32 v43  }
0x36e: {  	v6 =	vunpack.i.u.bf16.f32 v43;
	v5 =	vmul.f32 v5, v34;
	v11 =	vmul.f32 v45, v36  }
0x36f: {  	v46 =	vunpack.i.l.bf16.f32 v7;
	v8 =	vmul.f32 v44, v34;
	v6 =	vmul.f32 v6, v36  }
0x370: {  	v7 =	vunpack.i.u.bf16.f32 v7;
	v47 =	vmul.f32 v46, v38;
	v5 =	vadd.f32 v11, v5  }
0x371: {  	v7 =	vmul.f32 v7, v38;
	v6 =	vadd.f32 v6, v8  }
0x372: {  	v5 =	vadd.f32 v47, v5  }
0x373: {  	v6 =	vadd.f32 v7, v6  }
0x374: {  	[tilespmem:s18+$0xFFFFFF20] =	vst v5  }
0x375: {  	[tilespmem:s18+$0xFFFFFF30] =	vst v6  }
0x376: {  	v5 =	vld [tilespmem:s17+$0xFFFFEBA0]  }
0x377: {  	v6 =	vld [tilespmem:s17+$0xFFFFFFA0];
	_ =	sdelay $0x1  }
0x378: {  	v48 =	vld [tilespmem:s17+$0x13A0]  }
0x379: {  	v49 =	vbroadcast v4, $0x5  }
0x37a: {  	v51 =	vbroadcast v3, $0x5;
	v53 =	vbroadcast v2, $0x5  }
0x37b: {  	v50 =	vunpack.i.l.bf16.f32 v5;
	v5 =	vunpack.i.u.bf16.f32 v5;
	v52 =	vunpack.i.l.bf16.f32 v6  }
0x37c: {  	v6 =	vunpack.i.u.bf16.f32 v6;
	v9 =	vmul.f32 v50, v49;
	v11 =	vmul.f32 v52, v51  }
0x37d: {  	v54 =	vunpack.i.l.bf16.f32 v48;
	v5 =	vmul.f32 v5, v49;
	v6 =	vmul.f32 v6, v51  }
0x37e: {  	v7 =	vunpack.i.u.bf16.f32 v48;
	v55 =	vmul.f32 v54, v53;
	v9 =	vadd.f32 v11, v9  }
0x37f: {  	v56 =	vmul.f32 v7, v53;
	v5 =	vadd.f32 v6, v5  }
0x380: {  	v57 =	vadd.f32 v55, v9  }
0x381: {  	v5 =	vadd.f32 v56, v5  }
0x382: {  	[tilespmem:s18+$0xFFFFFF40] =	vst v57  }
0x383: {  	[tilespmem:s18+$0xFFFFFF50] =	vst v5  }
0x384: {  	v5 =	vld [tilespmem:s17+$0xFFFFEBB0]  }
0x385: {  	v58 =	vld [tilespmem:s17+$0xFFFFFFB0];
	_ =	sdelay $0x1  }
0x386: {  	v7 =	vld [tilespmem:s17+$0x13B0];
	_ =	sdelay $0x2  }
0x387: {  	v59 =	vunpack.i.u.bf16.f32 v5;
	v5 =	vunpack.i.l.bf16.f32 v5;
	v60 =	vunpack.i.l.bf16.f32 v58  }
0x388: {  	v6 =	vunpack.i.u.bf16.f32 v58;
	v5 =	vmul.f32 v5, v49;
	v11 =	vmul.f32 v60, v51  }
0x389: {  	v61 =	vunpack.i.l.bf16.f32 v7;
	v8 =	vmul.f32 v59, v49;
	v6 =	vmul.f32 v6, v51  }
0x38a: {  	v7 =	vunpack.i.u.bf16.f32 v7;
	v62 =	vmul.f32 v61, v53;
	v5 =	vadd.f32 v11, v5  }
0x38b: {  	v7 =	vmul.f32 v7, v53;
	v6 =	vadd.f32 v6, v8  }
0x38c: {  	v5 =	vadd.f32 v62, v5  }
0x38d: {  	v6 =	vadd.f32 v7, v6  }
0x38e: {  	[tilespmem:s18+$0xFFFFFF60] =	vst v5  }
0x38f: {  	[tilespmem:s18+$0xFFFFFF70] =	vst v6  }
0x390: {  	v5 =	vld [tilespmem:s17+$0xFFFFEBC0]  }
0x391: {  	v6 =	vld [tilespmem:s17+$0xFFFFFFC0];
	_ =	sdelay $0x1  }
0x392: {  	v63 =	vld [tilespmem:s17+$0x13C0]  }
0x393: {  	v16 =	vbroadcast v4, $0x6  }
0x394: {  	v18 =	vbroadcast v3, $0x6;
	v20 =	vbroadcast v2, $0x6  }
0x395: {  	v17 =	vunpack.i.l.bf16.f32 v5;
	v5 =	vunpack.i.u.bf16.f32 v5;
	v19 =	vunpack.i.l.bf16.f32 v6  }
0x396: {  	v6 =	vunpack.i.u.bf16.f32 v6;
	v9 =	vmul.f32 v17, v16;
	v11 =	vmul.f32 v19, v18  }
0x397: {  	v21 =	vunpack.i.l.bf16.f32 v63;
	v5 =	vmul.f32 v5, v16;
	v6 =	vmul.f32 v6, v18  }
0x398: {  	v7 =	vunpack.i.u.bf16.f32 v63;
	v22 =	vmul.f32 v21, v20;
	v9 =	vadd.f32 v11, v9  }
0x399: {  	v23 =	vmul.f32 v7, v20;
	v5 =	vadd.f32 v6, v5  }
0x39a: {  	v24 =	vadd.f32 v22, v9  }
0x39b: {  	v5 =	vadd.f32 v23, v5  }
0x39c: {  	[tilespmem:s18+$0xFFFFFF80] =	vst v24  }
0x39d: {  	[tilespmem:s18+$0xFFFFFF90] =	vst v5  }
0x39e: {  	v5 =	vld [tilespmem:s17+$0xFFFFEBD0]  }
0x39f: {  	v25 =	vld [tilespmem:s17+$0xFFFFFFD0];
	_ =	sdelay $0x1  }
0x3a0: {  	v7 =	vld [tilespmem:s17+$0x13D0];
	_ =	sdelay $0x2  }
0x3a1: {  	v26 =	vunpack.i.u.bf16.f32 v5;
	v5 =	vunpack.i.l.bf16.f32 v5;
	v27 =	vunpack.i.l.bf16.f32 v25  }
0x3a2: {  	v6 =	vunpack.i.u.bf16.f32 v25;
	v5 =	vmul.f32 v5, v16;
	v11 =	vmul.f32 v27, v18  }
0x3a3: {  	v28 =	vunpack.i.l.bf16.f32 v7;
	v8 =	vmul.f32 v26, v16;
	v6 =	vmul.f32 v6, v18  }
0x3a4: {  	v7 =	vunpack.i.u.bf16.f32 v7;
	v29 =	vmul.f32 v28, v20;
	v5 =	vadd.f32 v11, v5  }
0x3a5: {  	v7 =	vmul.f32 v7, v20;
	v6 =	vadd.f32 v6, v8  }
0x3a6: {  	v5 =	vadd.f32 v29, v5  }
0x3a7: {  	v6 =	vadd.f32 v7, v6  }
0x3a8: {  	[tilespmem:s18+$0xFFFFFFA0] =	vst v5  }
0x3a9: {  	[tilespmem:s18+$0xFFFFFFB0] =	vst v6  }
0x3aa: {  	v5 =	vld [tilespmem:s17+$0xFFFFEBE0]  }
0x3ab: {  	v6 =	vld [tilespmem:s17+$0xFFFFFFE0];
	_ =	sdelay $0x1  }
0x3ac: {  	v30 =	vld [tilespmem:s17+$0x13E0]  }
0x3ad: {  	v31 =	vbroadcast v4, $0x7  }
0x3ae: {  	v33 =	vbroadcast v3, $0x7;
	v35 =	vbroadcast v2, $0x7  }
0x3af: {  	v32 =	vunpack.i.l.bf16.f32 v5;
	v5 =	vunpack.i.u.bf16.f32 v5;
	v34 =	vunpack.i.l.bf16.f32 v6  }
0x3b0: {  	v6 =	vunpack.i.u.bf16.f32 v6;
	v9 =	vmul.f32 v32, v31;
	v11 =	vmul.f32 v34, v33  }
0x3b1: {  	v36 =	vunpack.i.l.bf16.f32 v30;
	v5 =	vmul.f32 v5, v31;
	v6 =	vmul.f32 v6, v33  }
0x3b2: {  	v7 =	vunpack.i.u.bf16.f32 v30;
	v37 =	vmul.f32 v36, v35;
	v9 =	vadd.f32 v11, v9  }
0x3b3: {  	v38 =	vmul.f32 v7, v35;
	v5 =	vadd.f32 v6, v5  }
0x3b4: {  	v39 =	vadd.f32 v37, v9  }
0x3b5: {  	v5 =	vadd.f32 v38, v5  }
0x3b6: {  	[tilespmem:s18+$0xFFFFFFC0] =	vst v39  }
0x3b7: {  	[tilespmem:s18+$0xFFFFFFD0] =	vst v5  }
0x3b8: {  	v5 =	vld [tilespmem:s17+$0xFFFFEBF0]  }
0x3b9: {  	v40 =	vld [tilespmem:s17+$0xFFFFFFF0];
	_ =	sdelay $0x1  }
0x3ba: {  	v7 =	vld [tilespmem:s17+$0x13F0];
	_ =	sdelay $0x2  }
0x3bb: {  	v41 =	vunpack.i.u.bf16.f32 v5;
	v5 =	vunpack.i.l.bf16.f32 v5;
	v42 =	vunpack.i.l.bf16.f32 v40  }
0x3bc: {  	v6 =	vunpack.i.u.bf16.f32 v40;
	v5 =	vmul.f32 v5, v31;
	v11 =	vmul.f32 v42, v33  }
0x3bd: {  	v43 =	vunpack.i.l.bf16.f32 v7;
	v8 =	vmul.f32 v41, v31;
	v6 =	vmul.f32 v6, v33  }
0x3be: {  	v7 =	vunpack.i.u.bf16.f32 v7;
	v44 =	vmul.f32 v43, v35;
	v5 =	vadd.f32 v11, v5  }
0x3bf: {  	v7 =	vmul.f32 v7, v35;
	v6 =	vadd.f32 v6, v8  }
0x3c0: {  	v5 =	vadd.f32 v44, v5  }
0x3c1: {  	v6 =	vadd.f32 v7, v6  }
0x3c2: {  	[tilespmem:s18+$0xFFFFFFE0] =	vst v5  }
0x3c3: {  	[tilespmem:s18+$0xFFFFFFF0] =	vst v6  }
0x3c4: {  	v5 =	vld [tilespmem:s17+$0xFFFFEC00]  }
0x3c5: {  	v6 =	vld [tilespmem:s17+$0x0];
	_ =	sdelay $0x1  }
0x3c6: {  	v45 =	vld [tilespmem:s17+$0x1400]  }
0x3c7: {  	v46 =	vbroadcast v4, $0x8  }
0x3c8: {  	v48 =	vbroadcast v3, $0x8;
	v50 =	vbroadcast v2, $0x8  }
0x3c9: {  	v47 =	vunpack.i.l.bf16.f32 v5;
	v5 =	vunpack.i.u.bf16.f32 v5;
	v49 =	vunpack.i.l.bf16.f32 v6  }
0x3ca: {  	v6 =	vunpack.i.u.bf16.f32 v6;
	v9 =	vmul.f32 v47, v46;
	v11 =	vmul.f32 v49, v48  }
0x3cb: {  	v51 =	vunpack.i.l.bf16.f32 v45;
	v5 =	vmul.f32 v5, v46;
	v6 =	vmul.f32 v6, v48  }
0x3cc: {  	v7 =	vunpack.i.u.bf16.f32 v45;
	v52 =	vmul.f32 v51, v50;
	v9 =	vadd.f32 v11, v9  }
0x3cd: {  	v53 =	vmul.f32 v7, v50;
	v5 =	vadd.f32 v6, v5  }
0x3ce: {  	v54 =	vadd.f32 v52, v9  }
0x3cf: {  	v5 =	vadd.f32 v53, v5  }
0x3d0: {  	[tilespmem:s18+$0x0] =	vst v54  }
0x3d1: {  	[tilespmem:s18+$0x10] =	vst v5  }
0x3d2: {  	v5 =	vld [tilespmem:s17+$0xFFFFEC10]  }
0x3d3: {  	v55 =	vld [tilespmem:s17+$0x10];
	_ =	sdelay $0x1  }
0x3d4: {  	v7 =	vld [tilespmem:s17+$0x1410];
	_ =	sdelay $0x2  }
0x3d5: {  	v56 =	vunpack.i.u.bf16.f32 v5;
	v5 =	vunpack.i.l.bf16.f32 v5;
	v57 =	vunpack.i.l.bf16.f32 v55  }
0x3d6: {  	v6 =	vunpack.i.u.bf16.f32 v55;
	v5 =	vmul.f32 v5, v46;
	v11 =	vmul.f32 v57, v48  }
0x3d7: {  	v58 =	vunpack.i.l.bf16.f32 v7;
	v8 =	vmul.f32 v56, v46;
	v6 =	vmul.f32 v6, v48  }
0x3d8: {  	v7 =	vunpack.i.u.bf16.f32 v7;
	v59 =	vmul.f32 v58, v50;
	v5 =	vadd.f32 v11, v5  }
0x3d9: {  	v7 =	vmul.f32 v7, v50;
	v6 =	vadd.f32 v6, v8  }
0x3da: {  	v5 =	vadd.f32 v59, v5  }
0x3db: {  	v6 =	vadd.f32 v7, v6  }
0x3dc: {  	[tilespmem:s18+$0x20] =	vst v5  }
0x3dd: {  	[tilespmem:s18+$0x30] =	vst v6  }
0x3de: {  	v5 =	vld [tilespmem:s17+$0xFFFFEC20]  }
0x3df: {  	v6 =	vld [tilespmem:s17+$0x20];
	_ =	sdelay $0x1  }
0x3e0: {  	v60 =	vld [tilespmem:s17+$0x1420]  }
0x3e1: {  	v61 =	vbroadcast v4, $0x9  }
0x3e2: {  	v63 =	vbroadcast v3, $0x9;
	v16 =	vbroadcast v2, $0x9  }
0x3e3: {  	v62 =	vunpack.i.l.bf16.f32 v5;
	v5 =	vunpack.i.u.bf16.f32 v5;
	v15 =	vunpack.i.l.bf16.f32 v6  }
0x3e4: {  	v6 =	vunpack.i.u.bf16.f32 v6;
	v9 =	vmul.f32 v62, v61;
	v11 =	vmul.f32 v15, v63  }
0x3e5: {  	v17 =	vunpack.i.l.bf16.f32 v60;
	v5 =	vmul.f32 v5, v61;
	v6 =	vmul.f32 v6, v63  }
0x3e6: {  	v7 =	vunpack.i.u.bf16.f32 v60;
	v18 =	vmul.f32 v17, v16;
	v9 =	vadd.f32 v11, v9  }
0x3e7: {  	v19 =	vmul.f32 v7, v16;
	v5 =	vadd.f32 v6, v5  }
0x3e8: {  	v20 =	vadd.f32 v18, v9  }
0x3e9: {  	v5 =	vadd.f32 v19, v5  }
0x3ea: {  	[tilespmem:s18+$0x40] =	vst v20  }
0x3eb: {  	[tilespmem:s18+$0x50] =	vst v5  }
0x3ec: {  	v5 =	vld [tilespmem:s17+$0xFFFFEC30]  }
0x3ed: {  	v21 =	vld [tilespmem:s17+$0x30];
	_ =	sdelay $0x1  }
0x3ee: {  	v7 =	vld [tilespmem:s17+$0x1430];
	_ =	sdelay $0x2  }
0x3ef: {  	v22 =	vunpack.i.u.bf16.f32 v5;
	v5 =	vunpack.i.l.bf16.f32 v5;
	v23 =	vunpack.i.l.bf16.f32 v21  }
0x3f0: {  	v6 =	vunpack.i.u.bf16.f32 v21;
	v5 =	vmul.f32 v5, v61;
	v11 =	vmul.f32 v23, v63  }
0x3f1: {  	v24 =	vunpack.i.l.bf16.f32 v7;
	v8 =	vmul.f32 v22, v61;
	v6 =	vmul.f32 v6, v63  }
0x3f2: {  	v7 =	vunpack.i.u.bf16.f32 v7;
	v25 =	vmul.f32 v24, v16;
	v5 =	vadd.f32 v11, v5  }
0x3f3: {  	v7 =	vmul.f32 v7, v16;
	v6 =	vadd.f32 v6, v8  }
0x3f4: {  	v5 =	vadd.f32 v25, v5  }
0x3f5: {  	v6 =	vadd.f32 v7, v6  }
0x3f6: {  	[tilespmem:s18+$0x60] =	vst v5  }
0x3f7: {  	[tilespmem:s18+$0x70] =	vst v6  }
0x3f8: {  	v5 =	vld [tilespmem:s17+$0xFFFFEC40]  }
0x3f9: {  	v6 =	vld [tilespmem:s17+$0x40];
	_ =	sdelay $0x1  }
0x3fa: {  	v26 =	vld [tilespmem:s17+$0x1440]  }
0x3fb: {  	v27 =	vbroadcast v4, $0xA  }
0x3fc: {  	v29 =	vbroadcast v3, $0xA;
	v31 =	vbroadcast v2, $0xA  }
0x3fd: {  	v28 =	vunpack.i.l.bf16.f32 v5;
	v5 =	vunpack.i.u.bf16.f32 v5;
	v30 =	vunpack.i.l.bf16.f32 v6  }
0x3fe: {  	v6 =	vunpack.i.u.bf16.f32 v6;
	v9 =	vmul.f32 v28, v27;
	v11 =	vmul.f32 v30, v29  }
0x3ff: {  	v32 =	vunpack.i.l.bf16.f32 v26;
	v5 =	vmul.f32 v5, v27;
	v6 =	vmul.f32 v6, v29  }
0x400: {  	v7 =	vunpack.i.u.bf16.f32 v26;
	v33 =	vmul.f32 v32, v31;
	v9 =	vadd.f32 v11, v9  }
0x401: {  	v34 =	vmul.f32 v7, v31;
	v5 =	vadd.f32 v6, v5  }
0x402: {  	v35 =	vadd.f32 v33, v9  }
0x403: {  	v5 =	vadd.f32 v34, v5  }
0x404: {  	[tilespmem:s18+$0x80] =	vst v35  }
0x405: {  	[tilespmem:s18+$0x90] =	vst v5  }
0x406: {  	v5 =	vld [tilespmem:s17+$0xFFFFEC50]  }
0x407: {  	v36 =	vld [tilespmem:s17+$0x50];
	_ =	sdelay $0x1  }
0x408: {  	v7 =	vld [tilespmem:s17+$0x1450];
	_ =	sdelay $0x2  }
0x409: {  	v37 =	vunpack.i.u.bf16.f32 v5;
	v5 =	vunpack.i.l.bf16.f32 v5;
	v38 =	vunpack.i.l.bf16.f32 v36  }
0x40a: {  	v6 =	vunpack.i.u.bf16.f32 v36;
	v5 =	vmul.f32 v5, v27;
	v11 =	vmul.f32 v38, v29  }
0x40b: {  	v39 =	vunpack.i.l.bf16.f32 v7;
	v8 =	vmul.f32 v37, v27;
	v6 =	vmul.f32 v6, v29  }
0x40c: {  	v7 =	vunpack.i.u.bf16.f32 v7;
	v40 =	vmul.f32 v39, v31;
	v5 =	vadd.f32 v11, v5  }
0x40d: {  	v7 =	vmul.f32 v7, v31;
	v6 =	vadd.f32 v6, v8  }
0x40e: {  	v5 =	vadd.f32 v40, v5  }
0x40f: {  	v6 =	vadd.f32 v7, v6  }
0x410: {  	[tilespmem:s18+$0xA0] =	vst v5  }
0x411: {  	[tilespmem:s18+$0xB0] =	vst v6  }
0x412: {  	v5 =	vld [tilespmem:s17+$0xFFFFEC60]  }
0x413: {  	v6 =	vld [tilespmem:s17+$0x60];
	_ =	sdelay $0x1  }
0x414: {  	v41 =	vld [tilespmem:s17+$0x1460]  }
0x415: {  	v42 =	vbroadcast v4, $0xB  }
0x416: {  	v44 =	vbroadcast v3, $0xB;
	v46 =	vbroadcast v2, $0xB  }
0x417: {  	v43 =	vunpack.i.l.bf16.f32 v5;
	v5 =	vunpack.i.u.bf16.f32 v5;
	v45 =	vunpack.i.l.bf16.f32 v6  }
0x418: {  	v6 =	vunpack.i.u.bf16.f32 v6;
	v9 =	vmul.f32 v43, v42;
	v11 =	vmul.f32 v45, v44  }
0x419: {  	v47 =	vunpack.i.l.bf16.f32 v41;
	v5 =	vmul.f32 v5, v42;
	v6 =	vmul.f32 v6, v44  }
0x41a: {  	v7 =	vunpack.i.u.bf16.f32 v41;
	v48 =	vmul.f32 v47, v46;
	v9 =	vadd.f32 v11, v9  }
0x41b: {  	v49 =	vmul.f32 v7, v46;
	v5 =	vadd.f32 v6, v5  }
0x41c: {  	v50 =	vadd.f32 v48, v9  }
0x41d: {  	v5 =	vadd.f32 v49, v5  }
0x41e: {  	[tilespmem:s18+$0xC0] =	vst v50  }
0x41f: {  	[tilespmem:s18+$0xD0] =	vst v5  }
0x420: {  	v5 =	vld [tilespmem:s17+$0xFFFFEC70]  }
0x421: {  	v51 =	vld [tilespmem:s17+$0x70];
	_ =	sdelay $0x1  }
0x422: {  	v7 =	vld [tilespmem:s17+$0x1470];
	_ =	sdelay $0x2  }
0x423: {  	v52 =	vunpack.i.u.bf16.f32 v5;
	v5 =	vunpack.i.l.bf16.f32 v5;
	v53 =	vunpack.i.l.bf16.f32 v51  }
0x424: {  	v6 =	vunpack.i.u.bf16.f32 v51;
	v5 =	vmul.f32 v5, v42;
	v11 =	vmul.f32 v53, v44  }
0x425: {  	v54 =	vunpack.i.l.bf16.f32 v7;
	v8 =	vmul.f32 v52, v42;
	v6 =	vmul.f32 v6, v44  }
0x426: {  	v7 =	vunpack.i.u.bf16.f32 v7;
	v55 =	vmul.f32 v54, v46;
	v5 =	vadd.f32 v11, v5  }
0x427: {  	v7 =	vmul.f32 v7, v46;
	v6 =	vadd.f32 v6, v8  }
0x428: {  	v5 =	vadd.f32 v55, v5  }
0x429: {  	v6 =	vadd.f32 v7, v6  }
0x42a: {  	[tilespmem:s18+$0xE0] =	vst v5  }
0x42b: {  	[tilespmem:s18+$0xF0] =	vst v6  }
0x42c: {  	v5 =	vld [tilespmem:s17+$0xFFFFEC80]  }
0x42d: {  	v6 =	vld [tilespmem:s17+$0x80];
	_ =	sdelay $0x1  }
0x42e: {  	v56 =	vld [tilespmem:s17+$0x1480]  }
0x42f: {  	v57 =	vbroadcast v4, $0xC  }
0x430: {  	v59 =	vbroadcast v3, $0xC;
	v61 =	vbroadcast v2, $0xC  }
0x431: {  	v58 =	vunpack.i.l.bf16.f32 v5;
	v5 =	vunpack.i.u.bf16.f32 v5;
	v60 =	vunpack.i.l.bf16.f32 v6  }
0x432: {  	v6 =	vunpack.i.u.bf16.f32 v6;
	v9 =	vmul.f32 v58, v57;
	v11 =	vmul.f32 v60, v59  }
0x433: {  	v62 =	vunpack.i.l.bf16.f32 v56;
	v5 =	vmul.f32 v5, v57;
	v6 =	vmul.f32 v6, v59  }
0x434: {  	v7 =	vunpack.i.u.bf16.f32 v56;
	v63 =	vmul.f32 v62, v61;
	v9 =	vadd.f32 v11, v9  }
0x435: {  	v13 =	vmul.f32 v7, v61;
	v5 =	vadd.f32 v6, v5  }
0x436: {  	v14 =	vadd.f32 v63, v9  }
0x437: {  	v5 =	vadd.f32 v13, v5  }
0x438: {  	[tilespmem:s18+$0x100] =	vst v14  }
0x439: {  	[tilespmem:s18+$0x110] =	vst v5  }
0x43a: {  	v5 =	vld [tilespmem:s17+$0xFFFFEC90]  }
0x43b: {  	v15 =	vld [tilespmem:s17+$0x90];
	_ =	sdelay $0x1  }
0x43c: {  	v7 =	vld [tilespmem:s17+$0x1490];
	_ =	sdelay $0x2  }
0x43d: {  	v16 =	vunpack.i.u.bf16.f32 v5;
	v5 =	vunpack.i.l.bf16.f32 v5;
	v17 =	vunpack.i.l.bf16.f32 v15  }
0x43e: {  	v6 =	vunpack.i.u.bf16.f32 v15;
	v5 =	vmul.f32 v5, v57;
	v11 =	vmul.f32 v17, v59  }
0x43f: {  	v18 =	vunpack.i.l.bf16.f32 v7;
	v8 =	vmul.f32 v16, v57;
	v6 =	vmul.f32 v6, v59  }
0x440: {  	v7 =	vunpack.i.u.bf16.f32 v7;
	v19 =	vmul.f32 v18, v61;
	v5 =	vadd.f32 v11, v5  }
0x441: {  	v7 =	vmul.f32 v7, v61;
	v6 =	vadd.f32 v6, v8  }
0x442: {  	v5 =	vadd.f32 v19, v5  }
0x443: {  	v6 =	vadd.f32 v7, v6  }
0x444: {  	[tilespmem:s18+$0x120] =	vst v5  }
0x445: {  	[tilespmem:s18+$0x130] =	vst v6  }
0x446: {  	v5 =	vld [tilespmem:s17+$0xFFFFECA0]  }
0x447: {  	v6 =	vld [tilespmem:s17+$0xA0];
	_ =	sdelay $0x1  }
0x448: {  	v20 =	vld [tilespmem:s17+$0x14A0]  }
0x449: {  	v21 =	vbroadcast v4, $0xD  }
0x44a: {  	v23 =	vbroadcast v3, $0xD;
	v25 =	vbroadcast v2, $0xD  }
0x44b: {  	v22 =	vunpack.i.l.bf16.f32 v5;
	v5 =	vunpack.i.u.bf16.f32 v5;
	v24 =	vunpack.i.l.bf16.f32 v6  }
0x44c: {  	v6 =	vunpack.i.u.bf16.f32 v6;
	v9 =	vmul.f32 v22, v21;
	v11 =	vmul.f32 v24, v23  }
0x44d: {  	v26 =	vunpack.i.l.bf16.f32 v20;
	v5 =	vmul.f32 v5, v21;
	v6 =	vmul.f32 v6, v23  }
0x44e: {  	v7 =	vunpack.i.u.bf16.f32 v20;
	v27 =	vmul.f32 v26, v25;
	v9 =	vadd.f32 v11, v9  }
0x44f: {  	v28 =	vmul.f32 v7, v25;
	v5 =	vadd.f32 v6, v5  }
0x450: {  	v29 =	vadd.f32 v27, v9  }
0x451: {  	v5 =	vadd.f32 v28, v5  }
0x452: {  	[tilespmem:s18+$0x140] =	vst v29  }
0x453: {  	[tilespmem:s18+$0x150] =	vst v5  }
0x454: {  	v5 =	vld [tilespmem:s17+$0xFFFFECB0]  }
0x455: {  	v30 =	vld [tilespmem:s17+$0xB0];
	_ =	sdelay $0x1  }
0x456: {  	v7 =	vld [tilespmem:s17+$0x14B0];
	_ =	sdelay $0x2  }
0x457: {  	v31 =	vunpack.i.u.bf16.f32 v5;
	v5 =	vunpack.i.l.bf16.f32 v5;
	v32 =	vunpack.i.l.bf16.f32 v30  }
0x458: {  	v6 =	vunpack.i.u.bf16.f32 v30;
	v5 =	vmul.f32 v5, v21;
	v11 =	vmul.f32 v32, v23  }
0x459: {  	v33 =	vunpack.i.l.bf16.f32 v7;
	v8 =	vmul.f32 v31, v21;
	v6 =	vmul.f32 v6, v23  }
0x45a: {  	v7 =	vunpack.i.u.bf16.f32 v7;
	v34 =	vmul.f32 v33, v25;
	v5 =	vadd.f32 v11, v5  }
0x45b: {  	v7 =	vmul.f32 v7, v25;
	v6 =	vadd.f32 v6, v8  }
0x45c: {  	v5 =	vadd.f32 v34, v5  }
0x45d: {  	v6 =	vadd.f32 v7, v6  }
0x45e: {  	[tilespmem:s18+$0x160] =	vst v5  }
0x45f: {  	[tilespmem:s18+$0x170] =	vst v6  }
0x460: {  	v5 =	vld [tilespmem:s17+$0xFFFFECC0]  }
0x461: {  	v6 =	vld [tilespmem:s17+$0xC0];
	_ =	sdelay $0x1  }
0x462: {  	v35 =	vld [tilespmem:s17+$0x14C0]  }
0x463: {  	v36 =	vbroadcast v4, $0xE  }
0x464: {  	v38 =	vbroadcast v3, $0xE;
	v40 =	vbroadcast v2, $0xE  }
0x465: {  	v37 =	vunpack.i.l.bf16.f32 v5;
	v5 =	vunpack.i.u.bf16.f32 v5;
	v39 =	vunpack.i.l.bf16.f32 v6  }
0x466: {  	v6 =	vunpack.i.u.bf16.f32 v6;
	v9 =	vmul.f32 v37, v36;
	v11 =	vmul.f32 v39, v38  }
0x467: {  	v41 =	vunpack.i.l.bf16.f32 v35;
	v5 =	vmul.f32 v5, v36;
	v6 =	vmul.f32 v6, v38  }
0x468: {  	v7 =	vunpack.i.u.bf16.f32 v35;
	v42 =	vmul.f32 v41, v40;
	v9 =	vadd.f32 v11, v9  }
0x469: {  	v43 =	vmul.f32 v7, v40;
	v5 =	vadd.f32 v6, v5  }
0x46a: {  	v44 =	vadd.f32 v42, v9  }
0x46b: {  	v5 =	vadd.f32 v43, v5  }
0x46c: {  	[tilespmem:s18+$0x180] =	vst v44  }
0x46d: {  	[tilespmem:s18+$0x190] =	vst v5  }
0x46e: {  	v5 =	vld [tilespmem:s17+$0xFFFFECD0]  }
0x46f: {  	v45 =	vld [tilespmem:s17+$0xD0];
	_ =	sdelay $0x1  }
0x470: {  	v7 =	vld [tilespmem:s17+$0x14D0];
	_ =	sdelay $0x2  }
0x471: {  	v46 =	vunpack.i.u.bf16.f32 v5;
	v5 =	vunpack.i.l.bf16.f32 v5;
	v47 =	vunpack.i.l.bf16.f32 v45  }
0x472: {  	v6 =	vunpack.i.u.bf16.f32 v45;
	v5 =	vmul.f32 v5, v36;
	v11 =	vmul.f32 v47, v38  }
0x473: {  	v48 =	vunpack.i.l.bf16.f32 v7;
	v8 =	vmul.f32 v46, v36;
	v6 =	vmul.f32 v6, v38  }
0x474: {  	v7 =	vunpack.i.u.bf16.f32 v7;
	v49 =	vmul.f32 v48, v40;
	v5 =	vadd.f32 v11, v5  }
0x475: {  	v7 =	vmul.f32 v7, v40;
	v6 =	vadd.f32 v6, v8  }
0x476: {  	v5 =	vadd.f32 v49, v5  }
0x477: {  	v6 =	vadd.f32 v7, v6  }
0x478: {  	[tilespmem:s18+$0x1A0] =	vst v5  }
0x479: {  	[tilespmem:s18+$0x1B0] =	vst v6  }
0x47a: {  	v5 =	vld [tilespmem:s17+$0xFFFFECE0]  }
0x47b: {  	v6 =	vld [tilespmem:s17+$0xE0];
	_ =	sdelay $0x1  }
0x47c: {  	v50 =	vld [tilespmem:s17+$0x14E0]  }
0x47d: {  	v4 =	vbroadcast v4, $0xF  }
0x47e: {  	v3 =	vbroadcast v3, $0xF;
	v2 =	vbroadcast v2, $0xF  }
0x47f: {  	v51 =	vunpack.i.l.bf16.f32 v5;
	v5 =	vunpack.i.u.bf16.f32 v5;
	v52 =	vunpack.i.l.bf16.f32 v6  }
0x480: {  	v6 =	vunpack.i.u.bf16.f32 v6;
	v8 =	vmul.f32 v51, v4;
	v9 =	vmul.f32 v52, v3  }
0x481: {  	v53 =	vunpack.i.l.bf16.f32 v50;
	v5 =	vmul.f32 v5, v4;
	v6 =	vmul.f32 v6, v3  }
0x482: {  	v7 =	vunpack.i.u.bf16.f32 v50;
	v54 =	vmul.f32 v53, v2;
	v8 =	vadd.f32 v9, v8  }
0x483: {  	v55 =	vmul.f32 v7, v2;
	v5 =	vadd.f32 v6, v5  }
0x484: {  	v56 =	vadd.f32 v54, v8  }
0x485: {  	v5 =	vadd.f32 v55, v5  }
0x486: {  	[tilespmem:s18+$0x1C0] =	vst v56  }
0x487: {  	[tilespmem:s18+$0x1D0] =	vst v5  }
0x488: {  	v5 =	vld [tilespmem:s17+$0xFFFFECF0]  }
0x489: {  	v57 =	vld [tilespmem:s17+$0xF0];
	_ =	sdelay $0x1  }
0x48a: {  	v7 =	vld [tilespmem:s17+$0x14F0];
	_ =	sdelay $0x2  }
0x48b: {  	v58 =	vunpack.i.u.bf16.f32 v5;
	v5 =	vunpack.i.l.bf16.f32 v5;
	v59 =	vunpack.i.l.bf16.f32 v57  }
0x48c: {  	v6 =	vunpack.i.u.bf16.f32 v57;
	v5 =	vmul.f32 v5, v4;
	v9 =	vmul.f32 v59, v3  }
0x48d: {  	v60 =	vunpack.i.l.bf16.f32 v7;
	v4 =	vmul.f32 v58, v4;
	v3 =	vmul.f32 v6, v3  }
0x48e: {  	p0 =	sne.s32 s12, $0x240;
	v61 =	vunpack.i.u.bf16.f32 v7;
	v62 =	vmul.f32 v60, v2;
	v5 =	vadd.f32 v9, v5  }
.Ltmp10:
0x48f: {  	v2 =	vmul.f32 v61, v2;
	v3 =	vadd.f32 v3, v4;
	(pc) =	sbr.rel @p0 .LBB2_15-.Ltmp10, $4  }
0x490: {  	v63 =	vadd.f32 v62, v5  }
0x491: {  	v2 =	vadd.f32 v2, v3  }
0x492: {  	[tilespmem:s18+$0x1E0] =	vst v63  }
0x493: {  	s12 =	sadd.s32 $0x40, s12;
	s17 =	sadd.s32 $0x200, s17;
	[tilespmem:s18+$0x1F0] =	vst v2;
	s18 =	sadd.s32 $0x400, s18  }
0x494: {  	s9 =	sshll.u32 s9, $0x2  }
0x495: {  	s9 =	sadd.s32 s16, s9  }
0x496: {  	s12 =	sshrl.u32 s9, $0x3  }
0x497: {  	s9 =	sshll.u32 s9, $0x7;
	s17 =	smul.u32 $0x5000, s12;
	s12 =	sshll.u32 s12, $0xA  }
0x498: {  	s9 =	ssub.s32 s9, s12  }
0x499: {  	s9 =	sadd.s32 s17, s9  }
0x49a: {  	s18 =	sshrl.u32 s9, $0x3  }
0x49b: {  	s25 =	simm.s32 $0xF280;
	s12 =	sadd.s32 s11, s18;
	s18 =	sadd.s32 $0x80, s9  }
0x49c: {  	[hbm4b:s12+s10] =	stream.strided.scatter [tilespmem:s25], [sflag:$0x4], $0xA00, s7, s10, $0x38;
	[tilespmem:$0x11A80] =	vst v63  }
0x49d: {  	s5 =	sadd.s32 $0x1, s5;
	s12 =	sshrl.u32 s18, $0x3  }
0x49e: {  	p0 =	sne.s32 s5, $0xA;
	s25 =	sadd.s32 $0x100, s9;
	s12 =	sadd.s32 s11, s12  }
0x49f: {  	[hbm4b:s12+s10] =	stream.strided.scatter [tilespmem:s29], [sflag:$0x4], $0xA00, s7, s10, $0x38;
	[tilespmem:$0x11A80] =	vst v63  }
.Ltmp11:
0x4a0: {  	s9 =	sadd.s32 $0x180, s9;
	s12 =	sshrl.u32 s25, $0x3;
	(pc) =	sbr.rel @p0 .LBB2_6-.Ltmp11, $4  }
.Ltmp12:
0x4a1: {  	s9 =	sshrl.u32 s9, $0x3;
	s12 =	sadd.s32 s11, s12;
	(pc) =	sbr.rel @!p0 .LBB2_17-.Ltmp12, $4  }
0x4a2: {  	[hbm4b:s12+s10] =	stream.strided.scatter [tilespmem:s30], [sflag:$0x4], $0xA00, s7, s10, $0x38;
	[tilespmem:$0x11A80] =	vst v63  }
0x4a3: {  	s4 =	sadd.s32 $0x140, s4;
	s6 =	sadd.s32 $0x140, s6;
	s9 =	sadd.s32 s11, s9  }
0x4a4: {  	[hbm4b:s9+s10] =	stream.strided.scatter [tilespmem:s31], [sflag:$0x4], $0xA00, s7, s10, $0x38;
	[tilespmem:$0x11A80] =	vst v63  }
0x4a5: {  	_ = 	snop  }
.LBB2_19:
0x4a6: {  	_ =	sfence.sel $0x180000  }
0x4a7: {  	[bflag:$0x0] =	sbarrier.arrive $0xFFFF  }
0x4a8: {  	_ =	strace $0x90000047  }
0x4a9: {  	s0 =	stileid.u32;
	[bflag:$0x2] =	sbarrier.arrive $0xFFFF  }
0x4aa: {  	p0 =	sne.s32 s0, $0x0;
	s0 =	rddreg [dreg:$0x2]  }
0x4ab: {  	s0 =	sadd.s32 @!p0 $0x100000, s0  }
0x4ac: {  	[sflag:s0] =	ssyncadd.tile.s32 @!p0 $0x1;
	_ =	shalt  }
.Lfunc_end2:
_tile_overlayer_lowered:
.L_overlay_start_2:
0x4ad: {  	(tag) =	ssettag $0x2  }
0x4ae: {  	s0 =	rddreg [dreg:$0x0];
	s2 =	stileid.u32  }
0x4af: {  	s1 =	rddreg [dreg:$0x1];
	p0 =	sne.s32 s2, $0x0  }
0x4b0: {  	s3 =	rddreg [dreg:$0x2];
	[bflag:$0x3] =	sbarrier.arrive $0xFFFF;
	s2 =	simm.s32 @!p0 $0x1C05  }
0x4b1: {  	[timem:s3], [sflag:s2] =	dma.local @!p0 [hbm:s0], s1  }
0x4b2: {  	s0 =	simm.s32 @!p0 $0x5  }
0x4b3: {  	_ =	swait.ge @!p0 [sflag:s0], s1  }
0x4b4: {  	s1 =	ssub.s32 @!p0 $0x0, s1;
	[sflag:s0] =	ssyncset.done @!p0 $0x0  }
0x4b5: {  	[sflag:s0] =	ssyncadd.s32 @!p0 s1  }
0x4b6: {  	[bflag:$0x3] =	sbarrier.arrive $0xFFFF  }
0x4b7: {  	_ =	shalt  }

</sc_bundles>
